<compile_context>
chip_gen: v7x
topology: tpu7x:2x2x1
jax: 0.10.2.dev20260603
libtpu: 0.0.44.dev20260713+nightly
codegen_flags: <defaults>
</compile_context>

<pallas_src>
import functools

import jax
import jax.numpy as jnp
from jax import lax
from jax.experimental import pallas as pl
from jax.experimental.pallas import tpu as pltpu

B, T, N, F_IN = 8, 12, 1000, 2
HEADS, C = 8, 8
HID_GAT = HEADS * C
HID_LSTM = 128
N_EDGES = 16000
BN = B * N
D = N * HID_GAT
G4 = 4 * HID_LSTM


def _prep_body(x_ref, wg_ref, asv_ref, adv_ref, bg_ref,
               seqd_ref, h0c_ref, as_ref, ad_ref):
    xt = x_ref[:, 0].reshape(BN, F_IN)
    w = wg_ref[:]
    x0 = xt[:, 0:1]
    x1 = xt[:, 1:2]
    h = x0 * w[0:1, :] + x1 * w[1:2, :]
    hb = h + bg_ref[:]
    seqd_ref[0] = jnp.where(hb > 0, hb, jnp.exp(jnp.minimum(hb, 0.0)) - 1.0)
    h0 = h[:N, :]
    zrows = jnp.zeros((NP - N, CW), jnp.float32)
    h0c_ref[0] = jnp.concatenate(
        [h0[:, :CW], zrows, h0[:, CW:], zrows])
    asrc = (h0 * asv_ref[:]).reshape(N, HEADS, C).sum(-1)
    adst = (h0 * adv_ref[:]).reshape(N, HEADS, C).sum(-1)
    zcol = jnp.zeros((N, 1), jnp.float32)
    zrows5 = jnp.zeros((NP - N, HS), jnp.float32)

    def _a5(a):
        return jnp.concatenate(
            [jnp.concatenate([a[:, :HH], zcol], axis=1), zrows5,
             jnp.concatenate([a[:, HH:], zcol], axis=1), zrows5])

    as_ref[0] = _a5(asrc)
    ad_ref[0] = _a5(adst)


def _prep(x, W_gat, att_src, att_dst, b_gat):
    return pl.pallas_call(
        _prep_body,
        grid=(T,),
        in_specs=[
            pl.BlockSpec((B, 1, N, F_IN), lambda t: (0, t, 0, 0)),
            pl.BlockSpec((F_IN, HID_GAT), lambda t: (0, 0)),
            pl.BlockSpec((1, HID_GAT), lambda t: (0, 0)),
            pl.BlockSpec((1, HID_GAT), lambda t: (0, 0)),
            pl.BlockSpec((1, HID_GAT), lambda t: (0, 0)),
        ],
        out_specs=[
            pl.BlockSpec((1, BN, HID_GAT), lambda t: (t, 0, 0)),
            pl.BlockSpec((1, 2 * NP, CW), lambda t: (t, 0, 0)),
            pl.BlockSpec((1, 2 * NP, HS), lambda t: (t, 0, 0)),
            pl.BlockSpec((1, 2 * NP, HS), lambda t: (t, 0, 0)),
        ],
        out_shape=[
            jax.ShapeDtypeStruct((T, BN, HID_GAT), jnp.float32),
            jax.ShapeDtypeStruct((T, 2 * NP, CW), jnp.float32),
            jax.ShapeDtypeStruct((T, 2 * NP, HS), jnp.float32),
            jax.ShapeDtypeStruct((T, 2 * NP, HS), jnp.float32),
        ],
    )(x, W_gat, att_src.reshape(1, HID_GAT), att_dst.reshape(1, HID_GAT),
      b_gat.reshape(1, HID_GAT))


NP = 1024
E_AUG = 17408
ECH = 128
HH = HEADS // 2
CW = HH * C
HS = HH + 1
H0S = CW
MW = 40


def _sc_edges(src1d, dst1d, a4s, a4d, h0c, bg):
    from jax.experimental.pallas import tpu_sc as plsc

    mesh = plsc.VectorSubcoreMesh(core_axis_name="c", subcore_axis_name="s")

    @functools.partial(
        pl.kernel, mesh=mesh,
        out_type=jax.ShapeDtypeStruct((T, 2, NP * CW), jnp.float32),
        scratch_types=[
            pltpu.VMEM((E_AUG,), jnp.int32),
            pltpu.VMEM((E_AUG,), jnp.int32),
            pltpu.VMEM((NP * HS,), jnp.float32),
            pltpu.VMEM((NP * HS,), jnp.float32),
            pltpu.VMEM((NP * H0S,), jnp.float32),
            pltpu.VMEM((NP * MW,), jnp.float32),
            pltpu.VMEM((ECH * CW,), jnp.float32),
            pltpu.VMEM((HID_GAT,), jnp.float32),
        ],
        compiler_params=pltpu.CompilerParams(needs_layout_passes=False),
    )
    def k(src_hbm, dst_hbm, a4s_hbm, a4d_hbm, h0c_hbm, bg_hbm, out_hbm,
          src_v, dst_v, as_v, ad_v, h0_v, acc_v, outc_v, bg_v):
        cid = lax.axis_index("c")
        sid = lax.axis_index("s")

        @pl.when(sid < 12)
        def _():
            th = sid // 2
            t = cid * 6 + th
            hh = sid - 2 * th
            lane = lax.iota(jnp.int32, 16)
            zero16 = jnp.zeros((16,), jnp.float32)

            pltpu.sync_copy(src_hbm, src_v)
            pltpu.sync_copy(dst_hbm, dst_v)
            pltpu.sync_copy(a4s_hbm.at[t, hh], as_v)
            pltpu.sync_copy(a4d_hbm.at[t, hh], ad_v)
            pltpu.sync_copy(h0c_hbm.at[t, hh], h0_v)
            pltpu.sync_copy(bg_hbm, bg_v)

            @plsc.parallel_loop(0, NP * MW // 16)
            def _z_body(i):
                acc_v[pl.ds(i * 16, 16)] = zero16

            lo_mask = lane < 8

            @plsc.parallel_loop(0, E_AUG // 16, unroll=2)
            def _grp(g):
                src16 = src_v[pl.ds(g * 16, 16)]
                dst16 = dst_v[pl.ds(g * 16, 16)]
                src4 = src16 * HS
                dst4 = dst16 * HS
                dst40 = dst16 * MW
                exs = []
                for hp in range(HH):
                    av = plsc.load_gather(as_v, [src4 + hp])
                    bv = plsc.load_gather(ad_v, [dst4 + hp])
                    e = av + bv
                    e = jnp.maximum(e, 0.2 * e)
                    ex = jnp.exp(e)
                    plsc.addupdate_scatter(acc_v, [dst40 + (CW + hp)], ex)
                    exs.append(ex)
                for jj in range(16):
                    sb = src16[jj] * H0S
                    db = dst16[jj] * MW
                    hlo = h0_v[pl.ds(sb, 16)]
                    hhi = h0_v[pl.ds(sb + 16, 16)]
                    mlo = jnp.where(lo_mask, hlo * exs[0][jj],
                                    hlo * exs[1][jj])
                    mhi = jnp.where(lo_mask, hhi * exs[2][jj],
                                    hhi * exs[3][jj])
                    plsc.addupdate(acc_v.at[pl.ds(db, 16)], mlo)
                    plsc.addupdate(acc_v.at[pl.ds(db + 16, 16)], mhi)

            bglo = bg_v[pl.ds(hh * CW, 16)]
            bghi = bg_v[pl.ds(hh * CW + 16, 16)]

            def _elu(o):
                return jnp.where(o > 0.0, o,
                                 jnp.exp(jnp.minimum(o, 0.0)) - 1.0)

            def _fin(fc, _):
                @plsc.parallel_loop(0, ECH)
                def _fn(nl):
                    nb = (fc * ECH + nl) * MW
                    vlo = acc_v[pl.ds(nb, 16)]
                    vhi = acc_v[pl.ds(nb + 16, 16)]
                    sv = acc_v[pl.ds(nb + 24, 16)]
                    rec = 1.0 / (sv + 1e-16)
                    olo = jnp.where(lo_mask, vlo * rec[8], vlo * rec[9])
                    ohi = jnp.where(lo_mask, vhi * rec[10], vhi * rec[11])
                    outc_v[pl.ds(nl * CW, 16)] = _elu(olo + bglo)
                    outc_v[pl.ds(nl * CW + 16, 16)] = _elu(ohi + bghi)
                pltpu.sync_copy(
                    outc_v,
                    out_hbm.at[t, hh, pl.ds(fc * ECH * CW, ECH * CW)])
                return 0
            lax.fori_loop(0, NP // ECH, _fin, 0)

    return k(src1d, dst1d, a4s, a4d, h0c, bg)


def _lstm_body(a_ref, lo_ref, hi_ref, w_ref, whh_ref, bih_ref, bhh_ref,
               wfc_ref, bfc_ref, out_ref, acc_ref, *, nk):
    k = pl.program_id(0)

    @pl.when(k == 0)
    def _():
        acc_ref[:] = jnp.zeros_like(acc_ref)

    a = a_ref[:]
    nblk = a.shape[1] // HID_GAT
    o3 = jnp.concatenate(
        [lo_ref[:].reshape(T, nblk, CW), hi_ref[:].reshape(T, nblk, CW)],
        axis=2).reshape(T, a.shape[1])
    rep = jnp.broadcast_to(o3[:, None, :],
                           (T, B, a.shape[1])).reshape(T * B, a.shape[1])
    row = lax.broadcasted_iota(jnp.int32, a.shape, 0)
    a = jnp.where(row % B == 0, rep, a)
    acc_ref[:] += lax.dot_general(
        a, w_ref[:], (((1,), (1,)), ((), ())),
        preferred_element_type=jnp.float32)

    @pl.when(k == nk - 1)
    def _():
        whh = whh_ref[:]
        bias = (bih_ref[:] + bhh_ref[:])

        def step(t, carry):
            h, c = carry
            row = pl.multiple_of(t * B, 8)
            gates = acc_ref[pl.ds(row, B), :] + lax.dot_general(
                h, whh, (((1,), (1,)), ((), ())),
                preferred_element_type=jnp.float32) + bias
            i = jax.nn.sigmoid(gates[:, 0:HID_LSTM])
            f = jax.nn.sigmoid(gates[:, HID_LSTM:2 * HID_LSTM])
            g = jnp.tanh(gates[:, 2 * HID_LSTM:3 * HID_LSTM])
            o = jax.nn.sigmoid(gates[:, 3 * HID_LSTM:4 * HID_LSTM])
            c = f * c + i * g
            h = o * jnp.tanh(c)
            return (h, c)

        h0 = jnp.zeros((B, HID_LSTM), jnp.float32)
        c0 = jnp.zeros((B, HID_LSTM), jnp.float32)
        h, _ = lax.fori_loop(0, T, step, (h0, c0))
        out_ref[:] = lax.dot_general(
            h, wfc_ref[:], (((1,), (1,)), ((), ())),
            preferred_element_type=jnp.float32) + bfc_ref[:]


def _lstm_fc(seq2d, out0_lo, out0_hi, W_ih, W_hh, b_ih, b_hh, W_fc, b_fc):
    KB = 6400
    nk = D // KB
    return pl.pallas_call(
        functools.partial(_lstm_body, nk=nk),
        grid=(nk,),
        in_specs=[
            pl.BlockSpec((T * B, KB), lambda k: (0, k)),
            pl.BlockSpec((T, KB // 2), lambda k: (0, k)),
            pl.BlockSpec((T, KB // 2), lambda k: (0, k)),
            pl.BlockSpec((G4, KB), lambda k: (0, k)),
            pl.BlockSpec((G4, HID_LSTM), lambda k: (0, 0)),
            pl.BlockSpec((1, G4), lambda k: (0, 0)),
            pl.BlockSpec((1, G4), lambda k: (0, 0)),
            pl.BlockSpec((N * F_IN, HID_LSTM), lambda k: (0, 0)),
            pl.BlockSpec((1, N * F_IN), lambda k: (0, 0)),
        ],
        out_specs=pl.BlockSpec((B, N * F_IN), lambda k: (0, 0)),
        out_shape=jax.ShapeDtypeStruct((B, N * F_IN), jnp.float32),
        scratch_shapes=[pltpu.VMEM((T * B, G4), jnp.float32)],
    )(seq2d, out0_lo, out0_hi, W_ih, W_hh,
      b_ih.reshape(1, G4), b_hh.reshape(1, G4),
      W_fc, b_fc.reshape(1, N * F_IN))


def kernel(x, W_gat, att_src, att_dst, b_gat, W_ih, W_hh, b_ih, b_hh,
           W_fc, b_fc, edge_index):
    seqd, h0c, a4s3, a4d3 = _prep(x, W_gat, att_src, att_dst, b_gat)

    n_pad = E_AUG - N_EDGES - N
    loop = jnp.arange(N, dtype=jnp.int32)
    padv = (N + jnp.arange(n_pad, dtype=jnp.int32) % (NP - N))
    src1d = jnp.concatenate([edge_index[0], loop, padv])
    dst1d = jnp.concatenate([edge_index[1], loop, padv])

    out0p = _sc_edges(src1d, dst1d,
                      a4s3.reshape(T, 2, NP * HS),
                      a4d3.reshape(T, 2, NP * HS),
                      h0c.reshape(T, 2, NP * CW), b_gat)
    o2 = out0p
    seq2d = seqd.reshape(T * B, D)
    out = _lstm_fc(seq2d, o2[:, 0], o2[:, 1], W_ih, W_hh, b_ih, b_hh,
                   W_fc, b_fc)
    return out.reshape(B, N, F_IN)

# --- scband reference (transcript-rebuilt; emitter-appended) ---
"""Pipeline reference for scband-gat-lstm-88923002896915 (READ-ONLY COPY).

The authoritative reference and input builder live on the scoring server;
editing this copy changes nothing except your own understanding.
"""

import jax, jax.numpy as jnp
import numpy as np

B, T, N, F_IN = 8, 12, 1000, 2
HEADS, C = 8, 8
HID_GAT = HEADS * C  # 64
HID_LSTM = 128
N_EDGES = 16000


def setup_inputs(seed: int = 0) -> dict:
    key = jax.random.key(seed)
    ks = jax.random.split(key, 12)
    x = jax.random.normal(ks[0], (B, T, N, F_IN), dtype=jnp.float32)
    edge_index = jax.random.randint(ks[1], (2, N_EDGES), 0, N, dtype=jnp.int32)
    W_gat = jax.random.normal(ks[2], (F_IN, HEADS * C), dtype=jnp.float32) / np.float32(np.sqrt(F_IN))
    att_src = jax.random.normal(ks[3], (HEADS, C), dtype=jnp.float32) * 0.1
    att_dst = jax.random.normal(ks[4], (HEADS, C), dtype=jnp.float32) * 0.1
    b_gat = jnp.zeros((HEADS * C,), dtype=jnp.float32)
    D = HID_GAT * N
    W_ih = jax.random.normal(ks[5], (4 * HID_LSTM, D), dtype=jnp.float32) / np.float32(np.sqrt(D))
    W_hh = jax.random.normal(ks[6], (4 * HID_LSTM, HID_LSTM), dtype=jnp.float32) / np.float32(np.sqrt(HID_LSTM))
    b_ih = jnp.zeros((4 * HID_LSTM,), dtype=jnp.float32)
    b_hh = jnp.zeros((4 * HID_LSTM,), dtype=jnp.float32)
    W_fc = jax.random.normal(ks[7], (N * F_IN, HID_LSTM), dtype=jnp.float32) / np.float32(np.sqrt(HID_LSTM))
    b_fc = jnp.zeros((N * F_IN,), dtype=jnp.float32)
    return {"x": x, "W_gat": W_gat, "att_src": att_src, "att_dst": att_dst, "b_gat": b_gat,
            "W_ih": W_ih, "W_hh": W_hh, "b_ih": b_ih, "b_hh": b_hh, "W_fc": W_fc, "b_fc": b_fc,
            "edge_index": edge_index}


def _gat_layer(xt, W_gat, att_src, att_dst, b_gat, edge_index):
    # xt: [B*N, F_IN]; faithful PyG GATConv (add_self_loops=True, concat heads)
    Nt = xt.shape[0]
    h = (xt @ W_gat).reshape(Nt, HEADS, C)
    a_src = (h * att_src[None, :, :]).sum(-1)  # [Nt, H]
    a_dst = (h * att_dst[None, :, :]).sum(-1)
    loop = jnp.arange(Nt, dtype=edge_index.dtype)
    src = jnp.concatenate([edge_index[0], loop])
    dst = jnp.concatenate([edge_index[1], loop])
    e = jax.nn.leaky_relu(a_src[src] + a_dst[dst], 0.2)  # [E+Nt, H]
    m = jax.ops.segment_max(e, dst, num_segments=Nt)
    m = jnp.where(jnp.isfinite(m), m, 0.0)
    ex = jnp.exp(e - jax.lax.stop_gradient(m)[dst])
    s = jax.ops.segment_sum(ex, dst, num_segments=Nt)
    alpha = ex / (s[dst] + 1e-16)
    out = jax.ops.segment_sum(alpha[:, :, None] * h[src], dst, num_segments=Nt)
    out = out.reshape(Nt, HEADS * C) + b_gat
    return jax.nn.elu(out)  # dropout is identity in eval / p=0


def reference(x, W_gat, att_src, att_dst, b_gat, W_ih, W_hh, b_ih, b_hh, W_fc, b_fc, edge_index):
    # Per-timestep GAT on flattened (B*N) nodes, exactly as the torch module does
    gat_seq = []
    for t in range(T):
        xt = x[:, t, :, :].reshape(B * N, F_IN)
        g = _gat_layer(xt, W_gat, att_src, att_dst, b_gat, edge_index)
        gat_seq.append(g.reshape(B, N * HID_GAT))
    seq = jnp.stack(gat_seq, axis=1)  # [B, T, N*HID_GAT]

    # PyTorch LSTM (batch_first), gate order i, f, g, o
    def step(carry, xt):
        h, c = carry
        gates = xt @ W_ih.T + h @ W_hh.T + b_ih + b_hh
        i, f, g, o = jnp.split(gates, 4, axis=-1)
        i = jax.nn.sigmoid(i); f = jax.nn.sigmoid(f)
        g = jnp.tanh(g); o = jax.nn.sigmoid(o)
        c = f * c + i * g
        h = o * jnp.tanh(c)
        return (h, c), h

    h0 = jnp.zeros((B, HID_LSTM), dtype=x.dtype)
    c0 = jnp.zeros((B, HID_LSTM), dtype=x.dtype)
    (_, _), hs = jax.lax.scan(step, (h0, c0), jnp.swapaxes(seq, 0, 1))
    h_last = hs[-1]  # [B, HID_LSTM]
    out = h_last @ W_fc.T + b_fc
    return out.reshape(B, N, -1)

if __name__ == "__main__":
    import jax
    _d = setup_inputs()
    print(jax.jit(kernel)(*tuple(_d.values())))

</pallas_src>

<mosaic_0001>
#map = affine_map<(d0, d1) -> (0)>
#map1 = affine_map<(d0, d1) -> (0, 0, 0)>
module attributes {stable_mosaic.version = 14 : i64} {
  func.func @k(%arg0: i32, %arg1: i32, %arg2: memref<17408xi32, #tpu.memory_space<hbm>>, %arg3: memref<17408xi32, #tpu.memory_space<hbm>>, %arg4: memref<12x2x5120xf32, #tpu.memory_space<hbm>>, %arg5: memref<12x2x5120xf32, #tpu.memory_space<hbm>>, %arg6: memref<12x2x32768xf32, #tpu.memory_space<hbm>>, %arg7: memref<64xf32, #tpu.memory_space<hbm>>, %arg8: memref<12x2x32768xf32, #tpu.memory_space<hbm>>, %arg9: memref<17408xi32, #tpu.memory_space<vmem>>, %arg10: memref<17408xi32, #tpu.memory_space<vmem>>, %arg11: memref<5120xf32, #tpu.memory_space<vmem>>, %arg12: memref<5120xf32, #tpu.memory_space<vmem>>, %arg13: memref<32768xf32, #tpu.memory_space<vmem>>, %arg14: memref<40960xf32, #tpu.memory_space<vmem>>, %arg15: memref<4096xf32, #tpu.memory_space<vmem>>, %arg16: memref<64xf32, #tpu.memory_space<vmem>>) attributes {dimension_semantics = [#tpu.dimension_semantics<core_parallel>, #tpu.dimension_semantics<subcore_parallel>], iteration_bounds = array<i64: 2, 16>, scalar_prefetch = 0 : i64, scratch_operands = 8 : i64, tpu.core_type = #tpu.core_type<sc_vector_subcore>, window_params = [{transform_indices = #map}, {transform_indices = #map}, {transform_indices = #map1}, {transform_indices = #map1}, {transform_indices = #map1}, {transform_indices = #map}, {transform_indices = #map1}]} {
    %lt3A = arith.constant 12 : i32
    %lt3A_0 = arith.cmpi slt, %arg1, %lt3A : i32
    %convert_element_type3A = arith.extui %lt3A_0 : i1 to i32
    %cond3A = arith.constant 0 : i32
    %cond3A_1 = arith.cmpi ne, %convert_element_type3A, %cond3A : i32
    scf.if %cond3A_1 {
      %jit3A = arith.constant 2 : i32
      %div3A = arith.divsi %arg1, %jit3A : i32
      %sign3A = arith.constant 0 : i32
      %sign3A_2 = arith.cmpi sgt, %arg1, %sign3A : i32
      %sign3A_3 = arith.extui %sign3A_2 : i1 to i32
      %sign3A_4 = arith.constant 0 : i32
      %sign3A_5 = arith.cmpi slt, %arg1, %sign3A_4 : i32
      %sign3A_6 = arith.extui %sign3A_5 : i1 to i32
      %sign3A_7 = arith.subi %sign3A_3, %sign3A_6 : i32
      %sign3A_8 = arith.constant 0 : i32
      %sign3A_9 = arith.cmpi sgt, %jit3A, %sign3A_8 : i32
      %sign3A_10 = arith.extui %sign3A_9 : i1 to i32
      %sign3A_11 = arith.constant 0 : i32
      %sign3A_12 = arith.cmpi slt, %jit3A, %sign3A_11 : i32
      %sign3A_13 = arith.extui %sign3A_12 : i1 to i32
      %sign3A_14 = arith.subi %sign3A_10, %sign3A_13 : i32
      %ne3A = arith.cmpi ne, %sign3A_7, %sign3A_14 : i32
      %rem3A = arith.remsi %arg1, %jit3A : i32
      %ne3A_15 = arith.constant 0 : i32
      %ne3A_16 = arith.cmpi ne, %rem3A, %ne3A_15 : i32
      %and3A = arith.andi %ne3A, %ne3A_16 : i1
      %sub3A = arith.constant 1 : i32
      %sub3A_17 = arith.subi %div3A, %sub3A : i32
      %select_n3A = arith.select %and3A, %sub3A_17, %div3A : i32
      %mul3A = arith.constant 6 : i32
      %mul3A_18 = arith.muli %arg0, %mul3A : i32
      %add3A = arith.addi %mul3A_18, %select_n3A : i32
      %mul3A_19 = arith.constant 2 : i32
      %mul3A_20 = arith.muli %mul3A_19, %select_n3A : i32
      %sub3A_21 = arith.subi %arg1, %mul3A_20 : i32
      %iota3A = tpu.iota {dimensions = array<i32: 0>} : vector<16xi32>
      %broadcast_in_dim3A = arith.constant 0.000000e+00 : f32
      %broadcast_in_dim3A_22 = vector.broadcast %broadcast_in_dim3A : f32 to vector<16xf32>
      "tpu.region"() ({
        %run_scoped3A = tpu.sem_alloc : memref<!tpu.dma_semaphore, #tpu.memory_space<semaphore_mem>>
        tpu.enqueue_dma source(%arg2 : memref<17408xi32, #tpu.memory_space<hbm>>) target(%arg9 : memref<17408xi32, #tpu.memory_space<vmem>>) target_semaphore(%run_scoped3A : memref<!tpu.dma_semaphore, #tpu.memory_space<semaphore_mem>>)
        tpu.wait_dma2 semaphore(%run_scoped3A : memref<!tpu.dma_semaphore, #tpu.memory_space<semaphore_mem>>) src(%arg2 : memref<17408xi32, #tpu.memory_space<hbm>>) dst(%arg9 : memref<17408xi32, #tpu.memory_space<vmem>>)
        tpu.yield
      }) : () -> ()
      "tpu.region"() ({
        %run_scoped3A = tpu.sem_alloc : memref<!tpu.dma_semaphore, #tpu.memory_space<semaphore_mem>>
        tpu.enqueue_dma source(%arg3 : memref<17408xi32, #tpu.memory_space<hbm>>) target(%arg10 : memref<17408xi32, #tpu.memory_space<vmem>>) target_semaphore(%run_scoped3A : memref<!tpu.dma_semaphore, #tpu.memory_space<semaphore_mem>>)
        tpu.wait_dma2 semaphore(%run_scoped3A : memref<!tpu.dma_semaphore, #tpu.memory_space<semaphore_mem>>) src(%arg3 : memref<17408xi32, #tpu.memory_space<hbm>>) dst(%arg10 : memref<17408xi32, #tpu.memory_space<vmem>>)
        tpu.yield
      }) : () -> ()
      "tpu.region"() ({
        %run_scoped3A = tpu.sem_alloc : memref<!tpu.dma_semaphore, #tpu.memory_space<semaphore_mem>>
        %dma_start3A = arith.constant 0 : i32
        %dma_start3A_46 = tpu.memref_slice %arg4[%add3A, %sub3A_21, %dma_start3A] : memref<12x2x5120xf32, #tpu.memory_space<hbm>> -> memref<1x1x5120xf32, #tpu.memory_space<hbm>>
        %dma_start3A_47 = tpu.memref_squeeze %dma_start3A_46 : memref<1x1x5120xf32, #tpu.memory_space<hbm>> -> memref<5120xf32, #tpu.memory_space<hbm>>
        %dma_start3A_48 = arith.constant 0 : i32
        %dma_start3A_49 = tpu.memref_slice %arg4[%add3A, %sub3A_21, %dma_start3A_48] : memref<12x2x5120xf32, #tpu.memory_space<hbm>> -> memref<1x1x5120xf32, #tpu.memory_space<hbm>>
        %dma_start3A_50 = tpu.memref_squeeze %dma_start3A_49 : memref<1x1x5120xf32, #tpu.memory_space<hbm>> -> memref<5120xf32, #tpu.memory_space<hbm>>
        tpu.enqueue_dma source(%dma_start3A_50 : memref<5120xf32, #tpu.memory_space<hbm>>) target(%arg11 : memref<5120xf32, #tpu.memory_space<vmem>>) target_semaphore(%run_scoped3A : memref<!tpu.dma_semaphore, #tpu.memory_space<semaphore_mem>>)
        %dma_wait3A = arith.constant 0 : i32
        %dma_wait3A_51 = tpu.memref_slice %arg4[%add3A, %sub3A_21, %dma_wait3A] : memref<12x2x5120xf32, #tpu.memory_space<hbm>> -> memref<1x1x5120xf32, #tpu.memory_space<hbm>>
        %dma_wait3A_52 = tpu.memref_squeeze %dma_wait3A_51 : memref<1x1x5120xf32, #tpu.memory_space<hbm>> -> memref<5120xf32, #tpu.memory_space<hbm>>
        %dma_wait3A_53 = arith.constant 0 : i32
        %dma_wait3A_54 = tpu.memref_slice %arg4[%add3A, %sub3A_21, %dma_wait3A_53] : memref<12x2x5120xf32, #tpu.memory_space<hbm>> -> memref<1x1x5120xf32, #tpu.memory_space<hbm>>
        %dma_wait3A_55 = tpu.memref_squeeze %dma_wait3A_54 : memref<1x1x5120xf32, #tpu.memory_space<hbm>> -> memref<5120xf32, #tpu.memory_space<hbm>>
        tpu.wait_dma2 semaphore(%run_scoped3A : memref<!tpu.dma_semaphore, #tpu.memory_space<semaphore_mem>>) src(%dma_wait3A_55 : memref<5120xf32, #tpu.memory_space<hbm>>) dst(%arg11 : memref<5120xf32, #tpu.memory_space<vmem>>)
        tpu.yield
      }) : () -> ()
      "tpu.region"() ({
        %run_scoped3A = tpu.sem_alloc : memref<!tpu.dma_semaphore, #tpu.memory_space<semaphore_mem>>
        %dma_start3A = arith.constant 0 : i32
        %dma_start3A_46 = tpu.memref_slice %arg5[%add3A, %sub3A_21, %dma_start3A] : memref<12x2x5120xf32, #tpu.memory_space<hbm>> -> memref<1x1x5120xf32, #tpu.memory_space<hbm>>
        %dma_start3A_47 = tpu.memref_squeeze %dma_start3A_46 : memref<1x1x5120xf32, #tpu.memory_space<hbm>> -> memref<5120xf32, #tpu.memory_space<hbm>>
        %dma_start3A_48 = arith.constant 0 : i32
        %dma_start3A_49 = tpu.memref_slice %arg5[%add3A, %sub3A_21, %dma_start3A_48] : memref<12x2x5120xf32, #tpu.memory_space<hbm>> -> memref<1x1x5120xf32, #tpu.memory_space<hbm>>
        %dma_start3A_50 = tpu.memref_squeeze %dma_start3A_49 : memref<1x1x5120xf32, #tpu.memory_space<hbm>> -> memref<5120xf32, #tpu.memory_space<hbm>>
        tpu.enqueue_dma source(%dma_start3A_50 : memref<5120xf32, #tpu.memory_space<hbm>>) target(%arg12 : memref<5120xf32, #tpu.memory_space<vmem>>) target_semaphore(%run_scoped3A : memref<!tpu.dma_semaphore, #tpu.memory_space<semaphore_mem>>)
        %dma_wait3A = arith.constant 0 : i32
        %dma_wait3A_51 = tpu.memref_slice %arg5[%add3A, %sub3A_21, %dma_wait3A] : memref<12x2x5120xf32, #tpu.memory_space<hbm>> -> memref<1x1x5120xf32, #tpu.memory_space<hbm>>
        %dma_wait3A_52 = tpu.memref_squeeze %dma_wait3A_51 : memref<1x1x5120xf32, #tpu.memory_space<hbm>> -> memref<5120xf32, #tpu.memory_space<hbm>>
        %dma_wait3A_53 = arith.constant 0 : i32
        %dma_wait3A_54 = tpu.memref_slice %arg5[%add3A, %sub3A_21, %dma_wait3A_53] : memref<12x2x5120xf32, #tpu.memory_space<hbm>> -> memref<1x1x5120xf32, #tpu.memory_space<hbm>>
        %dma_wait3A_55 = tpu.memref_squeeze %dma_wait3A_54 : memref<1x1x5120xf32, #tpu.memory_space<hbm>> -> memref<5120xf32, #tpu.memory_space<hbm>>
        tpu.wait_dma2 semaphore(%run_scoped3A : memref<!tpu.dma_semaphore, #tpu.memory_space<semaphore_mem>>) src(%dma_wait3A_55 : memref<5120xf32, #tpu.memory_space<hbm>>) dst(%arg12 : memref<5120xf32, #tpu.memory_space<vmem>>)
        tpu.yield
      }) : () -> ()
      "tpu.region"() ({
        %run_scoped3A = tpu.sem_alloc : memref<!tpu.dma_semaphore, #tpu.memory_space<semaphore_mem>>
        %dma_start3A = arith.constant 0 : i32
        %dma_start3A_46 = tpu.memref_slice %arg6[%add3A, %sub3A_21, %dma_start3A] : memref<12x2x32768xf32, #tpu.memory_space<hbm>> -> memref<1x1x32768xf32, #tpu.memory_space<hbm>>
        %dma_start3A_47 = tpu.memref_squeeze %dma_start3A_46 : memref<1x1x32768xf32, #tpu.memory_space<hbm>> -> memref<32768xf32, #tpu.memory_space<hbm>>
        %dma_start3A_48 = arith.constant 0 : i32
        %dma_start3A_49 = tpu.memref_slice %arg6[%add3A, %sub3A_21, %dma_start3A_48] : memref<12x2x32768xf32, #tpu.memory_space<hbm>> -> memref<1x1x32768xf32, #tpu.memory_space<hbm>>
        %dma_start3A_50 = tpu.memref_squeeze %dma_start3A_49 : memref<1x1x32768xf32, #tpu.memory_space<hbm>> -> memref<32768xf32, #tpu.memory_space<hbm>>
        tpu.enqueue_dma source(%dma_start3A_50 : memref<32768xf32, #tpu.memory_space<hbm>>) target(%arg13 : memref<32768xf32, #tpu.memory_space<vmem>>) target_semaphore(%run_scoped3A : memref<!tpu.dma_semaphore, #tpu.memory_space<semaphore_mem>>)
        %dma_wait3A = arith.constant 0 : i32
        %dma_wait3A_51 = tpu.memref_slice %arg6[%add3A, %sub3A_21, %dma_wait3A] : memref<12x2x32768xf32, #tpu.memory_space<hbm>> -> memref<1x1x32768xf32, #tpu.memory_space<hbm>>
        %dma_wait3A_52 = tpu.memref_squeeze %dma_wait3A_51 : memref<1x1x32768xf32, #tpu.memory_space<hbm>> -> memref<32768xf32, #tpu.memory_space<hbm>>
        %dma_wait3A_53 = arith.constant 0 : i32
        %dma_wait3A_54 = tpu.memref_slice %arg6[%add3A, %sub3A_21, %dma_wait3A_53] : memref<12x2x32768xf32, #tpu.memory_space<hbm>> -> memref<1x1x32768xf32, #tpu.memory_space<hbm>>
        %dma_wait3A_55 = tpu.memref_squeeze %dma_wait3A_54 : memref<1x1x32768xf32, #tpu.memory_space<hbm>> -> memref<32768xf32, #tpu.memory_space<hbm>>
        tpu.wait_dma2 semaphore(%run_scoped3A : memref<!tpu.dma_semaphore, #tpu.memory_space<semaphore_mem>>) src(%dma_wait3A_55 : memref<32768xf32, #tpu.memory_space<hbm>>) dst(%arg13 : memref<32768xf32, #tpu.memory_space<vmem>>)
        tpu.yield
      }) : () -> ()
      "tpu.region"() ({
        %run_scoped3A = tpu.sem_alloc : memref<!tpu.dma_semaphore, #tpu.memory_space<semaphore_mem>>
        tpu.enqueue_dma source(%arg7 : memref<64xf32, #tpu.memory_space<hbm>>) target(%arg16 : memref<64xf32, #tpu.memory_space<vmem>>) target_semaphore(%run_scoped3A : memref<!tpu.dma_semaphore, #tpu.memory_space<semaphore_mem>>)
        tpu.wait_dma2 semaphore(%run_scoped3A : memref<!tpu.dma_semaphore, #tpu.memory_space<semaphore_mem>>) src(%arg7 : memref<64xf32, #tpu.memory_space<hbm>>) dst(%arg16 : memref<64xf32, #tpu.memory_space<vmem>>)
        tpu.yield
      }) : () -> ()
      %parallel_loop3A = arith.constant 0 : i32
      %parallel_loop3A_23 = arith.constant 2560 : i32
      %parallel_loop3A_24 = arith.constant 1 : i32
      scf.for %parallel_loop3A_46 = %parallel_loop3A to %parallel_loop3A_23 step %parallel_loop3A_24  : i32 {
        %parallel_loop3A_47 = arith.constant 16 : i32
        %parallel_loop3A_48 = arith.muli %parallel_loop3A_46, %parallel_loop3A_47 : i32
        %parallel_loop3A_49 = arith.index_cast %parallel_loop3A_48 : i32 to index
        %parallel_loop3A_50 = tpu.vector_load %arg14[%parallel_loop3A_49] {strides = array<i32>} : memref<40960xf32, #tpu.memory_space<vmem>>, vector<16xf32>,
        tpu.vector_store %arg14[%parallel_loop3A_49], %broadcast_in_dim3A_22 {strides = array<i32>} : memref<40960xf32, #tpu.memory_space<vmem>>, vector<16xf32>,
      } {sc.loop_unroll_factor = 1 : i64, sc.parallel_access}
      %lt3A_25 = arith.constant 8 : i32
      %lt3A_26 = vector.broadcast %lt3A_25 : i32 to vector<16xi32>
      %lt3A_27 = arith.cmpi slt, %iota3A, %lt3A_26 : vector<16xi32>
      %parallel_loop3A_28 = arith.constant 0 : i32
      %parallel_loop3A_29 = arith.constant 1088 : i32
      %parallel_loop3A_30 = arith.constant 1 : i32
      scf.for %parallel_loop3A_46 = %parallel_loop3A_28 to %parallel_loop3A_29 step %parallel_loop3A_30  : i32 {
        %parallel_loop3A_47 = arith.constant 16 : i32
        %parallel_loop3A_48 = arith.muli %parallel_loop3A_46, %parallel_loop3A_47 : i32
        %parallel_loop3A_49 = arith.index_cast %parallel_loop3A_48 : i32 to index
        %parallel_loop3A_50 = tpu.vector_load %arg9[%parallel_loop3A_49] {strides = array<i32>} : memref<17408xi32, #tpu.memory_space<vmem>>, vector<16xi32>,
        %parallel_loop3A_51 = arith.constant 16 : i32
        %parallel_loop3A_52 = arith.muli %parallel_loop3A_46, %parallel_loop3A_51 : i32
        %parallel_loop3A_53 = arith.index_cast %parallel_loop3A_52 : i32 to index
        %parallel_loop3A_54 = tpu.vector_load %arg10[%parallel_loop3A_53] {strides = array<i32>} : memref<17408xi32, #tpu.memory_space<vmem>>, vector<16xi32>,
        %parallel_loop3A_55 = arith.constant 5 : i32
        %parallel_loop3A_56 = vector.broadcast %parallel_loop3A_55 : i32 to vector<16xi32>
        %parallel_loop3A_57 = arith.muli %parallel_loop3A_50, %parallel_loop3A_56 : vector<16xi32>
        %parallel_loop3A_58 = arith.constant 5 : i32
        %parallel_loop3A_59 = vector.broadcast %parallel_loop3A_58 : i32 to vector<16xi32>
        %parallel_loop3A_60 = arith.muli %parallel_loop3A_54, %parallel_loop3A_59 : vector<16xi32>
        %parallel_loop3A_61 = arith.constant 40 : i32
        %parallel_loop3A_62 = vector.broadcast %parallel_loop3A_61 : i32 to vector<16xi32>
        %parallel_loop3A_63 = arith.muli %parallel_loop3A_54, %parallel_loop3A_62 : vector<16xi32>
        %parallel_loop3A_64 = arith.constant 0 : i32
        %parallel_loop3A_65 = vector.broadcast %parallel_loop3A_64 : i32 to vector<16xi32>
        %parallel_loop3A_66 = arith.addi %parallel_loop3A_57, %parallel_loop3A_65 : vector<16xi32>
        %parallel_loop3A_67 = tpu.vector_load_idx %arg11[%parallel_loop3A_66] : memref<5120xf32, #tpu.memory_space<vmem>>[vector<16xi32>], vector<16xf32>,
        %parallel_loop3A_68 = arith.constant 0 : i32
        %parallel_loop3A_69 = vector.broadcast %parallel_loop3A_68 : i32 to vector<16xi32>
        %parallel_loop3A_70 = arith.addi %parallel_loop3A_60, %parallel_loop3A_69 : vector<16xi32>
        %parallel_loop3A_71 = tpu.vector_load_idx %arg12[%parallel_loop3A_70] : memref<5120xf32, #tpu.memory_space<vmem>>[vector<16xi32>], vector<16xf32>,
        %parallel_loop3A_72 = arith.addf %parallel_loop3A_67, %parallel_loop3A_71 : vector<16xf32>
        %parallel_loop3A_73 = arith.constant 2.000000e-01 : f32
        %parallel_loop3A_74 = vector.broadcast %parallel_loop3A_73 : f32 to vector<16xf32>
        %parallel_loop3A_75 = arith.mulf %parallel_loop3A_74, %parallel_loop3A_72 : vector<16xf32>
        %parallel_loop3A_76 = arith.maximumf %parallel_loop3A_72, %parallel_loop3A_75 : vector<16xf32>
        %parallel_loop3A_77 = math.exp %parallel_loop3A_76 : vector<16xf32>
        %parallel_loop3A_78 = arith.constant 32 : i32
        %parallel_loop3A_79 = vector.broadcast %parallel_loop3A_78 : i32 to vector<16xi32>
        %parallel_loop3A_80 = arith.addi %parallel_loop3A_63, %parallel_loop3A_79 : vector<16xi32>
        tpu.vector_store_idx %arg14[%parallel_loop3A_80], %parallel_loop3A_77 {add = true} : memref<40960xf32, #tpu.memory_space<vmem>>[vector<16xi32>], vector<16xf32>,
        %parallel_loop3A_81 = arith.constant 1 : i32
        %parallel_loop3A_82 = vector.broadcast %parallel_loop3A_81 : i32 to vector<16xi32>
        %parallel_loop3A_83 = arith.addi %parallel_loop3A_57, %parallel_loop3A_82 : vector<16xi32>
        %parallel_loop3A_84 = tpu.vector_load_idx %arg11[%parallel_loop3A_83] : memref<5120xf32, #tpu.memory_space<vmem>>[vector<16xi32>], vector<16xf32>,
        %parallel_loop3A_85 = arith.constant 1 : i32
        %parallel_loop3A_86 = vector.broadcast %parallel_loop3A_85 : i32 to vector<16xi32>
        %parallel_loop3A_87 = arith.addi %parallel_loop3A_60, %parallel_loop3A_86 : vector<16xi32>
        %parallel_loop3A_88 = tpu.vector_load_idx %arg12[%parallel_loop3A_87] : memref<5120xf32, #tpu.memory_space<vmem>>[vector<16xi32>], vector<16xf32>,
        %parallel_loop3A_89 = arith.addf %parallel_loop3A_84, %parallel_loop3A_88 : vector<16xf32>
        %parallel_loop3A_90 = arith.constant 2.000000e-01 : f32
        %parallel_loop3A_91 = vector.broadcast %parallel_loop3A_90 : f32 to vector<16xf32>
        %parallel_loop3A_92 = arith.mulf %parallel_loop3A_91, %parallel_loop3A_89 : vector<16xf32>
        %parallel_loop3A_93 = arith.maximumf %parallel_loop3A_89, %parallel_loop3A_92 : vector<16xf32>
        %parallel_loop3A_94 = math.exp %parallel_loop3A_93 : vector<16xf32>
        %parallel_loop3A_95 = arith.constant 33 : i32
        %parallel_loop3A_96 = vector.broadcast %parallel_loop3A_95 : i32 to vector<16xi32>
        %parallel_loop3A_97 = arith.addi %parallel_loop3A_63, %parallel_loop3A_96 : vector<16xi32>
        tpu.vector_store_idx %arg14[%parallel_loop3A_97], %parallel_loop3A_94 {add = true} : memref<40960xf32, #tpu.memory_space<vmem>>[vector<16xi32>], vector<16xf32>,
        %parallel_loop3A_98 = arith.constant 2 : i32
        %parallel_loop3A_99 = vector.broadcast %parallel_loop3A_98 : i32 to vector<16xi32>
        %parallel_loop3A_100 = arith.addi %parallel_loop3A_57, %parallel_loop3A_99 : vector<16xi32>
        %parallel_loop3A_101 = tpu.vector_load_idx %arg11[%parallel_loop3A_100] : memref<5120xf32, #tpu.memory_space<vmem>>[vector<16xi32>], vector<16xf32>,
        %parallel_loop3A_102 = arith.constant 2 : i32
        %parallel_loop3A_103 = vector.broadcast %parallel_loop3A_102 : i32 to vector<16xi32>
        %parallel_loop3A_104 = arith.addi %parallel_loop3A_60, %parallel_loop3A_103 : vector<16xi32>
        %parallel_loop3A_105 = tpu.vector_load_idx %arg12[%parallel_loop3A_104] : memref<5120xf32, #tpu.memory_space<vmem>>[vector<16xi32>], vector<16xf32>,
        %parallel_loop3A_106 = arith.addf %parallel_loop3A_101, %parallel_loop3A_105 : vector<16xf32>
        %parallel_loop3A_107 = arith.constant 2.000000e-01 : f32
        %parallel_loop3A_108 = vector.broadcast %parallel_loop3A_107 : f32 to vector<16xf32>
        %parallel_loop3A_109 = arith.mulf %parallel_loop3A_108, %parallel_loop3A_106 : vector<16xf32>
        %parallel_loop3A_110 = arith.maximumf %parallel_loop3A_106, %parallel_loop3A_109 : vector<16xf32>
        %parallel_loop3A_111 = math.exp %parallel_loop3A_110 : vector<16xf32>
        %parallel_loop3A_112 = arith.constant 34 : i32
        %parallel_loop3A_113 = vector.broadcast %parallel_loop3A_112 : i32 to vector<16xi32>
        %parallel_loop3A_114 = arith.addi %parallel_loop3A_63, %parallel_loop3A_113 : vector<16xi32>
        tpu.vector_store_idx %arg14[%parallel_loop3A_114], %parallel_loop3A_111 {add = true} : memref<40960xf32, #tpu.memory_space<vmem>>[vector<16xi32>], vector<16xf32>,
        %parallel_loop3A_115 = arith.constant 3 : i32
        %parallel_loop3A_116 = vector.broadcast %parallel_loop3A_115 : i32 to vector<16xi32>
        %parallel_loop3A_117 = arith.addi %parallel_loop3A_57, %parallel_loop3A_116 : vector<16xi32>
        %parallel_loop3A_118 = tpu.vector_load_idx %arg11[%parallel_loop3A_117] : memref<5120xf32, #tpu.memory_space<vmem>>[vector<16xi32>], vector<16xf32>,
        %parallel_loop3A_119 = arith.constant 3 : i32
        %parallel_loop3A_120 = vector.broadcast %parallel_loop3A_119 : i32 to vector<16xi32>
        %parallel_loop3A_121 = arith.addi %parallel_loop3A_60, %parallel_loop3A_120 : vector<16xi32>
        %parallel_loop3A_122 = tpu.vector_load_idx %arg12[%parallel_loop3A_121] : memref<5120xf32, #tpu.memory_space<vmem>>[vector<16xi32>], vector<16xf32>,
        %parallel_loop3A_123 = arith.addf %parallel_loop3A_118, %parallel_loop3A_122 : vector<16xf32>
        %parallel_loop3A_124 = arith.constant 2.000000e-01 : f32
        %parallel_loop3A_125 = vector.broadcast %parallel_loop3A_124 : f32 to vector<16xf32>
        %parallel_loop3A_126 = arith.mulf %parallel_loop3A_125, %parallel_loop3A_123 : vector<16xf32>
        %parallel_loop3A_127 = arith.maximumf %parallel_loop3A_123, %parallel_loop3A_126 : vector<16xf32>
        %parallel_loop3A_128 = math.exp %parallel_loop3A_127 : vector<16xf32>
        %parallel_loop3A_129 = arith.constant 35 : i32
        %parallel_loop3A_130 = vector.broadcast %parallel_loop3A_129 : i32 to vector<16xi32>
        %parallel_loop3A_131 = arith.addi %parallel_loop3A_63, %parallel_loop3A_130 : vector<16xi32>
        tpu.vector_store_idx %arg14[%parallel_loop3A_131], %parallel_loop3A_128 {add = true} : memref<40960xf32, #tpu.memory_space<vmem>>[vector<16xi32>], vector<16xf32>,
        %parallel_loop3A_132 = vector.extract_strided_slice %parallel_loop3A_50 {offsets = [0], sizes = [1], strides = [1]} : vector<16xi32> to vector<1xi32>
        %parallel_loop3A_133 = vector.extract %parallel_loop3A_132[0] : i32 from vector<1xi32>
        %parallel_loop3A_134 = arith.constant 32 : i32
        %parallel_loop3A_135 = arith.muli %parallel_loop3A_133, %parallel_loop3A_134 : i32
        %parallel_loop3A_136 = vector.extract_strided_slice %parallel_loop3A_54 {offsets = [0], sizes = [1], strides = [1]} : vector<16xi32> to vector<1xi32>
        %parallel_loop3A_137 = vector.extract %parallel_loop3A_136[0] : i32 from vector<1xi32>
        %parallel_loop3A_138 = arith.constant 40 : i32
        %parallel_loop3A_139 = arith.muli %parallel_loop3A_137, %parallel_loop3A_138 : i32
        %parallel_loop3A_140 = arith.index_cast %parallel_loop3A_135 : i32 to index
        %parallel_loop3A_141 = tpu.vector_load %arg13[%parallel_loop3A_140] {strides = array<i32>} : memref<32768xf32, #tpu.memory_space<vmem>>, vector<16xf32>,
        %parallel_loop3A_142 = arith.constant 16 : i32
        %parallel_loop3A_143 = arith.addi %parallel_loop3A_135, %parallel_loop3A_142 : i32
        %parallel_loop3A_144 = arith.index_cast %parallel_loop3A_143 : i32 to index
        %parallel_loop3A_145 = tpu.vector_load %arg13[%parallel_loop3A_144] {strides = array<i32>} : memref<32768xf32, #tpu.memory_space<vmem>>, vector<16xf32>,
        %parallel_loop3A_146 = vector.extract_strided_slice %parallel_loop3A_77 {offsets = [0], sizes = [1], strides = [1]} : vector<16xf32> to vector<1xf32>
        %parallel_loop3A_147 = vector.extract %parallel_loop3A_146[0] : f32 from vector<1xf32>
        %parallel_loop3A_148 = vector.broadcast %parallel_loop3A_147 : f32 to vector<16xf32>
        %parallel_loop3A_149 = arith.mulf %parallel_loop3A_141, %parallel_loop3A_148 : vector<16xf32>
        %parallel_loop3A_150 = vector.extract_strided_slice %parallel_loop3A_94 {offsets = [0], sizes = [1], strides = [1]} : vector<16xf32> to vector<1xf32>
        %parallel_loop3A_151 = vector.extract %parallel_loop3A_150[0] : f32 from vector<1xf32>
        %parallel_loop3A_152 = vector.broadcast %parallel_loop3A_151 : f32 to vector<16xf32>
        %parallel_loop3A_153 = arith.mulf %parallel_loop3A_141, %parallel_loop3A_152 : vector<16xf32>
        %parallel_loop3A_154 = arith.select %lt3A_27, %parallel_loop3A_149, %parallel_loop3A_153 : vector<16xi1>, vector<16xf32>
        %parallel_loop3A_155 = vector.extract_strided_slice %parallel_loop3A_111 {offsets = [0], sizes = [1], strides = [1]} : vector<16xf32> to vector<1xf32>
        %parallel_loop3A_156 = vector.extract %parallel_loop3A_155[0] : f32 from vector<1xf32>
        %parallel_loop3A_157 = vector.broadcast %parallel_loop3A_156 : f32 to vector<16xf32>
        %parallel_loop3A_158 = arith.mulf %parallel_loop3A_145, %parallel_loop3A_157 : vector<16xf32>
        %parallel_loop3A_159 = vector.extract_strided_slice %parallel_loop3A_128 {offsets = [0], sizes = [1], strides = [1]} : vector<16xf32> to vector<1xf32>
        %parallel_loop3A_160 = vector.extract %parallel_loop3A_159[0] : f32 from vector<1xf32>
        %parallel_loop3A_161 = vector.broadcast %parallel_loop3A_160 : f32 to vector<16xf32>
        %parallel_loop3A_162 = arith.mulf %parallel_loop3A_145, %parallel_loop3A_161 : vector<16xf32>
        %parallel_loop3A_163 = arith.select %lt3A_27, %parallel_loop3A_158, %parallel_loop3A_162 : vector<16xi1>, vector<16xf32>
        %parallel_loop3A_164 = arith.index_cast %parallel_loop3A_139 : i32 to index
        %parallel_loop3A_165 = tpu.vector_load %arg14[%parallel_loop3A_164] {strides = array<i32>} : memref<40960xf32, #tpu.memory_space<vmem>>, vector<16xf32>,
        tpu.vector_store %arg14[%parallel_loop3A_164], %parallel_loop3A_154 {add = true, strides = array<i32>} : memref<40960xf32, #tpu.memory_space<vmem>>, vector<16xf32>,
        %parallel_loop3A_166 = arith.constant 16 : i32
        %parallel_loop3A_167 = arith.addi %parallel_loop3A_139, %parallel_loop3A_166 : i32
        %parallel_loop3A_168 = arith.index_cast %parallel_loop3A_167 : i32 to index
        %parallel_loop3A_169 = tpu.vector_load %arg14[%parallel_loop3A_168] {strides = array<i32>} : memref<40960xf32, #tpu.memory_space<vmem>>, vector<16xf32>,
        tpu.vector_store %arg14[%parallel_loop3A_168], %parallel_loop3A_163 {add = true, strides = array<i32>} : memref<40960xf32, #tpu.memory_space<vmem>>, vector<16xf32>,
        %parallel_loop3A_170 = vector.extract_strided_slice %parallel_loop3A_50 {offsets = [1], sizes = [1], strides = [1]} : vector<16xi32> to vector<1xi32>
        %parallel_loop3A_171 = vector.extract %parallel_loop3A_170[0] : i32 from vector<1xi32>
        %parallel_loop3A_172 = arith.constant 32 : i32
        %parallel_loop3A_173 = arith.muli %parallel_loop3A_171, %parallel_loop3A_172 : i32
        %parallel_loop3A_174 = vector.extract_strided_slice %parallel_loop3A_54 {offsets = [1], sizes = [1], strides = [1]} : vector<16xi32> to vector<1xi32>
        %parallel_loop3A_175 = vector.extract %parallel_loop3A_174[0] : i32 from vector<1xi32>
        %parallel_loop3A_176 = arith.constant 40 : i32
        %parallel_loop3A_177 = arith.muli %parallel_loop3A_175, %parallel_loop3A_176 : i32
        %parallel_loop3A_178 = arith.index_cast %parallel_loop3A_173 : i32 to index
        %parallel_loop3A_179 = tpu.vector_load %arg13[%parallel_loop3A_178] {strides = array<i32>} : memref<32768xf32, #tpu.memory_space<vmem>>, vector<16xf32>,
        %parallel_loop3A_180 = arith.constant 16 : i32
        %parallel_loop3A_181 = arith.addi %parallel_loop3A_173, %parallel_loop3A_180 : i32
        %parallel_loop3A_182 = arith.index_cast %parallel_loop3A_181 : i32 to index
        %parallel_loop3A_183 = tpu.vector_load %arg13[%parallel_loop3A_182] {strides = array<i32>} : memref<32768xf32, #tpu.memory_space<vmem>>, vector<16xf32>,
        %parallel_loop3A_184 = vector.extract_strided_slice %parallel_loop3A_77 {offsets = [1], sizes = [1], strides = [1]} : vector<16xf32> to vector<1xf32>
        %parallel_loop3A_185 = vector.extract %parallel_loop3A_184[0] : f32 from vector<1xf32>
        %parallel_loop3A_186 = vector.broadcast %parallel_loop3A_185 : f32 to vector<16xf32>
        %parallel_loop3A_187 = arith.mulf %parallel_loop3A_179, %parallel_loop3A_186 : vector<16xf32>
        %parallel_loop3A_188 = vector.extract_strided_slice %parallel_loop3A_94 {offsets = [1], sizes = [1], strides = [1]} : vector<16xf32> to vector<1xf32>
        %parallel_loop3A_189 = vector.extract %parallel_loop3A_188[0] : f32 from vector<1xf32>
        %parallel_loop3A_190 = vector.broadcast %parallel_loop3A_189 : f32 to vector<16xf32>
        %parallel_loop3A_191 = arith.mulf %parallel_loop3A_179, %parallel_loop3A_190 : vector<16xf32>
        %parallel_loop3A_192 = arith.select %lt3A_27, %parallel_loop3A_187, %parallel_loop3A_191 : vector<16xi1>, vector<16xf32>
        %parallel_loop3A_193 = vector.extract_strided_slice %parallel_loop3A_111 {offsets = [1], sizes = [1], strides = [1]} : vector<16xf32> to vector<1xf32>
        %parallel_loop3A_194 = vector.extract %parallel_loop3A_193[0] : f32 from vector<1xf32>
        %parallel_loop3A_195 = vector.broadcast %parallel_loop3A_194 : f32 to vector<16xf32>
        %parallel_loop3A_196 = arith.mulf %parallel_loop3A_183, %parallel_loop3A_195 : vector<16xf32>
        %parallel_loop3A_197 = vector.extract_strided_slice %parallel_loop3A_128 {offsets = [1], sizes = [1], strides = [1]} : vector<16xf32> to vector<1xf32>
        %parallel_loop3A_198 = vector.extract %parallel_loop3A_197[0] : f32 from vector<1xf32>
        %parallel_loop3A_199 = vector.broadcast %parallel_loop3A_198 : f32 to vector<16xf32>
        %parallel_loop3A_200 = arith.mulf %parallel_loop3A_183, %parallel_loop3A_199 : vector<16xf32>
        %parallel_loop3A_201 = arith.select %lt3A_27, %parallel_loop3A_196, %parallel_loop3A_200 : vector<16xi1>, vector<16xf32>
        %parallel_loop3A_202 = arith.index_cast %parallel_loop3A_177 : i32 to index
        %parallel_loop3A_203 = tpu.vector_load %arg14[%parallel_loop3A_202] {strides = array<i32>} : memref<40960xf32, #tpu.memory_space<vmem>>, vector<16xf32>,
        tpu.vector_store %arg14[%parallel_loop3A_202], %parallel_loop3A_192 {add = true, strides = array<i32>} : memref<40960xf32, #tpu.memory_space<vmem>>, vector<16xf32>,
        %parallel_loop3A_204 = arith.constant 16 : i32
        %parallel_loop3A_205 = arith.addi %parallel_loop3A_177, %parallel_loop3A_204 : i32
        %parallel_loop3A_206 = arith.index_cast %parallel_loop3A_205 : i32 to index
        %parallel_loop3A_207 = tpu.vector_load %arg14[%parallel_loop3A_206] {strides = array<i32>} : memref<40960xf32, #tpu.memory_space<vmem>>, vector<16xf32>,
        tpu.vector_store %arg14[%parallel_loop3A_206], %parallel_loop3A_201 {add = true, strides = array<i32>} : memref<40960xf32, #tpu.memory_space<vmem>>, vector<16xf32>,
        %parallel_loop3A_208 = vector.extract_strided_slice %parallel_loop3A_50 {offsets = [2], sizes = [1], strides = [1]} : vector<16xi32> to vector<1xi32>
        %parallel_loop3A_209 = vector.extract %parallel_loop3A_208[0] : i32 from vector<1xi32>
        %parallel_loop3A_210 = arith.constant 32 : i32
        %parallel_loop3A_211 = arith.muli %parallel_loop3A_209, %parallel_loop3A_210 : i32
        %parallel_loop3A_212 = vector.extract_strided_slice %parallel_loop3A_54 {offsets = [2], sizes = [1], strides = [1]} : vector<16xi32> to vector<1xi32>
        %parallel_loop3A_213 = vector.extract %parallel_loop3A_212[0] : i32 from vector<1xi32>
        %parallel_loop3A_214 = arith.constant 40 : i32
        %parallel_loop3A_215 = arith.muli %parallel_loop3A_213, %parallel_loop3A_214 : i32
        %parallel_loop3A_216 = arith.index_cast %parallel_loop3A_211 : i32 to index
        %parallel_loop3A_217 = tpu.vector_load %arg13[%parallel_loop3A_216] {strides = array<i32>} : memref<32768xf32, #tpu.memory_space<vmem>>, vector<16xf32>,
        %parallel_loop3A_218 = arith.constant 16 : i32
        %parallel_loop3A_219 = arith.addi %parallel_loop3A_211, %parallel_loop3A_218 : i32
        %parallel_loop3A_220 = arith.index_cast %parallel_loop3A_219 : i32 to index
        %parallel_loop3A_221 = tpu.vector_load %arg13[%parallel_loop3A_220] {strides = array<i32>} : memref<32768xf32, #tpu.memory_space<vmem>>, vector<16xf32>,
        %parallel_loop3A_222 = vector.extract_strided_slice %parallel_loop3A_77 {offsets = [2], sizes = [1], strides = [1]} : vector<16xf32> to vector<1xf32>
        %parallel_loop3A_223 = vector.extract %parallel_loop3A_222[0] : f32 from vector<1xf32>
        %parallel_loop3A_224 = vector.broadcast %parallel_loop3A_223 : f32 to vector<16xf32>
        %parallel_loop3A_225 = arith.mulf %parallel_loop3A_217, %parallel_loop3A_224 : vector<16xf32>
        %parallel_loop3A_226 = vector.extract_strided_slice %parallel_loop3A_94 {offsets = [2], sizes = [1], strides = [1]} : vector<16xf32> to vector<1xf32>
        %parallel_loop3A_227 = vector.extract %parallel_loop3A_226[0] : f32 from vector<1xf32>
        %parallel_loop3A_228 = vector.broadcast %parallel_loop3A_227 : f32 to vector<16xf32>
        %parallel_loop3A_229 = arith.mulf %parallel_loop3A_217, %parallel_loop3A_228 : vector<16xf32>
        %parallel_loop3A_230 = arith.select %lt3A_27, %parallel_loop3A_225, %parallel_loop3A_229 : vector<16xi1>, vector<16xf32>
        %parallel_loop3A_231 = vector.extract_strided_slice %parallel_loop3A_111 {offsets = [2], sizes = [1], strides = [1]} : vector<16xf32> to vector<1xf32>
        %parallel_loop3A_232 = vector.extract %parallel_loop3A_231[0] : f32 from vector<1xf32>
        %parallel_loop3A_233 = vector.broadcast %parallel_loop3A_232 : f32 to vector<16xf32>
        %parallel_loop3A_234 = arith.mulf %parallel_loop3A_221, %parallel_loop3A_233 : vector<16xf32>
        %parallel_loop3A_235 = vector.extract_strided_slice %parallel_loop3A_128 {offsets = [2], sizes = [1], strides = [1]} : vector<16xf32> to vector<1xf32>
        %parallel_loop3A_236 = vector.extract %parallel_loop3A_235[0] : f32 from vector<1xf32>
        %parallel_loop3A_237 = vector.broadcast %parallel_loop3A_236 : f32 to vector<16xf32>
        %parallel_loop3A_238 = arith.mulf %parallel_loop3A_221, %parallel_loop3A_237 : vector<16xf32>
        %parallel_loop3A_239 = arith.select %lt3A_27, %parallel_loop3A_234, %parallel_loop3A_238 : vector<16xi1>, vector<16xf32>
        %parallel_loop3A_240 = arith.index_cast %parallel_loop3A_215 : i32 to index
        %parallel_loop3A_241 = tpu.vector_load %arg14[%parallel_loop3A_240] {strides = array<i32>} : memref<40960xf32, #tpu.memory_space<vmem>>, vector<16xf32>,
        tpu.vector_store %arg14[%parallel_loop3A_240], %parallel_loop3A_230 {add = true, strides = array<i32>} : memref<40960xf32, #tpu.memory_space<vmem>>, vector<16xf32>,
        %parallel_loop3A_242 = arith.constant 16 : i32
        %parallel_loop3A_243 = arith.addi %parallel_loop3A_215, %parallel_loop3A_242 : i32
        %parallel_loop3A_244 = arith.index_cast %parallel_loop3A_243 : i32 to index
        %parallel_loop3A_245 = tpu.vector_load %arg14[%parallel_loop3A_244] {strides = array<i32>} : memref<40960xf32, #tpu.memory_space<vmem>>, vector<16xf32>,
        tpu.vector_store %arg14[%parallel_loop3A_244], %parallel_loop3A_239 {add = true, strides = array<i32>} : memref<40960xf32, #tpu.memory_space<vmem>>, vector<16xf32>,
        %parallel_loop3A_246 = vector.extract_strided_slice %parallel_loop3A_50 {offsets = [3], sizes = [1], strides = [1]} : vector<16xi32> to vector<1xi32>
        %parallel_loop3A_247 = vector.extract %parallel_loop3A_246[0] : i32 from vector<1xi32>
        %parallel_loop3A_248 = arith.constant 32 : i32
        %parallel_loop3A_249 = arith.muli %parallel_loop3A_247, %parallel_loop3A_248 : i32
        %parallel_loop3A_250 = vector.extract_strided_slice %parallel_loop3A_54 {offsets = [3], sizes = [1], strides = [1]} : vector<16xi32> to vector<1xi32>
        %parallel_loop3A_251 = vector.extract %parallel_loop3A_250[0] : i32 from vector<1xi32>
        %parallel_loop3A_252 = arith.constant 40 : i32
        %parallel_loop3A_253 = arith.muli %parallel_loop3A_251, %parallel_loop3A_252 : i32
        %parallel_loop3A_254 = arith.index_cast %parallel_loop3A_249 : i32 to index
        %parallel_loop3A_255 = tpu.vector_load %arg13[%parallel_loop3A_254] {strides = array<i32>} : memref<32768xf32, #tpu.memory_space<vmem>>, vector<16xf32>,
        %parallel_loop3A_256 = arith.constant 16 : i32
        %parallel_loop3A_257 = arith.addi %parallel_loop3A_249, %parallel_loop3A_256 : i32
        %parallel_loop3A_258 = arith.index_cast %parallel_loop3A_257 : i32 to index
        %parallel_loop3A_259 = tpu.vector_load %arg13[%parallel_loop3A_258] {strides = array<i32>} : memref<32768xf32, #tpu.memory_space<vmem>>, vector<16xf32>,
        %parallel_loop3A_260 = vector.extract_strided_slice %parallel_loop3A_77 {offsets = [3], sizes = [1], strides = [1]} : vector<16xf32> to vector<1xf32>
        %parallel_loop3A_261 = vector.extract %parallel_loop3A_260[0] : f32 from vector<1xf32>
        %parallel_loop3A_262 = vector.broadcast %parallel_loop3A_261 : f32 to vector<16xf32>
        %parallel_loop3A_263 = arith.mulf %parallel_loop3A_255, %parallel_loop3A_262 : vector<16xf32>
        %parallel_loop3A_264 = vector.extract_strided_slice %parallel_loop3A_94 {offsets = [3], sizes = [1], strides = [1]} : vector<16xf32> to vector<1xf32>
        %parallel_loop3A_265 = vector.extract %parallel_loop3A_264[0] : f32 from vector<1xf32>
        %parallel_loop3A_266 = vector.broadcast %parallel_loop3A_265 : f32 to vector<16xf32>
        %parallel_loop3A_267 = arith.mulf %parallel_loop3A_255, %parallel_loop3A_266 : vector<16xf32>
        %parallel_loop3A_268 = arith.select %lt3A_27, %parallel_loop3A_263, %parallel_loop3A_267 : vector<16xi1>, vector<16xf32>
        %parallel_loop3A_269 = vector.extract_strided_slice %parallel_loop3A_111 {offsets = [3], sizes = [1], strides = [1]} : vector<16xf32> to vector<1xf32>
        %parallel_loop3A_270 = vector.extract %parallel_loop3A_269[0] : f32 from vector<1xf32>
        %parallel_loop3A_271 = vector.broadcast %parallel_loop3A_270 : f32 to vector<16xf32>
        %parallel_loop3A_272 = arith.mulf %parallel_loop3A_259, %parallel_loop3A_271 : vector<16xf32>
        %parallel_loop3A_273 = vector.extract_strided_slice %parallel_loop3A_128 {offsets = [3], sizes = [1], strides = [1]} : vector<16xf32> to vector<1xf32>
        %parallel_loop3A_274 = vector.extract %parallel_loop3A_273[0] : f32 from vector<1xf32>
        %parallel_loop3A_275 = vector.broadcast %parallel_loop3A_274 : f32 to vector<16xf32>
        %parallel_loop3A_276 = arith.mulf %parallel_loop3A_259, %parallel_loop3A_275 : vector<16xf32>
        %parallel_loop3A_277 = arith.select %lt3A_27, %parallel_loop3A_272, %parallel_loop3A_276 : vector<16xi1>, vector<16xf32>
        %parallel_loop3A_278 = arith.index_cast %parallel_loop3A_253 : i32 to index
        %parallel_loop3A_279 = tpu.vector_load %arg14[%parallel_loop3A_278] {strides = array<i32>} : memref<40960xf32, #tpu.memory_space<vmem>>, vector<16xf32>,
        tpu.vector_store %arg14[%parallel_loop3A_278], %parallel_loop3A_268 {add = true, strides = array<i32>} : memref<40960xf32, #tpu.memory_space<vmem>>, vector<16xf32>,
        %parallel_loop3A_280 = arith.constant 16 : i32
        %parallel_loop3A_281 = arith.addi %parallel_loop3A_253, %parallel_loop3A_280 : i32
        %parallel_loop3A_282 = arith.index_cast %parallel_loop3A_281 : i32 to index
        %parallel_loop3A_283 = tpu.vector_load %arg14[%parallel_loop3A_282] {strides = array<i32>} : memref<40960xf32, #tpu.memory_space<vmem>>, vector<16xf32>,
        tpu.vector_store %arg14[%parallel_loop3A_282], %parallel_loop3A_277 {add = true, strides = array<i32>} : memref<40960xf32, #tpu.memory_space<vmem>>, vector<16xf32>,
        %parallel_loop3A_284 = vector.extract_strided_slice %parallel_loop3A_50 {offsets = [4], sizes = [1], strides = [1]} : vector<16xi32> to vector<1xi32>
        %parallel_loop3A_285 = vector.extract %parallel_loop3A_284[0] : i32 from vector<1xi32>
        %parallel_loop3A_286 = arith.constant 32 : i32
        %parallel_loop3A_287 = arith.muli %parallel_loop3A_285, %parallel_loop3A_286 : i32
        %parallel_loop3A_288 = vector.extract_strided_slice %parallel_loop3A_54 {offsets = [4], sizes = [1], strides = [1]} : vector<16xi32> to vector<1xi32>
        %parallel_loop3A_289 = vector.extract %parallel_loop3A_288[0] : i32 from vector<1xi32>
        %parallel_loop3A_290 = arith.constant 40 : i32
        %parallel_loop3A_291 = arith.muli %parallel_loop3A_289, %parallel_loop3A_290 : i32
        %parallel_loop3A_292 = arith.index_cast %parallel_loop3A_287 : i32 to index
        %parallel_loop3A_293 = tpu.vector_load %arg13[%parallel_loop3A_292] {strides = array<i32>} : memref<32768xf32, #tpu.memory_space<vmem>>, vector<16xf32>,
        %parallel_loop3A_294 = arith.constant 16 : i32
        %parallel_loop3A_295 = arith.addi %parallel_loop3A_287, %parallel_loop3A_294 : i32
        %parallel_loop3A_296 = arith.index_cast %parallel_loop3A_295 : i32 to index
        %parallel_loop3A_297 = tpu.vector_load %arg13[%parallel_loop3A_296] {strides = array<i32>} : memref<32768xf32, #tpu.memory_space<vmem>>, vector<16xf32>,
        %parallel_loop3A_298 = vector.extract_strided_slice %parallel_loop3A_77 {offsets = [4], sizes = [1], strides = [1]} : vector<16xf32> to vector<1xf32>
        %parallel_loop3A_299 = vector.extract %parallel_loop3A_298[0] : f32 from vector<1xf32>
        %parallel_loop3A_300 = vector.broadcast %parallel_loop3A_299 : f32 to vector<16xf32>
        %parallel_loop3A_301 = arith.mulf %parallel_loop3A_293, %parallel_loop3A_300 : vector<16xf32>
        %parallel_loop3A_302 = vector.extract_strided_slice %parallel_loop3A_94 {offsets = [4], sizes = [1], strides = [1]} : vector<16xf32> to vector<1xf32>
        %parallel_loop3A_303 = vector.extract %parallel_loop3A_302[0] : f32 from vector<1xf32>
        %parallel_loop3A_304 = vector.broadcast %parallel_loop3A_303 : f32 to vector<16xf32>
        %parallel_loop3A_305 = arith.mulf %parallel_loop3A_293, %parallel_loop3A_304 : vector<16xf32>
        %parallel_loop3A_306 = arith.select %lt3A_27, %parallel_loop3A_301, %parallel_loop3A_305 : vector<16xi1>, vector<16xf32>
        %parallel_loop3A_307 = vector.extract_strided_slice %parallel_loop3A_111 {offsets = [4], sizes = [1], strides = [1]} : vector<16xf32> to vector<1xf32>
        %parallel_loop3A_308 = vector.extract %parallel_loop3A_307[0] : f32 from vector<1xf32>
        %parallel_loop3A_309 = vector.broadcast %parallel_loop3A_308 : f32 to vector<16xf32>
        %parallel_loop3A_310 = arith.mulf %parallel_loop3A_297, %parallel_loop3A_309 : vector<16xf32>
        %parallel_loop3A_311 = vector.extract_strided_slice %parallel_loop3A_128 {offsets = [4], sizes = [1], strides = [1]} : vector<16xf32> to vector<1xf32>
        %parallel_loop3A_312 = vector.extract %parallel_loop3A_311[0] : f32 from vector<1xf32>
        %parallel_loop3A_313 = vector.broadcast %parallel_loop3A_312 : f32 to vector<16xf32>
        %parallel_loop3A_314 = arith.mulf %parallel_loop3A_297, %parallel_loop3A_313 : vector<16xf32>
        %parallel_loop3A_315 = arith.select %lt3A_27, %parallel_loop3A_310, %parallel_loop3A_314 : vector<16xi1>, vector<16xf32>
        %parallel_loop3A_316 = arith.index_cast %parallel_loop3A_291 : i32 to index
        %parallel_loop3A_317 = tpu.vector_load %arg14[%parallel_loop3A_316] {strides = array<i32>} : memref<40960xf32, #tpu.memory_space<vmem>>, vector<16xf32>,
        tpu.vector_store %arg14[%parallel_loop3A_316], %parallel_loop3A_306 {add = true, strides = array<i32>} : memref<40960xf32, #tpu.memory_space<vmem>>, vector<16xf32>,
        %parallel_loop3A_318 = arith.constant 16 : i32
        %parallel_loop3A_319 = arith.addi %parallel_loop3A_291, %parallel_loop3A_318 : i32
        %parallel_loop3A_320 = arith.index_cast %parallel_loop3A_319 : i32 to index
        %parallel_loop3A_321 = tpu.vector_load %arg14[%parallel_loop3A_320] {strides = array<i32>} : memref<40960xf32, #tpu.memory_space<vmem>>, vector<16xf32>,
        tpu.vector_store %arg14[%parallel_loop3A_320], %parallel_loop3A_315 {add = true, strides = array<i32>} : memref<40960xf32, #tpu.memory_space<vmem>>, vector<16xf32>,
        %parallel_loop3A_322 = vector.extract_strided_slice %parallel_loop3A_50 {offsets = [5], sizes = [1], strides = [1]} : vector<16xi32> to vector<1xi32>
        %parallel_loop3A_323 = vector.extract %parallel_loop3A_322[0] : i32 from vector<1xi32>
        %parallel_loop3A_324 = arith.constant 32 : i32
        %parallel_loop3A_325 = arith.muli %parallel_loop3A_323, %parallel_loop3A_324 : i32
        %parallel_loop3A_326 = vector.extract_strided_slice %parallel_loop3A_54 {offsets = [5], sizes = [1], strides = [1]} : vector<16xi32> to vector<1xi32>
        %parallel_loop3A_327 = vector.extract %parallel_loop3A_326[0] : i32 from vector<1xi32>
        %parallel_loop3A_328 = arith.constant 40 : i32
        %parallel_loop3A_329 = arith.muli %parallel_loop3A_327, %parallel_loop3A_328 : i32
        %parallel_loop3A_330 = arith.index_cast %parallel_loop3A_325 : i32 to index
        %parallel_loop3A_331 = tpu.vector_load %arg13[%parallel_loop3A_330] {strides = array<i32>} : memref<32768xf32, #tpu.memory_space<vmem>>, vector<16xf32>,
        %parallel_loop3A_332 = arith.constant 16 : i32
        %parallel_loop3A_333 = arith.addi %parallel_loop3A_325, %parallel_loop3A_332 : i32
        %parallel_loop3A_334 = arith.index_cast %parallel_loop3A_333 : i32 to index
        %parallel_loop3A_335 = tpu.vector_load %arg13[%parallel_loop3A_334] {strides = array<i32>} : memref<32768xf32, #tpu.memory_space<vmem>>, vector<16xf32>,
        %parallel_loop3A_336 = vector.extract_strided_slice %parallel_loop3A_77 {offsets = [5], sizes = [1], strides = [1]} : vector<16xf32> to vector<1xf32>
        %parallel_loop3A_337 = vector.extract %parallel_loop3A_336[0] : f32 from vector<1xf32>
        %parallel_loop3A_338 = vector.broadcast %parallel_loop3A_337 : f32 to vector<16xf32>
        %parallel_loop3A_339 = arith.mulf %parallel_loop3A_331, %parallel_loop3A_338 : vector<16xf32>
        %parallel_loop3A_340 = vector.extract_strided_slice %parallel_loop3A_94 {offsets = [5], sizes = [1], strides = [1]} : vector<16xf32> to vector<1xf32>
        %parallel_loop3A_341 = vector.extract %parallel_loop3A_340[0] : f32 from vector<1xf32>
        %parallel_loop3A_342 = vector.broadcast %parallel_loop3A_341 : f32 to vector<16xf32>
        %parallel_loop3A_343 = arith.mulf %parallel_loop3A_331, %parallel_loop3A_342 : vector<16xf32>
        %parallel_loop3A_344 = arith.select %lt3A_27, %parallel_loop3A_339, %parallel_loop3A_343 : vector<16xi1>, vector<16xf32>
        %parallel_loop3A_345 = vector.extract_strided_slice %parallel_loop3A_111 {offsets = [5], sizes = [1], strides = [1]} : vector<16xf32> to vector<1xf32>
        %parallel_loop3A_346 = vector.extract %parallel_loop3A_345[0] : f32 from vector<1xf32>
        %parallel_loop3A_347 = vector.broadcast %parallel_loop3A_346 : f32 to vector<16xf32>
        %parallel_loop3A_348 = arith.mulf %parallel_loop3A_335, %parallel_loop3A_347 : vector<16xf32>
        %parallel_loop3A_349 = vector.extract_strided_slice %parallel_loop3A_128 {offsets = [5], sizes = [1], strides = [1]} : vector<16xf32> to vector<1xf32>
        %parallel_loop3A_350 = vector.extract %parallel_loop3A_349[0] : f32 from vector<1xf32>
        %parallel_loop3A_351 = vector.broadcast %parallel_loop3A_350 : f32 to vector<16xf32>
        %parallel_loop3A_352 = arith.mulf %parallel_loop3A_335, %parallel_loop3A_351 : vector<16xf32>
        %parallel_loop3A_353 = arith.select %lt3A_27, %parallel_loop3A_348, %parallel_loop3A_352 : vector<16xi1>, vector<16xf32>
        %parallel_loop3A_354 = arith.index_cast %parallel_loop3A_329 : i32 to index
        %parallel_loop3A_355 = tpu.vector_load %arg14[%parallel_loop3A_354] {strides = array<i32>} : memref<40960xf32, #tpu.memory_space<vmem>>, vector<16xf32>,
        tpu.vector_store %arg14[%parallel_loop3A_354], %parallel_loop3A_344 {add = true, strides = array<i32>} : memref<40960xf32, #tpu.memory_space<vmem>>, vector<16xf32>,
        %parallel_loop3A_356 = arith.constant 16 : i32
        %parallel_loop3A_357 = arith.addi %parallel_loop3A_329, %parallel_loop3A_356 : i32
        %parallel_loop3A_358 = arith.index_cast %parallel_loop3A_357 : i32 to index
        %parallel_loop3A_359 = tpu.vector_load %arg14[%parallel_loop3A_358] {strides = array<i32>} : memref<40960xf32, #tpu.memory_space<vmem>>, vector<16xf32>,
        tpu.vector_store %arg14[%parallel_loop3A_358], %parallel_loop3A_353 {add = true, strides = array<i32>} : memref<40960xf32, #tpu.memory_space<vmem>>, vector<16xf32>,
        %parallel_loop3A_360 = vector.extract_strided_slice %parallel_loop3A_50 {offsets = [6], sizes = [1], strides = [1]} : vector<16xi32> to vector<1xi32>
        %parallel_loop3A_361 = vector.extract %parallel_loop3A_360[0] : i32 from vector<1xi32>
        %parallel_loop3A_362 = arith.constant 32 : i32
        %parallel_loop3A_363 = arith.muli %parallel_loop3A_361, %parallel_loop3A_362 : i32
        %parallel_loop3A_364 = vector.extract_strided_slice %parallel_loop3A_54 {offsets = [6], sizes = [1], strides = [1]} : vector<16xi32> to vector<1xi32>
        %parallel_loop3A_365 = vector.extract %parallel_loop3A_364[0] : i32 from vector<1xi32>
        %parallel_loop3A_366 = arith.constant 40 : i32
        %parallel_loop3A_367 = arith.muli %parallel_loop3A_365, %parallel_loop3A_366 : i32
        %parallel_loop3A_368 = arith.index_cast %parallel_loop3A_363 : i32 to index
        %parallel_loop3A_369 = tpu.vector_load %arg13[%parallel_loop3A_368] {strides = array<i32>} : memref<32768xf32, #tpu.memory_space<vmem>>, vector<16xf32>,
        %parallel_loop3A_370 = arith.constant 16 : i32
        %parallel_loop3A_371 = arith.addi %parallel_loop3A_363, %parallel_loop3A_370 : i32
        %parallel_loop3A_372 = arith.index_cast %parallel_loop3A_371 : i32 to index
        %parallel_loop3A_373 = tpu.vector_load %arg13[%parallel_loop3A_372] {strides = array<i32>} : memref<32768xf32, #tpu.memory_space<vmem>>, vector<16xf32>,
        %parallel_loop3A_374 = vector.extract_strided_slice %parallel_loop3A_77 {offsets = [6], sizes = [1], strides = [1]} : vector<16xf32> to vector<1xf32>
        %parallel_loop3A_375 = vector.extract %parallel_loop3A_374[0] : f32 from vector<1xf32>
        %parallel_loop3A_376 = vector.broadcast %parallel_loop3A_375 : f32 to vector<16xf32>
        %parallel_loop3A_377 = arith.mulf %parallel_loop3A_369, %parallel_loop3A_376 : vector<16xf32>
        %parallel_loop3A_378 = vector.extract_strided_slice %parallel_loop3A_94 {offsets = [6], sizes = [1], strides = [1]} : vector<16xf32> to vector<1xf32>
        %parallel_loop3A_379 = vector.extract %parallel_loop3A_378[0] : f32 from vector<1xf32>
        %parallel_loop3A_380 = vector.broadcast %parallel_loop3A_379 : f32 to vector<16xf32>
        %parallel_loop3A_381 = arith.mulf %parallel_loop3A_369, %parallel_loop3A_380 : vector<16xf32>
        %parallel_loop3A_382 = arith.select %lt3A_27, %parallel_loop3A_377, %parallel_loop3A_381 : vector<16xi1>, vector<16xf32>
        %parallel_loop3A_383 = vector.extract_strided_slice %parallel_loop3A_111 {offsets = [6], sizes = [1], strides = [1]} : vector<16xf32> to vector<1xf32>
        %parallel_loop3A_384 = vector.extract %parallel_loop3A_383[0] : f32 from vector<1xf32>
        %parallel_loop3A_385 = vector.broadcast %parallel_loop3A_384 : f32 to vector<16xf32>
        %parallel_loop3A_386 = arith.mulf %parallel_loop3A_373, %parallel_loop3A_385 : vector<16xf32>
        %parallel_loop3A_387 = vector.extract_strided_slice %parallel_loop3A_128 {offsets = [6], sizes = [1], strides = [1]} : vector<16xf32> to vector<1xf32>
        %parallel_loop3A_388 = vector.extract %parallel_loop3A_387[0] : f32 from vector<1xf32>
        %parallel_loop3A_389 = vector.broadcast %parallel_loop3A_388 : f32 to vector<16xf32>
        %parallel_loop3A_390 = arith.mulf %parallel_loop3A_373, %parallel_loop3A_389 : vector<16xf32>
        %parallel_loop3A_391 = arith.select %lt3A_27, %parallel_loop3A_386, %parallel_loop3A_390 : vector<16xi1>, vector<16xf32>
        %parallel_loop3A_392 = arith.index_cast %parallel_loop3A_367 : i32 to index
        %parallel_loop3A_393 = tpu.vector_load %arg14[%parallel_loop3A_392] {strides = array<i32>} : memref<40960xf32, #tpu.memory_space<vmem>>, vector<16xf32>,
        tpu.vector_store %arg14[%parallel_loop3A_392], %parallel_loop3A_382 {add = true, strides = array<i32>} : memref<40960xf32, #tpu.memory_space<vmem>>, vector<16xf32>,
        %parallel_loop3A_394 = arith.constant 16 : i32
        %parallel_loop3A_395 = arith.addi %parallel_loop3A_367, %parallel_loop3A_394 : i32
        %parallel_loop3A_396 = arith.index_cast %parallel_loop3A_395 : i32 to index
        %parallel_loop3A_397 = tpu.vector_load %arg14[%parallel_loop3A_396] {strides = array<i32>} : memref<40960xf32, #tpu.memory_space<vmem>>, vector<16xf32>,
        tpu.vector_store %arg14[%parallel_loop3A_396], %parallel_loop3A_391 {add = true, strides = array<i32>} : memref<40960xf32, #tpu.memory_space<vmem>>, vector<16xf32>,
        %parallel_loop3A_398 = vector.extract_strided_slice %parallel_loop3A_50 {offsets = [7], sizes = [1], strides = [1]} : vector<16xi32> to vector<1xi32>
        %parallel_loop3A_399 = vector.extract %parallel_loop3A_398[0] : i32 from vector<1xi32>
        %parallel_loop3A_400 = arith.constant 32 : i32
        %parallel_loop3A_401 = arith.muli %parallel_loop3A_399, %parallel_loop3A_400 : i32
        %parallel_loop3A_402 = vector.extract_strided_slice %parallel_loop3A_54 {offsets = [7], sizes = [1], strides = [1]} : vector<16xi32> to vector<1xi32>
        %parallel_loop3A_403 = vector.extract %parallel_loop3A_402[0] : i32 from vector<1xi32>
        %parallel_loop3A_404 = arith.constant 40 : i32
        %parallel_loop3A_405 = arith.muli %parallel_loop3A_403, %parallel_loop3A_404 : i32
        %parallel_loop3A_406 = arith.index_cast %parallel_loop3A_401 : i32 to index
        %parallel_loop3A_407 = tpu.vector_load %arg13[%parallel_loop3A_406] {strides = array<i32>} : memref<32768xf32, #tpu.memory_space<vmem>>, vector<16xf32>,
        %parallel_loop3A_408 = arith.constant 16 : i32
        %parallel_loop3A_409 = arith.addi %parallel_loop3A_401, %parallel_loop3A_408 : i32
        %parallel_loop3A_410 = arith.index_cast %parallel_loop3A_409 : i32 to index
        %parallel_loop3A_411 = tpu.vector_load %arg13[%parallel_loop3A_410] {strides = array<i32>} : memref<32768xf32, #tpu.memory_space<vmem>>, vector<16xf32>,
        %parallel_loop3A_412 = vector.extract_strided_slice %parallel_loop3A_77 {offsets = [7], sizes = [1], strides = [1]} : vector<16xf32> to vector<1xf32>
        %parallel_loop3A_413 = vector.extract %parallel_loop3A_412[0] : f32 from vector<1xf32>
        %parallel_loop3A_414 = vector.broadcast %parallel_loop3A_413 : f32 to vector<16xf32>
        %parallel_loop3A_415 = arith.mulf %parallel_loop3A_407, %parallel_loop3A_414 : vector<16xf32>
        %parallel_loop3A_416 = vector.extract_strided_slice %parallel_loop3A_94 {offsets = [7], sizes = [1], strides = [1]} : vector<16xf32> to vector<1xf32>
        %parallel_loop3A_417 = vector.extract %parallel_loop3A_416[0] : f32 from vector<1xf32>
        %parallel_loop3A_418 = vector.broadcast %parallel_loop3A_417 : f32 to vector<16xf32>
        %parallel_loop3A_419 = arith.mulf %parallel_loop3A_407, %parallel_loop3A_418 : vector<16xf32>
        %parallel_loop3A_420 = arith.select %lt3A_27, %parallel_loop3A_415, %parallel_loop3A_419 : vector<16xi1>, vector<16xf32>
        %parallel_loop3A_421 = vector.extract_strided_slice %parallel_loop3A_111 {offsets = [7], sizes = [1], strides = [1]} : vector<16xf32> to vector<1xf32>
        %parallel_loop3A_422 = vector.extract %parallel_loop3A_421[0] : f32 from vector<1xf32>
        %parallel_loop3A_423 = vector.broadcast %parallel_loop3A_422 : f32 to vector<16xf32>
        %parallel_loop3A_424 = arith.mulf %parallel_loop3A_411, %parallel_loop3A_423 : vector<16xf32>
        %parallel_loop3A_425 = vector.extract_strided_slice %parallel_loop3A_128 {offsets = [7], sizes = [1], strides = [1]} : vector<16xf32> to vector<1xf32>
        %parallel_loop3A_426 = vector.extract %parallel_loop3A_425[0] : f32 from vector<1xf32>
        %parallel_loop3A_427 = vector.broadcast %parallel_loop3A_426 : f32 to vector<16xf32>
        %parallel_loop3A_428 = arith.mulf %parallel_loop3A_411, %parallel_loop3A_427 : vector<16xf32>
        %parallel_loop3A_429 = arith.select %lt3A_27, %parallel_loop3A_424, %parallel_loop3A_428 : vector<16xi1>, vector<16xf32>
        %parallel_loop3A_430 = arith.index_cast %parallel_loop3A_405 : i32 to index
        %parallel_loop3A_431 = tpu.vector_load %arg14[%parallel_loop3A_430] {strides = array<i32>} : memref<40960xf32, #tpu.memory_space<vmem>>, vector<16xf32>,
        tpu.vector_store %arg14[%parallel_loop3A_430], %parallel_loop3A_420 {add = true, strides = array<i32>} : memref<40960xf32, #tpu.memory_space<vmem>>, vector<16xf32>,
        %parallel_loop3A_432 = arith.constant 16 : i32
        %parallel_loop3A_433 = arith.addi %parallel_loop3A_405, %parallel_loop3A_432 : i32
        %parallel_loop3A_434 = arith.index_cast %parallel_loop3A_433 : i32 to index
        %parallel_loop3A_435 = tpu.vector_load %arg14[%parallel_loop3A_434] {strides = array<i32>} : memref<40960xf32, #tpu.memory_space<vmem>>, vector<16xf32>,
        tpu.vector_store %arg14[%parallel_loop3A_434], %parallel_loop3A_429 {add = true, strides = array<i32>} : memref<40960xf32, #tpu.memory_space<vmem>>, vector<16xf32>,
        %parallel_loop3A_436 = vector.extract_strided_slice %parallel_loop3A_50 {offsets = [8], sizes = [1], strides = [1]} : vector<16xi32> to vector<1xi32>
        %parallel_loop3A_437 = vector.extract %parallel_loop3A_436[0] : i32 from vector<1xi32>
        %parallel_loop3A_438 = arith.constant 32 : i32
        %parallel_loop3A_439 = arith.muli %parallel_loop3A_437, %parallel_loop3A_438 : i32
        %parallel_loop3A_440 = vector.extract_strided_slice %parallel_loop3A_54 {offsets = [8], sizes = [1], strides = [1]} : vector<16xi32> to vector<1xi32>
        %parallel_loop3A_441 = vector.extract %parallel_loop3A_440[0] : i32 from vector<1xi32>
        %parallel_loop3A_442 = arith.constant 40 : i32
        %parallel_loop3A_443 = arith.muli %parallel_loop3A_441, %parallel_loop3A_442 : i32
        %parallel_loop3A_444 = arith.index_cast %parallel_loop3A_439 : i32 to index
        %parallel_loop3A_445 = tpu.vector_load %arg13[%parallel_loop3A_444] {strides = array<i32>} : memref<32768xf32, #tpu.memory_space<vmem>>, vector<16xf32>,
        %parallel_loop3A_446 = arith.constant 16 : i32
        %parallel_loop3A_447 = arith.addi %parallel_loop3A_439, %parallel_loop3A_446 : i32
        %parallel_loop3A_448 = arith.index_cast %parallel_loop3A_447 : i32 to index
        %parallel_loop3A_449 = tpu.vector_load %arg13[%parallel_loop3A_448] {strides = array<i32>} : memref<32768xf32, #tpu.memory_space<vmem>>, vector<16xf32>,
        %parallel_loop3A_450 = vector.extract_strided_slice %parallel_loop3A_77 {offsets = [8], sizes = [1], strides = [1]} : vector<16xf32> to vector<1xf32>
        %parallel_loop3A_451 = vector.extract %parallel_loop3A_450[0] : f32 from vector<1xf32>
        %parallel_loop3A_452 = vector.broadcast %parallel_loop3A_451 : f32 to vector<16xf32>
        %parallel_loop3A_453 = arith.mulf %parallel_loop3A_445, %parallel_loop3A_452 : vector<16xf32>
        %parallel_loop3A_454 = vector.extract_strided_slice %parallel_loop3A_94 {offsets = [8], sizes = [1], strides = [1]} : vector<16xf32> to vector<1xf32>
        %parallel_loop3A_455 = vector.extract %parallel_loop3A_454[0] : f32 from vector<1xf32>
        %parallel_loop3A_456 = vector.broadcast %parallel_loop3A_455 : f32 to vector<16xf32>
        %parallel_loop3A_457 = arith.mulf %parallel_loop3A_445, %parallel_loop3A_456 : vector<16xf32>
        %parallel_loop3A_458 = arith.select %lt3A_27, %parallel_loop3A_453, %parallel_loop3A_457 : vector<16xi1>, vector<16xf32>
        %parallel_loop3A_459 = vector.extract_strided_slice %parallel_loop3A_111 {offsets = [8], sizes = [1], strides = [1]} : vector<16xf32> to vector<1xf32>
        %parallel_loop3A_460 = vector.extract %parallel_loop3A_459[0] : f32 from vector<1xf32>
        %parallel_loop3A_461 = vector.broadcast %parallel_loop3A_460 : f32 to vector<16xf32>
        %parallel_loop3A_462 = arith.mulf %parallel_loop3A_449, %parallel_loop3A_461 : vector<16xf32>
        %parallel_loop3A_463 = vector.extract_strided_slice %parallel_loop3A_128 {offsets = [8], sizes = [1], strides = [1]} : vector<16xf32> to vector<1xf32>
        %parallel_loop3A_464 = vector.extract %parallel_loop3A_463[0] : f32 from vector<1xf32>
        %parallel_loop3A_465 = vector.broadcast %parallel_loop3A_464 : f32 to vector<16xf32>
        %parallel_loop3A_466 = arith.mulf %parallel_loop3A_449, %parallel_loop3A_465 : vector<16xf32>
        %parallel_loop3A_467 = arith.select %lt3A_27, %parallel_loop3A_462, %parallel_loop3A_466 : vector<16xi1>, vector<16xf32>
        %parallel_loop3A_468 = arith.index_cast %parallel_loop3A_443 : i32 to index
        %parallel_loop3A_469 = tpu.vector_load %arg14[%parallel_loop3A_468] {strides = array<i32>} : memref<40960xf32, #tpu.memory_space<vmem>>, vector<16xf32>,
        tpu.vector_store %arg14[%parallel_loop3A_468], %parallel_loop3A_458 {add = true, strides = array<i32>} : memref<40960xf32, #tpu.memory_space<vmem>>, vector<16xf32>,
        %parallel_loop3A_470 = arith.constant 16 : i32
        %parallel_loop3A_471 = arith.addi %parallel_loop3A_443, %parallel_loop3A_470 : i32
        %parallel_loop3A_472 = arith.index_cast %parallel_loop3A_471 : i32 to index
        %parallel_loop3A_473 = tpu.vector_load %arg14[%parallel_loop3A_472] {strides = array<i32>} : memref<40960xf32, #tpu.memory_space<vmem>>, vector<16xf32>,
        tpu.vector_store %arg14[%parallel_loop3A_472], %parallel_loop3A_467 {add = true, strides = array<i32>} : memref<40960xf32, #tpu.memory_space<vmem>>, vector<16xf32>,
        %parallel_loop3A_474 = vector.extract_strided_slice %parallel_loop3A_50 {offsets = [9], sizes = [1], strides = [1]} : vector<16xi32> to vector<1xi32>
        %parallel_loop3A_475 = vector.extract %parallel_loop3A_474[0] : i32 from vector<1xi32>
        %parallel_loop3A_476 = arith.constant 32 : i32
        %parallel_loop3A_477 = arith.muli %parallel_loop3A_475, %parallel_loop3A_476 : i32
        %parallel_loop3A_478 = vector.extract_strided_slice %parallel_loop3A_54 {offsets = [9], sizes = [1], strides = [1]} : vector<16xi32> to vector<1xi32>
        %parallel_loop3A_479 = vector.extract %parallel_loop3A_478[0] : i32 from vector<1xi32>
        %parallel_loop3A_480 = arith.constant 40 : i32
        %parallel_loop3A_481 = arith.muli %parallel_loop3A_479, %parallel_loop3A_480 : i32
        %parallel_loop3A_482 = arith.index_cast %parallel_loop3A_477 : i32 to index
        %parallel_loop3A_483 = tpu.vector_load %arg13[%parallel_loop3A_482] {strides = array<i32>} : memref<32768xf32, #tpu.memory_space<vmem>>, vector<16xf32>,
        %parallel_loop3A_484 = arith.constant 16 : i32
        %parallel_loop3A_485 = arith.addi %parallel_loop3A_477, %parallel_loop3A_484 : i32
        %parallel_loop3A_486 = arith.index_cast %parallel_loop3A_485 : i32 to index
        %parallel_loop3A_487 = tpu.vector_load %arg13[%parallel_loop3A_486] {strides = array<i32>} : memref<32768xf32, #tpu.memory_space<vmem>>, vector<16xf32>,
        %parallel_loop3A_488 = vector.extract_strided_slice %parallel_loop3A_77 {offsets = [9], sizes = [1], strides = [1]} : vector<16xf32> to vector<1xf32>
        %parallel_loop3A_489 = vector.extract %parallel_loop3A_488[0] : f32 from vector<1xf32>
        %parallel_loop3A_490 = vector.broadcast %parallel_loop3A_489 : f32 to vector<16xf32>
        %parallel_loop3A_491 = arith.mulf %parallel_loop3A_483, %parallel_loop3A_490 : vector<16xf32>
        %parallel_loop3A_492 = vector.extract_strided_slice %parallel_loop3A_94 {offsets = [9], sizes = [1], strides = [1]} : vector<16xf32> to vector<1xf32>
        %parallel_loop3A_493 = vector.extract %parallel_loop3A_492[0] : f32 from vector<1xf32>
        %parallel_loop3A_494 = vector.broadcast %parallel_loop3A_493 : f32 to vector<16xf32>
        %parallel_loop3A_495 = arith.mulf %parallel_loop3A_483, %parallel_loop3A_494 : vector<16xf32>
        %parallel_loop3A_496 = arith.select %lt3A_27, %parallel_loop3A_491, %parallel_loop3A_495 : vector<16xi1>, vector<16xf32>
        %parallel_loop3A_497 = vector.extract_strided_slice %parallel_loop3A_111 {offsets = [9], sizes = [1], strides = [1]} : vector<16xf32> to vector<1xf32>
        %parallel_loop3A_498 = vector.extract %parallel_loop3A_497[0] : f32 from vector<1xf32>
        %parallel_loop3A_499 = vector.broadcast %parallel_loop3A_498 : f32 to vector<16xf32>
        %parallel_loop3A_500 = arith.mulf %parallel_loop3A_487, %parallel_loop3A_499 : vector<16xf32>
        %parallel_loop3A_501 = vector.extract_strided_slice %parallel_loop3A_128 {offsets = [9], sizes = [1], strides = [1]} : vector<16xf32> to vector<1xf32>
        %parallel_loop3A_502 = vector.extract %parallel_loop3A_501[0] : f32 from vector<1xf32>
        %parallel_loop3A_503 = vector.broadcast %parallel_loop3A_502 : f32 to vector<16xf32>
        %parallel_loop3A_504 = arith.mulf %parallel_loop3A_487, %parallel_loop3A_503 : vector<16xf32>
        %parallel_loop3A_505 = arith.select %lt3A_27, %parallel_loop3A_500, %parallel_loop3A_504 : vector<16xi1>, vector<16xf32>
        %parallel_loop3A_506 = arith.index_cast %parallel_loop3A_481 : i32 to index
        %parallel_loop3A_507 = tpu.vector_load %arg14[%parallel_loop3A_506] {strides = array<i32>} : memref<40960xf32, #tpu.memory_space<vmem>>, vector<16xf32>,
        tpu.vector_store %arg14[%parallel_loop3A_506], %parallel_loop3A_496 {add = true, strides = array<i32>} : memref<40960xf32, #tpu.memory_space<vmem>>, vector<16xf32>,
        %parallel_loop3A_508 = arith.constant 16 : i32
        %parallel_loop3A_509 = arith.addi %parallel_loop3A_481, %parallel_loop3A_508 : i32
        %parallel_loop3A_510 = arith.index_cast %parallel_loop3A_509 : i32 to index
        %parallel_loop3A_511 = tpu.vector_load %arg14[%parallel_loop3A_510] {strides = array<i32>} : memref<40960xf32, #tpu.memory_space<vmem>>, vector<16xf32>,
        tpu.vector_store %arg14[%parallel_loop3A_510], %parallel_loop3A_505 {add = true, strides = array<i32>} : memref<40960xf32, #tpu.memory_space<vmem>>, vector<16xf32>,
        %parallel_loop3A_512 = vector.extract_strided_slice %parallel_loop3A_50 {offsets = [10], sizes = [1], strides = [1]} : vector<16xi32> to vector<1xi32>
        %parallel_loop3A_513 = vector.extract %parallel_loop3A_512[0] : i32 from vector<1xi32>
        %parallel_loop3A_514 = arith.constant 32 : i32
        %parallel_loop3A_515 = arith.muli %parallel_loop3A_513, %parallel_loop3A_514 : i32
        %parallel_loop3A_516 = vector.extract_strided_slice %parallel_loop3A_54 {offsets = [10], sizes = [1], strides = [1]} : vector<16xi32> to vector<1xi32>
        %parallel_loop3A_517 = vector.extract %parallel_loop3A_516[0] : i32 from vector<1xi32>
        %parallel_loop3A_518 = arith.constant 40 : i32
        %parallel_loop3A_519 = arith.muli %parallel_loop3A_517, %parallel_loop3A_518 : i32
        %parallel_loop3A_520 = arith.index_cast %parallel_loop3A_515 : i32 to index
        %parallel_loop3A_521 = tpu.vector_load %arg13[%parallel_loop3A_520] {strides = array<i32>} : memref<32768xf32, #tpu.memory_space<vmem>>, vector<16xf32>,
        %parallel_loop3A_522 = arith.constant 16 : i32
        %parallel_loop3A_523 = arith.addi %parallel_loop3A_515, %parallel_loop3A_522 : i32
        %parallel_loop3A_524 = arith.index_cast %parallel_loop3A_523 : i32 to index
        %parallel_loop3A_525 = tpu.vector_load %arg13[%parallel_loop3A_524] {strides = array<i32>} : memref<32768xf32, #tpu.memory_space<vmem>>, vector<16xf32>,
        %parallel_loop3A_526 = vector.extract_strided_slice %parallel_loop3A_77 {offsets = [10], sizes = [1], strides = [1]} : vector<16xf32> to vector<1xf32>
        %parallel_loop3A_527 = vector.extract %parallel_loop3A_526[0] : f32 from vector<1xf32>
        %parallel_loop3A_528 = vector.broadcast %parallel_loop3A_527 : f32 to vector<16xf32>
        %parallel_loop3A_529 = arith.mulf %parallel_loop3A_521, %parallel_loop3A_528 : vector<16xf32>
        %parallel_loop3A_530 = vector.extract_strided_slice %parallel_loop3A_94 {offsets = [10], sizes = [1], strides = [1]} : vector<16xf32> to vector<1xf32>
        %parallel_loop3A_531 = vector.extract %parallel_loop3A_530[0] : f32 from vector<1xf32>
        %parallel_loop3A_532 = vector.broadcast %parallel_loop3A_531 : f32 to vector<16xf32>
        %parallel_loop3A_533 = arith.mulf %parallel_loop3A_521, %parallel_loop3A_532 : vector<16xf32>
        %parallel_loop3A_534 = arith.select %lt3A_27, %parallel_loop3A_529, %parallel_loop3A_533 : vector<16xi1>, vector<16xf32>
        %parallel_loop3A_535 = vector.extract_strided_slice %parallel_loop3A_111 {offsets = [10], sizes = [1], strides = [1]} : vector<16xf32> to vector<1xf32>
        %parallel_loop3A_536 = vector.extract %parallel_loop3A_535[0] : f32 from vector<1xf32>
        %parallel_loop3A_537 = vector.broadcast %parallel_loop3A_536 : f32 to vector<16xf32>
        %parallel_loop3A_538 = arith.mulf %parallel_loop3A_525, %parallel_loop3A_537 : vector<16xf32>
        %parallel_loop3A_539 = vector.extract_strided_slice %parallel_loop3A_128 {offsets = [10], sizes = [1], strides = [1]} : vector<16xf32> to vector<1xf32>
        %parallel_loop3A_540 = vector.extract %parallel_loop3A_539[0] : f32 from vector<1xf32>
        %parallel_loop3A_541 = vector.broadcast %parallel_loop3A_540 : f32 to vector<16xf32>
        %parallel_loop3A_542 = arith.mulf %parallel_loop3A_525, %parallel_loop3A_541 : vector<16xf32>
        %parallel_loop3A_543 = arith.select %lt3A_27, %parallel_loop3A_538, %parallel_loop3A_542 : vector<16xi1>, vector<16xf32>
        %parallel_loop3A_544 = arith.index_cast %parallel_loop3A_519 : i32 to index
        %parallel_loop3A_545 = tpu.vector_load %arg14[%parallel_loop3A_544] {strides = array<i32>} : memref<40960xf32, #tpu.memory_space<vmem>>, vector<16xf32>,
        tpu.vector_store %arg14[%parallel_loop3A_544], %parallel_loop3A_534 {add = true, strides = array<i32>} : memref<40960xf32, #tpu.memory_space<vmem>>, vector<16xf32>,
        %parallel_loop3A_546 = arith.constant 16 : i32
        %parallel_loop3A_547 = arith.addi %parallel_loop3A_519, %parallel_loop3A_546 : i32
        %parallel_loop3A_548 = arith.index_cast %parallel_loop3A_547 : i32 to index
        %parallel_loop3A_549 = tpu.vector_load %arg14[%parallel_loop3A_548] {strides = array<i32>} : memref<40960xf32, #tpu.memory_space<vmem>>, vector<16xf32>,
        tpu.vector_store %arg14[%parallel_loop3A_548], %parallel_loop3A_543 {add = true, strides = array<i32>} : memref<40960xf32, #tpu.memory_space<vmem>>, vector<16xf32>,
        %parallel_loop3A_550 = vector.extract_strided_slice %parallel_loop3A_50 {offsets = [11], sizes = [1], strides = [1]} : vector<16xi32> to vector<1xi32>
        %parallel_loop3A_551 = vector.extract %parallel_loop3A_550[0] : i32 from vector<1xi32>
        %parallel_loop3A_552 = arith.constant 32 : i32
        %parallel_loop3A_553 = arith.muli %parallel_loop3A_551, %parallel_loop3A_552 : i32
        %parallel_loop3A_554 = vector.extract_strided_slice %parallel_loop3A_54 {offsets = [11], sizes = [1], strides = [1]} : vector<16xi32> to vector<1xi32>
        %parallel_loop3A_555 = vector.extract %parallel_loop3A_554[0] : i32 from vector<1xi32>
        %parallel_loop3A_556 = arith.constant 40 : i32
        %parallel_loop3A_557 = arith.muli %parallel_loop3A_555, %parallel_loop3A_556 : i32
        %parallel_loop3A_558 = arith.index_cast %parallel_loop3A_553 : i32 to index
        %parallel_loop3A_559 = tpu.vector_load %arg13[%parallel_loop3A_558] {strides = array<i32>} : memref<32768xf32, #tpu.memory_space<vmem>>, vector<16xf32>,
        %parallel_loop3A_560 = arith.constant 16 : i32
        %parallel_loop3A_561 = arith.addi %parallel_loop3A_553, %parallel_loop3A_560 : i32
        %parallel_loop3A_562 = arith.index_cast %parallel_loop3A_561 : i32 to index
        %parallel_loop3A_563 = tpu.vector_load %arg13[%parallel_loop3A_562] {strides = array<i32>} : memref<32768xf32, #tpu.memory_space<vmem>>, vector<16xf32>,
        %parallel_loop3A_564 = vector.extract_strided_slice %parallel_loop3A_77 {offsets = [11], sizes = [1], strides = [1]} : vector<16xf32> to vector<1xf32>
        %parallel_loop3A_565 = vector.extract %parallel_loop3A_564[0] : f32 from vector<1xf32>
        %parallel_loop3A_566 = vector.broadcast %parallel_loop3A_565 : f32 to vector<16xf32>
        %parallel_loop3A_567 = arith.mulf %parallel_loop3A_559, %parallel_loop3A_566 : vector<16xf32>
        %parallel_loop3A_568 = vector.extract_strided_slice %parallel_loop3A_94 {offsets = [11], sizes = [1], strides = [1]} : vector<16xf32> to vector<1xf32>
        %parallel_loop3A_569 = vector.extract %parallel_loop3A_568[0] : f32 from vector<1xf32>
        %parallel_loop3A_570 = vector.broadcast %parallel_loop3A_569 : f32 to vector<16xf32>
        %parallel_loop3A_571 = arith.mulf %parallel_loop3A_559, %parallel_loop3A_570 : vector<16xf32>
        %parallel_loop3A_572 = arith.select %lt3A_27, %parallel_loop3A_567, %parallel_loop3A_571 : vector<16xi1>, vector<16xf32>
        %parallel_loop3A_573 = vector.extract_strided_slice %parallel_loop3A_111 {offsets = [11], sizes = [1], strides = [1]} : vector<16xf32> to vector<1xf32>
        %parallel_loop3A_574 = vector.extract %parallel_loop3A_573[0] : f32 from vector<1xf32>
        %parallel_loop3A_575 = vector.broadcast %parallel_loop3A_574 : f32 to vector<16xf32>
        %parallel_loop3A_576 = arith.mulf %parallel_loop3A_563, %parallel_loop3A_575 : vector<16xf32>
        %parallel_loop3A_577 = vector.extract_strided_slice %parallel_loop3A_128 {offsets = [11], sizes = [1], strides = [1]} : vector<16xf32> to vector<1xf32>
        %parallel_loop3A_578 = vector.extract %parallel_loop3A_577[0] : f32 from vector<1xf32>
        %parallel_loop3A_579 = vector.broadcast %parallel_loop3A_578 : f32 to vector<16xf32>
        %parallel_loop3A_580 = arith.mulf %parallel_loop3A_563, %parallel_loop3A_579 : vector<16xf32>
        %parallel_loop3A_581 = arith.select %lt3A_27, %parallel_loop3A_576, %parallel_loop3A_580 : vector<16xi1>, vector<16xf32>
        %parallel_loop3A_582 = arith.index_cast %parallel_loop3A_557 : i32 to index
        %parallel_loop3A_583 = tpu.vector_load %arg14[%parallel_loop3A_582] {strides = array<i32>} : memref<40960xf32, #tpu.memory_space<vmem>>, vector<16xf32>,
        tpu.vector_store %arg14[%parallel_loop3A_582], %parallel_loop3A_572 {add = true, strides = array<i32>} : memref<40960xf32, #tpu.memory_space<vmem>>, vector<16xf32>,
        %parallel_loop3A_584 = arith.constant 16 : i32
        %parallel_loop3A_585 = arith.addi %parallel_loop3A_557, %parallel_loop3A_584 : i32
        %parallel_loop3A_586 = arith.index_cast %parallel_loop3A_585 : i32 to index
        %parallel_loop3A_587 = tpu.vector_load %arg14[%parallel_loop3A_586] {strides = array<i32>} : memref<40960xf32, #tpu.memory_space<vmem>>, vector<16xf32>,
        tpu.vector_store %arg14[%parallel_loop3A_586], %parallel_loop3A_581 {add = true, strides = array<i32>} : memref<40960xf32, #tpu.memory_space<vmem>>, vector<16xf32>,
        %parallel_loop3A_588 = vector.extract_strided_slice %parallel_loop3A_50 {offsets = [12], sizes = [1], strides = [1]} : vector<16xi32> to vector<1xi32>
        %parallel_loop3A_589 = vector.extract %parallel_loop3A_588[0] : i32 from vector<1xi32>
        %parallel_loop3A_590 = arith.constant 32 : i32
        %parallel_loop3A_591 = arith.muli %parallel_loop3A_589, %parallel_loop3A_590 : i32
        %parallel_loop3A_592 = vector.extract_strided_slice %parallel_loop3A_54 {offsets = [12], sizes = [1], strides = [1]} : vector<16xi32> to vector<1xi32>
        %parallel_loop3A_593 = vector.extract %parallel_loop3A_592[0] : i32 from vector<1xi32>
        %parallel_loop3A_594 = arith.constant 40 : i32
        %parallel_loop3A_595 = arith.muli %parallel_loop3A_593, %parallel_loop3A_594 : i32
        %parallel_loop3A_596 = arith.index_cast %parallel_loop3A_591 : i32 to index
        %parallel_loop3A_597 = tpu.vector_load %arg13[%parallel_loop3A_596] {strides = array<i32>} : memref<32768xf32, #tpu.memory_space<vmem>>, vector<16xf32>,
        %parallel_loop3A_598 = arith.constant 16 : i32
        %parallel_loop3A_599 = arith.addi %parallel_loop3A_591, %parallel_loop3A_598 : i32
        %parallel_loop3A_600 = arith.index_cast %parallel_loop3A_599 : i32 to index
        %parallel_loop3A_601 = tpu.vector_load %arg13[%parallel_loop3A_600] {strides = array<i32>} : memref<32768xf32, #tpu.memory_space<vmem>>, vector<16xf32>,
        %parallel_loop3A_602 = vector.extract_strided_slice %parallel_loop3A_77 {offsets = [12], sizes = [1], strides = [1]} : vector<16xf32> to vector<1xf32>
        %parallel_loop3A_603 = vector.extract %parallel_loop3A_602[0] : f32 from vector<1xf32>
        %parallel_loop3A_604 = vector.broadcast %parallel_loop3A_603 : f32 to vector<16xf32>
        %parallel_loop3A_605 = arith.mulf %parallel_loop3A_597, %parallel_loop3A_604 : vector<16xf32>
        %parallel_loop3A_606 = vector.extract_strided_slice %parallel_loop3A_94 {offsets = [12], sizes = [1], strides = [1]} : vector<16xf32> to vector<1xf32>
        %parallel_loop3A_607 = vector.extract %parallel_loop3A_606[0] : f32 from vector<1xf32>
        %parallel_loop3A_608 = vector.broadcast %parallel_loop3A_607 : f32 to vector<16xf32>
        %parallel_loop3A_609 = arith.mulf %parallel_loop3A_597, %parallel_loop3A_608 : vector<16xf32>
        %parallel_loop3A_610 = arith.select %lt3A_27, %parallel_loop3A_605, %parallel_loop3A_609 : vector<16xi1>, vector<16xf32>
        %parallel_loop3A_611 = vector.extract_strided_slice %parallel_loop3A_111 {offsets = [12], sizes = [1], strides = [1]} : vector<16xf32> to vector<1xf32>
        %parallel_loop3A_612 = vector.extract %parallel_loop3A_611[0] : f32 from vector<1xf32>
        %parallel_loop3A_613 = vector.broadcast %parallel_loop3A_612 : f32 to vector<16xf32>
        %parallel_loop3A_614 = arith.mulf %parallel_loop3A_601, %parallel_loop3A_613 : vector<16xf32>
        %parallel_loop3A_615 = vector.extract_strided_slice %parallel_loop3A_128 {offsets = [12], sizes = [1], strides = [1]} : vector<16xf32> to vector<1xf32>
        %parallel_loop3A_616 = vector.extract %parallel_loop3A_615[0] : f32 from vector<1xf32>
        %parallel_loop3A_617 = vector.broadcast %parallel_loop3A_616 : f32 to vector<16xf32>
        %parallel_loop3A_618 = arith.mulf %parallel_loop3A_601, %parallel_loop3A_617 : vector<16xf32>
        %parallel_loop3A_619 = arith.select %lt3A_27, %parallel_loop3A_614, %parallel_loop3A_618 : vector<16xi1>, vector<16xf32>
        %parallel_loop3A_620 = arith.index_cast %parallel_loop3A_595 : i32 to index
        %parallel_loop3A_621 = tpu.vector_load %arg14[%parallel_loop3A_620] {strides = array<i32>} : memref<40960xf32, #tpu.memory_space<vmem>>, vector<16xf32>,
        tpu.vector_store %arg14[%parallel_loop3A_620], %parallel_loop3A_610 {add = true, strides = array<i32>} : memref<40960xf32, #tpu.memory_space<vmem>>, vector<16xf32>,
        %parallel_loop3A_622 = arith.constant 16 : i32
        %parallel_loop3A_623 = arith.addi %parallel_loop3A_595, %parallel_loop3A_622 : i32
        %parallel_loop3A_624 = arith.index_cast %parallel_loop3A_623 : i32 to index
        %parallel_loop3A_625 = tpu.vector_load %arg14[%parallel_loop3A_624] {strides = array<i32>} : memref<40960xf32, #tpu.memory_space<vmem>>, vector<16xf32>,
        tpu.vector_store %arg14[%parallel_loop3A_624], %parallel_loop3A_619 {add = true, strides = array<i32>} : memref<40960xf32, #tpu.memory_space<vmem>>, vector<16xf32>,
        %parallel_loop3A_626 = vector.extract_strided_slice %parallel_loop3A_50 {offsets = [13], sizes = [1], strides = [1]} : vector<16xi32> to vector<1xi32>
        %parallel_loop3A_627 = vector.extract %parallel_loop3A_626[0] : i32 from vector<1xi32>
        %parallel_loop3A_628 = arith.constant 32 : i32
        %parallel_loop3A_629 = arith.muli %parallel_loop3A_627, %parallel_loop3A_628 : i32
        %parallel_loop3A_630 = vector.extract_strided_slice %parallel_loop3A_54 {offsets = [13], sizes = [1], strides = [1]} : vector<16xi32> to vector<1xi32>
        %parallel_loop3A_631 = vector.extract %parallel_loop3A_630[0] : i32 from vector<1xi32>
        %parallel_loop3A_632 = arith.constant 40 : i32
        %parallel_loop3A_633 = arith.muli %parallel_loop3A_631, %parallel_loop3A_632 : i32
        %parallel_loop3A_634 = arith.index_cast %parallel_loop3A_629 : i32 to index
        %parallel_loop3A_635 = tpu.vector_load %arg13[%parallel_loop3A_634] {strides = array<i32>} : memref<32768xf32, #tpu.memory_space<vmem>>, vector<16xf32>,
        %parallel_loop3A_636 = arith.constant 16 : i32
        %parallel_loop3A_637 = arith.addi %parallel_loop3A_629, %parallel_loop3A_636 : i32
        %parallel_loop3A_638 = arith.index_cast %parallel_loop3A_637 : i32 to index
        %parallel_loop3A_639 = tpu.vector_load %arg13[%parallel_loop3A_638] {strides = array<i32>} : memref<32768xf32, #tpu.memory_space<vmem>>, vector<16xf32>,
        %parallel_loop3A_640 = vector.extract_strided_slice %parallel_loop3A_77 {offsets = [13], sizes = [1], strides = [1]} : vector<16xf32> to vector<1xf32>
        %parallel_loop3A_641 = vector.extract %parallel_loop3A_640[0] : f32 from vector<1xf32>
        %parallel_loop3A_642 = vector.broadcast %parallel_loop3A_641 : f32 to vector<16xf32>
        %parallel_loop3A_643 = arith.mulf %parallel_loop3A_635, %parallel_loop3A_642 : vector<16xf32>
        %parallel_loop3A_644 = vector.extract_strided_slice %parallel_loop3A_94 {offsets = [13], sizes = [1], strides = [1]} : vector<16xf32> to vector<1xf32>
        %parallel_loop3A_645 = vector.extract %parallel_loop3A_644[0] : f32 from vector<1xf32>
        %parallel_loop3A_646 = vector.broadcast %parallel_loop3A_645 : f32 to vector<16xf32>
        %parallel_loop3A_647 = arith.mulf %parallel_loop3A_635, %parallel_loop3A_646 : vector<16xf32>
        %parallel_loop3A_648 = arith.select %lt3A_27, %parallel_loop3A_643, %parallel_loop3A_647 : vector<16xi1>, vector<16xf32>
        %parallel_loop3A_649 = vector.extract_strided_slice %parallel_loop3A_111 {offsets = [13], sizes = [1], strides = [1]} : vector<16xf32> to vector<1xf32>
        %parallel_loop3A_650 = vector.extract %parallel_loop3A_649[0] : f32 from vector<1xf32>
        %parallel_loop3A_651 = vector.broadcast %parallel_loop3A_650 : f32 to vector<16xf32>
        %parallel_loop3A_652 = arith.mulf %parallel_loop3A_639, %parallel_loop3A_651 : vector<16xf32>
        %parallel_loop3A_653 = vector.extract_strided_slice %parallel_loop3A_128 {offsets = [13], sizes = [1], strides = [1]} : vector<16xf32> to vector<1xf32>
        %parallel_loop3A_654 = vector.extract %parallel_loop3A_653[0] : f32 from vector<1xf32>
        %parallel_loop3A_655 = vector.broadcast %parallel_loop3A_654 : f32 to vector<16xf32>
        %parallel_loop3A_656 = arith.mulf %parallel_loop3A_639, %parallel_loop3A_655 : vector<16xf32>
        %parallel_loop3A_657 = arith.select %lt3A_27, %parallel_loop3A_652, %parallel_loop3A_656 : vector<16xi1>, vector<16xf32>
        %parallel_loop3A_658 = arith.index_cast %parallel_loop3A_633 : i32 to index
        %parallel_loop3A_659 = tpu.vector_load %arg14[%parallel_loop3A_658] {strides = array<i32>} : memref<40960xf32, #tpu.memory_space<vmem>>, vector<16xf32>,
        tpu.vector_store %arg14[%parallel_loop3A_658], %parallel_loop3A_648 {add = true, strides = array<i32>} : memref<40960xf32, #tpu.memory_space<vmem>>, vector<16xf32>,
        %parallel_loop3A_660 = arith.constant 16 : i32
        %parallel_loop3A_661 = arith.addi %parallel_loop3A_633, %parallel_loop3A_660 : i32
        %parallel_loop3A_662 = arith.index_cast %parallel_loop3A_661 : i32 to index
        %parallel_loop3A_663 = tpu.vector_load %arg14[%parallel_loop3A_662] {strides = array<i32>} : memref<40960xf32, #tpu.memory_space<vmem>>, vector<16xf32>,
        tpu.vector_store %arg14[%parallel_loop3A_662], %parallel_loop3A_657 {add = true, strides = array<i32>} : memref<40960xf32, #tpu.memory_space<vmem>>, vector<16xf32>,
        %parallel_loop3A_664 = vector.extract_strided_slice %parallel_loop3A_50 {offsets = [14], sizes = [1], strides = [1]} : vector<16xi32> to vector<1xi32>
        %parallel_loop3A_665 = vector.extract %parallel_loop3A_664[0] : i32 from vector<1xi32>
        %parallel_loop3A_666 = arith.constant 32 : i32
        %parallel_loop3A_667 = arith.muli %parallel_loop3A_665, %parallel_loop3A_666 : i32
        %parallel_loop3A_668 = vector.extract_strided_slice %parallel_loop3A_54 {offsets = [14], sizes = [1], strides = [1]} : vector<16xi32> to vector<1xi32>
        %parallel_loop3A_669 = vector.extract %parallel_loop3A_668[0] : i32 from vector<1xi32>
        %parallel_loop3A_670 = arith.constant 40 : i32
        %parallel_loop3A_671 = arith.muli %parallel_loop3A_669, %parallel_loop3A_670 : i32
        %parallel_loop3A_672 = arith.index_cast %parallel_loop3A_667 : i32 to index
        %parallel_loop3A_673 = tpu.vector_load %arg13[%parallel_loop3A_672] {strides = array<i32>} : memref<32768xf32, #tpu.memory_space<vmem>>, vector<16xf32>,
        %parallel_loop3A_674 = arith.constant 16 : i32
        %parallel_loop3A_675 = arith.addi %parallel_loop3A_667, %parallel_loop3A_674 : i32
        %parallel_loop3A_676 = arith.index_cast %parallel_loop3A_675 : i32 to index
        %parallel_loop3A_677 = tpu.vector_load %arg13[%parallel_loop3A_676] {strides = array<i32>} : memref<32768xf32, #tpu.memory_space<vmem>>, vector<16xf32>,
        %parallel_loop3A_678 = vector.extract_strided_slice %parallel_loop3A_77 {offsets = [14], sizes = [1], strides = [1]} : vector<16xf32> to vector<1xf32>
        %parallel_loop3A_679 = vector.extract %parallel_loop3A_678[0] : f32 from vector<1xf32>
        %parallel_loop3A_680 = vector.broadcast %parallel_loop3A_679 : f32 to vector<16xf32>
        %parallel_loop3A_681 = arith.mulf %parallel_loop3A_673, %parallel_loop3A_680 : vector<16xf32>
        %parallel_loop3A_682 = vector.extract_strided_slice %parallel_loop3A_94 {offsets = [14], sizes = [1], strides = [1]} : vector<16xf32> to vector<1xf32>
        %parallel_loop3A_683 = vector.extract %parallel_loop3A_682[0] : f32 from vector<1xf32>
        %parallel_loop3A_684 = vector.broadcast %parallel_loop3A_683 : f32 to vector<16xf32>
        %parallel_loop3A_685 = arith.mulf %parallel_loop3A_673, %parallel_loop3A_684 : vector<16xf32>
        %parallel_loop3A_686 = arith.select %lt3A_27, %parallel_loop3A_681, %parallel_loop3A_685 : vector<16xi1>, vector<16xf32>
        %parallel_loop3A_687 = vector.extract_strided_slice %parallel_loop3A_111 {offsets = [14], sizes = [1], strides = [1]} : vector<16xf32> to vector<1xf32>
        %parallel_loop3A_688 = vector.extract %parallel_loop3A_687[0] : f32 from vector<1xf32>
        %parallel_loop3A_689 = vector.broadcast %parallel_loop3A_688 : f32 to vector<16xf32>
        %parallel_loop3A_690 = arith.mulf %parallel_loop3A_677, %parallel_loop3A_689 : vector<16xf32>
        %parallel_loop3A_691 = vector.extract_strided_slice %parallel_loop3A_128 {offsets = [14], sizes = [1], strides = [1]} : vector<16xf32> to vector<1xf32>
        %parallel_loop3A_692 = vector.extract %parallel_loop3A_691[0] : f32 from vector<1xf32>
        %parallel_loop3A_693 = vector.broadcast %parallel_loop3A_692 : f32 to vector<16xf32>
        %parallel_loop3A_694 = arith.mulf %parallel_loop3A_677, %parallel_loop3A_693 : vector<16xf32>
        %parallel_loop3A_695 = arith.select %lt3A_27, %parallel_loop3A_690, %parallel_loop3A_694 : vector<16xi1>, vector<16xf32>
        %parallel_loop3A_696 = arith.index_cast %parallel_loop3A_671 : i32 to index
        %parallel_loop3A_697 = tpu.vector_load %arg14[%parallel_loop3A_696] {strides = array<i32>} : memref<40960xf32, #tpu.memory_space<vmem>>, vector<16xf32>,
        tpu.vector_store %arg14[%parallel_loop3A_696], %parallel_loop3A_686 {add = true, strides = array<i32>} : memref<40960xf32, #tpu.memory_space<vmem>>, vector<16xf32>,
        %parallel_loop3A_698 = arith.constant 16 : i32
        %parallel_loop3A_699 = arith.addi %parallel_loop3A_671, %parallel_loop3A_698 : i32
        %parallel_loop3A_700 = arith.index_cast %parallel_loop3A_699 : i32 to index
        %parallel_loop3A_701 = tpu.vector_load %arg14[%parallel_loop3A_700] {strides = array<i32>} : memref<40960xf32, #tpu.memory_space<vmem>>, vector<16xf32>,
        tpu.vector_store %arg14[%parallel_loop3A_700], %parallel_loop3A_695 {add = true, strides = array<i32>} : memref<40960xf32, #tpu.memory_space<vmem>>, vector<16xf32>,
        %parallel_loop3A_702 = vector.extract_strided_slice %parallel_loop3A_50 {offsets = [15], sizes = [1], strides = [1]} : vector<16xi32> to vector<1xi32>
        %parallel_loop3A_703 = vector.extract %parallel_loop3A_702[0] : i32 from vector<1xi32>
        %parallel_loop3A_704 = arith.constant 32 : i32
        %parallel_loop3A_705 = arith.muli %parallel_loop3A_703, %parallel_loop3A_704 : i32
        %parallel_loop3A_706 = vector.extract_strided_slice %parallel_loop3A_54 {offsets = [15], sizes = [1], strides = [1]} : vector<16xi32> to vector<1xi32>
        %parallel_loop3A_707 = vector.extract %parallel_loop3A_706[0] : i32 from vector<1xi32>
        %parallel_loop3A_708 = arith.constant 40 : i32
        %parallel_loop3A_709 = arith.muli %parallel_loop3A_707, %parallel_loop3A_708 : i32
        %parallel_loop3A_710 = arith.index_cast %parallel_loop3A_705 : i32 to index
        %parallel_loop3A_711 = tpu.vector_load %arg13[%parallel_loop3A_710] {strides = array<i32>} : memref<32768xf32, #tpu.memory_space<vmem>>, vector<16xf32>,
        %parallel_loop3A_712 = arith.constant 16 : i32
        %parallel_loop3A_713 = arith.addi %parallel_loop3A_705, %parallel_loop3A_712 : i32
        %parallel_loop3A_714 = arith.index_cast %parallel_loop3A_713 : i32 to index
        %parallel_loop3A_715 = tpu.vector_load %arg13[%parallel_loop3A_714] {strides = array<i32>} : memref<32768xf32, #tpu.memory_space<vmem>>, vector<16xf32>,
        %parallel_loop3A_716 = vector.extract_strided_slice %parallel_loop3A_77 {offsets = [15], sizes = [1], strides = [1]} : vector<16xf32> to vector<1xf32>
        %parallel_loop3A_717 = vector.extract %parallel_loop3A_716[0] : f32 from vector<1xf32>
        %parallel_loop3A_718 = vector.broadcast %parallel_loop3A_717 : f32 to vector<16xf32>
        %parallel_loop3A_719 = arith.mulf %parallel_loop3A_711, %parallel_loop3A_718 : vector<16xf32>
        %parallel_loop3A_720 = vector.extract_strided_slice %parallel_loop3A_94 {offsets = [15], sizes = [1], strides = [1]} : vector<16xf32> to vector<1xf32>
        %parallel_loop3A_721 = vector.extract %parallel_loop3A_720[0] : f32 from vector<1xf32>
        %parallel_loop3A_722 = vector.broadcast %parallel_loop3A_721 : f32 to vector<16xf32>
        %parallel_loop3A_723 = arith.mulf %parallel_loop3A_711, %parallel_loop3A_722 : vector<16xf32>
        %parallel_loop3A_724 = arith.select %lt3A_27, %parallel_loop3A_719, %parallel_loop3A_723 : vector<16xi1>, vector<16xf32>
        %parallel_loop3A_725 = vector.extract_strided_slice %parallel_loop3A_111 {offsets = [15], sizes = [1], strides = [1]} : vector<16xf32> to vector<1xf32>
        %parallel_loop3A_726 = vector.extract %parallel_loop3A_725[0] : f32 from vector<1xf32>
        %parallel_loop3A_727 = vector.broadcast %parallel_loop3A_726 : f32 to vector<16xf32>
        %parallel_loop3A_728 = arith.mulf %parallel_loop3A_715, %parallel_loop3A_727 : vector<16xf32>
        %parallel_loop3A_729 = vector.extract_strided_slice %parallel_loop3A_128 {offsets = [15], sizes = [1], strides = [1]} : vector<16xf32> to vector<1xf32>
        %parallel_loop3A_730 = vector.extract %parallel_loop3A_729[0] : f32 from vector<1xf32>
        %parallel_loop3A_731 = vector.broadcast %parallel_loop3A_730 : f32 to vector<16xf32>
        %parallel_loop3A_732 = arith.mulf %parallel_loop3A_715, %parallel_loop3A_731 : vector<16xf32>
        %parallel_loop3A_733 = arith.select %lt3A_27, %parallel_loop3A_728, %parallel_loop3A_732 : vector<16xi1>, vector<16xf32>
        %parallel_loop3A_734 = arith.index_cast %parallel_loop3A_709 : i32 to index
        %parallel_loop3A_735 = tpu.vector_load %arg14[%parallel_loop3A_734] {strides = array<i32>} : memref<40960xf32, #tpu.memory_space<vmem>>, vector<16xf32>,
        tpu.vector_store %arg14[%parallel_loop3A_734], %parallel_loop3A_724 {add = true, strides = array<i32>} : memref<40960xf32, #tpu.memory_space<vmem>>, vector<16xf32>,
        %parallel_loop3A_736 = arith.constant 16 : i32
        %parallel_loop3A_737 = arith.addi %parallel_loop3A_709, %parallel_loop3A_736 : i32
        %parallel_loop3A_738 = arith.index_cast %parallel_loop3A_737 : i32 to index
        %parallel_loop3A_739 = tpu.vector_load %arg14[%parallel_loop3A_738] {strides = array<i32>} : memref<40960xf32, #tpu.memory_space<vmem>>, vector<16xf32>,
        tpu.vector_store %arg14[%parallel_loop3A_738], %parallel_loop3A_733 {add = true, strides = array<i32>} : memref<40960xf32, #tpu.memory_space<vmem>>, vector<16xf32>,
      } {sc.loop_unroll_factor = 2 : i64, sc.parallel_access}
      %mul3A_31 = arith.constant 32 : i32
      %mul3A_32 = arith.muli %sub3A_21, %mul3A_31 : i32
      %get3A = arith.index_cast %mul3A_32 : i32 to index
      %get3A_33 = tpu.vector_load %arg16[%get3A] {strides = array<i32>} : memref<64xf32, #tpu.memory_space<vmem>>, vector<16xf32>,
      %mul3A_34 = arith.constant 32 : i32
      %mul3A_35 = arith.muli %sub3A_21, %mul3A_34 : i32
      %add3A_36 = arith.constant 16 : i32
      %add3A_37 = arith.addi %mul3A_35, %add3A_36 : i32
      %get3A_38 = arith.index_cast %add3A_37 : i32 to index
      %get3A_39 = tpu.vector_load %arg16[%get3A_38] {strides = array<i32>} : memref<64xf32, #tpu.memory_space<vmem>>, vector<16xf32>,
      %scan3A = arith.constant 0 : i32
      %scan3A_40 = arith.constant 0 : i32
      %scan3A_41 = arith.constant 8 : i32
      %scan3A_42 = arith.addi %scan3A_40, %scan3A_41 : i32
      %scan3A_43 = arith.constant 1 : i32
      %scan3A_44 = scf.for %scan3A_46 = %scan3A_40 to %scan3A_42 step %scan3A_43 iter_args(%scan3A_47 = %scan3A) -> (i32)  : i32 {
        %parallel_loop3A_48 = arith.constant 0 : i32
        %parallel_loop3A_49 = arith.constant 128 : i32
        %parallel_loop3A_50 = arith.constant 1 : i32
        scf.for %parallel_loop3A_56 = %parallel_loop3A_48 to %parallel_loop3A_49 step %parallel_loop3A_50  : i32 {
          %parallel_loop3A_57 = arith.constant 128 : i32
          %parallel_loop3A_58 = arith.muli %scan3A_46, %parallel_loop3A_57 : i32
          %parallel_loop3A_59 = arith.addi %parallel_loop3A_58, %parallel_loop3A_56 : i32
          %parallel_loop3A_60 = arith.constant 40 : i32
          %parallel_loop3A_61 = arith.muli %parallel_loop3A_59, %parallel_loop3A_60 : i32
          %parallel_loop3A_62 = arith.index_cast %parallel_loop3A_61 : i32 to index
          %parallel_loop3A_63 = tpu.vector_load %arg14[%parallel_loop3A_62] {strides = array<i32>} : memref<40960xf32, #tpu.memory_space<vmem>>, vector<16xf32>,
          %parallel_loop3A_64 = arith.constant 16 : i32
          %parallel_loop3A_65 = arith.addi %parallel_loop3A_61, %parallel_loop3A_64 : i32
          %parallel_loop3A_66 = arith.index_cast %parallel_loop3A_65 : i32 to index
          %parallel_loop3A_67 = tpu.vector_load %arg14[%parallel_loop3A_66] {strides = array<i32>} : memref<40960xf32, #tpu.memory_space<vmem>>, vector<16xf32>,
          %parallel_loop3A_68 = arith.constant 24 : i32
          %parallel_loop3A_69 = arith.addi %parallel_loop3A_61, %parallel_loop3A_68 : i32
          %parallel_loop3A_70 = arith.index_cast %parallel_loop3A_69 : i32 to index
          %parallel_loop3A_71 = tpu.vector_load %arg14[%parallel_loop3A_70] {strides = array<i32>} : memref<40960xf32, #tpu.memory_space<vmem>>, vector<16xf32>,
          %parallel_loop3A_72 = arith.constant 1.000000e-16 : f32
          %parallel_loop3A_73 = vector.broadcast %parallel_loop3A_72 : f32 to vector<16xf32>
          %parallel_loop3A_74 = arith.addf %parallel_loop3A_71, %parallel_loop3A_73 : vector<16xf32>
          %parallel_loop3A_75 = arith.constant 1.000000e+00 : f32
          %parallel_loop3A_76 = vector.broadcast %parallel_loop3A_75 : f32 to vector<16xf32>
          %parallel_loop3A_77 = arith.divf %parallel_loop3A_76, %parallel_loop3A_74 : vector<16xf32>
          %parallel_loop3A_78 = vector.extract_strided_slice %parallel_loop3A_77 {offsets = [8], sizes = [1], strides = [1]} : vector<16xf32> to vector<1xf32>
          %parallel_loop3A_79 = vector.extract %parallel_loop3A_78[0] : f32 from vector<1xf32>
          %parallel_loop3A_80 = vector.broadcast %parallel_loop3A_79 : f32 to vector<16xf32>
          %parallel_loop3A_81 = arith.mulf %parallel_loop3A_63, %parallel_loop3A_80 : vector<16xf32>
          %parallel_loop3A_82 = vector.extract_strided_slice %parallel_loop3A_77 {offsets = [9], sizes = [1], strides = [1]} : vector<16xf32> to vector<1xf32>
          %parallel_loop3A_83 = vector.extract %parallel_loop3A_82[0] : f32 from vector<1xf32>
          %parallel_loop3A_84 = vector.broadcast %parallel_loop3A_83 : f32 to vector<16xf32>
          %parallel_loop3A_85 = arith.mulf %parallel_loop3A_63, %parallel_loop3A_84 : vector<16xf32>
          %parallel_loop3A_86 = arith.select %lt3A_27, %parallel_loop3A_81, %parallel_loop3A_85 : vector<16xi1>, vector<16xf32>
          %parallel_loop3A_87 = vector.extract_strided_slice %parallel_loop3A_77 {offsets = [10], sizes = [1], strides = [1]} : vector<16xf32> to vector<1xf32>
          %parallel_loop3A_88 = vector.extract %parallel_loop3A_87[0] : f32 from vector<1xf32>
          %parallel_loop3A_89 = vector.broadcast %parallel_loop3A_88 : f32 to vector<16xf32>
          %parallel_loop3A_90 = arith.mulf %parallel_loop3A_67, %parallel_loop3A_89 : vector<16xf32>
          %parallel_loop3A_91 = vector.extract_strided_slice %parallel_loop3A_77 {offsets = [11], sizes = [1], strides = [1]} : vector<16xf32> to vector<1xf32>
          %parallel_loop3A_92 = vector.extract %parallel_loop3A_91[0] : f32 from vector<1xf32>
          %parallel_loop3A_93 = vector.broadcast %parallel_loop3A_92 : f32 to vector<16xf32>
          %parallel_loop3A_94 = arith.mulf %parallel_loop3A_67, %parallel_loop3A_93 : vector<16xf32>
          %parallel_loop3A_95 = arith.select %lt3A_27, %parallel_loop3A_90, %parallel_loop3A_94 : vector<16xi1>, vector<16xf32>
          %parallel_loop3A_96 = arith.addf %parallel_loop3A_86, %get3A_33 : vector<16xf32>
          %parallel_loop3A_97 = arith.constant 0.000000e+00 : f32
          %parallel_loop3A_98 = vector.broadcast %parallel_loop3A_97 : f32 to vector<16xf32>
          %parallel_loop3A_99 = arith.cmpf ogt, %parallel_loop3A_96, %parallel_loop3A_98 : vector<16xf32>
          %parallel_loop3A_100 = arith.constant 0.000000e+00 : f32
          %parallel_loop3A_101 = vector.broadcast %parallel_loop3A_100 : f32 to vector<16xf32>
          %parallel_loop3A_102 = arith.minimumf %parallel_loop3A_96, %parallel_loop3A_101 : vector<16xf32>
          %parallel_loop3A_103 = math.exp %parallel_loop3A_102 : vector<16xf32>
          %parallel_loop3A_104 = arith.constant 1.000000e+00 : f32
          %parallel_loop3A_105 = vector.broadcast %parallel_loop3A_104 : f32 to vector<16xf32>
          %parallel_loop3A_106 = arith.subf %parallel_loop3A_103, %parallel_loop3A_105 : vector<16xf32>
          %parallel_loop3A_107 = arith.select %parallel_loop3A_99, %parallel_loop3A_96, %parallel_loop3A_106 : vector<16xi1>, vector<16xf32>
          %parallel_loop3A_108 = arith.constant 32 : i32
          %parallel_loop3A_109 = arith.muli %parallel_loop3A_56, %parallel_loop3A_108 : i32
          %parallel_loop3A_110 = arith.index_cast %parallel_loop3A_109 : i32 to index
          %parallel_loop3A_111 = tpu.vector_load %arg15[%parallel_loop3A_110] {strides = array<i32>} : memref<4096xf32, #tpu.memory_space<vmem>>, vector<16xf32>,
          tpu.vector_store %arg15[%parallel_loop3A_110], %parallel_loop3A_107 {strides = array<i32>} : memref<4096xf32, #tpu.memory_space<vmem>>, vector<16xf32>,
          %parallel_loop3A_112 = arith.addf %parallel_loop3A_95, %get3A_39 : vector<16xf32>
          %parallel_loop3A_113 = arith.constant 0.000000e+00 : f32
          %parallel_loop3A_114 = vector.broadcast %parallel_loop3A_113 : f32 to vector<16xf32>
          %parallel_loop3A_115 = arith.cmpf ogt, %parallel_loop3A_112, %parallel_loop3A_114 : vector<16xf32>
          %parallel_loop3A_116 = arith.constant 0.000000e+00 : f32
          %parallel_loop3A_117 = vector.broadcast %parallel_loop3A_116 : f32 to vector<16xf32>
          %parallel_loop3A_118 = arith.minimumf %parallel_loop3A_112, %parallel_loop3A_117 : vector<16xf32>
          %parallel_loop3A_119 = math.exp %parallel_loop3A_118 : vector<16xf32>
          %parallel_loop3A_120 = arith.constant 1.000000e+00 : f32
          %parallel_loop3A_121 = vector.broadcast %parallel_loop3A_120 : f32 to vector<16xf32>
          %parallel_loop3A_122 = arith.subf %parallel_loop3A_119, %parallel_loop3A_121 : vector<16xf32>
          %parallel_loop3A_123 = arith.select %parallel_loop3A_115, %parallel_loop3A_112, %parallel_loop3A_122 : vector<16xi1>, vector<16xf32>
          %parallel_loop3A_124 = arith.constant 32 : i32
          %parallel_loop3A_125 = arith.muli %parallel_loop3A_56, %parallel_loop3A_124 : i32
          %parallel_loop3A_126 = arith.constant 16 : i32
          %parallel_loop3A_127 = arith.addi %parallel_loop3A_125, %parallel_loop3A_126 : i32
          %parallel_loop3A_128 = arith.index_cast %parallel_loop3A_127 : i32 to index
          %parallel_loop3A_129 = tpu.vector_load %arg15[%parallel_loop3A_128] {strides = array<i32>} : memref<4096xf32, #tpu.memory_space<vmem>>, vector<16xf32>,
          tpu.vector_store %arg15[%parallel_loop3A_128], %parallel_loop3A_123 {strides = array<i32>} : memref<4096xf32, #tpu.memory_space<vmem>>, vector<16xf32>,
        } {sc.loop_unroll_factor = 1 : i64, sc.parallel_access}
        %mul3A_51 = arith.constant 128 : i32
        %mul3A_52 = arith.muli %scan3A_46, %mul3A_51 : i32
        %mul3A_53 = arith.constant 32 : i32
        %mul3A_54 = arith.muli %mul3A_52, %mul3A_53 : i32
        "tpu.region"() ({
          %run_scoped3A = tpu.sem_alloc : memref<!tpu.dma_semaphore, #tpu.memory_space<semaphore_mem>>
          %dma_start3A = tpu.memref_slice %arg8[%add3A, %sub3A_21, %mul3A_54] : memref<12x2x32768xf32, #tpu.memory_space<hbm>> -> memref<1x1x4096xf32, #tpu.memory_space<hbm>>
          %dma_start3A_56 = tpu.memref_squeeze %dma_start3A : memref<1x1x4096xf32, #tpu.memory_space<hbm>> -> memref<4096xf32, #tpu.memory_space<hbm>>
          %dma_start3A_57 = tpu.memref_slice %arg8[%add3A, %sub3A_21, %mul3A_54] : memref<12x2x32768xf32, #tpu.memory_space<hbm>> -> memref<1x1x4096xf32, #tpu.memory_space<hbm>>
          %dma_start3A_58 = tpu.memref_squeeze %dma_start3A_57 : memref<1x1x4096xf32, #tpu.memory_space<hbm>> -> memref<4096xf32, #tpu.memory_space<hbm>>
          tpu.enqueue_dma source(%arg15 : memref<4096xf32, #tpu.memory_space<vmem>>) target(%dma_start3A_58 : memref<4096xf32, #tpu.memory_space<hbm>>) target_semaphore(%run_scoped3A : memref<!tpu.dma_semaphore, #tpu.memory_space<semaphore_mem>>)
          %dma_wait3A = tpu.memref_slice %arg8[%add3A, %sub3A_21, %mul3A_54] : memref<12x2x32768xf32, #tpu.memory_space<hbm>> -> memref<1x1x4096xf32, #tpu.memory_space<hbm>>
          %dma_wait3A_59 = tpu.memref_squeeze %dma_wait3A : memref<1x1x4096xf32, #tpu.memory_space<hbm>> -> memref<4096xf32, #tpu.memory_space<hbm>>
          %dma_wait3A_60 = tpu.memref_slice %arg8[%add3A, %sub3A_21, %mul3A_54] : memref<12x2x32768xf32, #tpu.memory_space<hbm>> -> memref<1x1x4096xf32, #tpu.memory_space<hbm>>
          %dma_wait3A_61 = tpu.memref_squeeze %dma_wait3A_60 : memref<1x1x4096xf32, #tpu.memory_space<hbm>> -> memref<4096xf32, #tpu.memory_space<hbm>>
          tpu.wait_dma2 semaphore(%run_scoped3A : memref<!tpu.dma_semaphore, #tpu.memory_space<semaphore_mem>>) src(%arg15 : memref<4096xf32, #tpu.memory_space<vmem>>) dst(%dma_wait3A_61 : memref<4096xf32, #tpu.memory_space<hbm>>)
          tpu.yield
        }) : () -> ()
        %scan3A_55 = arith.constant 0 : i32
        scf.yield %scan3A_55 : i32
      }
      %scan3A_45 = arith.constant 8 : i32
    } else {
    }
    return
  }
}

module attributes {stable_mosaic.version = 14 : i64} {
  func.func @_prep_body(%arg0: i32, %arg1: memref<8x1x1000x2xf32, #tpu.memory_space<vmem>>, %arg2: memref<2x64xf32, #tpu.memory_space<vmem>>, %arg3: memref<1x64xf32, #tpu.memory_space<vmem>>, %arg4: memref<1x64xf32, #tpu.memory_space<vmem>>, %arg5: memref<1x64xf32, #tpu.memory_space<vmem>>, %arg6: memref<1x8000x64xf32, #tpu.memory_space<vmem>>, %arg7: memref<1x2048x32xf32, #tpu.memory_space<vmem>>, %arg8: memref<1x2048x5xf32, #tpu.memory_space<vmem>>, %arg9: memref<1x2048x5xf32, #tpu.memory_space<vmem>>) attributes {dimension_semantics = [#tpu.dimension_semantics<arbitrary>], iteration_bounds = array<i64: 12>, scalar_prefetch = 0 : i64, scratch_operands = 0 : i64, tpu.core_type = #tpu.core_type<tc>, window_params = [{transform_indices = @transform_0, window_bounds = array<i64: 8, 1, 1000, 2>}, {pipeline_mode = #tpu.pipeline_mode<synchronous>, transform_indices = @transform_1, window_bounds = array<i64: 2, 64>}, {pipeline_mode = #tpu.pipeline_mode<synchronous>, transform_indices = @transform_2, window_bounds = array<i64: 1, 64>}, {pipeline_mode = #tpu.pipeline_mode<synchronous>, transform_indices = @transform_3, window_bounds = array<i64: 1, 64>}, {pipeline_mode = #tpu.pipeline_mode<synchronous>, transform_indices = @transform_4, window_bounds = array<i64: 1, 64>}, {transform_indices = @transform_5, window_bounds = array<i64: 1, 8000, 64>}, {transform_indices = @transform_6, window_bounds = array<i64: 1, 2048, 32>}, {transform_indices = @transform_7, window_bounds = array<i64: 1, 2048, 5>}, {transform_indices = @transform_8, window_bounds = array<i64: 1, 2048, 5>}]} {
    %get3A = arith.constant 0 : index
    %get3A_0 = arith.constant 0 : index
    %get3A_1 = arith.constant 0 : index
    %get3A_2 = arith.constant 0 : index
    %get3A_3 = vector.load %arg1[%get3A, %get3A_0, %get3A_1, %get3A_2] : memref<8x1x1000x2xf32, #tpu.memory_space<vmem>>, vector<8x1x1000x2xf32>
    %get3A_4 = vector.shape_cast %get3A_3 : vector<8x1x1000x2xf32> to vector<8x1000x2xf32>
    %reshape3A = vector.shape_cast %get3A_4 : vector<8x1000x2xf32> to vector<8000x2xf32>
    %get3A_5 = arith.constant 0 : index
    %get3A_6 = arith.constant 0 : index
    %get3A_7 = vector.load %arg2[%get3A_5, %get3A_6] : memref<2x64xf32, #tpu.memory_space<vmem>>, vector<2x64xf32>
    %slice3A = vector.extract_strided_slice %reshape3A {offsets = [0, 0], sizes = [8000, 1], strides = [1, 1]} : vector<8000x2xf32> to vector<8000x1xf32>
    %slice3A_8 = vector.extract_strided_slice %reshape3A {offsets = [0, 1], sizes = [8000, 1], strides = [1, 1]} : vector<8000x2xf32> to vector<8000x1xf32>
    %slice3A_9 = vector.extract_strided_slice %get3A_7 {offsets = [0, 0], sizes = [1, 64], strides = [1, 1]} : vector<2x64xf32> to vector<1x64xf32>
    %mul3A = vector.broadcast %slice3A : vector<8000x1xf32> to vector<8000x64xf32>
    %mul3A_10 = vector.broadcast %slice3A_9 : vector<1x64xf32> to vector<8000x64xf32>
    %mul3A_11 = arith.mulf %mul3A, %mul3A_10 : vector<8000x64xf32>
    %slice3A_12 = vector.extract_strided_slice %get3A_7 {offsets = [1, 0], sizes = [1, 64], strides = [1, 1]} : vector<2x64xf32> to vector<1x64xf32>
    %mul3A_13 = vector.broadcast %slice3A_8 : vector<8000x1xf32> to vector<8000x64xf32>
    %mul3A_14 = vector.broadcast %slice3A_12 : vector<1x64xf32> to vector<8000x64xf32>
    %mul3A_15 = arith.mulf %mul3A_13, %mul3A_14 : vector<8000x64xf32>
    %add3A = arith.addf %mul3A_11, %mul3A_15 : vector<8000x64xf32>
    %get3A_16 = arith.constant 0 : index
    %get3A_17 = arith.constant 0 : index
    %get3A_18 = vector.load %arg5[%get3A_16, %get3A_17] : memref<1x64xf32, #tpu.memory_space<vmem>>, vector<1x64xf32>
    %add3A_19 = vector.broadcast %get3A_18 : vector<1x64xf32> to vector<8000x64xf32>
    %add3A_20 = arith.addf %add3A, %add3A_19 : vector<8000x64xf32>
    %gt3A = arith.constant 0.000000e+00 : f32
    %gt3A_21 = vector.broadcast %gt3A : f32 to vector<8000x64xf32>
    %gt3A_22 = arith.cmpf ogt, %add3A_20, %gt3A_21 : vector<8000x64xf32>
    %min3A = arith.constant 0.000000e+00 : f32
    %min3A_23 = vector.broadcast %min3A : f32 to vector<8000x64xf32>
    %min3A_24 = arith.minimumf %add3A_20, %min3A_23 : vector<8000x64xf32>
    %exp3A = math.exp %min3A_24 : vector<8000x64xf32>
    %sub3A = arith.constant 1.000000e+00 : f32
    %sub3A_25 = vector.broadcast %sub3A : f32 to vector<8000x64xf32>
    %sub3A_26 = arith.subf %exp3A, %sub3A_25 : vector<8000x64xf32>
    %select_n3A = arith.select %gt3A_22, %add3A_20, %sub3A_26 : vector<8000x64xi1>, vector<8000x64xf32>
    %swap3A = arith.constant 0 : index
    %swap3A_27 = arith.constant 0 : index
    %swap3A_28 = arith.constant 0 : index
    %swap3A_29 = vector.load %arg6[%swap3A, %swap3A_27, %swap3A_28] : memref<1x8000x64xf32, #tpu.memory_space<vmem>>, vector<1x8000x64xf32>
    %swap3A_30 = vector.shape_cast %swap3A_29 : vector<1x8000x64xf32> to vector<8000x64xf32>
    %swap3A_31 = vector.shape_cast %select_n3A : vector<8000x64xf32> to vector<1x8000x64xf32>
    tpu.vector_store %arg6[%swap3A, %swap3A_27, %swap3A_28], %swap3A_31 {strides = array<i32>} : memref<1x8000x64xf32, #tpu.memory_space<vmem>>, vector<1x8000x64xf32>,
    %slice3A_32 = vector.extract_strided_slice %add3A {offsets = [0, 0], sizes = [1000, 64], strides = [1, 1]} : vector<8000x64xf32> to vector<1000x64xf32>
    %broadcast_in_dim3A = arith.constant 0.000000e+00 : f32
    %broadcast_in_dim3A_33 = vector.broadcast %broadcast_in_dim3A : f32 to vector<24x32xf32>
    %slice3A_34 = vector.extract_strided_slice %slice3A_32 {offsets = [0, 0], sizes = [1000, 32], strides = [1, 1]} : vector<1000x64xf32> to vector<1000x32xf32>
    %slice3A_35 = vector.extract_strided_slice %slice3A_32 {offsets = [0, 32], sizes = [1000, 32], strides = [1, 1]} : vector<1000x64xf32> to vector<1000x32xf32>
    %concatenate3A = tpu.concatenate %slice3A_34, %broadcast_in_dim3A_33, %slice3A_35, %broadcast_in_dim3A_33 in 0 : vector<1000x32xf32>, vector<24x32xf32>, vector<1000x32xf32>, vector<24x32xf32> -> vector<2048x32xf32>
    %swap3A_36 = arith.constant 0 : index
    %swap3A_37 = arith.constant 0 : index
    %swap3A_38 = arith.constant 0 : index
    %swap3A_39 = vector.load %arg7[%swap3A_36, %swap3A_37, %swap3A_38] : memref<1x2048x32xf32, #tpu.memory_space<vmem>>, vector<1x2048x32xf32>
    %swap3A_40 = vector.shape_cast %swap3A_39 : vector<1x2048x32xf32> to vector<2048x32xf32>
    %swap3A_41 = vector.shape_cast %concatenate3A : vector<2048x32xf32> to vector<1x2048x32xf32>
    tpu.vector_store %arg7[%swap3A_36, %swap3A_37, %swap3A_38], %swap3A_41 {strides = array<i32>} : memref<1x2048x32xf32, #tpu.memory_space<vmem>>, vector<1x2048x32xf32>,
    %get3A_42 = arith.constant 0 : index
    %get3A_43 = arith.constant 0 : index
    %get3A_44 = vector.load %arg3[%get3A_42, %get3A_43] : memref<1x64xf32, #tpu.memory_space<vmem>>, vector<1x64xf32>
    %mul3A_45 = vector.broadcast %get3A_44 : vector<1x64xf32> to vector<1000x64xf32>
    %mul3A_46 = arith.mulf %slice3A_32, %mul3A_45 : vector<1000x64xf32>
    %reshape3A_47 = vector.shape_cast %mul3A_46 : vector<1000x64xf32> to vector<1000x8x8xf32>
    %reduce_sum3A = arith.constant dense<0.000000e+00> : vector<1000x8xf32>
    %reduce_sum3A_48 = vector.multi_reduction <add>, %reshape3A_47, %reduce_sum3A [2] : vector<1000x8x8xf32> to vector<1000x8xf32>
    %get3A_49 = arith.constant 0 : index
    %get3A_50 = arith.constant 0 : index
    %get3A_51 = vector.load %arg4[%get3A_49, %get3A_50] : memref<1x64xf32, #tpu.memory_space<vmem>>, vector<1x64xf32>
    %mul3A_52 = vector.broadcast %get3A_51 : vector<1x64xf32> to vector<1000x64xf32>
    %mul3A_53 = arith.mulf %slice3A_32, %mul3A_52 : vector<1000x64xf32>
    %reshape3A_54 = vector.shape_cast %mul3A_53 : vector<1000x64xf32> to vector<1000x8x8xf32>
    %reduce_sum3A_55 = arith.constant dense<0.000000e+00> : vector<1000x8xf32>
    %reduce_sum3A_56 = vector.multi_reduction <add>, %reshape3A_54, %reduce_sum3A_55 [2] : vector<1000x8x8xf32> to vector<1000x8xf32>
    %broadcast_in_dim3A_57 = arith.constant 0.000000e+00 : f32
    %broadcast_in_dim3A_58 = vector.broadcast %broadcast_in_dim3A_57 : f32 to vector<1000x1xf32>
    %broadcast_in_dim3A_59 = arith.constant 0.000000e+00 : f32
    %broadcast_in_dim3A_60 = vector.broadcast %broadcast_in_dim3A_59 : f32 to vector<24x5xf32>
    %slice3A_61 = vector.extract_strided_slice %reduce_sum3A_48 {offsets = [0, 0], sizes = [1000, 4], strides = [1, 1]} : vector<1000x8xf32> to vector<1000x4xf32>
    %concatenate3A_62 = tpu.concatenate %slice3A_61, %broadcast_in_dim3A_58 in 1 : vector<1000x4xf32>, vector<1000x1xf32> -> vector<1000x5xf32>
    %slice3A_63 = vector.extract_strided_slice %reduce_sum3A_48 {offsets = [0, 4], sizes = [1000, 4], strides = [1, 1]} : vector<1000x8xf32> to vector<1000x4xf32>
    %concatenate3A_64 = tpu.concatenate %slice3A_63, %broadcast_in_dim3A_58 in 1 : vector<1000x4xf32>, vector<1000x1xf32> -> vector<1000x5xf32>
    %concatenate3A_65 = tpu.concatenate %concatenate3A_62, %broadcast_in_dim3A_60, %concatenate3A_64, %broadcast_in_dim3A_60 in 0 : vector<1000x5xf32>, vector<24x5xf32>, vector<1000x5xf32>, vector<24x5xf32> -> vector<2048x5xf32>
    %swap3A_66 = arith.constant 0 : index
    %swap3A_67 = arith.constant 0 : index
    %swap3A_68 = arith.constant 0 : index
    %swap3A_69 = vector.load %arg8[%swap3A_66, %swap3A_67, %swap3A_68] : memref<1x2048x5xf32, #tpu.memory_space<vmem>>, vector<1x2048x5xf32>
    %swap3A_70 = vector.shape_cast %swap3A_69 : vector<1x2048x5xf32> to vector<2048x5xf32>
    %swap3A_71 = vector.shape_cast %concatenate3A_65 : vector<2048x5xf32> to vector<1x2048x5xf32>
    tpu.vector_store %arg8[%swap3A_66, %swap3A_67, %swap3A_68], %swap3A_71 {strides = array<i32>} : memref<1x2048x5xf32, #tpu.memory_space<vmem>>, vector<1x2048x5xf32>,
    %slice3A_72 = vector.extract_strided_slice %reduce_sum3A_56 {offsets = [0, 0], sizes = [1000, 4], strides = [1, 1]} : vector<1000x8xf32> to vector<1000x4xf32>
    %concatenate3A_73 = tpu.concatenate %slice3A_72, %broadcast_in_dim3A_58 in 1 : vector<1000x4xf32>, vector<1000x1xf32> -> vector<1000x5xf32>
    %slice3A_74 = vector.extract_strided_slice %reduce_sum3A_56 {offsets = [0, 4], sizes = [1000, 4], strides = [1, 1]} : vector<1000x8xf32> to vector<1000x4xf32>
    %concatenate3A_75 = tpu.concatenate %slice3A_74, %broadcast_in_dim3A_58 in 1 : vector<1000x4xf32>, vector<1000x1xf32> -> vector<1000x5xf32>
    %concatenate3A_76 = tpu.concatenate %concatenate3A_73, %broadcast_in_dim3A_60, %concatenate3A_75, %broadcast_in_dim3A_60 in 0 : vector<1000x5xf32>, vector<24x5xf32>, vector<1000x5xf32>, vector<24x5xf32> -> vector<2048x5xf32>
    %swap3A_77 = arith.constant 0 : index
    %swap3A_78 = arith.constant 0 : index
    %swap3A_79 = arith.constant 0 : index
    %swap3A_80 = vector.load %arg9[%swap3A_77, %swap3A_78, %swap3A_79] : memref<1x2048x5xf32, #tpu.memory_space<vmem>>, vector<1x2048x5xf32>
    %swap3A_81 = vector.shape_cast %swap3A_80 : vector<1x2048x5xf32> to vector<2048x5xf32>
    %swap3A_82 = vector.shape_cast %concatenate3A_76 : vector<2048x5xf32> to vector<1x2048x5xf32>
    tpu.vector_store %arg9[%swap3A_77, %swap3A_78, %swap3A_79], %swap3A_82 {strides = array<i32>} : memref<1x2048x5xf32, #tpu.memory_space<vmem>>, vector<1x2048x5xf32>,
    return
  }
  func.func @transform_0(%arg0: i32) -> (i32, i32, i32, i32) {
    %c0_i32 = arith.constant 0 : i32
    %c0_i32_0 = arith.constant 0 : i32
    %c0_i32_1 = arith.constant 0 : i32
    %c0_i32_2 = arith.constant 0 : i32
    return %c0_i32, %arg0, %c0_i32_0, %c0_i32_1 : i32, i32, i32, i32
  }
  func.func @transform_1(%arg0: i32) -> (i32, i32) {
    %c0_i32 = arith.constant 0 : i32
    %c0_i32_0 = arith.constant 0 : i32
    %c0_i32_1 = arith.constant 0 : i32
    return %c0_i32, %c0_i32_0 : i32, i32
  }
  func.func @transform_2(%arg0: i32) -> (i32, i32) {
    %c0_i32 = arith.constant 0 : i32
    %c0_i32_0 = arith.constant 0 : i32
    %c0_i32_1 = arith.constant 0 : i32
    return %c0_i32, %c0_i32_0 : i32, i32
  }
  func.func @transform_3(%arg0: i32) -> (i32, i32) {
    %c0_i32 = arith.constant 0 : i32
    %c0_i32_0 = arith.constant 0 : i32
    %c0_i32_1 = arith.constant 0 : i32
    return %c0_i32, %c0_i32_0 : i32, i32
  }
  func.func @transform_4(%arg0: i32) -> (i32, i32) {
    %c0_i32 = arith.constant 0 : i32
    %c0_i32_0 = arith.constant 0 : i32
    %c0_i32_1 = arith.constant 0 : i32
    return %c0_i32, %c0_i32_0 : i32, i32
  }
  func.func @transform_5(%arg0: i32) -> (i32, i32, i32) {
    %c0_i32 = arith.constant 0 : i32
    %c0_i32_0 = arith.constant 0 : i32
    %c0_i32_1 = arith.constant 0 : i32
    return %arg0, %c0_i32, %c0_i32_0 : i32, i32, i32
  }
  func.func @transform_6(%arg0: i32) -> (i32, i32, i32) {
    %c0_i32 = arith.constant 0 : i32
    %c0_i32_0 = arith.constant 0 : i32
    %c0_i32_1 = arith.constant 0 : i32
    return %arg0, %c0_i32, %c0_i32_0 : i32, i32, i32
  }
  func.func @transform_7(%arg0: i32) -> (i32, i32, i32) {
    %c0_i32 = arith.constant 0 : i32
    %c0_i32_0 = arith.constant 0 : i32
    %c0_i32_1 = arith.constant 0 : i32
    return %arg0, %c0_i32, %c0_i32_0 : i32, i32, i32
  }
  func.func @transform_8(%arg0: i32) -> (i32, i32, i32) {
    %c0_i32 = arith.constant 0 : i32
    %c0_i32_0 = arith.constant 0 : i32
    %c0_i32_1 = arith.constant 0 : i32
    return %arg0, %c0_i32, %c0_i32_0 : i32, i32, i32
  }
}

module attributes {stable_mosaic.version = 14 : i64} {
  func.func @_lstm_body(%arg0: i32, %arg1: memref<96x6400xf32, #tpu.memory_space<vmem>>, %arg2: memref<12x3200xf32, #tpu.memory_space<vmem>>, %arg3: memref<12x3200xf32, #tpu.memory_space<vmem>>, %arg4: memref<512x6400xf32, #tpu.memory_space<vmem>>, %arg5: memref<512x128xf32, #tpu.memory_space<vmem>>, %arg6: memref<1x512xf32, #tpu.memory_space<vmem>>, %arg7: memref<1x512xf32, #tpu.memory_space<vmem>>, %arg8: memref<2000x128xf32, #tpu.memory_space<vmem>>, %arg9: memref<1x2000xf32, #tpu.memory_space<vmem>>, %arg10: memref<8x2000xf32, #tpu.memory_space<vmem>>, %arg11: memref<96x512xf32, #tpu.memory_space<vmem>>) attributes {dimension_semantics = [#tpu.dimension_semantics<arbitrary>], iteration_bounds = array<i64: 10>, scalar_prefetch = 0 : i64, scratch_operands = 1 : i64, tpu.core_type = #tpu.core_type<tc>, window_params = [{transform_indices = @transform_0, window_bounds = array<i64: 96, 6400>}, {transform_indices = @transform_1, window_bounds = array<i64: 12, 3200>}, {transform_indices = @transform_2, window_bounds = array<i64: 12, 3200>}, {transform_indices = @transform_3, window_bounds = array<i64: 512, 6400>}, {pipeline_mode = #tpu.pipeline_mode<synchronous>, transform_indices = @transform_4, window_bounds = array<i64: 512, 128>}, {pipeline_mode = #tpu.pipeline_mode<synchronous>, transform_indices = @transform_5, window_bounds = array<i64: 1, 512>}, {pipeline_mode = #tpu.pipeline_mode<synchronous>, transform_indices = @transform_6, window_bounds = array<i64: 1, 512>}, {pipeline_mode = #tpu.pipeline_mode<synchronous>, transform_indices = @transform_7, window_bounds = array<i64: 2000, 128>}, {pipeline_mode = #tpu.pipeline_mode<synchronous>, transform_indices = @transform_8, window_bounds = array<i64: 1, 2000>}, {pipeline_mode = #tpu.pipeline_mode<synchronous>, transform_indices = @transform_9, window_bounds = array<i64: 8, 2000>}]} {
    %eq3A = arith.constant 0 : i32
    %eq3A_0 = arith.cmpi eq, %arg0, %eq3A : i32
    %convert_element_type3A = arith.extui %eq3A_0 : i1 to i32
    %cond3A = arith.constant 0 : i32
    %cond3A_1 = arith.cmpi ne, %convert_element_type3A, %cond3A : i32
    scf.if %cond3A_1 {
      %broadcast_in_dim3A_49 = arith.constant 0.000000e+00 : f32
      %broadcast_in_dim3A_50 = vector.broadcast %broadcast_in_dim3A_49 : f32 to vector<96x512xf32>
      %swap3A_51 = arith.constant 0 : index
      %swap3A_52 = arith.constant 0 : index
      %swap3A_53 = vector.load %arg11[%swap3A_51, %swap3A_52] : memref<96x512xf32, #tpu.memory_space<vmem>>, vector<96x512xf32>
      tpu.vector_store %arg11[%swap3A_51, %swap3A_52], %broadcast_in_dim3A_50 {strides = array<i32>} : memref<96x512xf32, #tpu.memory_space<vmem>>, vector<96x512xf32>,
    } else {
    }
    %get3A = arith.constant 0 : index
    %get3A_2 = arith.constant 0 : index
    %get3A_3 = vector.load %arg1[%get3A, %get3A_2] : memref<96x6400xf32, #tpu.memory_space<vmem>>, vector<96x6400xf32>
    %get3A_4 = arith.constant 0 : index
    %get3A_5 = arith.constant 0 : index
    %get3A_6 = vector.load %arg2[%get3A_4, %get3A_5] : memref<12x3200xf32, #tpu.memory_space<vmem>>, vector<12x3200xf32>
    %reshape3A = vector.shape_cast %get3A_6 : vector<12x3200xf32> to vector<12x100x32xf32>
    %get3A_7 = arith.constant 0 : index
    %get3A_8 = arith.constant 0 : index
    %get3A_9 = vector.load %arg3[%get3A_7, %get3A_8] : memref<12x3200xf32, #tpu.memory_space<vmem>>, vector<12x3200xf32>
    %reshape3A_10 = vector.shape_cast %get3A_9 : vector<12x3200xf32> to vector<12x100x32xf32>
    %concatenate3A = tpu.concatenate %reshape3A, %reshape3A_10 in 2 : vector<12x100x32xf32>, vector<12x100x32xf32> -> vector<12x100x64xf32>
    %reshape3A_11 = vector.shape_cast %concatenate3A : vector<12x100x64xf32> to vector<12x6400xf32>
    %broadcast_in_dim3A = vector.shape_cast %reshape3A_11 : vector<12x6400xf32> to vector<12x1x6400xf32>
    %broadcast_in_dim3A_12 = vector.shape_cast %broadcast_in_dim3A : vector<12x1x6400xf32> to vector<12x1x6400xf32>
    %broadcast_in_dim3A_13 = vector.broadcast %broadcast_in_dim3A_12 : vector<12x1x6400xf32> to vector<12x8x6400xf32>
    %reshape3A_14 = vector.shape_cast %broadcast_in_dim3A_13 : vector<12x8x6400xf32> to vector<96x6400xf32>
    %iota3A = tpu.iota {dimensions = array<i32: 0>} : vector<96x6400xi32>
    %jit3A = arith.constant 8 : i32
    %eq3A_15 = arith.constant 0 : i32
    %eq3A_16 = arith.cmpi eq, %jit3A, %eq3A_15 : i32
    %jit3A_17 = arith.constant 1 : i32
    %select_n3A = arith.select %eq3A_16, %jit3A_17, %jit3A : i32
    %rem3A = vector.broadcast %select_n3A : i32 to vector<96x6400xi32>
    %rem3A_18 = arith.remsi %iota3A, %rem3A : vector<96x6400xi32>
    %ne3A = arith.constant 0 : i32
    %ne3A_19 = vector.broadcast %ne3A : i32 to vector<96x6400xi32>
    %ne3A_20 = arith.cmpi ne, %rem3A_18, %ne3A_19 : vector<96x6400xi32>
    %lt3A = arith.constant 0 : i32
    %lt3A_21 = vector.broadcast %lt3A : i32 to vector<96x6400xi32>
    %lt3A_22 = arith.cmpi slt, %rem3A_18, %lt3A_21 : vector<96x6400xi32>
    %lt3A_23 = arith.constant 0 : i32
    %lt3A_24 = arith.cmpi slt, %select_n3A, %lt3A_23 : i32
    %ne3A_25 = vector.broadcast %lt3A_24 : i1 to vector<96x6400xi1>
    %ne3A_26 = vector.broadcast %ne3A_25 : vector<96x6400xi1> to vector<96x6400xi1>
    %ne3A_27 = arith.xori %lt3A_22, %ne3A_26 : vector<96x6400xi1>
    %and3A = arith.andi %ne3A_27, %ne3A_20 : vector<96x6400xi1>
    %add3A = vector.broadcast %select_n3A : i32 to vector<96x6400xi32>
    %add3A_28 = arith.addi %rem3A_18, %add3A : vector<96x6400xi32>
    %select_n3A_29 = arith.select %and3A, %add3A_28, %rem3A_18 : vector<96x6400xi1>, vector<96x6400xi32>
    %eq3A_30 = arith.constant 0 : i32
    %eq3A_31 = vector.broadcast %eq3A_30 : i32 to vector<96x6400xi32>
    %eq3A_32 = arith.cmpi eq, %select_n3A_29, %eq3A_31 : vector<96x6400xi32>
    %select_n3A_33 = arith.select %eq3A_32, %reshape3A_14, %get3A_3 : vector<96x6400xi1>, vector<96x6400xf32>
    %get3A_34 = arith.constant 0 : index
    %get3A_35 = arith.constant 0 : index
    %get3A_36 = vector.load %arg11[%get3A_34, %get3A_35] : memref<96x512xf32, #tpu.memory_space<vmem>>, vector<96x512xf32>
    %get3A_37 = arith.constant 0 : index
    %get3A_38 = arith.constant 0 : index
    %get3A_39 = vector.load %arg4[%get3A_37, %get3A_38] : memref<512x6400xf32, #tpu.memory_space<vmem>>, vector<512x6400xf32>
    %dot_general3A = arith.constant dense<0.000000e+00> : vector<96x512xf32>
    %dot_general3A_40 = tpu.matmul %select_n3A_33, %get3A_39, %dot_general3A {dimension_numbers = #tpu.dot_dimension_numbers<[1], [1], [0], [0], [0, 0, 1, 0], [], []>, transpose_lhs_hint = false} : vector<96x6400xf32>, vector<512x6400xf32>, vector<96x512xf32> -> vector<96x512xf32>
    %add3A_41 = arith.addf %get3A_36, %dot_general3A_40 : vector<96x512xf32>
    %swap3A = arith.constant 0 : index
    %swap3A_42 = arith.constant 0 : index
    %swap3A_43 = vector.load %arg11[%swap3A, %swap3A_42] : memref<96x512xf32, #tpu.memory_space<vmem>>, vector<96x512xf32>
    tpu.vector_store %arg11[%swap3A, %swap3A_42], %add3A_41 {strides = array<i32>} : memref<96x512xf32, #tpu.memory_space<vmem>>, vector<96x512xf32>,
    %eq3A_44 = arith.constant 9 : i32
    %eq3A_45 = arith.cmpi eq, %arg0, %eq3A_44 : i32
    %convert_element_type3A_46 = arith.extui %eq3A_45 : i1 to i32
    %cond3A_47 = arith.constant 0 : i32
    %cond3A_48 = arith.cmpi ne, %convert_element_type3A_46, %cond3A_47 : i32
    scf.if %cond3A_48 {
      %get3A_49 = arith.constant 0 : index
      %get3A_50 = arith.constant 0 : index
      %get3A_51 = vector.load %arg5[%get3A_49, %get3A_50] : memref<512x128xf32, #tpu.memory_space<vmem>>, vector<512x128xf32>
      %get3A_52 = arith.constant 0 : index
      %get3A_53 = arith.constant 0 : index
      %get3A_54 = vector.load %arg6[%get3A_52, %get3A_53] : memref<1x512xf32, #tpu.memory_space<vmem>>, vector<1x512xf32>
      %get3A_55 = arith.constant 0 : index
      %get3A_56 = arith.constant 0 : index
      %get3A_57 = vector.load %arg7[%get3A_55, %get3A_56] : memref<1x512xf32, #tpu.memory_space<vmem>>, vector<1x512xf32>
      %add3A_58 = arith.addf %get3A_54, %get3A_57 : vector<1x512xf32>
      %broadcast_in_dim3A_59 = arith.constant 0.000000e+00 : f32
      %broadcast_in_dim3A_60 = vector.broadcast %broadcast_in_dim3A_59 : f32 to vector<8x128xf32>
      %broadcast_in_dim3A_61 = arith.constant 0.000000e+00 : f32
      %broadcast_in_dim3A_62 = vector.broadcast %broadcast_in_dim3A_61 : f32 to vector<8x128xf32>
      %scan3A = arith.constant 0 : i32
      %scan3A_63 = arith.constant 12 : i32
      %scan3A_64 = arith.addi %scan3A, %scan3A_63 : i32
      %scan3A_65 = arith.constant 1 : i32
      %scan3A_66:2 = scf.for %scan3A_81 = %scan3A to %scan3A_64 step %scan3A_65 iter_args(%scan3A_82 = %broadcast_in_dim3A_60, %scan3A_83 = %broadcast_in_dim3A_62) -> (vector<8x128xf32>, vector<8x128xf32>)  : i32 {
        %mul3A = arith.constant 8 : i32
        %mul3A_84 = arith.muli %scan3A_81, %mul3A : i32
        %multiple_of3A = tpu.assume_multiple %mul3A_84, 8 : i32
        %get3A_85 = arith.index_cast %multiple_of3A : i32 to index
        %get3A_86 = arith.constant 0 : index
        %get3A_87 = vector.load %arg11[%get3A_85, %get3A_86] : memref<96x512xf32, #tpu.memory_space<vmem>>, vector<8x512xf32>
        %dot_general3A_88 = arith.constant dense<0.000000e+00> : vector<8x512xf32>
        %dot_general3A_89 = tpu.matmul %scan3A_82, %get3A_51, %dot_general3A_88 {dimension_numbers = #tpu.dot_dimension_numbers<[1], [1], [0], [0], [0, 0, 1, 0], [], []>, transpose_lhs_hint = false} : vector<8x128xf32>, vector<512x128xf32>, vector<8x512xf32> -> vector<8x512xf32>
        %add3A_90 = arith.addf %get3A_87, %dot_general3A_89 : vector<8x512xf32>
        %add3A_91 = vector.broadcast %add3A_58 : vector<1x512xf32> to vector<8x512xf32>
        %add3A_92 = arith.addf %add3A_90, %add3A_91 : vector<8x512xf32>
        %slice3A = vector.extract_strided_slice %add3A_92 {offsets = [0, 0], sizes = [8, 128], strides = [1, 1]} : vector<8x512xf32> to vector<8x128xf32>
        %logistic3A = arith.negf %slice3A : vector<8x128xf32>
        %logistic3A_93 = math.exp %logistic3A : vector<8x128xf32>
        %logistic3A_94 = arith.constant 1.000000e+00 : f32
        %logistic3A_95 = vector.broadcast %logistic3A_94 : f32 to vector<8x128xf32>
        %logistic3A_96 = arith.addf %logistic3A_95, %logistic3A_93 : vector<8x128xf32>
        %logistic3A_97 = arith.divf %logistic3A_95, %logistic3A_96 : vector<8x128xf32>
        %slice3A_98 = vector.extract_strided_slice %add3A_92 {offsets = [0, 128], sizes = [8, 128], strides = [1, 1]} : vector<8x512xf32> to vector<8x128xf32>
        %logistic3A_99 = arith.negf %slice3A_98 : vector<8x128xf32>
        %logistic3A_100 = math.exp %logistic3A_99 : vector<8x128xf32>
        %logistic3A_101 = arith.constant 1.000000e+00 : f32
        %logistic3A_102 = vector.broadcast %logistic3A_101 : f32 to vector<8x128xf32>
        %logistic3A_103 = arith.addf %logistic3A_102, %logistic3A_100 : vector<8x128xf32>
        %logistic3A_104 = arith.divf %logistic3A_102, %logistic3A_103 : vector<8x128xf32>
        %slice3A_105 = vector.extract_strided_slice %add3A_92 {offsets = [0, 256], sizes = [8, 128], strides = [1, 1]} : vector<8x512xf32> to vector<8x128xf32>
        %tanh3A = math.tanh %slice3A_105 : vector<8x128xf32>
        %slice3A_106 = vector.extract_strided_slice %add3A_92 {offsets = [0, 384], sizes = [8, 128], strides = [1, 1]} : vector<8x512xf32> to vector<8x128xf32>
        %logistic3A_107 = arith.negf %slice3A_106 : vector<8x128xf32>
        %logistic3A_108 = math.exp %logistic3A_107 : vector<8x128xf32>
        %logistic3A_109 = arith.constant 1.000000e+00 : f32
        %logistic3A_110 = vector.broadcast %logistic3A_109 : f32 to vector<8x128xf32>
        %logistic3A_111 = arith.addf %logistic3A_110, %logistic3A_108 : vector<8x128xf32>
        %logistic3A_112 = arith.divf %logistic3A_110, %logistic3A_111 : vector<8x128xf32>
        %mul3A_113 = arith.mulf %logistic3A_104, %scan3A_83 : vector<8x128xf32>
        %mul3A_114 = arith.mulf %logistic3A_97, %tanh3A : vector<8x128xf32>
        %add3A_115 = arith.addf %mul3A_113, %mul3A_114 : vector<8x128xf32>
        %tanh3A_116 = math.tanh %add3A_115 : vector<8x128xf32>
        %mul3A_117 = arith.mulf %logistic3A_112, %tanh3A_116 : vector<8x128xf32>
        scf.yield %mul3A_117, %add3A_115 : vector<8x128xf32>, vector<8x128xf32>
      }
      %scan3A_67 = arith.constant 12 : i32
      %get3A_68 = arith.constant 0 : index
      %get3A_69 = arith.constant 0 : index
      %get3A_70 = vector.load %arg8[%get3A_68, %get3A_69] : memref<2000x128xf32, #tpu.memory_space<vmem>>, vector<2000x128xf32>
      %dot_general3A_71 = arith.constant dense<0.000000e+00> : vector<8x2000xf32>
      %dot_general3A_72 = tpu.matmul %scan3A_66#0, %get3A_70, %dot_general3A_71 {dimension_numbers = #tpu.dot_dimension_numbers<[1], [1], [0], [0], [0, 0, 1, 0], [], []>, transpose_lhs_hint = false} : vector<8x128xf32>, vector<2000x128xf32>, vector<8x2000xf32> -> vector<8x2000xf32>
      %get3A_73 = arith.constant 0 : index
      %get3A_74 = arith.constant 0 : index
      %get3A_75 = vector.load %arg9[%get3A_73, %get3A_74] : memref<1x2000xf32, #tpu.memory_space<vmem>>, vector<1x2000xf32>
      %add3A_76 = vector.broadcast %get3A_75 : vector<1x2000xf32> to vector<8x2000xf32>
      %add3A_77 = arith.addf %dot_general3A_72, %add3A_76 : vector<8x2000xf32>
      %swap3A_78 = arith.constant 0 : index
      %swap3A_79 = arith.constant 0 : index
      %swap3A_80 = vector.load %arg10[%swap3A_78, %swap3A_79] : memref<8x2000xf32, #tpu.memory_space<vmem>>, vector<8x2000xf32>
      tpu.vector_store %arg10[%swap3A_78, %swap3A_79], %add3A_77 {strides = array<i32>} : memref<8x2000xf32, #tpu.memory_space<vmem>>, vector<8x2000xf32>,
    } else {
    }
    return
  }
  func.func @transform_0(%arg0: i32) -> (i32, i32) {
    %c0_i32 = arith.constant 0 : i32
    %c0_i32_0 = arith.constant 0 : i32
    return %c0_i32, %arg0 : i32, i32
  }
  func.func @transform_1(%arg0: i32) -> (i32, i32) {
    %c0_i32 = arith.constant 0 : i32
    %c0_i32_0 = arith.constant 0 : i32
    return %c0_i32, %arg0 : i32, i32
  }
  func.func @transform_2(%arg0: i32) -> (i32, i32) {
    %c0_i32 = arith.constant 0 : i32
    %c0_i32_0 = arith.constant 0 : i32
    return %c0_i32, %arg0 : i32, i32
  }
  func.func @transform_3(%arg0: i32) -> (i32, i32) {
    %c0_i32 = arith.constant 0 : i32
    %c0_i32_0 = arith.constant 0 : i32
    return %c0_i32, %arg0 : i32, i32
  }
  func.func @transform_4(%arg0: i32) -> (i32, i32) {
    %c0_i32 = arith.constant 0 : i32
    %c0_i32_0 = arith.constant 0 : i32
    %c0_i32_1 = arith.constant 0 : i32
    return %c0_i32, %c0_i32_0 : i32, i32
  }
  func.func @transform_5(%arg0: i32) -> (i32, i32) {
    %c0_i32 = arith.constant 0 : i32
    %c0_i32_0 = arith.constant 0 : i32
    %c0_i32_1 = arith.constant 0 : i32
    return %c0_i32, %c0_i32_0 : i32, i32
  }
  func.func @transform_6(%arg0: i32) -> (i32, i32) {
    %c0_i32 = arith.constant 0 : i32
    %c0_i32_0 = arith.constant 0 : i32
    %c0_i32_1 = arith.constant 0 : i32
    return %c0_i32, %c0_i32_0 : i32, i32
  }
  func.func @transform_7(%arg0: i32) -> (i32, i32) {
    %c0_i32 = arith.constant 0 : i32
    %c0_i32_0 = arith.constant 0 : i32
    %c0_i32_1 = arith.constant 0 : i32
    return %c0_i32, %c0_i32_0 : i32, i32
  }
  func.func @transform_8(%arg0: i32) -> (i32, i32) {
    %c0_i32 = arith.constant 0 : i32
    %c0_i32_0 = arith.constant 0 : i32
    %c0_i32_1 = arith.constant 0 : i32
    return %c0_i32, %c0_i32_0 : i32, i32
  }
  func.func @transform_9(%arg0: i32) -> (i32, i32) {
    %c0_i32 = arith.constant 0 : i32
    %c0_i32_0 = arith.constant 0 : i32
    %c0_i32_1 = arith.constant 0 : i32
    return %c0_i32, %c0_i32_0 : i32, i32
  }
}

</mosaic_0001>

<sc_bundles>
// kernel: kernel.5.cloned.1.call-start
scs
__scs_entry_jumppad:
0x0: {  	(pc) =	sbr.rel $0x88, $3  }
0x1: {  	(tag) =	ssettag $0x0;
	lr =	simm.s32 $0x1  }
0x2: {  	[smem:$0x3F95] =	sst lr;
	_ =	strace $0xD0000000  }
0x3: {  	_ = 	snop  }
0x4: {  	_ = 	snop  }
0x5: {  	_ = 	snop  }
0x6: {  	_ = 	snop  }
0x7: {  	_ = 	snop  }
__scs_overlays_trampoline_lowered:
0x8: {  	[smem:$0x3FA4] =	sst s0  }
0x9: {  	[smem:$0x3FA5] =	sst s1  }
0xa: {  	[smem:$0x3FA6] =	sst s2  }
0xb: {  	[smem:$0x3FA7] =	sst s3  }
0xc: {  	[smem:$0x3FA8] =	sst s4  }
0xd: {  	[smem:$0x3FA9] =	sst s5  }
0xe: {  	[smem:$0x3FAA] =	sst s6  }
0xf: {  	[smem:$0x3FAB] =	sst s7  }
0x10: {  	[smem:$0x3FAC] =	sst s8  }
0x11: {  	[smem:$0x3FAD] =	sst s9;
	s0 =	simm.s32 @!p0 $0x0  }
0x12: {  	s1 =	sld [smem:$0x3F93];
	s0 =	simm.s32 @p0 $0x1  }
0x13: {  	[smem:$0x3FAE] =	sst s0;
	s0 =	simm.s32 @!p1 $0x0  }
0x14: {  	s2 =	sld [smem:$0x3F92];
	s0 =	simm.s32 @p1 $0x1  }
0x15: {  	[smem:$0x3FAF] =	sst s0;
	s0 =	simm.s32 @!p2 $0x0  }
0x16: {  	s3 =	sld [smem:$0x3FDB];
	s0 =	simm.s32 @p2 $0x1  }
0x17: {  	s4 =	simm.s32 $0x1BF5;
	[smem:$0x3FB1] =	sst s0  }
0x18: {  	s0 =	sld [smem:$0x3F94];
	_ =	swait.ge [sflag:s4], $0x0  }
0x19: {  	s7 =	sld [smem:$0x3F95]  }
0x1a: {  	s8 =	sadd.s32 $0xFFFFE003, lr  }
0x1b: {  	s9 =	sadd.s32 $0xFFFFFEF7, lr;
	s5 =	simm.s32 $0xFFFFFFFF;
	p2 =	slt.u32 s8, $0xFFFFF086  }
0x1c: {  	p1 =	slt.u32 s9, $0xF7A;
	s5 =	simm.s32 @!p2 $0x0  }
0x1d: {  	s5 =	simm.s32 @p1 $0x1;
	p0 =	seq.s32 s7, s2  }
0x1e: {  	s7 =	smul.u32 @!p0 $0xF7A, s2;
	p2 =	seq.s32 @!p0 s5, $0x0  }
0x1f: {  	s9 =	smul.u32 $0xF7A, s1;
	s8 =	simm.s32 @!p0 $0x1BF5;
	p2 =	por !p2, p0  }
0x20: {  	[sflag:s8] =	ssyncset.s32 @!p0 $0xFFFFF086;
	s6 =	sadd.s32 @!p0 s3, s7;
	s7 =	simm.s32 @!p0 $0x108  }
0x21: {  	s3 =	sadd.s32 s3, s9;
	s6 =	sadd.s32 @!p0 $0x88, s6;
	s7 =	simm.s32 @p2 $0x1082  }
0x22: {  	[simem:s7], [sflag:s8] =	dma.local @!p0 [hbm:s6], $0xF7A  }
0x23: {  	s9 =	sor.u32 $0xD0000000, s2;
	s6 =	simm.s32 $0x108;
	_ =	swait.ge @!p0 [sflag:s8], $0x0  }
0x24: {  	s3 =	sadd.s32 $0x88, s3;
	s6 =	simm.s32 @!p1 $0x1082;
	[sflag:s4] =	ssyncset.s32 $0xFFFFF086  }
0x25: {  	[simem:s6], [sflag:s4] =	dma.local [hbm:s3], $0xF7A  }
0x26: {  	[smem:$0x3F95] =	sst s1;
	(tag) =	ssettag s2;
	_ =	strace s9  }
0x27: {  	s1 =	sld [smem:$0x3FA5]  }
0x28: {  	s2 =	sld [smem:$0x3FA6]  }
0x29: {  	s4 =	sld [smem:$0x3FA8]  }
0x2a: {  	p0 =	seq.s32 s5, $0x0;
	s5 =	sld [smem:$0x3FA9]  }
0x2b: {  	s6 =	sld [smem:$0x3FAA]  }
0x2c: {  	s7 =	sld [smem:$0x3FAB]  }
0x2d: {  	s3 =	simm.s32 $0x108;
	s8 =	sld [smem:$0x3FAC]  }
0x2e: {  	s3 =	simm.s32 @!p0 $0x1082;
	s9 =	sld [smem:$0x3FAD]  }
0x2f: {  	lr =	sadd.s32 s0, s3;
	s0 =	sld [smem:$0x3FA4]  }
0x30: {  	s3 =	sld [smem:$0x3FA7]  }
0x31: {  	[smem:$0x3FB0] =	sst s10  }
0x32: {  	s10 =	sld [smem:$0x3FAE];
	_ =	sdelay $0x3  }
0x33: {  	p0 =	seq.s32 s10, $0x1;
	s10 =	sld [smem:$0x3FB0];
	_ =	sdelay $0x3  }
0x34: {  	[smem:$0x3FB0] =	sst s10  }
0x35: {  	s10 =	sld [smem:$0x3FAF];
	_ =	sdelay $0x3  }
0x36: {  	p1 =	seq.s32 s10, $0x1;
	s10 =	sld [smem:$0x3FB0];
	_ =	sdelay $0x3  }
0x37: {  	[smem:$0x3FB0] =	sst s10  }
0x38: {  	s10 =	sld [smem:$0x3FB1]  }
0x39: {  	_ = 	snop;
	(pc) =	sbr.ind lr, $3  }
0x3a: {  	_ = 	snop  }
0x3b: {  	_ = 	snop  }
0x3c: {  	p2 =	seq.s32 s10, $0x1;
	s10 =	sld [smem:$0x3FB0]  }
0x3d: {  	_ =	shalt  }
0x3e: {  	_ =	shalt  }
0x3f: {  	_ =	shalt  }
0x40: {  	_ =	shalt  }
0x41: {  	_ =	shalt  }
0x42: {  	_ =	shalt  }
0x43: {  	_ =	shalt  }
0x44: {  	_ =	shalt  }
0x45: {  	_ =	shalt  }
0x46: {  	_ =	shalt  }
0x47: {  	_ =	shalt  }
0x48: {  	_ =	shalt  }
0x49: {  	_ =	shalt  }
0x4a: {  	_ =	shalt  }
0x4b: {  	_ =	shalt  }
0x4c: {  	_ =	shalt  }
0x4d: {  	_ =	shalt  }
0x4e: {  	_ =	shalt  }
0x4f: {  	_ =	shalt  }
0x50: {  	_ =	shalt  }
0x51: {  	_ =	shalt  }
0x52: {  	_ =	shalt  }
0x53: {  	_ =	shalt  }
0x54: {  	_ =	shalt  }
0x55: {  	_ =	shalt  }
0x56: {  	_ =	shalt  }
0x57: {  	_ =	shalt  }
0x58: {  	_ =	shalt  }
0x59: {  	_ =	shalt  }
0x5a: {  	_ =	shalt  }
0x5b: {  	_ =	shalt  }
0x5c: {  	_ =	shalt  }
0x5d: {  	_ =	shalt  }
0x5e: {  	_ =	shalt  }
0x5f: {  	_ =	shalt  }
0x60: {  	_ =	shalt  }
0x61: {  	_ =	shalt  }
0x62: {  	_ =	shalt  }
0x63: {  	_ =	shalt  }
0x64: {  	_ =	shalt  }
0x65: {  	_ =	shalt  }
0x66: {  	_ =	shalt  }
0x67: {  	_ =	shalt  }
0x68: {  	_ =	shalt  }
0x69: {  	_ =	shalt  }
0x6a: {  	_ =	shalt  }
0x6b: {  	_ =	shalt  }
0x6c: {  	_ =	shalt  }
0x6d: {  	_ =	shalt  }
0x6e: {  	_ =	shalt  }
0x6f: {  	_ =	shalt  }
0x70: {  	_ =	shalt  }
0x71: {  	_ =	shalt  }
0x72: {  	_ =	shalt  }
0x73: {  	_ =	shalt  }
0x74: {  	_ =	shalt  }
0x75: {  	_ =	shalt  }
0x76: {  	_ =	shalt  }
0x77: {  	_ =	shalt  }
0x78: {  	_ =	shalt  }
0x79: {  	_ =	shalt  }
0x7a: {  	_ =	shalt  }
0x7b: {  	_ =	shalt  }
0x7c: {  	_ =	shalt  }
0x7d: {  	_ =	shalt  }
0x7e: {  	_ =	shalt  }
0x7f: {  	_ =	shalt  }
0x80: {  	_ =	shalt  }
0x81: {  	_ =	shalt  }
0x82: {  	_ =	shalt  }
0x83: {  	_ =	shalt  }
0x84: {  	_ =	shalt  }
0x85: {  	_ =	shalt  }
0x86: {  	_ =	shalt  }
0x87: {  	_ =	shalt  }
.Lfunc_end0:
.L_simem_size_0:
called_computation_lowered:
.L_overlay_start_0:
0x88: {  	s2 =	sld [smem:$0x3FD9]  }
0x89: {  	s3 =	sld [smem:$0x3FFE];
	_ =	sdelay $0x1  }
0x8a: {  	s1 =	srdreg.scid  }
0x8b: {  	s0 =	sand.u32 $0x1, s1  }
0x8c: {  	s17 =	sshll.u32 s0, $0xA;
	s2 =	sadd.s32 s3, s2  }
0x8d: {  	s2 =	sadd.s32 s2, s17  }
0x8e: {  	[smem:$0x3FBC] =	sst s2  }
0x8f: {  	_ = 	snop  }
0x90: {  	s2 =	sld [smem:$0x3FC5];
	(tm) =	ssettm $0x1  }
0x91: {  	s18 =	sld [smem:$0x3FFB];
	_ =	sdelay $0x3  }
0x92: {  	_ =	strace s18  }
0x93: {  	s3 =	sld [smem:$0x3FFC];
	_ =	sdelay $0x3  }
0x94: {  	_ =	strace s3  }
0x95: {  	s3 =	sld [smem:$0x3FFD];
	_ =	sdelay $0x3  }
0x96: {  	_ =	strace s3  }
0x97: {  	_ =	strace $0x8FFFFFFF  }
0x98: {  	s19 =	sld [smem:$0x3FDB];
	_ =	sdelay $0x1  }
0x99: {  	s4 =	simm.s32 $_scs_section_size  }
0x9a: {  	s5 =	simm.s32 $_size__tile_overlayer_lowered;
	s6 =	simm.s32 $_tile_overlayer_lowered  }
0x9b: {  	s22 =	simm.s32 $0x1BFF;
	s21 =	sshll.u32 s6, $0x1;
	s3 =	sadd.s32 s4, s19  }
0x9c: {  	s7 =	simm.s32 $0x0;
	s20 =	sshll.u32 s5, $0x1;
	s5 =	sadd.s32 s21, s3  }
0x9d: {  	[timem:s7], [sflag:s22] =	dma.local [hbm:s5], s20  }
0x9e: {  	_ =	swait.ge [sflag:s22], s20  }
0x9f: {  	s4 =	ssub.s32 $0x0, s20;
	[sflag:s22] =	ssyncset.done $0x0  }
0xa0: {  	[sflag:s22] =	ssyncadd.s32 s4;
	_ =	sdelay $0x1  }
0xa1: {  	s23 =	simm.s32 $0x1B8B  }
0xa2: {  	_ =	swait.ge [sflag:s23], $0x1  }
0xa3: {  	[sflag:s23] =	ssyncset.done $0x0  }
0xa4: {  	s25 =	simm.s32 $0x1B8E;
	s24 =	sld [smem:$0x3FFE];
	[sflag:s23] =	ssyncadd.s32 $0xFFFFFFFF  }
0xa5: {  	s26 =	simm.s32 $execute0_lowered;
	[smem:$0x3FD2] =	sst s25  }
0xa6: {  	s5 =	sshll.u32 s26, $0x1;
	_ =	strace $0x80000046;
	[dreg:$0x1] =	wrdreg $0xFFFFFFFF  }
0xa7: {  	s28 =	simm.s32 $_size_execute0_lowered;
	s3 =	sadd.s32 s3, s5;
	[dreg:$0x0] =	wrdreg $0x0  }
0xa8: {  	s5 =	sshll.u32 s28, $0x1;
	[dreg:$0x2] =	wrdreg s3  }
0xa9: {  	[dreg:$0x3] =	wrdreg s5  }
0xaa: {  	[dreg:$0x4] =	wrdreg $0xC0  }
0xab: {  	_ =	task [dreg:s7], $0x5FFFF  }
0xac: {  	[dreg:$0x1] =	wrdreg $0xFFFFFFFF  }
0xad: {  	[dreg:$0x0] =	wrdreg $0x60  }
0xae: {  	[dreg:$0x2] =	wrdreg s24  }
0xaf: {  	[dreg:$0x3] =	wrdreg s2  }
0xb0: {  	[dreg:$0x4] =	wrdreg $0x9  }
0xb1: {  	_ =	task.clear_ibuf [dreg:s7], $0x5FFFF;
	_ =	strace $0x90000046  }
0xb2: {  	s29 =	simm.s32 $0x9;
	_ =	strace $0x80000048  }
0xb3: {  	_ =	swait.ge [sflag:s29], $0x1  }
0xb4: {  	[sflag:s29] =	ssyncadd.s32 $0xFFFFFFFF  }
0xb5: {  	_ =	strace $0x90000048  }
0xb6: {  	_ =	sfence  }
0xb7: {  	s30 =	sld [smem:$0x0];
	_ =	sdelay $0x2  }
0xb8: {  	s31 =	sshll.u32 s1, $0xD;
	s1 =	sshrl.u32 s1, $0x2  }
0xb9: {  	s3 =	sand.u32 $0x4000, s31;
	s1 =	sadd.s32 s1, s30  }
0xba: {  	s0 =	sor.u32 s3, s0;
	s1 =	sshll.u32 s1, $0x11  }
0xbb: {  	s0 =	sor.u32 s1, s0  }
0xbc: {  	s0 =	sadd.s32 $0x8F2B, s0  }
0xbd: {  	[sflag:s0] =	ssyncadd.remote.s32 $0x1  }
0xbe: {  	_ =	sfence.sel $0xFFFF  }
0xbf: {  	[dreg:$0x0] =	wrdreg $0xFFFFFFFF;
	(pc) =	sbr.abs _section_cstart, $3  }
0xc0: {  	[dreg:$0x1] =	wrdreg $0xFFFFFFFF  }
0xc1: {  	_ =	task.clear_ibuf [dreg:s7], $0x2FFFF;
	_ =	strace $0x9FFFFFFF  }
0xc2: {  	(tm) =	ssettm $0x7FFFFFFF  }
0xc3: {  	_ =	shalt  }
tec
execute0_lowered:
.L_overlay_start_1:
0x0: {  	(tag) =	ssettag $0x1  }
0x1: {  	s1 =	stileid.u32  }
0x2: {  	p0 =	sgt.u32 s1, $0xB  }
.Ltmp0:
0x3: {  	_ = 	snop;
	(pc) =	sbr.rel @p0 .LBB2_11-.Ltmp0, $4  }
0x4: {  	_ = 	snop  }
0x5: {  	s6 =	simm.s32 $0x0  }
0x6: {  	[smem:$0x7FF] =	sst s6  }
0x7: {  	s0 =	rddreg [dreg:$0x0];
	_ =	strace $0x80000047  }
0x8: {  	s1 =	srdreg.scid  }
0x9: {  	s5 =	stileid.u32;
	s7 =	sadd.s32 $0x21A00, s0;
	s22 =	sadd.s32 $0x22400, s0  }
0xa: {  	s12 =	sadd.s32 $0x22E00, s0;
	s13 =	simm.s32 $0x1;
	s1 =	sand.u32 $0x1, s1  }
0xb: {  	s14 =	simm.s32 $0x80;
	s15 =	simm.s32 $0x100;
	s2 =	smul.u32 $0x6, s1  }
0xc: {  	s3 =	sshrl.u32 s5, $0x1;
	s21 =	sshll.u32 s5, $0x7;
	[smem:$0x7F5] =	sst s7  }
0xd: {  	[smem:$0x7F6] =	sst s22;
	s30 =	sshll.u32 s5, $0x5;
	s2 =	sadd.s32 s3, s2  }
0xe: {  	s3 =	sand.u32 $0x80, s21;
	s4 =	smul.u32 $0x2800, s2;
	s2 =	sshll.u32 s2, $0x10  }
0xf: {  	[smem:$0x7FD] =	sst s12;
	s24 =	ssub.s32 $0x2, s1;
	s11 =	sor.u32 s3, s2  }
0x10: {  	s31 =	sand.u32 $0x20, s30;
	s4 =	sor.u32 s3, s4;
	s3 =	sshrl.u32 s11, $0x3  }
0x11: {  	[smem:$0x7FA] =	sst s31;
	s4 =	sshrl.u32 s4, $0x3;
	s3 =	sadd.s32 s3, s0  }
0x12: {  	[smem:$0x7FC] =	sst s11;
	s23 =	sadd.s32 s4, s0;
	s29 =	sadd.s32 $0x2200, s3  }
0x13: {  	s28 =	sshrl.u32 s24, $0x1;
	s25 =	sadd.s32 $0x1A200, s23;
	[smem:$0x7F9] =	sst s29  }
0x14: {  	s0 =	ssub.s32 s24, s28;
	s26 =	sadd.s32 $0x1DE00, s23;
	[smem:$0x7F7] =	sst s25  }
0x15: {  	s16 =	simm.s32 $0x8800;
	s0 =	smax.u32 s0, $0x1;
	[smem:$0x7F8] =	sst s26  }
0x16: {  	v0 =	vimm.f32 $0.0e+00;
	s17 =	simm.s32 $0x13000;
	vm0 =	vmmov $0xff;
	s21 =	simm.s32 $0x9C00;
	[smem:$0x7FB] =	sst s0  }
.LBB2_2:
0x17: {  	s1 =	sld [smem:$0x7F5];
	_ =	sdelay $0x1  }
0x18: {  	[smem:$0x7F4] =	sst s6;
	s0 =	simm.s32 $0x0  }
0x19: {  	[tilespmem:s0], [sflag:$0x1] =	stream.linear.gather [hbm4b:s1+s0], $0x4400, $0x38;
	[tilespmem:$0x1E080] =	vst v63  }
0x1a: {  	_ =	swait.ge [sflag:s13], $0x4400  }
0x1b: {  	s24 =	sld [smem:$0x7F6]  }
0x1c: {  	[sflag:s13] =	ssyncset.done $0x0  }
0x1d: {  	s2 =	simm.s32 $0x4400;
	[sflag:s13] =	ssyncadd.s32 $0xFFFFBC00  }
0x1e: {  	[tilespmem:s2], [sflag:$0x1] =	stream.linear.gather [hbm4b:s24+s0], $0x4400, $0x38;
	[tilespmem:$0x1E080] =	vst v63  }
0x1f: {  	_ =	swait.ge [sflag:s13], $0x4400  }
0x20: {  	s25 =	sld [smem:$0x7F7]  }
0x21: {  	[sflag:s13] =	ssyncset.done $0x0  }
0x22: {  	[sflag:s13] =	ssyncadd.s32 $0xFFFFBC00  }
0x23: {  	[tilespmem:s16], [sflag:$0x1] =	stream.strided.gather [hbm4b:s25+s14], $0x1400, s15, s14, $0x38;
	[tilespmem:$0x1E080] =	vst v63  }
0x24: {  	_ =	swait.ge [sflag:s13], $0x1400  }
0x25: {  	s26 =	sld [smem:$0x7F8]  }
0x26: {  	[sflag:s13] =	ssyncset.done $0x0  }
0x27: {  	[sflag:s13] =	ssyncadd.s32 $0xFFFFEC00  }
0x28: {  	[tilespmem:s21], [sflag:$0x1] =	stream.strided.gather [hbm4b:s26+s14], $0x1400, s15, s14, $0x38;
	[tilespmem:$0x1E080] =	vst v63  }
0x29: {  	_ =	swait.ge [sflag:s13], $0x1400  }
0x2a: {  	s28 =	sld [smem:$0x7F9]  }
0x2b: {  	[sflag:s13] =	ssyncset.done $0x0  }
0x2c: {  	s29 =	simm.s32 $0xB000;
	[sflag:s13] =	ssyncadd.s32 $0xFFFFEC00  }
0x2d: {  	[tilespmem:s29], [sflag:$0x1] =	stream.strided.gather [hbm4b:s28+s14], $0x8000, s15, s14, $0x38;
	[tilespmem:$0x1E080] =	vst v63  }
0x2e: {  	_ =	swait.ge [sflag:s13], $0x8000  }
0x2f: {  	[sflag:s13] =	ssyncset.done $0x0  }
0x30: {  	[sflag:s13] =	ssyncadd.s32 $0xFFFF8000  }
0x31: {  	s31 =	simm.s32 $0x1E000;
	s30 =	rddreg [dreg:$0x1]  }
0x32: {  	[tilespmem:s31], [sflag:$0x1] =	stream.linear.gather [hbm4b:s30+s0], $0x80, $0x38;
	[tilespmem:$0x1E080] =	vst v63  }
0x33: {  	_ =	swait.ge [sflag:s13], $0x80  }
0x34: {  	[sflag:s13] =	ssyncset.done $0x0  }
0x35: {  	[sflag:s13] =	ssyncadd.s32 $0xFFFFFF80  }
.LBB2_3:
0x36: {  	p0 =	sne.s32 s0, $0x27FC0  }
.Ltmp1:
0x37: {  	_ = 	snop;
	(pc) =	sbr.rel @p0 .LBB2_3-.Ltmp1, $3  }
0x38: {  	_ =	sdelay $0x1  }
0x39: {  	s1 =	sshra.s32 s0, $0x2  }
0x3a: {  	s0 =	sadd.s32 $0x40, s0;
	[tilespmem:s1+$0x13000] =	vst v0  }
0x3b: {  	s0 =	simm.s32 $0x10  }
0x3c: {  	s1 =	simm.s32 $0x4410;
	v1 =	vld [tilespmem:s0+$0x0]  }
0x3d: {  	v3 =	vld [tilespmem:s1+$0x0];
	_ =	sdelay $0x3  }
0x3e: {  	v2 =	vmul.u32 $0x5, v1  }
0x3f: {  	v10 =	vmul.u32 $0x5, v3;
	_ =	sdelay $0x4  }
0x40: {  	s21 =	simm.s32 $0x9C00;
	v0 =	vld.idx.msk [tilespmem:v2+s16+$0x0], $0xffff  }
0x41: {  	v4 =	vld.idx.msk [tilespmem:v10+s21+$0x0], $0xffff;
	_ =	sdelay $0x4  }
0x42: {  	v0 =	vadd.f32 v4, v0;
	_ =	sdelay $0x1  }
0x43: {  	v4 =	vmul.f32 $2.000000030e-01, v0  }
0x44: {  	v5 =	vld [tilespmem:s0+$0xFFFFFFF0]  }
0x45: {  	v6 =	vld [tilespmem:s1+$0xFFFFFFF0];
	v0 =	vmax.f32 v0, v4  }
0x46: {  	v0 =	vmul.f32 $1.442695020e+00, v0;
	_ =	sdelay $0x1  }
0x47: {  	(erf) = vpow2.f32 v0  }
0x48: {  	v9 =	vmul.u32 $0x5, v5  }
0x49: {  	v8 =	vshll.u32 v5, $0x7;
	v4 =	vmul.u32 $0x5, v6  }
0x4a: {  	v13 =	vshra.s32 v8, $0x2;
	v8 =	vmul.u32 $0x28, v3;
	_ =	sdelay $0x1  }
0x4b: {  	v51 =	vadd.s32 $0x20, v8  }
0x4c: {  	v7 =	vmul.u32 $0xA0, v6;
	v11 =	vadd.s32 $0x1, v2  }
0x4d: {  	v15 =	vadd.s32 $0x1, v10;
	v14 =	vld.idx.msk [tilespmem:v9+s16+$0x0], $0xffff  }
0x4e: {  	v12 =	vshra.s32 v7, $0x2;
	v7 =	vld.idx.msk [tilespmem:v4+s21+$0x0], $0xffff  }
0x4f: {  	v5 =	vpop (erf)  }
0x50: {  	[tilespmem:v51+s17+$0x0] =	vst.idx.add.f32.msk $0xffff, v5  }
0x51: {  	v0 =	vld.idx.msk [tilespmem:v11+s16+$0x0], $0xffff  }
0x52: {  	v11 =	vld.idx.msk [tilespmem:v15+s21+$0x0], $0xffff  }
0x53: {  	v7 =	vadd.f32 v7, v14;
	_ =	sdelay $0x1  }
0x54: {  	v14 =	vmul.f32 $2.000000030e-01, v7;
	_ =	sdelay $0x1  }
0x55: {  	v7 =	vmax.f32 v7, v14;
	v0 =	vadd.f32 v11, v0  }
0x56: {  	v7 =	vmul.f32 $1.442695020e+00, v7  }
0x57: {  	v11 =	vmul.f32 $2.000000030e-01, v0  }
0x58: {  	(erf) = vpow2.f32 v7  }
0x59: {  	v0 =	vmax.f32 v0, v11  }
0x5a: {  	v7 =	vmul.f32 $1.442695020e+00, v0  }
0x5b: {  	v52 =	vmul.u32 $0x28, v6  }
0x5c: {  	(erf) = vpow2.f32 v7  }
0x5d: {  	v7 =	vadd.s32 $0x20, v52  }
0x5e: {  	v11 =	vadd.s32 $0x1, v9  }
0x5f: {  	v14 =	vadd.s32 $0x1, v4;
	_ =	sdelay $0x1  }
0x60: {  	v15 =	vadd.s32 $0x21, v8;
	v6 =	vpop (erf)  }
0x61: {  	v16 =	vadd.s32 $0x2, v2;
	[tilespmem:v7+s17+$0x0] =	vst.idx.add.f32.msk $0xffff, v6  }
0x62: {  	v17 =	vadd.s32 $0x2, v10;
	v11 =	vld.idx.msk [tilespmem:v11+s16+$0x0], $0xffff  }
0x63: {  	v14 =	vld.idx.msk [tilespmem:v14+s21+$0x0], $0xffff  }
0x64: {  	(v2sf) =	vpush v12, $0x0;
	v7 =	vpop (erf)  }
0x65: {  	(v2sf) =	vpush v13, $0x0;
	[tilespmem:v15+s17+$0x0] =	vst.idx.add.f32.msk $0xffff, v7  }
0x66: {  	(v2sf) =	vpush v13, $0x1;
	v15 =	vld.idx.msk [tilespmem:v16+s16+$0x0], $0xffff  }
0x67: {  	(v2sf) =	vpush v12, $0x1;
	v16 =	vld.idx.msk [tilespmem:v17+s21+$0x0], $0xffff  }
0x68: {  	(v2sf) =	vpush v13, $0x2;
	v11 =	vadd.f32 v14, v11  }
0x69: {  	(v2sf) =	vpush v12, $0x2  }
0x6a: {  	(v2sf) =	vpush v13, $0x3;
	v14 =	vmul.f32 $2.000000030e-01, v11  }
0x6b: {  	(v2sf) =	vpush v12, $0x3  }
0x6c: {  	(v2sf) =	vpush v13, $0x4;
	v11 =	vmax.f32 v11, v14;
	v15 =	vadd.f32 v16, v15  }
0x6d: {  	(v2sf) =	vpush v12, $0x4;
	v11 =	vmul.f32 $1.442695020e+00, v11  }
0x6e: {  	(v2sf) =	vpush v13, $0x5;
	v14 =	vmul.f32 $2.000000030e-01, v15  }
0x6f: {  	(v2sf) =	vpush v12, $0x5;
	(erf) = vpow2.f32 v11  }
0x70: {  	(v2sf) =	vpush v13, $0x6;
	v11 =	vmax.f32 v15, v14  }
0x71: {  	(v2sf) =	vpush v12, $0x6;
	v11 =	vmul.f32 $1.442695020e+00, v11  }
0x72: {  	(v2sf) =	vpush v13, $0x7  }
0x73: {  	s5 =	spop (v2sf);
	(v2sf) =	vpush v12, $0x7;
	(erf) = vpow2.f32 v11  }
0x74: {  	s14 =	spop (v2sf);
	(v2sf) =	vpush v13, $0x8;
	v14 =	vadd.s32 $0x21, v52  }
0x75: {  	s6 =	spop (v2sf);
	(v2sf) =	vpush v12, $0x8;
	v15 =	vadd.s32 $0x2, v9  }
0x76: {  	s4 =	spop (v2sf);
	(v2sf) =	vpush v13, $0x9;
	v16 =	vadd.s32 $0x2, v4  }
0x77: {  	s2 =	spop (v2sf);
	(v2sf) =	vpush v12, $0x9  }
0x78: {  	s0 =	spop (v2sf);
	(v2sf) =	vpush v13, $0xA;
	v17 =	vadd.s32 $0x22, v8;
	v11 =	vpop (erf)  }
0x79: {  	v18 =	vadd.s32 $0x3, v2;
	s9 =	spop (v2sf);
	(v2sf) =	vpush v12, $0xA;
	[tilespmem:v14+s17+$0x0] =	vst.idx.add.f32.msk $0xffff, v11  }
0x7a: {  	v10 =	vadd.s32 $0x3, v10;
	s20 =	spop (v2sf);
	(v2sf) =	vpush v13, $0xB;
	v14 =	vld.idx.msk [tilespmem:v15+s16+$0x0], $0xffff  }
0x7b: {  	s19 =	spop (v2sf);
	(v2sf) =	vpush v12, $0xB;
	v15 =	vld.idx.msk [tilespmem:v16+s21+$0x0], $0xffff  }
0x7c: {  	s1 =	spop (v2sf);
	(v2sf) =	vpush v13, $0xC;
	v2 =	vpop (erf)  }
0x7d: {  	s3 =	spop (v2sf);
	(v2sf) =	vpush v12, $0xC;
	[tilespmem:v17+s17+$0x0] =	vst.idx.add.f32.msk $0xffff, v2  }
0x7e: {  	s31 =	spop (v2sf);
	(v2sf) =	vpush v13, $0xD;
	v16 =	vld.idx.msk [tilespmem:v18+s16+$0x0], $0xffff  }
0x7f: {  	s7 =	spop (v2sf);
	(v2sf) =	vpush v12, $0xD;
	v10 =	vld.idx.msk [tilespmem:v10+s21+$0x0], $0xffff  }
0x80: {  	s13 =	spop (v2sf);
	(v2sf) =	vpush v13, $0xE;
	v14 =	vadd.f32 v15, v14  }
0x81: {  	s16 =	spop (v2sf)  }
0x82: {  	(v2sf) =	vpush v12, $0xE;
	s17 =	spop (v2sf);
	v15 =	vmul.f32 $2.000000030e-01, v14  }
0x83: {  	v1 =	vshll.u32 v1, $0x7;
	(v2sf) =	vpush v13, $0xF;
	s18 =	spop (v2sf)  }
0x84: {  	(v2sf) =	vpush v12, $0xF;
	s22 =	spop (v2sf);
	v12 =	vmax.f32 v14, v15;
	v10 =	vadd.f32 v10, v16  }
0x85: {  	v1 =	vshra.s32 v1, $0x2;
	s24 =	spop (v2sf);
	v12 =	vmul.f32 $1.442695020e+00, v12  }
0x86: {  	(v2sf) =	vpush v1, $0x0;
	s8 =	spop (v2sf);
	v13 =	vmul.f32 $2.000000030e-01, v10  }
0x87: {  	s30 =	spop (v2sf);
	(erf) = vpow2.f32 v12  }
0x88: {  	[smem:$0x7CE] =	sst s8;
	s26 =	spop (v2sf);
	v10 =	vmax.f32 v10, v13  }
0x89: {  	[smem:$0x7CF] =	sst s26;
	s11 =	spop (v2sf);
	v10 =	vmul.f32 $1.442695020e+00, v10  }
0x8a: {  	[smem:$0x7D0] =	sst s11;
	s15 =	spop (v2sf)  }
0x8b: {  	v3 =	vmul.u32 $0xA0, v3;
	[smem:$0x7D3] =	sst s15;
	s23 =	spop (v2sf);
	(erf) = vpow2.f32 v10  }
0x8c: {  	[smem:$0x7D4] =	sst s23;
	s25 =	spop (v2sf);
	v10 =	vadd.s32 $0x22, v52  }
0x8d: {  	v3 =	vshra.s32 v3, $0x2;
	[smem:$0x7D8] =	sst s25;
	s26 =	spop (v2sf)  }
0x8e: {  	v9 =	vadd.s32 $0x3, v9;
	(v2sf) =	vpush v3, $0x0;
	[smem:$0x7D9] =	sst s26;
	s11 =	spop (v2sf)  }
0x8f: {  	v4 =	vadd.s32 $0x3, v4;
	[smem:$0x7DC] =	sst s11;
	s15 =	spop (v2sf)  }
0x90: {  	s12 =	simm.s32 $0x13000;
	v8 =	vadd.s32 $0x23, v8;
	(v2sf) =	vpush v1, $0x1;
	[smem:$0x7DD] =	sst s15;
	v13 =	vpop (erf)  }
0x91: {  	s23 =	spop (v2sf);
	[tilespmem:v10+s12+$0x0] =	vst.idx.add.f32.msk $0xffff, v13  }
0x92: {  	s10 =	simm.s32 $0x8800;
	s25 =	spop (v2sf);
	[smem:$0x7EF] =	sst s23  }
0x93: {  	s26 =	spop (v2sf);
	v9 =	vld.idx.msk [tilespmem:v9+s10+$0x0], $0xffff;
	[smem:$0x7F0] =	sst s25  }
0x94: {  	v4 =	vld.idx.msk [tilespmem:v4+s21+$0x0], $0xffff;
	[dreg:$0x3] =	wrdreg s26;
	v14 =	vpop (erf)  }
0x95: {  	s15 =	spop (v2sf);
	[tilespmem:v8+s12+$0x0] =	vst.idx.add.f32.msk $0xffff, v14  }
0x96: {  	v8 =	vld [tilespmem:s15+$0xB000]  }
0x97: {  	v10 =	vld [tilespmem:s15+$0xB010]  }
0x98: {  	(v2sf) =	vpush v3, $0x1  }
0x99: {  	v15 =	vbroadcast v7, $0x0;
	v12 =	vbroadcast v5, $0x0  }
0x9a: {  	v16 =	vbroadcast v2, $0x0;
	(v2sf) =	vpush v1, $0x2;
	v17 =	vbroadcast v14, $0x0  }
0x9b: {  	v4 =	vadd.f32 v4, v9;
	v9 =	vmul.f32 v8, v12;
	v8 =	vmul.f32 v8, v15  }
0x9c: {  	v12 =	vmul.f32 v16, v10;
	v10 =	vmul.f32 v17, v10  }
0x9d: {  	s11 =	spop (v2sf);
	v8 =	vsel vm0, v9, v8  }
0x9e: {  	v15 =	vmul.f32 $2.000000030e-01, v4;
	v9 =	vsel vm0, v12, v10;
	[tilespmem:s11+$0x13000] =	vst.add.f32.msk $0xffff, v8  }
0x9f: {  	s23 =	spop (v2sf);
	[tilespmem:s11+$0x13010] =	vst.add.f32.msk $0xffff, v9  }
0xa0: {  	v4 =	vmax.f32 v4, v15;
	v8 =	vld [tilespmem:s23+$0xB000]  }
0xa1: {  	v4 =	vmul.f32 $1.442695020e+00, v4;
	v9 =	vld [tilespmem:s23+$0xB010]  }
0xa2: {  	(v2sf) =	vpush v3, $0x2;
	v10 =	vbroadcast v7, $0x1  }
0xa3: {  	(erf) = vpow2.f32 v4;
	v4 =	vbroadcast v5, $0x1  }
0xa4: {  	(v2sf) =	vpush v1, $0x3;
	v12 =	vbroadcast v2, $0x1;
	v15 =	vbroadcast v14, $0x1  }
0xa5: {  	v4 =	vmul.f32 v8, v4;
	v8 =	vmul.f32 v8, v10  }
0xa6: {  	v10 =	vmul.f32 v9, v12;
	v9 =	vmul.f32 v9, v15  }
0xa7: {  	s25 =	spop (v2sf);
	v4 =	vsel vm0, v4, v8  }
0xa8: {  	v8 =	vsel vm0, v10, v9;
	[tilespmem:s25+$0x13000] =	vst.add.f32.msk $0xffff, v4  }
0xa9: {  	v0 =	vadd.s32 $0x23, v52;
	s26 =	spop (v2sf);
	[tilespmem:s25+$0x13010] =	vst.add.f32.msk $0xffff, v8  }
0xaa: {  	v4 =	vld [tilespmem:s26+$0xB000]  }
0xab: {  	v8 =	vld [tilespmem:s26+$0xB010]  }
0xac: {  	(v2sf) =	vpush v3, $0x3  }
0xad: {  	v9 =	vbroadcast v5, $0x2;
	v10 =	vbroadcast v7, $0x2;
	v15 =	vpop (erf)  }
0xae: {  	v53 =	vbroadcast v2, $0x2;
	(v2sf) =	vpush v1, $0x4;
	v12 =	vbroadcast v14, $0x2;
	[tilespmem:v0+s12+$0x0] =	vst.idx.add.f32.msk $0xffff, v15  }
0xaf: {  	v16 =	vld [tilespmem:s14+$0xB000];
	v9 =	vmul.f32 v4, v9;
	v4 =	vmul.f32 v4, v10  }
0xb0: {  	v10 =	vld [tilespmem:s14+$0xB010];
	v0 =	vmul.f32 v8, v53;
	v8 =	vmul.f32 v8, v12  }
0xb1: {  	s8 =	spop (v2sf);
	v4 =	vsel vm0, v9, v4  }
0xb2: {  	v12 =	vbroadcast v11, $0x0;
	v9 =	vbroadcast v6, $0x0;
	v0 =	vsel vm0, v0, v8;
	[tilespmem:s8+$0x13000] =	vst.add.f32.msk $0xffff, v4  }
0xb3: {  	v54 =	vbroadcast v13, $0x0;
	s11 =	spop (v2sf);
	[tilespmem:s8+$0x13010] =	vst.add.f32.msk $0xffff, v0;
	v4 =	vbroadcast v15, $0x0  }
0xb4: {  	v8 =	vmul.f32 v16, v9;
	v9 =	vmul.f32 v16, v12;
	v12 =	vld [tilespmem:s11+$0xB000]  }
0xb5: {  	v16 =	vld [tilespmem:s11+$0xB010];
	v0 =	vmul.f32 v54, v10;
	v4 =	vmul.f32 v4, v10  }
0xb6: {  	(v2sf) =	vpush v3, $0x4;
	s23 =	simm.s32 $0x30;
	v8 =	vsel vm0, v8, v9  }
0xb7: {  	v17 =	vld [tilespmem:s23+$0x0];
	v9 =	vbroadcast v7, $0x3;
	v0 =	vsel vm0, v0, v4;
	v4 =	vbroadcast v5, $0x3  }
0xb8: {  	v10 =	vbroadcast v14, $0x3;
	[tilespmem:s5+$0x13000] =	vst.add.f32.msk $0xffff, v8;
	v8 =	vbroadcast v2, $0x3  }
0xb9: {  	[tilespmem:s5+$0x13010] =	vst.add.f32.msk $0xffff, v0;
	v55 =	vmul.f32 v12, v4;
	v4 =	vmul.f32 v12, v9  }
0xba: {  	v9 =	vld [tilespmem:s6+$0xB000];
	v8 =	vmul.f32 v16, v8;
	v10 =	vmul.f32 v16, v10  }
0xbb: {  	(v2sf) =	vpush v1, $0x5;
	s15 =	spop (v2sf);
	v12 =	vld [tilespmem:s6+$0xB010];
	v0 =	vsel vm0, v55, v4  }
0xbc: {  	v4 =	vsel vm0, v8, v10;
	[tilespmem:s15+$0x13000] =	vst.add.f32.msk $0xffff, v0  }
0xbd: {  	v56 =	vbroadcast v6, $0x1;
	s25 =	spop (v2sf);
	[tilespmem:s15+$0x13010] =	vst.add.f32.msk $0xffff, v4;
	v4 =	vbroadcast v11, $0x1  }
0xbe: {  	s26 =	simm.s32 $0x4430;
	v8 =	vbroadcast v13, $0x1;
	v10 =	vbroadcast v15, $0x1;
	v16 =	vld [tilespmem:s25+$0xB000]  }
0xbf: {  	v0 =	vmul.f32 v9, v56;
	v4 =	vmul.f32 v9, v4;
	v9 =	vld [tilespmem:s26+$0x0]  }
0xc0: {  	v18 =	vld [tilespmem:s25+$0xB010];
	v8 =	vmul.f32 v12, v8;
	v10 =	vmul.f32 v12, v10  }
0xc1: {  	v57 =	vbroadcast v2, $0x4;
	v0 =	vsel vm0, v0, v4  }
0xc2: {  	v12 =	vbroadcast v7, $0x4;
	v8 =	vsel vm0, v8, v10;
	v10 =	vbroadcast v5, $0x4;
	[tilespmem:s4+$0x13000] =	vst.add.f32.msk $0xffff, v0  }
0xc3: {  	(v2sf) =	vpush v3, $0x5;
	v19 =	vbroadcast v14, $0x4;
	v4 =	vmul.u32 $0x5, v17;
	[tilespmem:s4+$0x13010] =	vst.add.f32.msk $0xffff, v8  }
0xc4: {  	v8 =	vmul.f32 v16, v10;
	v10 =	vmul.f32 v16, v12;
	v12 =	vld [tilespmem:s26+$0xFFFFFFF0];
	v21 =	vmul.u32 $0x5, v9  }
0xc5: {  	(v2sf) =	vpush v1, $0x6;
	v0 =	vmul.f32 v18, v57;
	v16 =	vmul.f32 v18, v19;
	v19 =	vld [tilespmem:s23+$0xFFFFFFF0]  }
0xc6: {  	s8 =	spop (v2sf);
	v58 =	vld [tilespmem:s2+$0xB000];
	v8 =	vsel vm0, v8, v10  }
0xc7: {  	v0 =	vsel vm0, v0, v16;
	[tilespmem:s8+$0x13000] =	vst.add.f32.msk $0xffff, v8  }
0xc8: {  	[tilespmem:s8+$0x13010] =	vst.add.f32.msk $0xffff, v0  }
0xc9: {  	v10 =	vld.idx.msk [tilespmem:v4+s10+$0x0], $0xffff;
	v8 =	vmul.u32 $0xA0, v12  }
0xca: {  	v27 =	vbroadcast v5, $0x5;
	v28 =	vbroadcast v7, $0x5;
	v18 =	vld.idx.msk [tilespmem:v21+s21+$0x0], $0xffff;
	s4 =	spop (v2sf)  }
0xcb: {  	v22 =	vbroadcast v11, $0x2;
	v29 =	vbroadcast v2, $0x5;
	v20 =	vshra.s32 v8, $0x2;
	v8 =	vld [tilespmem:s4+$0xB000]  }
0xcc: {  	v24 =	vbroadcast v13, $0x2;
	v23 =	vshll.u32 v19, $0x7;
	v25 =	vld [tilespmem:s4+$0xB010];
	(v2sf) =	vpush v20, $0x0  }
0xcd: {  	v16 =	vbroadcast v6, $0x2;
	v23 =	vshra.s32 v23, $0x2;
	(v2sf) =	vpush v3, $0x6  }
0xce: {  	v30 =	vbroadcast v14, $0x5;
	v26 =	vbroadcast v15, $0x2;
	(v2sf) =	vpush v23, $0x0  }
0xcf: {  	v16 =	vmul.f32 v58, v16;
	v0 =	vmul.f32 v58, v22;
	(v2sf) =	vpush v1, $0x7  }
0xd0: {  	v10 =	vadd.f32 v18, v10;
	v18 =	vmul.f32 v8, v27;
	v8 =	vmul.f32 v8, v28  }
0xd1: {  	(v2sf) =	vpush v23, $0x1;
	v27 =	vld [tilespmem:s2+$0xB010];
	v28 =	vmul.f32 v25, v29;
	v25 =	vmul.f32 v25, v30  }
0xd2: {  	s11 =	spop (v2sf);
	(v2sf) =	vpush v20, $0x1;
	v29 =	vmul.f32 $2.000000030e-01, v10;
	v8 =	vsel vm0, v18, v8  }
0xd3: {  	v19 =	vmul.u32 $0x5, v19;
	(v2sf) =	vpush v23, $0x2;
	v18 =	vsel vm0, v28, v25;
	[tilespmem:s11+$0x13000] =	vst.add.f32.msk $0xffff, v8  }
0xd4: {  	s14 =	spop (v2sf);
	(v2sf) =	vpush v20, $0x2;
	[tilespmem:s11+$0x13010] =	vst.add.f32.msk $0xffff, v18;
	v18 =	vmul.u32 $0x5, v12;
	v8 =	vmax.f32 v10, v29  }
0xd5: {  	v0 =	vsel vm0, v16, v0;
	(v2sf) =	vpush v23, $0x3;
	v8 =	vmul.f32 $1.442695020e+00, v8;
	v10 =	vld [tilespmem:s14+$0xB000]  }
0xd6: {  	v22 =	vld [tilespmem:s14+$0xB010];
	(v2sf) =	vpush v20, $0x3;
	v16 =	vmul.f32 v27, v24;
	v24 =	vmul.f32 v27, v26  }
0xd7: {  	v25 =	vbroadcast v7, $0x6;
	(v2sf) =	vpush v3, $0x7  }
0xd8: {  	[tilespmem:s0+$0x13000] =	vst.add.f32.msk $0xffff, v0;
	(erf) = vpow2.f32 v8;
	v8 =	vbroadcast v5, $0x6;
	v59 =	vsel vm0, v16, v24  }
0xd9: {  	v16 =	vbroadcast v2, $0x6;
	v24 =	vbroadcast v14, $0x6;
	[tilespmem:s0+$0x13010] =	vst.add.f32.msk $0xffff, v59  }
0xda: {  	(v2sf) =	vpush v1, $0x8;
	v26 =	vld.idx.msk [tilespmem:v18+s21+$0x0], $0xffff;
	v8 =	vmul.f32 v10, v8;
	v10 =	vmul.f32 v10, v25  }
0xdb: {  	v25 =	vld.idx.msk [tilespmem:v19+s10+$0x0], $0xffff;
	v16 =	vmul.f32 v22, v16;
	v24 =	vmul.f32 v22, v24;
	v22 =	vmul.u32 $0x28, v9  }
0xdc: {  	v34 =	vbroadcast v7, $0x7;
	v31 =	vld [tilespmem:s9+$0xB000];
	s6 =	spop (v2sf)  }
0xdd: {  	v36 =	vbroadcast v2, $0x7;
	v38 =	vld [tilespmem:s9+$0xB010];
	v60 =	vsel vm0, v8, v10;
	s15 =	spop (v2sf);
	v10 =	vadd.s32 $0x20, v22  }
0xde: {  	(v2sf) =	vpush v23, $0x4;
	v8 =	vsel vm0, v16, v24;
	v24 =	vadd.s32 $0x1, v4;
	[tilespmem:s15+$0x13000] =	vst.add.f32.msk $0xffff, v60;
	s4 =	spop (v2sf)  }
0xdf: {  	v37 =	vbroadcast v14, $0x7;
	v29 =	vadd.s32 $0x1, v21;
	(v2sf) =	vpush v20, $0x4;
	[tilespmem:s15+$0x13010] =	vst.add.f32.msk $0xffff, v8;
	s23 =	spop (v2sf)  }
0xe0: {  	v35 =	vadd.s32 $0x1, v19;
	v27 =	vbroadcast v11, $0x3;
	(v2sf) =	vpush v23, $0x5;
	v28 =	vld [tilespmem:s23+$0xB000]  }
0xe1: {  	v16 =	vmul.u32 $0x28, v12;
	v8 =	vbroadcast v6, $0x3;
	(v2sf) =	vpush v20, $0x5;
	v30 =	vld [tilespmem:s23+$0xB010];
	s5 =	spop (v2sf);
	v0 =	vpop (erf)  }
0xe2: {  	v12 =	vadd.f32 v26, v25;
	v25 =	vbroadcast v13, $0x3;
	(v2sf) =	vpush v23, $0x6;
	s8 =	spop (v2sf);
	[tilespmem:v10+s12+$0x0] =	vst.idx.add.f32.msk $0xffff, v0  }
0xe3: {  	v26 =	vbroadcast v15, $0x3;
	(v2sf) =	vpush v3, $0x8;
	v10 =	vbroadcast v5, $0x7;
	s11 =	spop (v2sf);
	v24 =	vld.idx.msk [tilespmem:v24+s10+$0x0], $0xffff  }
0xe4: {  	v8 =	vmul.f32 v31, v8;
	v33 =	vmul.f32 $2.000000030e-01, v12;
	(v2sf) =	vpush v20, $0x6;
	v29 =	vld.idx.msk [tilespmem:v29+s21+$0x0], $0xffff;
	s15 =	spop (v2sf)  }
0xe5: {  	(v2sf) =	vpush v1, $0x9;
	s14 =	spop (v2sf);
	v10 =	vmul.f32 v28, v10;
	v28 =	vmul.f32 v28, v34  }
0xe6: {  	(v2sf) =	vpush v23, $0x7;
	v61 =	vmul.f32 v30, v36;
	v30 =	vmul.f32 v30, v37;
	s9 =	spop (v2sf)  }
0xe7: {  	v25 =	vmul.f32 v38, v25;
	(v2sf) =	vpush v20, $0x7;
	s25 =	spop (v2sf);
	v10 =	vsel vm0, v10, v28  }
0xe8: {  	v12 =	vmax.f32 v12, v33;
	(v2sf) =	vpush v23, $0x8;
	v28 =	vsel vm0, v61, v30;
	[tilespmem:s25+$0x13000] =	vst.add.f32.msk $0xffff, v10  }
0xe9: {  	v12 =	vmul.f32 $1.442695020e+00, v12;
	s26 =	spop (v2sf);
	(v2sf) =	vpush v20, $0x8;
	[tilespmem:s25+$0x13010] =	vst.add.f32.msk $0xffff, v28;
	v24 =	vadd.f32 v29, v24  }
0xea: {  	v26 =	vmul.f32 v38, v26;
	v10 =	vmul.f32 v31, v27;
	(v2sf) =	vpush v23, $0x9;
	v27 =	vld [tilespmem:s26+$0xB000]  }
0xeb: {  	(erf) = vpow2.f32 v12;
	(v2sf) =	vpush v20, $0x9;
	v12 =	vmul.f32 $2.000000030e-01, v24  }
0xec: {  	v28 =	vld [tilespmem:s26+$0xB010];
	v8 =	vsel vm0, v8, v10;
	v10 =	vsel vm0, v25, v26;
	v25 =	vbroadcast v5, $0x8  }
0xed: {  	s29 =	spop (v2sf);
	v26 =	vbroadcast v7, $0x8;
	[tilespmem:s20+$0x13000] =	vst.add.f32.msk $0xffff, v8;
	v8 =	vbroadcast v14, $0x8;
	v12 =	vmax.f32 v24, v12  }
0xee: {  	s25 =	spop (v2sf);
	(v2sf) =	vpush v23, $0xA;
	v24 =	vbroadcast v2, $0x8;
	v12 =	vmul.f32 $1.442695020e+00, v12  }
0xef: {  	[tilespmem:s20+$0x13010] =	vst.add.f32.msk $0xffff, v10;
	s26 =	spop (v2sf);
	(v2sf) =	vpush v3, $0x9;
	v25 =	vmul.f32 v27, v25;
	v10 =	vmul.f32 v27, v26  }
0xf0: {  	v32 =	vadd.s32 $0x20, v16;
	s21 =	spop (v2sf);
	(v2sf) =	vpush v20, $0xA;
	(erf) = vpow2.f32 v12  }
0xf1: {  	v26 =	vld [tilespmem:s19+$0xB000];
	v8 =	vmul.f32 v28, v8;
	v12 =	vmul.f32 v28, v24;
	s28 =	spop (v2sf);
	v10 =	vsel vm0, v25, v10  }
0xf2: {  	v27 =	vadd.s32 $0x1, v18;
	v24 =	vld [tilespmem:s19+$0xB010];
	s0 =	spop (v2sf)  }
0xf3: {  	(v2sf) =	vpush v1, $0xA;
	v8 =	vsel vm0, v12, v8;
	[tilespmem:s0+$0x13000] =	vst.add.f32.msk $0xffff, v10  }
0xf4: {  	[tilespmem:s0+$0x13010] =	vst.add.f32.msk $0xffff, v8;
	v10 =	vpop (erf)  }
0xf5: {  	s19 =	spop (v2sf);
	v8 =	vadd.s32 $0x21, v22;
	[tilespmem:v32+s12+$0x0] =	vst.idx.add.f32.msk $0xffff, v10  }
0xf6: {  	s2 =	simm.s32 $0x9C00;
	s23 =	spop (v2sf);
	v25 =	vld.idx.msk [tilespmem:v35+s10+$0x0], $0xffff;
	[smem:$0x7D1] =	sst s19  }
0xf7: {  	v28 =	vadd.s32 $0x2, v4;
	s20 =	spop (v2sf);
	v27 =	vld.idx.msk [tilespmem:v27+s2+$0x0], $0xffff  }
0xf8: {  	v29 =	vadd.s32 $0x2, v21;
	v30 =	vld [tilespmem:s23+$0xB000];
	[smem:$0x7D2] =	sst s20  }
0xf9: {  	v31 =	vld [tilespmem:s23+$0xB010];
	s23 =	spop (v2sf);
	v12 =	vpop (erf)  }
0xfa: {  	(v2sf) =	vpush v23, $0xB;
	s19 =	spop (v2sf);
	[tilespmem:v8+s12+$0x0] =	vst.idx.add.f32.msk $0xffff, v12  }
0xfb: {  	v41 =	vbroadcast v7, $0x9;
	(v2sf) =	vpush v20, $0xB;
	v8 =	vbroadcast v5, $0x9;
	s20 =	spop (v2sf);
	[smem:$0x7D5] =	sst s19  }
0xfc: {  	v42 =	vbroadcast v14, $0x9;
	s19 =	spop (v2sf);
	v28 =	vld.idx.msk [tilespmem:v28+s10+$0x0], $0xffff;
	[smem:$0x7D6] =	sst s20;
	v25 =	vadd.f32 v27, v25;
	v27 =	vbroadcast v2, $0x9  }
0xfd: {  	(v2sf) =	vpush v3, $0xA;
	v8 =	vmul.f32 v30, v8;
	v30 =	vmul.f32 v30, v41;
	s20 =	spop (v2sf);
	v29 =	vld.idx.msk [tilespmem:v29+s2+$0x0], $0xffff;
	[smem:$0x7D7] =	sst s19  }
0xfe: {  	v62 =	vbroadcast v6, $0x4;
	v63 =	vbroadcast v11, $0x4;
	(v2sf) =	vpush v1, $0xB;
	[smem:$0x7DA] =	sst s20;
	s19 =	spop (v2sf)  }
0xff: {  	v27 =	vmul.f32 v31, v27;
	v31 =	vmul.f32 v31, v42;
	[smem:$0x7DB] =	sst s19;
	v8 =	vsel vm0, v8, v30;
	s0 =	spop (v2sf)  }
0x100: {  	v40 =	vbroadcast v13, $0x4;
	v43 =	vbroadcast v15, $0x4;
	[tilespmem:s0+$0x13000] =	vst.add.f32.msk $0xffff, v8;
	s20 =	spop (v2sf)  }
0x101: {  	v44 =	vmul.f32 $2.000000030e-01, v25;
	v30 =	vmul.f32 v26, v62;
	v27 =	vsel vm0, v27, v31;
	[smem:$0x7DE] =	sst s20  }
0x102: {  	(v2sf) =	vpush v23, $0xC;
	v26 =	vmul.f32 v26, v63;
	v8 =	vmul.f32 v24, v40;
	s20 =	spop (v2sf);
	[tilespmem:s0+$0x13010] =	vst.add.f32.msk $0xffff, v27  }
0x103: {  	v24 =	vmul.f32 v24, v43;
	v25 =	vmax.f32 v25, v44;
	v27 =	vadd.f32 v29, v28;
	v28 =	vld [tilespmem:s20+$0xB000]  }
0x104: {  	(v2sf) =	vpush v20, $0xC;
	v26 =	vsel vm0, v30, v26;
	v25 =	vmul.f32 $1.442695020e+00, v25;
	v30 =	vld [tilespmem:s20+$0xB010]  }
0x105: {  	v8 =	vsel vm0, v8, v24;
	v24 =	vbroadcast v5, $0xA;
	v29 =	vmul.f32 $2.000000030e-01, v27  }
0x106: {  	(v2sf) =	vpush v23, $0xD;
	[tilespmem:s1+$0x13000] =	vst.add.f32.msk $0xffff, v26;
	v26 =	vbroadcast v14, $0xA;
	(erf) = vpow2.f32 v25  }
0x107: {  	v25 =	vbroadcast v7, $0xA;
	v27 =	vmax.f32 v27, v29;
	v29 =	vbroadcast v2, $0xA  }
0x108: {  	(v2sf) =	vpush v20, $0xD;
	v27 =	vmul.f32 $1.442695020e+00, v27;
	v24 =	vmul.f32 v28, v24  }
0x109: {  	(v2sf) =	vpush v3, $0xB;
	s19 =	spop (v2sf);
	[tilespmem:s1+$0x13010] =	vst.add.f32.msk $0xffff, v8;
	v8 =	vmul.f32 v28, v25;
	v26 =	vmul.f32 v30, v26  }
0x10a: {  	s20 =	spop (v2sf);
	[smem:$0x7E0] =	sst s19;
	(erf) = vpow2.f32 v27;
	v27 =	vmul.f32 v30, v29  }
0x10b: {  	(v2sf) =	vpush v1, $0xC;
	v25 =	vld [tilespmem:s3+$0xB000];
	[smem:$0x7E2] =	sst s20;
	v29 =	vadd.s32 $0x21, v16  }
0x10c: {  	s1 =	spop (v2sf);
	v28 =	vld [tilespmem:s3+$0xB010];
	v8 =	vsel vm0, v24, v8;
	v24 =	vadd.s32 $0x2, v19;
	v26 =	vsel vm0, v27, v26  }
0x10d: {  	[tilespmem:s1+$0x13010] =	vst.add.f32.msk $0xffff, v26;
	v26 =	vadd.s32 $0x2, v18  }
0x10e: {  	s3 =	spop (v2sf);
	[tilespmem:s1+$0x13000] =	vst.add.f32.msk $0xffff, v8  }
0x10f: {  	v45 =	vadd.s32 $0x3, v4;
	v4 =	vbroadcast v6, $0x5;
	v30 =	vadd.s32 $0x22, v22;
	v8 =	vpop (erf);
	v27 =	vld [tilespmem:s3+$0xB000]  }
0x110: {  	(v2sf) =	vpush v23, $0xE;
	[tilespmem:v29+s12+$0x0] =	vst.idx.add.f32.msk $0xffff, v8  }
0x111: {  	v21 =	vadd.s32 $0x3, v21;
	(v2sf) =	vpush v20, $0xE;
	v24 =	vld.idx.msk [tilespmem:v24+s10+$0x0], $0xffff  }
0x112: {  	(v2sf) =	vpush v23, $0xF;
	v29 =	vbroadcast v11, $0x5;
	v26 =	vld.idx.msk [tilespmem:v26+s2+$0x0], $0xffff  }
0x113: {  	v23 =	vbroadcast v5, $0xB;
	(v2sf) =	vpush v3, $0xC;
	v48 =	vmul.f32 v25, v4;
	v31 =	vld [tilespmem:s3+$0xB010];
	v4 =	vpop (erf)  }
0x114: {  	s19 =	spop (v2sf);
	(v2sf) =	vpush v20, $0xF;
	v25 =	vmul.f32 v25, v29;
	v29 =	vbroadcast v7, $0xB;
	[tilespmem:v30+s12+$0x0] =	vst.idx.add.f32.msk $0xffff, v4  }
0x115: {  	v20 =	vbroadcast v14, $0xB;
	s20 =	spop (v2sf);
	(v2sf) =	vpush v1, $0xD;
	v23 =	vmul.f32 v27, v23;
	v32 =	vld.idx.msk [tilespmem:v45+s10+$0x0], $0xffff;
	[smem:$0x7E3] =	sst s19  }
0x116: {  	s1 =	spop (v2sf);
	(v2sf) =	vpush v3, $0xD;
	v27 =	vmul.f32 v27, v29;
	v30 =	vbroadcast v2, $0xB;
	v21 =	vld.idx.msk [tilespmem:v21+s2+$0x0], $0xffff;
	[smem:$0x7E6] =	sst s20  }
0x117: {  	v46 =	vbroadcast v13, $0x5;
	s3 =	spop (v2sf);
	(v2sf) =	vpush v1, $0xE;
	[smem:$0x7E9] =	sst s1;
	v24 =	vadd.f32 v26, v24  }
0x118: {  	v20 =	vmul.f32 v31, v20;
	v23 =	vsel vm0, v23, v27;
	s19 =	spop (v2sf);
	v29 =	vmul.f32 v31, v30;
	[smem:$0x7EC] =	sst s3  }
0x119: {  	v47 =	vbroadcast v15, $0x5;
	(v2sf) =	vpush v3, $0xE;
	[tilespmem:s19+$0x13000] =	vst.add.f32.msk $0xffff, v23;
	v23 =	vmul.f32 $2.000000030e-01, v24  }
0x11a: {  	v17 =	vshll.u32 v17, $0x7;
	(v2sf) =	vpush v1, $0xF;
	v20 =	vsel vm0, v29, v20  }
0x11b: {  	(v2sf) =	vpush v3, $0xF;
	s20 =	spop (v2sf);
	[tilespmem:s19+$0x13010] =	vst.add.f32.msk $0xffff, v20;
	v49 =	vadd.f32 v21, v32;
	v23 =	vmax.f32 v24, v23  }
0x11c: {  	v27 =	vbroadcast v5, $0xC;
	v20 =	vshra.s32 v17, $0x2;
	v21 =	vld [tilespmem:s20+$0xB000];
	v3 =	vmul.f32 $1.442695020e+00, v23  }
0x11d: {  	v26 =	vmul.f32 v28, v46;
	(v2sf) =	vpush v20, $0x0;
	v17 =	vmul.f32 $2.000000030e-01, v49  }
0x11e: {  	v24 =	vmul.f32 v28, v47;
	v23 =	vld [tilespmem:s20+$0xB010];
	(erf) = vpow2.f32 v3;
	v3 =	vsel vm0, v48, v25  }
0x11f: {  	s1 =	spop (v2sf);
	v28 =	vbroadcast v7, $0xC;
	v1 =	vmax.f32 v49, v17;
	v17 =	vbroadcast v2, $0xC;
	[tilespmem:s31+$0x13000] =	vst.add.f32.msk $0xffff, v3  }
0x120: {  	v24 =	vsel vm0, v26, v24;
	v3 =	vbroadcast v14, $0xC;
	v1 =	vmul.f32 $1.442695020e+00, v1;
	[smem:$0x7ED] =	sst s1  }
0x121: {  	s3 =	spop (v2sf);
	v25 =	vmul.f32 v21, v27;
	v21 =	vmul.f32 v21, v28;
	[tilespmem:s31+$0x13010] =	vst.add.f32.msk $0xffff, v24  }
0x122: {  	v9 =	vmul.u32 $0xA0, v9;
	s19 =	spop (v2sf);
	(erf) = vpow2.f32 v1;
	[dreg:$0x6] =	wrdreg s3  }
0x123: {  	s20 =	spop (v2sf);
	v50 =	vmul.f32 v23, v17;
	v3 =	vmul.f32 v23, v3;
	v25 =	vsel vm0, v25, v21;
	v24 =	vld [tilespmem:s7+$0xB000];
	[dreg:$0x5] =	wrdreg s19  }
0x124: {  	v23 =	vadd.s32 $0x22, v16;
	v21 =	vshra.s32 v9, $0x2;
	s3 =	spop (v2sf);
	[tilespmem:s20+$0x13000] =	vst.add.f32.msk $0xffff, v25  }
0x125: {  	v9 =	vadd.s32 $0x3, v19;
	v1 =	vsel vm0, v50, v3;
	(v2sf) =	vpush v21, $0x0;
	v17 =	vld [tilespmem:s7+$0xB010];
	s7 =	spop (v2sf);
	[dreg:$0x4] =	wrdreg s3  }
0x126: {  	v53 =	vbroadcast v14, $0xE;
	v22 =	vadd.s32 $0x23, v22;
	v18 =	vadd.s32 $0x3, v18;
	s31 =	spop (v2sf);
	[tilespmem:s20+$0x13010] =	vst.add.f32.msk $0xffff, v1  }
0x127: {  	v30 =	vbroadcast v13, $0x6;
	v31 =	vbroadcast v15, $0x6;
	(v2sf) =	vpush v20, $0x1;
	s3 =	spop (v2sf);
	v26 =	vld [tilespmem:s7+$0xB000]  }
0x128: {  	v28 =	vbroadcast v11, $0x6;
	v3 =	vbroadcast v6, $0x6;
	v27 =	vld [tilespmem:s7+$0xB010];
	v1 =	vpop (erf);
	s1 =	spop (v2sf)  }
0x129: {  	v29 =	vbroadcast v11, $0x7;
	v19 =	vbroadcast v6, $0x7;
	[tilespmem:v23+s12+$0x0] =	vst.idx.add.f32.msk $0xffff, v1;
	s7 =	spop (v2sf)  }
0x12a: {  	v3 =	vmul.f32 v24, v3;
	v23 =	vmul.f32 v24, v28;
	v24 =	vld.idx.msk [tilespmem:v9+s10+$0x0], $0xffff;
	s20 =	spop (v2sf)  }
0x12b: {  	v28 =	vmul.f32 v17, v30;
	v17 =	vmul.f32 v17, v31;
	v18 =	vld.idx.msk [tilespmem:v18+s2+$0x0], $0xffff;
	[smem:$0x7F2] =	sst s20;
	v9 =	vpop (erf)  }
0x12c: {  	v30 =	vbroadcast v5, $0xD;
	v31 =	vbroadcast v7, $0xD;
	s19 =	spop (v2sf);
	[tilespmem:v22+s12+$0x0] =	vst.idx.add.f32.msk $0xffff, v9  }
0x12d: {  	v3 =	vsel vm0, v3, v23;
	v23 =	vbroadcast v14, $0xD;
	v22 =	vbroadcast v2, $0xD;
	v51 =	vld [tilespmem:s19+$0xB000]  }
0x12e: {  	v17 =	vsel vm0, v28, v17;
	v28 =	vmul.f32 v26, v30;
	v26 =	vmul.f32 v26, v31;
	v52 =	vld [tilespmem:s19+$0xB010]  }
0x12f: {  	(v2sf) =	vpush v21, $0x1;
	[tilespmem:s13+$0x13000] =	vst.add.f32.msk $0xffff, v3;
	v3 =	vmul.f32 v27, v22;
	v22 =	vmul.f32 v27, v23  }
0x130: {  	[tilespmem:s13+$0x13010] =	vst.add.f32.msk $0xffff, v17;
	v17 =	vsel vm0, v28, v26;
	v23 =	vbroadcast v0, $0x0;
	v26 =	vbroadcast v12, $0x0  }
0x131: {  	(v2sf) =	vpush v20, $0x2;
	v30 =	vbroadcast v9, $0x0;
	v27 =	vld [tilespmem:s16+$0xB000];
	v28 =	vbroadcast v4, $0x0  }
0x132: {  	v31 =	vld [tilespmem:s16+$0xB010];
	v18 =	vadd.f32 v18, v24;
	v23 =	vmul.f32 v51, v23;
	v24 =	vmul.f32 v51, v26  }
0x133: {  	[tilespmem:s31+$0x13000] =	vst.add.f32.msk $0xffff, v17;
	v3 =	vsel vm0, v3, v22;
	v17 =	vmul.f32 v28, v52;
	v22 =	vmul.f32 v30, v52  }
0x134: {  	v25 =	vbroadcast v6, $0x8;
	[tilespmem:s31+$0x13010] =	vst.add.f32.msk $0xffff, v3;
	v3 =	vbroadcast v11, $0x8;
	s16 =	spop (v2sf);
	v23 =	vsel vm0, v23, v24  }
0x135: {  	v26 =	vmul.f32 $2.000000030e-01, v18;
	v28 =	vbroadcast v13, $0x8;
	v17 =	vsel vm0, v17, v22;
	[tilespmem:s16+$0x13000] =	vst.add.f32.msk $0xffff, v23  }
0x136: {  	v19 =	vmul.f32 v27, v19;
	s19 =	spop (v2sf);
	v24 =	vbroadcast v13, $0x7;
	[tilespmem:s16+$0x13010] =	vst.add.f32.msk $0xffff, v17  }
0x137: {  	v18 =	vmax.f32 v18, v26;
	v22 =	vmul.f32 v27, v29;
	v17 =	vbroadcast v15, $0x7;
	v23 =	vld [tilespmem:s19+$0xB000]  }
0x138: {  	v30 =	vbroadcast v12, $0x1;
	v18 =	vmul.f32 $1.442695020e+00, v18;
	v26 =	vld [tilespmem:s19+$0xB010]  }
0x139: {  	v24 =	vmul.f32 v31, v24;
	v19 =	vsel vm0, v19, v22;
	v22 =	vld [tilespmem:s3+$0xB000];
	v17 =	vmul.f32 v31, v17  }
0x13a: {  	v29 =	vbroadcast v0, $0x1;
	(erf) = vpow2.f32 v18;
	v18 =	vld [tilespmem:s3+$0xB010]  }
0x13b: {  	[tilespmem:s17+$0x13000] =	vst.add.f32.msk $0xffff, v19;
	v19 =	vbroadcast v4, $0x1;
	v17 =	vsel vm0, v24, v17;
	v24 =	vbroadcast v9, $0x1  }
0x13c: {  	(v2sf) =	vpush v21, $0x2;
	[tilespmem:s17+$0x13010] =	vst.add.f32.msk $0xffff, v17;
	v17 =	vmul.f32 v23, v29;
	v23 =	vmul.f32 v23, v30  }
0x13d: {  	(v2sf) =	vpush v20, $0x3;
	v29 =	vld [tilespmem:s18+$0xB000];
	v19 =	vmul.f32 v26, v19;
	v24 =	vmul.f32 v26, v24  }
0x13e: {  	s13 =	spop (v2sf);
	v31 =	vbroadcast v7, $0xE;
	v26 =	vld [tilespmem:s18+$0xB010];
	v30 =	vbroadcast v5, $0xE;
	v17 =	vsel vm0, v17, v23  }
0x13f: {  	v27 =	vbroadcast v15, $0x8;
	v23 =	vbroadcast v2, $0xE;
	v19 =	vsel vm0, v19, v24;
	[tilespmem:s13+$0x13000] =	vst.add.f32.msk $0xffff, v17  }
0x140: {  	[tilespmem:s13+$0x13010] =	vst.add.f32.msk $0xffff, v19;
	v17 =	vmul.f32 v22, v30;
	v19 =	vmul.f32 v22, v31  }
0x141: {  	s16 =	spop (v2sf);
	v22 =	vmul.f32 v18, v23;
	v18 =	vmul.f32 v18, v53  }
0x142: {  	v23 =	vld [tilespmem:s16+$0xB000];
	v17 =	vsel vm0, v17, v19;
	v19 =	vmul.f32 v29, v25;
	v3 =	vmul.f32 v29, v3  }
0x143: {  	v16 =	vadd.s32 $0x23, v16;
	v18 =	vsel vm0, v22, v18;
	[tilespmem:s1+$0x13000] =	vst.add.f32.msk $0xffff, v17  }
0x144: {  	v17 =	vmul.f32 v26, v28;
	[tilespmem:s1+$0x13010] =	vst.add.f32.msk $0xffff, v18;
	v18 =	vmul.f32 v26, v27;
	v3 =	vsel vm0, v19, v3  }
0x145: {  	v24 =	vld [tilespmem:s16+$0xB010]  }
0x146: {  	[tilespmem:s22+$0x13000] =	vst.add.f32.msk $0xffff, v3;
	v17 =	vsel vm0, v17, v18  }
0x147: {  	(v2sf) =	vpush v21, $0x3;
	v3 =	vpop (erf);
	[tilespmem:s22+$0x13010] =	vst.add.f32.msk $0xffff, v17  }
0x148: {  	v22 =	vbroadcast v12, $0x2;
	v19 =	vbroadcast v0, $0x2;
	[tilespmem:v16+s12+$0x0] =	vst.idx.add.f32.msk $0xffff, v3  }
0x149: {  	(v2sf) =	vpush v20, $0x4;
	v18 =	vbroadcast v9, $0x2;
	v16 =	vbroadcast v4, $0x2;
	v29 =	vld [tilespmem:s24+$0xB000]  }
0x14a: {  	v19 =	vmul.f32 v23, v19;
	v22 =	vmul.f32 v23, v22;
	v25 =	vld [tilespmem:s4+$0xB000]  }
0x14b: {  	v17 =	vmul.f32 v24, v18;
	v23 =	vld [tilespmem:s4+$0xB010];
	v16 =	vmul.f32 v24, v16  }
0x14c: {  	v54 =	vbroadcast v13, $0x9;
	s17 =	spop (v2sf);
	v19 =	vsel vm0, v19, v22;
	v31 =	vld [tilespmem:s24+$0xB010]  }
0x14d: {  	v22 =	vbroadcast v10, $0x0;
	[tilespmem:s17+$0x13000] =	vst.add.f32.msk $0xffff, v19;
	v24 =	vbroadcast v8, $0x0;
	v16 =	vsel vm0, v16, v17  }
0x14e: {  	s18 =	spop (v2sf);
	v19 =	vbroadcast v3, $0x0;
	[tilespmem:s17+$0x13010] =	vst.add.f32.msk $0xffff, v16;
	v16 =	vbroadcast v1, $0x0  }
0x14f: {  	v22 =	vmul.f32 v25, v22;
	v24 =	vmul.f32 v25, v24;
	v25 =	vld [tilespmem:s18+$0xB000]  }
0x150: {  	s22 =	simm.s32 $0x50;
	v26 =	vld [tilespmem:s18+$0xB010];
	v19 =	vmul.f32 v19, v23;
	v16 =	vmul.f32 v16, v23  }
0x151: {  	v55 =	vbroadcast v15, $0x9;
	(v2sf) =	vpush v21, $0x4;
	v34 =	vld [tilespmem:s22+$0x0];
	v22 =	vsel vm0, v22, v24  }
0x152: {  	v23 =	vbroadcast v0, $0x3;
	v24 =	vbroadcast v12, $0x3;
	v16 =	vsel vm0, v16, v19;
	[tilespmem:s6+$0x13000] =	vst.add.f32.msk $0xffff, v22  }
0x153: {  	(v2sf) =	vpush v20, $0x5;
	v19 =	vbroadcast v4, $0x3;
	v22 =	vbroadcast v9, $0x3;
	[tilespmem:s6+$0x13010] =	vst.add.f32.msk $0xffff, v16  }
0x154: {  	v16 =	vmul.f32 v25, v23;
	v23 =	vmul.f32 v25, v24;
	v24 =	vld [tilespmem:s5+$0xB000]  }
0x155: {  	v19 =	vmul.f32 v26, v19;
	v22 =	vmul.f32 v26, v22;
	v25 =	vld [tilespmem:s5+$0xB010]  }
0x156: {  	v56 =	vbroadcast v10, $0x2;
	v58 =	vbroadcast v12, $0x4;
	s19 =	spop (v2sf);
	v60 =	vld [tilespmem:s22+$0xFFFFFFF0];
	v16 =	vsel vm0, v16, v23  }
0x157: {  	v23 =	vbroadcast v10, $0x1;
	v19 =	vsel vm0, v19, v22;
	[tilespmem:s19+$0x13000] =	vst.add.f32.msk $0xffff, v16;
	v16 =	vbroadcast v8, $0x1  }
0x158: {  	s24 =	spop (v2sf);
	v26 =	vbroadcast v3, $0x1;
	[tilespmem:s19+$0x13010] =	vst.add.f32.msk $0xffff, v19;
	v19 =	vbroadcast v1, $0x1  }
0x159: {  	v30 =	vld [tilespmem:s24+$0xB000];
	v23 =	vmul.f32 v24, v23;
	v16 =	vmul.f32 v24, v16  }
0x15a: {  	s3 =	simm.s32 $0x4450;
	v57 =	vld [tilespmem:s24+$0xB010];
	v19 =	vmul.f32 v25, v19;
	v25 =	vmul.f32 v25, v26  }
0x15b: {  	v37 =	vbroadcast v8, $0x2;
	v39 =	vbroadcast v4, $0x4;
	(v2sf) =	vpush v21, $0x5;
	v24 =	vld [tilespmem:s3+$0x0]  }
0x15c: {  	v16 =	vsel vm0, v23, v16;
	v23 =	vld [tilespmem:s7+$0xB010];
	v19 =	vsel vm0, v19, v25;
	v25 =	vbroadcast v0, $0x4  }
0x15d: {  	v44 =	vbroadcast v4, $0x5;
	v40 =	vbroadcast v9, $0x4;
	[tilespmem:s8+$0x13000] =	vst.add.f32.msk $0xffff, v16  }
0x15e: {  	(v2sf) =	vpush v20, $0x6;
	[tilespmem:s8+$0x13010] =	vst.add.f32.msk $0xffff, v19;
	v25 =	vmul.f32 v30, v25;
	v30 =	vmul.f32 v30, v58  }
0x15f: {  	v16 =	vmul.u32 $0x5, v34;
	v19 =	vld [tilespmem:s3+$0xFFFFFFF0];
	v59 =	vmul.f32 v57, v39;
	v36 =	vmul.f32 v57, v40  }
0x160: {  	v27 =	vbroadcast v6, $0x9;
	s4 =	spop (v2sf);
	v45 =	vmul.u32 $0x5, v24;
	v25 =	vsel vm0, v25, v30  }
0x161: {  	v2 =	vbroadcast v2, $0xF;
	v28 =	vbroadcast v11, $0x9;
	v30 =	vsel vm0, v59, v36;
	[tilespmem:s4+$0x13000] =	vst.add.f32.msk $0xffff, v25  }
0x162: {  	v14 =	vbroadcast v14, $0xF;
	v27 =	vmul.f32 v29, v27;
	s5 =	spop (v2sf);
	[tilespmem:s4+$0x13010] =	vst.add.f32.msk $0xffff, v30  }
0x163: {  	v28 =	vmul.f32 v29, v28;
	v2 =	vmul.f32 v23, v2;
	v29 =	vld [tilespmem:s5+$0xB000]  }
0x164: {  	v23 =	vmul.f32 v23, v14;
	v30 =	vmul.u32 $0x5, v60;
	v62 =	vld [tilespmem:s5+$0xB010];
	v14 =	vmul.u32 $0xA0, v19  }
0x165: {  	v48 =	vbroadcast v9, $0x5;
	v27 =	vsel vm0, v27, v28;
	v25 =	vmul.u32 $0x5, v19;
	v28 =	vld.idx.msk [tilespmem:v16+s10+$0x0], $0xffff  }
0x166: {  	v52 =	vbroadcast v0, $0x5;
	v53 =	vbroadcast v12, $0x5;
	v46 =	vshra.s32 v14, $0x2;
	v42 =	vld.idx.msk [tilespmem:v45+s2+$0x0], $0xffff  }
0x167: {  	v63 =	vbroadcast v3, $0x2;
	v32 =	vmul.f32 v31, v54;
	v43 =	vld [tilespmem:s11+$0xB010];
	(v2sf) =	vpush v46, $0x0  }
0x168: {  	v39 =	vshll.u32 v60, $0x7;
	v14 =	vmul.f32 v31, v55;
	(v2sf) =	vpush v21, $0x6  }
0x169: {  	v47 =	vshra.s32 v39, $0x2;
	v31 =	vld [tilespmem:s11+$0xB000];
	v33 =	vmul.f32 v29, v52;
	v29 =	vmul.f32 v29, v53  }
0x16a: {  	(v2sf) =	vpush v47, $0x0;
	v54 =	vld.idx.msk [tilespmem:v30+s10+$0x0], $0xffff;
	v55 =	vmul.f32 v62, v44;
	v36 =	vmul.f32 v62, v48  }
0x16b: {  	s6 =	spop (v2sf);
	v49 =	vld.idx.msk [tilespmem:v25+s2+$0x0], $0xffff;
	(v2sf) =	vpush v20, $0x7;
	v29 =	vsel vm0, v33, v29;
	v28 =	vadd.f32 v42, v28  }
0x16c: {  	v61 =	vbroadcast v1, $0x2;
	v59 =	vmul.f32 v43, v63;
	v58 =	vsel vm0, v55, v36;
	[tilespmem:s6+$0x13000] =	vst.add.f32.msk $0xffff, v29  }
0x16d: {  	v14 =	vsel vm0, v32, v14;
	(v2sf) =	vpush v47, $0x1;
	[tilespmem:s6+$0x13010] =	vst.add.f32.msk $0xffff, v58;
	v57 =	vmul.f32 $2.000000030e-01, v28  }
0x16e: {  	s8 =	spop (v2sf);
	v56 =	vmul.f32 v31, v56;
	v29 =	vmul.f32 v31, v37;
	(v2sf) =	vpush v46, $0x1;
	s11 =	sld [smem:$0x7CE]  }
0x16f: {  	v31 =	vmul.f32 v43, v61;
	(v2sf) =	vpush v47, $0x2;
	v60 =	vld [tilespmem:s8+$0xB000];
	v28 =	vmax.f32 v28, v57  }
0x170: {  	v61 =	vld [tilespmem:s8+$0xB010];
	(v2sf) =	vpush v46, $0x2;
	v62 =	vadd.f32 v49, v54;
	v28 =	vmul.f32 $1.442695020e+00, v28  }
0x171: {  	(v2sf) =	vpush v47, $0x3;
	[tilespmem:s11+$0x13000] =	vst.add.f32.msk $0xffff, v27;
	v27 =	vsel vm0, v56, v29;
	v29 =	vsel vm0, v31, v59  }
0x172: {  	[tilespmem:s11+$0x13010] =	vst.add.f32.msk $0xffff, v14;
	(v2sf) =	vpush v46, $0x3;
	v31 =	vbroadcast v9, $0x6;
	(erf) = vpow2.f32 v28  }
0x173: {  	[tilespmem:s15+$0x13000] =	vst.add.f32.msk $0xffff, v27;
	(v2sf) =	vpush v21, $0x7;
	v27 =	vbroadcast v0, $0x6;
	v28 =	vbroadcast v12, $0x6  }
0x174: {  	v14 =	vmul.f32 $2.000000030e-01, v62;
	[tilespmem:s15+$0x13010] =	vst.add.f32.msk $0xffff, v29;
	v29 =	vbroadcast v4, $0x6  }
0x175: {  	v43 =	vmul.u32 $0x28, v24;
	v27 =	vmul.f32 v60, v27;
	v28 =	vmul.f32 v60, v28  }
0x176: {  	v63 =	vld [tilespmem:s30+$0xB000];
	v31 =	vmul.f32 v61, v31;
	v29 =	vmul.f32 v61, v29;
	s22 =	spop (v2sf)  }
0x177: {  	v52 =	vld [tilespmem:s14+$0xB000];
	v27 =	vsel vm0, v27, v28;
	v28 =	vadd.s32 $0x20, v43;
	s13 =	spop (v2sf)  }
0x178: {  	v14 =	vmax.f32 v62, v14;
	v29 =	vsel vm0, v29, v31;
	[tilespmem:s13+$0x13000] =	vst.add.f32.msk $0xffff, v27;
	v27 =	vadd.s32 $0x1, v16  }
0x179: {  	s0 =	spop (v2sf);
	[tilespmem:s13+$0x13010] =	vst.add.f32.msk $0xffff, v29;
	v29 =	vadd.s32 $0x1, v45  }
0x17a: {  	v22 =	vbroadcast v10, $0x3;
	v26 =	vbroadcast v8, $0x3;
	v53 =	vld [tilespmem:s14+$0xB010];
	s14 =	spop (v2sf)  }
0x17b: {  	v54 =	vmul.f32 $1.442695020e+00, v14;
	v55 =	vld [tilespmem:s14+$0xB000];
	v14 =	vpop (erf)  }
0x17c: {  	v22 =	vmul.f32 v52, v22;
	v26 =	vmul.f32 v52, v26;
	s1 =	spop (v2sf);
	[tilespmem:v28+s12+$0x0] =	vst.idx.add.f32.msk $0xffff, v14  }
0x17d: {  	v41 =	vbroadcast v1, $0x3;
	v57 =	vbroadcast v12, $0x7;
	s3 =	spop (v2sf);
	v27 =	vld.idx.msk [tilespmem:v27+s10+$0x0], $0xffff  }
0x17e: {  	(v2sf) =	vpush v20, $0x8;
	v22 =	vsel vm0, v22, v26;
	v26 =	vbroadcast v0, $0x7;
	s4 =	spop (v2sf);
	v29 =	vld.idx.msk [tilespmem:v29+s2+$0x0], $0xffff  }
0x17f: {  	v38 =	vld [tilespmem:s7+$0xB000];
	v18 =	vbroadcast v6, $0xA;
	v17 =	vbroadcast v11, $0xA;
	(v2sf) =	vpush v47, $0x4;
	s7 =	spop (v2sf)  }
0x180: {  	(v2sf) =	vpush v46, $0x4;
	v56 =	vld [tilespmem:s14+$0xB010];
	s14 =	spop (v2sf);
	v26 =	vmul.f32 v55, v26;
	v33 =	vmul.f32 v55, v57  }
0x181: {  	v31 =	vbroadcast v3, $0x3;
	(erf) = vpow2.f32 v54;
	s19 =	spop (v2sf)  }
0x182: {  	v18 =	vmul.f32 v63, v18;
	v17 =	vmul.f32 v63, v17;
	s15 =	spop (v2sf);
	v26 =	vsel vm0, v26, v33  }
0x183: {  	v31 =	vmul.f32 v53, v31;
	v28 =	vmul.f32 v53, v41;
	[tilespmem:s15+$0x13000] =	vst.add.f32.msk $0xffff, v26;
	v26 =	vadd.f32 v29, v27  }
0x184: {  	v59 =	vsel vm0, v18, v17  }
0x185: {  	v28 =	vsel vm0, v28, v31;
	v31 =	vbroadcast v4, $0x7;
	v17 =	vmul.f32 $2.000000030e-01, v26  }
0x186: {  	v58 =	vbroadcast v9, $0x7  }
0x187: {  	v2 =	vsel vm0, v2, v23;
	[tilespmem:s9+$0x13000] =	vst.add.f32.msk $0xffff, v22;
	v22 =	vmul.f32 v56, v31;
	v17 =	vmax.f32 v26, v17  }
0x188: {  	v31 =	vmul.f32 v56, v58;
	v17 =	vmul.f32 $1.442695020e+00, v17  }
0x189: {  	[tilespmem:s20+$0x13010] =	vst.add.f32.msk $0xffff, v2  }
0x18a: {  	v35 =	vmul.u32 $0x28, v19;
	[tilespmem:s9+$0x13010] =	vst.add.f32.msk $0xffff, v28;
	v22 =	vsel vm0, v22, v31;
	v2 =	vpop (erf);
	(erf) = vpow2.f32 v17  }
0x18b: {  	[tilespmem:s15+$0x13010] =	vst.add.f32.msk $0xffff, v22  }
0x18c: {  	(v2sf) =	vpush v47, $0x5;
	s9 =	sld [smem:$0x7CF];
	v17 =	vadd.s32 $0x20, v35  }
0x18d: {  	v49 =	vld [tilespmem:s30+$0xB010];
	v18 =	vadd.s32 $0x1, v30;
	(v2sf) =	vpush v46, $0x5;
	s16 =	spop (v2sf)  }
0x18e: {  	v19 =	vadd.s32 $0x1, v25;
	(v2sf) =	vpush v47, $0x6;
	v48 =	vld [tilespmem:s29+$0xB000];
	s15 =	spop (v2sf)  }
0x18f: {  	(v2sf) =	vpush v21, $0x8;
	v22 =	vadd.s32 $0x21, v43;
	s17 =	spop (v2sf);
	[tilespmem:s9+$0x13000] =	vst.add.f32.msk $0xffff, v59  }
0x190: {  	v23 =	vadd.s32 $0x2, v16;
	(v2sf) =	vpush v46, $0x6;
	v60 =	vld [tilespmem:s16+$0xB000];
	[smem:$0x7DF] =	sst s17  }
0x191: {  	(v2sf) =	vpush v20, $0x9;
	v28 =	vadd.s32 $0x2, v45;
	[tilespmem:v17+s12+$0x0] =	vst.idx.add.f32.msk $0xffff, v2  }
0x192: {  	v51 =	vbroadcast v13, $0xA;
	v32 =	vbroadcast v15, $0xC;
	(v2sf) =	vpush v47, $0x7;
	v29 =	vld.idx.msk [tilespmem:v18+s10+$0x0], $0xffff  }
0x193: {  	v44 =	vbroadcast v15, $0xB;
	v37 =	vbroadcast v5, $0xF;
	(v2sf) =	vpush v46, $0x7;
	v19 =	vld.idx.msk [tilespmem:v19+s2+$0x0], $0xffff;
	v5 =	vpop (erf)  }
0x194: {  	v42 =	vbroadcast v13, $0xB;
	v41 =	vbroadcast v11, $0xB;
	(v2sf) =	vpush v47, $0x8;
	[tilespmem:v22+s12+$0x0] =	vst.idx.add.f32.msk $0xffff, v5  }
0x195: {  	(v2sf) =	vpush v46, $0x8;
	v31 =	vbroadcast v13, $0xC;
	v18 =	vbroadcast v13, $0xE;
	v50 =	vld.idx.msk [tilespmem:v23+s10+$0x0], $0xffff  }
0x196: {  	(v2sf) =	vpush v47, $0x9;
	v52 =	vld.idx.msk [tilespmem:v28+s2+$0x0], $0xffff;
	v28 =	vbroadcast v13, $0xD;
	v13 =	vbroadcast v13, $0xF  }
0x197: {  	v53 =	vbroadcast v15, $0xA;
	v33 =	vbroadcast v11, $0xC;
	(v2sf) =	vpush v46, $0x9  }
0x198: {  	(v2sf) =	vpush v47, $0xA;
	v26 =	vbroadcast v11, $0xD;
	[tilespmem:$0x1FC60] =	vst v13;
	v13 =	vadd.f32 v19, v29  }
0x199: {  	(v2sf) =	vpush v21, $0x9;
	v17 =	vbroadcast v11, $0xE;
	v11 =	vbroadcast v11, $0xF  }
0x19a: {  	(v2sf) =	vpush v46, $0xA;
	v23 =	vbroadcast v15, $0xE;
	v19 =	vmul.f32 $2.000000030e-01, v13  }
0x19b: {  	v29 =	vbroadcast v15, $0xD;
	v15 =	vbroadcast v15, $0xF;
	v50 =	vadd.f32 v52, v50  }
0x19c: {  	(v2sf) =	vpush v20, $0xA;
	[tilespmem:$0x1FC80] =	vst v11;
	v11 =	vmax.f32 v13, v19  }
0x19d: {  	s5 =	spop (v2sf);
	(v2sf) =	vpush v47, $0xB;
	[tilespmem:$0x1FC70] =	vst v15;
	v11 =	vmul.f32 $1.442695020e+00, v11;
	v13 =	vmul.f32 $2.000000030e-01, v50  }
0x19e: {  	v61 =	vbroadcast v12, $0x8;
	v62 =	vbroadcast v9, $0x8;
	s20 =	spop (v2sf);
	(v2sf) =	vpush v46, $0xB;
	v15 =	vld [tilespmem:s16+$0xB010]  }
0x19f: {  	v19 =	vbroadcast v0, $0x8;
	(erf) = vpow2.f32 v11;
	v11 =	vmax.f32 v50, v13  }
0x1a0: {  	s18 =	spop (v2sf);
	v39 =	vmul.f32 v60, v61;
	(v2sf) =	vpush v21, $0xA;
	v11 =	vmul.f32 $1.442695020e+00, v11  }
0x1a1: {  	s24 =	spop (v2sf);
	(v2sf) =	vpush v20, $0xB;
	v19 =	vmul.f32 v60, v19;
	v13 =	vbroadcast v4, $0x8  }
0x1a2: {  	s13 =	spop (v2sf);
	(v2sf) =	vpush v47, $0xC;
	[smem:$0x7E1] =	sst s18;
	(erf) = vpow2.f32 v11  }
0x1a3: {  	[smem:$0x7E4] =	sst s13;
	s16 =	spop (v2sf);
	v19 =	vsel vm0, v19, v39;
	v11 =	vmul.f32 v15, v13;
	v13 =	vmul.f32 v15, v62  }
0x1a4: {  	v40 =	vbroadcast v6, $0xB;
	s17 =	spop (v2sf);
	[tilespmem:s24+$0x13000] =	vst.add.f32.msk $0xffff, v19  }
0x1a5: {  	(v2sf) =	vpush v46, $0xC;
	s18 =	spop (v2sf);
	v15 =	vadd.s32 $0x21, v35;
	[smem:$0x7E5] =	sst s17;
	v11 =	vsel vm0, v11, v13  }
0x1a6: {  	v36 =	vbroadcast v6, $0xC;
	v63 =	vadd.s32 $0x2, v30;
	(v2sf) =	vpush v47, $0xD;
	[tilespmem:s24+$0x13010] =	vst.add.f32.msk $0xffff, v11;
	s24 =	spop (v2sf)  }
0x1a7: {  	v27 =	vbroadcast v6, $0xD;
	v22 =	vbroadcast v6, $0xE;
	(v2sf) =	vpush v46, $0xD;
	[smem:$0x7E7] =	sst s18;
	s8 =	spop (v2sf)  }
0x1a8: {  	v39 =	vbroadcast v7, $0xF;
	v7 =	vbroadcast v6, $0xF;
	v11 =	vadd.s32 $0x2, v25;
	v6 =	vld [tilespmem:s16+$0xB000];
	[smem:$0x7E8] =	sst s24;
	s11 =	spop (v2sf)  }
0x1a9: {  	v60 =	vadd.s32 $0x22, v43;
	(v2sf) =	vpush v21, $0xB;
	v54 =	vld [tilespmem:s16+$0xB010];
	v13 =	vpop (erf);
	[smem:$0x7EA] =	sst s8;
	s13 =	spop (v2sf)  }
0x1aa: {  	v55 =	vadd.s32 $0x3, v16;
	(v2sf) =	vpush v20, $0xC;
	[tilespmem:v15+s12+$0x0] =	vst.idx.add.f32.msk $0xffff, v13;
	s16 =	spop (v2sf)  }
0x1ab: {  	(v2sf) =	vpush v47, $0xE;
	v15 =	vadd.s32 $0x3, v45;
	[smem:$0x7EB] =	sst s11;
	s6 =	spop (v2sf)  }
0x1ac: {  	v57 =	vbroadcast v3, $0x4;
	v56 =	vbroadcast v10, $0x4;
	(v2sf) =	vpush v46, $0xE;
	v50 =	vld.idx.msk [tilespmem:v63+s10+$0x0], $0xffff;
	[smem:$0x7F1] =	sst s13;
	s17 =	spop (v2sf)  }
0x1ad: {  	v58 =	vbroadcast v9, $0x9;
	v61 =	vmul.f32 v49, v51;
	(v2sf) =	vpush v47, $0xF;
	v16 =	vpop (erf);
	v11 =	vld.idx.msk [tilespmem:v11+s2+$0x0], $0xffff;
	[dreg:$0x1c] =	wrdreg s16;
	s8 =	spop (v2sf)  }
0x1ae: {  	v49 =	vmul.f32 v49, v53;
	v62 =	vbroadcast v0, $0x9;
	(v2sf) =	vpush v21, $0xC;
	[tilespmem:v60+s12+$0x0] =	vst.idx.add.f32.msk $0xffff, v16;
	s18 =	spop (v2sf)  }
0x1af: {  	v59 =	vmul.f32 v48, v56;
	v63 =	vbroadcast v12, $0x9;
	(v2sf) =	vpush v46, $0xF;
	v52 =	vld.idx.msk [tilespmem:v55+s10+$0x0], $0xffff;
	[dreg:$0xe] =	wrdreg s17;
	s24 =	spop (v2sf)  }
0x1b0: {  	v56 =	vbroadcast v4, $0xA;
	v45 =	vsel vm0, v61, v49;
	v61 =	vmul.f32 v6, v62;
	v15 =	vld.idx.msk [tilespmem:v15+s2+$0x0], $0xffff;
	s13 =	spop (v2sf)  }
0x1b1: {  	(v2sf) =	vpush v20, $0xD;
	v60 =	vbroadcast v4, $0x9;
	v6 =	vmul.f32 v6, v63;
	[dreg:$0xd] =	wrdreg s18;
	s11 =	spop (v2sf)  }
0x1b2: {  	v51 =	vbroadcast v8, $0x4;
	v63 =	vmul.f32 v54, v58;
	(v2sf) =	vpush v21, $0xD;
	[dreg:$0xc] =	wrdreg s24;
	s10 =	spop (v2sf)  }
0x1b3: {  	(v2sf) =	vpush v20, $0xE;
	v62 =	vmul.f32 v54, v60;
	v6 =	vsel vm0, v61, v6;
	v58 =	vld [tilespmem:s29+$0xB010];
	[dreg:$0xb] =	wrdreg s10  }
0x1b4: {  	v53 =	vbroadcast v1, $0x4;
	(v2sf) =	vpush v21, $0xE;
	v11 =	vadd.f32 v11, v50;
	s16 =	spop (v2sf);
	[tilespmem:s6+$0x13000] =	vst.add.f32.msk $0xffff, v6  }
0x1b5: {  	(v2sf) =	vpush v20, $0xF;
	v60 =	vsel vm0, v62, v63;
	v20 =	vadd.f32 v15, v52;
	[dreg:$0xa] =	wrdreg s16  }
0x1b6: {  	v54 =	vbroadcast v12, $0xA;
	(v2sf) =	vpush v21, $0xF;
	v6 =	vmul.f32 $2.000000030e-01, v11;
	s17 =	spop (v2sf);
	[tilespmem:s6+$0x13010] =	vst.add.f32.msk $0xffff, v60  }
0x1b7: {  	v21 =	vmul.f32 v48, v51;
	v15 =	vshll.u32 v34, $0x7;
	s18 =	spop (v2sf);
	v61 =	vmul.f32 $2.000000030e-01, v20;
	[dreg:$0x9] =	wrdreg s17  }
0x1b8: {  	v15 =	vshra.s32 v15, $0x2;
	v62 =	vmul.f32 v58, v53;
	v6 =	vmax.f32 v11, v6;
	s17 =	spop (v2sf);
	v52 =	vld [tilespmem:s8+$0xB000];
	[dreg:$0x7] =	wrdreg s18  }
0x1b9: {  	(v2sf) =	vpush v15, $0x0;
	v6 =	vmul.f32 $1.442695020e+00, v6;
	s16 =	spop (v2sf);
	v11 =	vld [tilespmem:s8+$0xB010];
	v20 =	vmax.f32 v20, v61  }
0x1ba: {  	v63 =	vmul.f32 v58, v57;
	[tilespmem:s9+$0x13010] =	vst.add.f32.msk $0xffff, v45;
	s24 =	spop (v2sf);
	v20 =	vmul.f32 $1.442695020e+00, v20  }
0x1bb: {  	v21 =	vsel vm0, v59, v21;
	v53 =	vbroadcast v0, $0xA;
	(erf) = vpow2.f32 v6;
	[dreg:$0x8] =	wrdreg s24;
	s30 =	spop (v2sf)  }
0x1bc: {  	v55 =	vsel vm0, v62, v63;
	v6 =	vbroadcast v9, $0xA;
	[tilespmem:s25+$0x13000] =	vst.add.f32.msk $0xffff, v21;
	s24 =	spop (v2sf);
	(erf) = vpow2.f32 v20  }
0x1bd: {  	v21 =	vmul.u32 $0xA0, v24;
	[tilespmem:s25+$0x13010] =	vst.add.f32.msk $0xffff, v55;
	s9 =	spop (v2sf);
	v20 =	vmul.f32 v52, v53;
	v34 =	vmul.f32 v52, v54  }
0x1be: {  	v57 =	vld [tilespmem:s26+$0xB000];
	s25 =	spop (v2sf);
	v58 =	vmul.f32 v11, v56;
	v6 =	vmul.f32 v11, v6  }
0x1bf: {  	v24 =	vshra.s32 v21, $0x2;
	v21 =	vld [tilespmem:s26+$0xB010];
	[dreg:$0x11] =	wrdreg s25;
	v11 =	vsel vm0, v20, v34  }
0x1c0: {  	v6 =	vsel vm0, v58, v6;
	[tilespmem:s13+$0x13000] =	vst.add.f32.msk $0xffff, v11  }
0x1c1: {  	s10 =	spop (v2sf);
	v20 =	vbroadcast v8, $0x5;
	[tilespmem:s13+$0x13010] =	vst.add.f32.msk $0xffff, v6  }
0x1c2: {  	(v2sf) =	vpush v24, $0x0;
	s8 =	spop (v2sf);
	s26 =	sld [smem:$0x7D0]  }
0x1c3: {  	s6 =	spop (v2sf);
	v6 =	vadd.s32 $0x23, v43;
	v43 =	vld [tilespmem:s11+$0xB000]  }
0x1c4: {  	v59 =	vbroadcast v10, $0x5;
	v60 =	vbroadcast v1, $0x5;
	(v2sf) =	vpush v15, $0x1;
	s13 =	spop (v2sf);
	v49 =	vld [tilespmem:s11+$0xB010]  }
0x1c5: {  	v61 =	vbroadcast v3, $0x5;
	v47 =	vmul.f32 v57, v20;
	s11 =	spop (v2sf);
	v20 =	vpop (erf);
	v52 =	vld [tilespmem:s26+$0xB000]  }
0x1c6: {  	v46 =	vmul.f32 v57, v59;
	v53 =	vld [tilespmem:s26+$0xB010];
	s2 =	spop (v2sf)  }
0x1c7: {  	v50 =	vmul.f32 v21, v60;
	v51 =	vmul.f32 v21, v61;
	v21 =	vpop (erf);
	[smem:$0x7F3] =	sst s2  }
0x1c8: {  	v62 =	vbroadcast v0, $0xB;
	v55 =	vbroadcast v12, $0xB;
	[tilespmem:v6+s12+$0x0] =	vst.idx.add.f32.msk $0xffff, v21;
	s12 =	spop (v2sf)  }
0x1c9: {  	v63 =	vbroadcast v9, $0xB;
	v6 =	vsel vm0, v46, v47;
	v46 =	vbroadcast v4, $0xB;
	v60 =	vld [tilespmem:s12+$0xB000]  }
0x1ca: {  	v62 =	vmul.f32 v43, v62;
	v43 =	vmul.f32 v43, v55;
	v61 =	vld [tilespmem:s12+$0xB010]  }
0x1cb: {  	v50 =	vsel vm0, v50, v51;
	v63 =	vmul.f32 v49, v63;
	[tilespmem:s21+$0x13000] =	vst.add.f32.msk $0xffff, v6;
	v6 =	vmul.f32 v49, v46  }
0x1cc: {  	v37 =	vmul.f32 v38, v37;
	v58 =	vbroadcast v16, $0x0;
	[tilespmem:s21+$0x13010] =	vst.add.f32.msk $0xffff, v50;
	v43 =	vsel vm0, v62, v43  }
0x1cd: {  	(v2sf) =	vpush v24, $0x1;
	v59 =	vbroadcast v21, $0x0;
	[tilespmem:s17+$0x13000] =	vst.add.f32.msk $0xffff, v43;
	v6 =	vsel vm0, v6, v63  }
0x1ce: {  	v54 =	vbroadcast v14, $0x0;
	v55 =	vbroadcast v5, $0x0;
	[tilespmem:s17+$0x13010] =	vst.add.f32.msk $0xffff, v6  }
0x1cf: {  	v50 =	vld [tilespmem:s16+$0xB000];
	v43 =	vmul.f32 v58, v61;
	v46 =	vmul.f32 v59, v61  }
0x1d0: {  	(v2sf) =	vpush v15, $0x2;
	v47 =	vmul.f32 v60, v54;
	v49 =	vmul.f32 v60, v55;
	v51 =	vld [tilespmem:s16+$0xB010]  }
0x1d1: {  	v19 =	vbroadcast v0, $0xF;
	v48 =	vbroadcast v10, $0x6;
	s25 =	spop (v2sf);
	v58 =	vld [tilespmem:s28+$0xB000];
	v43 =	vsel vm0, v43, v46  }
0x1d2: {  	v60 =	vbroadcast v12, $0xC;
	v47 =	vsel vm0, v47, v49;
	[tilespmem:s25+$0x13010] =	vst.add.f32.msk $0xffff, v43;
	v43 =	vbroadcast v0, $0xC  }
0x1d3: {  	v62 =	vbroadcast v9, $0xC;
	v61 =	vbroadcast v4, $0xC;
	s26 =	spop (v2sf);
	[tilespmem:s25+$0x13000] =	vst.add.f32.msk $0xffff, v47  }
0x1d4: {  	v63 =	vld [tilespmem:s26+$0xB000];
	v43 =	vmul.f32 v50, v43;
	v46 =	vmul.f32 v50, v60  }
0x1d5: {  	v30 =	vadd.s32 $0x3, v30;
	v57 =	vld [tilespmem:s26+$0xB010];
	v47 =	vmul.f32 v51, v61;
	v51 =	vmul.f32 v51, v62  }
0x1d6: {  	v45 =	vbroadcast v10, $0x8;
	v55 =	vld [tilespmem:s28+$0xB010];
	v50 =	vadd.s32 $0x22, v35;
	v43 =	vsel vm0, v43, v46  }
0x1d7: {  	v59 =	vbroadcast v5, $0x1;
	v60 =	vbroadcast v14, $0x1;
	v47 =	vsel vm0, v47, v51;
	[tilespmem:s9+$0x13000] =	vst.add.f32.msk $0xffff, v43  }
0x1d8: {  	v61 =	vbroadcast v16, $0x1;
	v62 =	vbroadcast v21, $0x1;
	[tilespmem:s9+$0x13010] =	vst.add.f32.msk $0xffff, v47  }
0x1d9: {  	v25 =	vadd.s32 $0x3, v25;
	v46 =	vmul.f32 v63, v60;
	v63 =	vmul.f32 v63, v59;
	v56 =	vld [tilespmem:s10+$0xB000]  }
0x1da: {  	(v2sf) =	vpush v24, $0x2;
	s17 =	simm.s32 $0x13000;
	v43 =	vmul.f32 v57, v61;
	v51 =	vmul.f32 v57, v62;
	v57 =	vld [tilespmem:s10+$0xB010]  }
0x1db: {  	v34 =	vbroadcast v10, $0x7;
	v11 =	vbroadcast v10, $0x9;
	(v2sf) =	vpush v15, $0x3;
	s16 =	simm.s32 $0x8800;
	[tilespmem:v50+s17+$0x0] =	vst.idx.add.f32.msk $0xffff, v20  }
0x1dc: {  	v40 =	vmul.f32 v52, v40;
	v42 =	vmul.f32 v53, v42;
	s2 =	spop (v2sf);
	v46 =	vsel vm0, v46, v63;
	v30 =	vld.idx.msk [tilespmem:v30+s16+$0x0], $0xffff  }
0x1dd: {  	v44 =	vmul.f32 v53, v44;
	v49 =	vbroadcast v8, $0x6;
	v43 =	vsel vm0, v43, v51;
	[tilespmem:s2+$0x13000] =	vst.add.f32.msk $0xffff, v46  }
0x1de: {  	s21 =	simm.s32 $0x9C00;
	v60 =	vbroadcast v1, $0x6;
	v61 =	vbroadcast v3, $0x6;
	[tilespmem:s2+$0x13010] =	vst.add.f32.msk $0xffff, v43  }
0x1df: {  	v48 =	vmul.f32 v58, v48;
	v49 =	vmul.f32 v58, v49;
	s10 =	spop (v2sf);
	v25 =	vld.idx.msk [tilespmem:v25+s21+$0x0], $0xffff;
	s12 =	sld [smem:$0x7D1]  }
0x1e0: {  	v47 =	vmul.f32 v55, v60;
	v43 =	vmul.f32 v55, v61;
	v50 =	vld [tilespmem:s10+$0xB000]  }
0x1e1: {  	v41 =	vmul.f32 v52, v41;
	v42 =	vsel vm0, v42, v44;
	v48 =	vsel vm0, v48, v49;
	v51 =	vld [tilespmem:s10+$0xB010]  }
0x1e2: {  	v44 =	vbroadcast v1, $0x9;
	v54 =	vbroadcast v8, $0x7;
	v43 =	vsel vm0, v47, v43;
	[tilespmem:s12+$0x13000] =	vst.add.f32.msk $0xffff, v48  }
0x1e3: {  	v49 =	vbroadcast v4, $0xD;
	v59 =	vbroadcast v1, $0x7;
	[tilespmem:s12+$0x13010] =	vst.add.f32.msk $0xffff, v43  }
0x1e4: {  	v62 =	vbroadcast v14, $0x2;
	v63 =	vbroadcast v5, $0x2;
	s2 =	sld [smem:$0x7D2]  }
0x1e5: {  	(v2sf) =	vpush v24, $0x3;
	v60 =	vbroadcast v16, $0x2;
	v46 =	vbroadcast v3, $0x7  }
0x1e6: {  	(v2sf) =	vpush v15, $0x4;
	v61 =	vbroadcast v21, $0x2;
	v47 =	vbroadcast v0, $0xD;
	s18 =	sld [smem:$0x7D3]  }
0x1e7: {  	v48 =	vbroadcast v12, $0xD;
	v25 =	vadd.f32 v25, v30;
	v30 =	vmul.f32 v50, v62;
	v52 =	vld [tilespmem:s2+$0xB000]  }
0x1e8: {  	v40 =	vsel vm0, v40, v41;
	v62 =	vmul.f32 v50, v63;
	v63 =	vmul.f32 v51, v60;
	v58 =	vld [tilespmem:s2+$0xB010]  }
0x1e9: {  	v50 =	vmul.f32 v51, v61;
	v53 =	vmul.f32 $2.000000030e-01, v25;
	[tilespmem:s18+$0x13000] =	vst.add.f32.msk $0xffff, v40  }
0x1ea: {  	s25 =	spop (v2sf);
	v55 =	vmul.f32 v56, v47;
	v56 =	vmul.f32 v56, v48;
	[tilespmem:s18+$0x13010] =	vst.add.f32.msk $0xffff, v42;
	v30 =	vsel vm0, v30, v62  }
0x1eb: {  	v51 =	vbroadcast v9, $0xD;
	v40 =	vsel vm0, v63, v50;
	v25 =	vmax.f32 v25, v53;
	[tilespmem:s25+$0x13000] =	vst.add.f32.msk $0xffff, v30  }
0x1ec: {  	s26 =	spop (v2sf);
	v41 =	vsel vm0, v55, v56;
	v55 =	vbroadcast v5, $0x3;
	[tilespmem:s25+$0x13010] =	vst.add.f32.msk $0xffff, v40;
	v25 =	vmul.f32 $1.442695020e+00, v25  }
0x1ed: {  	v30 =	vmul.f32 v57, v49;
	v57 =	vmul.f32 v57, v51;
	v60 =	vld [tilespmem:s26+$0xB000]  }
0x1ee: {  	v56 =	vbroadcast v16, $0x3;
	v61 =	vld [tilespmem:s26+$0xB010];
	s2 =	sld [smem:$0x7D4];
	(erf) = vpow2.f32 v25  }
0x1ef: {  	[tilespmem:s8+$0x13000] =	vst.add.f32.msk $0xffff, v41;
	v30 =	vsel vm0, v30, v57;
	v25 =	vbroadcast v14, $0x3;
	v57 =	vbroadcast v21, $0x3  }
0x1f0: {  	(v2sf) =	vpush v24, $0x4;
	[tilespmem:s8+$0x13010] =	vst.add.f32.msk $0xffff, v30;
	v34 =	vmul.f32 v52, v34;
	v62 =	vmul.f32 v52, v54  }
0x1f1: {  	(v2sf) =	vpush v15, $0x5;
	v63 =	vmul.f32 v58, v59;
	v52 =	vld [tilespmem:s2+$0xB000];
	v54 =	vmul.f32 v58, v46  }
0x1f2: {  	v42 =	vld [tilespmem:s2+$0xB010];
	v34 =	vsel vm0, v34, v62;
	v25 =	vmul.f32 v60, v25;
	v43 =	vmul.f32 v60, v55  }
0x1f3: {  	v30 =	vsel vm0, v63, v54;
	v58 =	vmul.f32 v61, v56;
	v59 =	vmul.f32 v61, v57;
	[tilespmem:s23+$0x13000] =	vst.add.f32.msk $0xffff, v34  }
0x1f4: {  	v0 =	vbroadcast v0, $0xE;
	v53 =	vbroadcast v3, $0x8;
	s2 =	spop (v2sf);
	[tilespmem:s23+$0x13010] =	vst.add.f32.msk $0xffff, v30;
	v25 =	vsel vm0, v25, v43  }
0x1f5: {  	v40 =	vmul.f32 v38, v39;
	v60 =	vadd.s32 $0x23, v35;
	v61 =	vsel vm0, v58, v59;
	[tilespmem:s2+$0x13000] =	vst.add.f32.msk $0xffff, v25  }
0x1f6: {  	v39 =	vbroadcast v2, $0x0;
	v41 =	vbroadcast v1, $0x8;
	s9 =	spop (v2sf);
	[tilespmem:s2+$0x13010] =	vst.add.f32.msk $0xffff, v61  }
0x1f7: {  	v46 =	vbroadcast v8, $0x8;
	v54 =	vbroadcast v13, $0x0;
	v48 =	vld [tilespmem:s9+$0xB000]  }
0x1f8: {  	v62 =	vbroadcast v14, $0x4;
	v63 =	vbroadcast v5, $0x4;
	v49 =	vld [tilespmem:s9+$0xB010];
	s10 =	sld [smem:$0x7D5];
	s9 =	simm.s32 $0x4470  }
0x1f9: {  	v43 =	vbroadcast v8, $0x9;
	v59 =	vbroadcast v20, $0x0;
	v25 =	vpop (erf);
	v51 =	vld [tilespmem:s9+$0xFFFFFFF0]  }
0x1fa: {  	(v2sf) =	vpush v24, $0x5;
	v61 =	vbroadcast v21, $0x4;
	v36 =	vmul.f32 v52, v36;
	[tilespmem:v60+s17+$0x0] =	vst.idx.add.f32.msk $0xffff, v25  }
0x1fb: {  	v33 =	vmul.f32 v52, v33;
	v60 =	vbroadcast v16, $0x4;
	v38 =	vld [tilespmem:s10+$0xB000]  }
0x1fc: {  	v47 =	vld [tilespmem:s0+$0xB000];
	v55 =	vmul.f32 v48, v62;
	v48 =	vmul.f32 v48, v63  }
0x1fd: {  	(v2sf) =	vpush v15, $0x6;
	v57 =	vld [tilespmem:s0+$0xB010];
	v58 =	vmul.f32 v49, v60;
	v49 =	vmul.f32 v49, v61  }
0x1fe: {  	s12 =	simm.s32 $0x70;
	v31 =	vmul.f32 v42, v31;
	v56 =	vld [tilespmem:s10+$0xB010];
	v62 =	vbroadcast v25, $0x0  }
0x1ff: {  	s18 =	spop (v2sf);
	v60 =	vld [tilespmem:s12+$0xFFFFFFF0];
	v48 =	vsel vm0, v55, v48;
	v49 =	vsel vm0, v58, v49;
	v58 =	vbroadcast v14, $0x5  }
0x200: {  	v45 =	vmul.f32 v38, v45;
	v38 =	vmul.f32 v38, v46;
	[tilespmem:s18+$0x13000] =	vst.add.f32.msk $0xffff, v48  }
0x201: {  	s23 =	spop (v2sf);
	[tilespmem:s18+$0x13010] =	vst.add.f32.msk $0xffff, v49;
	v39 =	vmul.f32 v47, v39;
	v47 =	vmul.f32 v47, v54  }
0x202: {  	v63 =	vmul.f32 v59, v57;
	v46 =	vmul.f32 v62, v57;
	v54 =	vld [tilespmem:s23+$0xB000]  }
0x203: {  	v61 =	vmul.u32 $0xA0, v51;
	v41 =	vmul.f32 v56, v41;
	v53 =	vmul.f32 v56, v53;
	v55 =	vld [tilespmem:s23+$0xB010]  }
0x204: {  	v56 =	vld [tilespmem:s6+$0xB000];
	v59 =	vbroadcast v5, $0x5;
	v39 =	vsel vm0, v39, v47;
	v46 =	vsel vm0, v63, v46  }
0x205: {  	v57 =	vld [tilespmem:s6+$0xB010];
	v48 =	vshll.u32 v60, $0x7;
	v47 =	vshra.s32 v61, $0x2;
	v61 =	vbroadcast v21, $0x5  }
0x206: {  	(v2sf) =	vpush v47, $0x0;
	[tilespmem:s22+$0x13000] =	vst.add.f32.msk $0xffff, v39;
	v39 =	vbroadcast v16, $0x5;
	v49 =	vshra.s32 v48, $0x2  }
0x207: {  	[tilespmem:s22+$0x13010] =	vst.add.f32.msk $0xffff, v46;
	(v2sf) =	vpush v24, $0x6;
	v62 =	vmul.f32 v54, v58;
	v63 =	vmul.f32 v54, v59  }
0x208: {  	(v2sf) =	vpush v49, $0x0;
	v54 =	vld [tilespmem:s1+$0xB000];
	v39 =	vmul.f32 v55, v39;
	v55 =	vmul.f32 v55, v61  }
0x209: {  	s25 =	spop (v2sf);
	v32 =	vmul.f32 v42, v32;
	v58 =	vld [tilespmem:s1+$0xB010];
	(v2sf) =	vpush v15, $0x7;
	v46 =	vsel vm0, v62, v63  }
0x20a: {  	v42 =	vbroadcast v12, $0xE;
	(v2sf) =	vpush v49, $0x1;
	v39 =	vsel vm0, v39, v55;
	[tilespmem:s25+$0x13000] =	vst.add.f32.msk $0xffff, v46  }
0x20b: {  	v38 =	vsel vm0, v45, v38;
	v41 =	vsel vm0, v41, v53;
	(v2sf) =	vpush v47, $0x1;
	[tilespmem:s25+$0x13010] =	vst.add.f32.msk $0xffff, v39  }
0x20c: {  	s26 =	spop (v2sf);
	v59 =	vbroadcast v2, $0x1;
	v62 =	vbroadcast v13, $0x1;
	(v2sf) =	vpush v49, $0x2;
	v39 =	vld [tilespmem:s9+$0x0];
	s2 =	sld [smem:$0x7D6]  }
0x20d: {  	v61 =	vbroadcast v25, $0x1;
	v63 =	vbroadcast v20, $0x1;
	v46 =	vld [tilespmem:s26+$0xB000];
	(v2sf) =	vpush v47, $0x2  }
0x20e: {  	v52 =	vld [tilespmem:s26+$0xB010];
	v53 =	vmul.f32 v54, v59;
	v48 =	vmul.f32 v54, v62;
	(v2sf) =	vpush v49, $0x3  }
0x20f: {  	v45 =	vmul.f32 v58, v61;
	v62 =	vbroadcast v14, $0x6;
	(v2sf) =	vpush v47, $0x3;
	[tilespmem:s2+$0x13000] =	vst.add.f32.msk $0xffff, v38  }
0x210: {  	v38 =	vmul.f32 v58, v63;
	[tilespmem:s2+$0x13010] =	vst.add.f32.msk $0xffff, v41;
	v41 =	vbroadcast v5, $0x6;
	v48 =	vsel vm0, v53, v48  }
0x211: {  	v55 =	vbroadcast v16, $0x6;
	v58 =	vbroadcast v21, $0x6;
	s1 =	sld [smem:$0x7D7];
	[tilespmem:s3+$0x13000] =	vst.add.f32.msk $0xffff, v48  }
0x212: {  	v61 =	vmul.f32 v46, v62;
	v46 =	vmul.f32 v46, v41;
	v41 =	vld [tilespmem:s12+$0x0];
	v38 =	vsel vm0, v38, v45  }
0x213: {  	v33 =	vsel vm0, v36, v33;
	v36 =	vbroadcast v14, $0x7;
	(v2sf) =	vpush v24, $0x7;
	[tilespmem:s3+$0x13010] =	vst.add.f32.msk $0xffff, v38  }
0x214: {  	v55 =	vmul.f32 v52, v55;
	v52 =	vmul.f32 v52, v58;
	v54 =	vld [tilespmem:s1+$0xB000]  }
0x215: {  	v0 =	vmul.f32 v56, v0;
	v42 =	vmul.f32 v56, v42;
	v59 =	vld [tilespmem:s1+$0xB010];
	s1 =	spop (v2sf)  }
0x216: {  	v56 =	vsel vm0, v31, v32;
	v63 =	vsel vm0, v61, v46;
	v61 =	vsel vm0, v55, v52;
	v52 =	vld [tilespmem:s4+$0xB000];
	s6 =	spop (v2sf)  }
0x217: {  	v53 =	vbroadcast v2, $0x2;
	v58 =	vbroadcast v4, $0xE;
	[tilespmem:s6+$0x13000] =	vst.add.f32.msk $0xffff, v63;
	v45 =	vmul.u32 $0x5, v41;
	s3 =	spop (v2sf)  }
0x218: {  	v48 =	vbroadcast v13, $0x2;
	v46 =	vmul.u32 $0x5, v39;
	[tilespmem:s6+$0x13010] =	vst.add.f32.msk $0xffff, v61;
	v63 =	vbroadcast v9, $0xE;
	s8 =	spop (v2sf)  }
0x219: {  	v0 =	vsel vm0, v0, v42;
	v62 =	vbroadcast v3, $0x9;
	v61 =	vmul.f32 v57, v58;
	v55 =	vld [tilespmem:s8+$0xB000]  }
0x21a: {  	(v2sf) =	vpush v15, $0x8;
	v38 =	vmul.f32 v57, v63;
	v11 =	vmul.f32 v54, v11;
	s6 =	spop (v2sf)  }
0x21b: {  	v42 =	vmul.u32 $0x5, v51;
	v31 =	vmul.f32 v54, v43;
	v54 =	vmul.f32 v59, v44;
	v32 =	vld [tilespmem:s8+$0xB010];
	s8 =	spop (v2sf)  }
0x21c: {  	v57 =	vmul.f32 v59, v62;
	v53 =	vmul.f32 v52, v53;
	v43 =	vmul.u32 $0x5, v60;
	s10 =	spop (v2sf)  }
0x21d: {  	v48 =	vmul.f32 v52, v48;
	v58 =	vsel vm0, v61, v38;
	v38 =	vbroadcast v5, $0x7;
	s12 =	spop (v2sf);
	v59 =	vld.idx.msk [tilespmem:v45+s16+$0x0], $0xffff;
	[smem:$0x7EE] =	sst s10  }
0x21e: {  	(v2sf) =	vpush v49, $0x4;
	v52 =	vbroadcast v16, $0x7;
	s18 =	spop (v2sf);
	v60 =	vld.idx.msk [tilespmem:v46+s21+$0x0], $0xffff;
	v36 =	vmul.f32 v55, v36;
	[dreg:$0x19] =	wrdreg s12  }
0x21f: {  	(v2sf) =	vpush v47, $0x4;
	v38 =	vmul.f32 v55, v38;
	[dreg:$0x18] =	wrdreg s18;
	v55 =	vbroadcast v21, $0x7;
	s22 =	spop (v2sf)  }
0x220: {  	[dreg:$0x13] =	wrdreg s22  }
0x221: {  	(v2sf) =	vpush v49, $0x5;
	v52 =	vmul.f32 v32, v52;
	v61 =	vld [tilespmem:s4+$0xB010];
	v32 =	vmul.f32 v32, v55  }
0x222: {  	s23 =	spop (v2sf);
	v38 =	vsel vm0, v36, v38;
	v62 =	vld.idx.msk [tilespmem:v43+s16+$0x0], $0xffff  }
0x223: {  	(v2sf) =	vpush v47, $0x5;
	[tilespmem:s23+$0x13000] =	vst.add.f32.msk $0xffff, v38;
	v32 =	vsel vm0, v52, v32  }
0x224: {  	[tilespmem:s23+$0x13010] =	vst.add.f32.msk $0xffff, v32  }
0x225: {  	(v2sf) =	vpush v49, $0x6;
	v59 =	vadd.f32 v60, v59;
	v60 =	vld.idx.msk [tilespmem:v42+s21+$0x0], $0xffff;
	s25 =	sld [smem:$0x7D8]  }
0x226: {  	(v2sf) =	vpush v24, $0x8;
	[tilespmem:s13+$0x13000] =	vst.add.f32.msk $0xffff, v0  }
0x227: {  	(v2sf) =	vpush v47, $0x6;
	[tilespmem:s13+$0x13010] =	vst.add.f32.msk $0xffff, v58  }
0x228: {  	(v2sf) =	vpush v15, $0x9;
	v55 =	vbroadcast v20, $0x2;
	[tilespmem:s25+$0x13000] =	vst.add.f32.msk $0xffff, v33  }
0x229: {  	v11 =	vsel vm0, v11, v31;
	v52 =	vbroadcast v25, $0x2;
	s26 =	spop (v2sf);
	[tilespmem:s25+$0x13010] =	vst.add.f32.msk $0xffff, v56  }
0x22a: {  	(v2sf) =	vpush v49, $0x7;
	v63 =	vmul.f32 $2.000000030e-01, v59;
	v33 =	vmul.f32 v61, v55;
	v55 =	vld [tilespmem:s26+$0xB010];
	s0 =	sld [smem:$0x7D9]  }
0x22b: {  	v54 =	vsel vm0, v54, v57;
	(v2sf) =	vpush v47, $0x7;
	v52 =	vmul.f32 v61, v52  }
0x22c: {  	(v2sf) =	vpush v49, $0x8;
	v61 =	vmax.f32 v59, v63;
	v59 =	vld [tilespmem:s26+$0xB000];
	v57 =	vadd.f32 v60, v62  }
0x22d: {  	s2 =	spop (v2sf);
	v60 =	vbroadcast v21, $0x8;
	s10 =	sld [smem:$0x7DA];
	v33 =	vsel vm0, v33, v52;
	v52 =	vbroadcast v16, $0x8;
	v58 =	vld [tilespmem:s0+$0xB000]  }
0x22e: {  	(v2sf) =	vpush v47, $0x8;
	v0 =	vbroadcast v14, $0x8;
	v63 =	vmul.f32 $1.442695020e+00, v61;
	s4 =	spop (v2sf);
	v61 =	vld [tilespmem:s0+$0xB010];
	[dreg:$0x17] =	wrdreg s2  }
0x22f: {  	(v2sf) =	vpush v49, $0x9;
	v62 =	vmul.f32 v55, v52;
	v55 =	vmul.f32 v55, v60;
	v60 =	vld [tilespmem:s11+$0xB010];
	[dreg:$0x16] =	wrdreg s4  }
0x230: {  	v56 =	vsel vm0, v53, v48;
	v48 =	vbroadcast v5, $0x8;
	s12 =	spop (v2sf);
	(erf) = vpow2.f32 v63;
	[tilespmem:s10+$0x13000] =	vst.add.f32.msk $0xffff, v11  }
0x231: {  	v4 =	vbroadcast v4, $0xF;
	(v2sf) =	vpush v47, $0x9;
	[dreg:$0x15] =	wrdreg s12  }
0x232: {  	(v2sf) =	vpush v49, $0xA;
	s13 =	spop (v2sf);
	v0 =	vmul.f32 v59, v0;
	v59 =	vmul.f32 v59, v48;
	[tilespmem:s10+$0x13010] =	vst.add.f32.msk $0xffff, v54  }
0x233: {  	v9 =	vbroadcast v9, $0xF;
	(v2sf) =	vpush v24, $0x9;
	v48 =	vmul.u32 $0x28, v39;
	[dreg:$0x14] =	wrdreg s13  }
0x234: {  	(v2sf) =	vpush v47, $0xA;
	s31 =	spop (v2sf);
	v11 =	vmul.f32 $2.000000030e-01, v57;
	v59 =	vsel vm0, v0, v59;
	[tilespmem:s7+$0x13000] =	vst.add.f32.msk $0xffff, v56  }
0x235: {  	s18 =	spop (v2sf);
	v54 =	vadd.s32 $0x20, v48;
	[tilespmem:s7+$0x13010] =	vst.add.f32.msk $0xffff, v33;
	v0 =	vmul.f32 v60, v4;
	v4 =	vsel vm0, v62, v55  }
0x236: {  	(v2sf) =	vpush v15, $0xA;
	s29 =	spop (v2sf);
	v62 =	vadd.s32 $0x1, v45;
	[tilespmem:s18+$0x13010] =	vst.add.f32.msk $0xffff, v4;
	v4 =	vmax.f32 v57, v11  }
0x237: {  	s22 =	spop (v2sf);
	[tilespmem:s18+$0x13000] =	vst.add.f32.msk $0xffff, v59  }
0x238: {  	v33 =	vmul.f32 v60, v9;
	v9 =	vadd.s32 $0x1, v46;
	v56 =	vld [tilespmem:s22+$0xB000]  }
0x239: {  	v11 =	vmul.f32 v58, v27;
	v27 =	vmul.f32 $1.442695020e+00, v4;
	v57 =	vld [tilespmem:s22+$0xB010];
	v4 =	vpop (erf)  }
0x23a: {  	v6 =	vbroadcast v10, $0xA;
	s23 =	spop (v2sf);
	[tilespmem:v54+s17+$0x0] =	vst.idx.add.f32.msk $0xffff, v4  }
0x23b: {  	v50 =	vbroadcast v8, $0xA;
	(erf) = vpow2.f32 v27;
	v27 =	vld.idx.msk [tilespmem:v62+s16+$0x0], $0xffff;
	[dreg:$0x12] =	wrdreg s23  }
0x23c: {  	v26 =	vmul.f32 v58, v26;
	v28 =	vmul.f32 v61, v28;
	s25 =	sld [smem:$0x7DB]  }
0x23d: {  	(v2sf) =	vpush v49, $0xB;
	v29 =	vmul.f32 v61, v29;
	v61 =	vbroadcast v21, $0x9;
	s28 =	spop (v2sf);
	v9 =	vld.idx.msk [tilespmem:v9+s21+$0x0], $0xffff  }
0x23e: {  	(v2sf) =	vpush v47, $0xB;
	v60 =	vbroadcast v5, $0x9;
	s26 =	spop (v2sf);
	v62 =	vbroadcast v14, $0x9;
	s4 =	sld [smem:$0x7DC];
	v58 =	vld [tilespmem:s14+$0xB010]  }
0x23f: {  	v28 =	vsel vm0, v28, v29;
	s10 =	spop (v2sf);
	v11 =	vsel vm0, v11, v26;
	v26 =	vbroadcast v16, $0x9;
	v29 =	vld [tilespmem:s25+$0xB000]  }
0x240: {  	(v2sf) =	vpush v24, $0xA;
	s18 =	spop (v2sf);
	v55 =	vmul.f32 v56, v60;
	v54 =	vmul.f32 v56, v62;
	v56 =	vld [tilespmem:s14+$0xB000]  }
0x241: {  	s7 =	spop (v2sf);
	v59 =	vmul.f32 v57, v26;
	v57 =	vmul.f32 v57, v61;
	v26 =	vmul.u32 $0x28, v51;
	[tilespmem:s4+$0x13000] =	vst.add.f32.msk $0xffff, v11  }
0x242: {  	s12 =	spop (v2sf);
	v60 =	vbroadcast v2, $0x3;
	v11 =	vbroadcast v20, $0x3;
	[tilespmem:s4+$0x13010] =	vst.add.f32.msk $0xffff, v28  }
0x243: {  	s13 =	spop (v2sf);
	v28 =	vsel vm0, v54, v55;
	[dreg:$0x1a] =	wrdreg s12;
	v55 =	vadd.s32 $0x20, v26;
	v9 =	vadd.f32 v9, v27  }
0x244: {  	s22 =	spop (v2sf);
	v54 =	vsel vm0, v59, v57;
	[tilespmem:s13+$0x13000] =	vst.add.f32.msk $0xffff, v28;
	v28 =	vadd.s32 $0x1, v43;
	v6 =	vmul.f32 v29, v6  }
0x245: {  	s14 =	spop (v2sf);
	[tilespmem:s13+$0x13010] =	vst.add.f32.msk $0xffff, v54;
	v62 =	vmul.f32 $2.000000030e-01, v9;
	v29 =	vmul.f32 v29, v50;
	v50 =	vadd.s32 $0x1, v42  }
0x246: {  	v61 =	vbroadcast v13, $0x3;
	v27 =	vbroadcast v25, $0x3;
	v57 =	vld [tilespmem:s14+$0xB000]  }
0x247: {  	v59 =	vmul.f32 v58, v11;
	v54 =	vmul.f32 v56, v60;
	v60 =	vld [tilespmem:s14+$0xB010];
	v11 =	vpop (erf);
	v9 =	vmax.f32 v9, v62  }
0x248: {  	(v2sf) =	vpush v15, $0xB;
	v56 =	vmul.f32 v56, v61;
	[tilespmem:v55+s17+$0x0] =	vst.idx.add.f32.msk $0xffff, v11;
	v9 =	vmul.f32 $1.442695020e+00, v9  }
0x249: {  	v27 =	vmul.f32 v58, v27;
	v28 =	vld.idx.msk [tilespmem:v28+s16+$0x0], $0xffff  }
0x24a: {  	v54 =	vsel vm0, v54, v56;
	(erf) = vpow2.f32 v9;
	v9 =	vld.idx.msk [tilespmem:v50+s21+$0x0], $0xffff  }
0x24b: {  	v27 =	vsel vm0, v59, v27;
	[tilespmem:s19+$0x13000] =	vst.add.f32.msk $0xffff, v54  }
0x24c: {  	v56 =	vbroadcast v5, $0xA;
	[tilespmem:s19+$0x13010] =	vst.add.f32.msk $0xffff, v27;
	v50 =	vbroadcast v14, $0xA  }
0x24d: {  	(v2sf) =	vpush v49, $0xC;
	v51 =	vld [tilespmem:s25+$0xB010];
	v61 =	vbroadcast v21, $0xA;
	v62 =	vbroadcast v16, $0xA;
	s23 =	sld [smem:$0x7DD]  }
0x24e: {  	(v2sf) =	vpush v47, $0xC;
	s19 =	spop (v2sf);
	v27 =	vmul.f32 v57, v50;
	v50 =	vmul.f32 v57, v56;
	v56 =	vld [tilespmem:s15+$0xB000]  }
0x24f: {  	v53 =	vbroadcast v1, $0xA;
	(v2sf) =	vpush v49, $0xD;
	v58 =	vld [tilespmem:s15+$0xB010];
	s25 =	spop (v2sf);
	v9 =	vadd.f32 v9, v28  }
0x250: {  	v54 =	vmul.f32 v60, v62;
	s4 =	spop (v2sf);
	v57 =	vmul.f32 v60, v61;
	v60 =	vld [tilespmem:s23+$0xB000];
	[dreg:$0xf] =	wrdreg s25;
	v27 =	vsel vm0, v27, v50  }
0x251: {  	v29 =	vsel vm0, v6, v29;
	v6 =	vbroadcast v2, $0x4;
	[tilespmem:s4+$0x13000] =	vst.add.f32.msk $0xffff, v27;
	v27 =	vmul.f32 $2.000000030e-01, v9  }
0x252: {  	v63 =	vbroadcast v3, $0xA;
	(v2sf) =	vpush v47, $0xD;
	v28 =	vadd.s32 $0x21, v48  }
0x253: {  	v55 =	vbroadcast v13, $0x4;
	v50 =	vmul.f32 v56, v6;
	v6 =	vmax.f32 v9, v27  }
0x254: {  	(v2sf) =	vpush v24, $0xB;
	v59 =	vbroadcast v20, $0x4;
	v53 =	vmul.f32 v51, v53  }
0x255: {  	v51 =	vmul.f32 v51, v63;
	v62 =	vsel vm0, v54, v57;
	v57 =	vadd.s32 $0x2, v45  }
0x256: {  	v63 =	vbroadcast v25, $0x4;
	[tilespmem:s4+$0x13010] =	vst.add.f32.msk $0xffff, v62;
	v62 =	vmul.f32 $1.442695020e+00, v6;
	v6 =	vpop (erf)  }
0x257: {  	v52 =	vbroadcast v1, $0xB;
	(v2sf) =	vpush v15, $0xC;
	s12 =	spop (v2sf);
	v59 =	vmul.f32 v58, v59;
	[tilespmem:v28+s17+$0x0] =	vst.idx.add.f32.msk $0xffff, v6  }
0x258: {  	v54 =	vmul.f32 v58, v63;
	v58 =	vld [tilespmem:s12+$0xB010];
	v55 =	vmul.f32 v56, v55;
	v56 =	vadd.s32 $0x2, v46;
	s13 =	sld [smem:$0x7DE]  }
0x259: {  	v53 =	vsel vm0, v53, v51;
	v51 =	vbroadcast v1, $0xC;
	v63 =	vbroadcast v1, $0xF;
	v9 =	vld [tilespmem:s12+$0xB000]  }
0x25a: {  	v55 =	vsel vm0, v50, v55;
	v50 =	vbroadcast v1, $0xD;
	v27 =	vbroadcast v1, $0xE;
	v1 =	vld.idx.msk [tilespmem:v57+s16+$0x0], $0xffff  }
0x25b: {  	(v2sf) =	vpush v49, $0xE;
	[tilespmem:s13+$0x13000] =	vst.add.f32.msk $0xffff, v29  }
0x25c: {  	(v2sf) =	vpush v47, $0xE;
	[tilespmem:s13+$0x13010] =	vst.add.f32.msk $0xffff, v53  }
0x25d: {  	(v2sf) =	vpush v49, $0xF;
	v56 =	vld.idx.msk [tilespmem:v56+s21+$0x0], $0xffff;
	s15 =	sld [smem:$0x7DF]  }
0x25e: {  	s14 =	spop (v2sf);
	(v2sf) =	vpush v24, $0xC;
	(erf) = vpow2.f32 v62;
	v62 =	vbroadcast v14, $0xB  }
0x25f: {  	v61 =	vld [tilespmem:s23+$0xB010];
	s25 =	spop (v2sf);
	(v2sf) =	vpush v47, $0xF;
	v47 =	vbroadcast v20, $0x5;
	v53 =	vbroadcast v5, $0xB;
	[dreg:$0x10] =	wrdreg s14  }
0x260: {  	v28 =	vsel vm0, v59, v54;
	v49 =	vmul.f32 v9, v62;
	v62 =	vbroadcast v21, $0xB;
	[tilespmem:s15+$0x13000] =	vst.add.f32.msk $0xffff, v55  }
0x261: {  	v9 =	vmul.f32 v9, v53;
	v55 =	vbroadcast v16, $0xB;
	[tilespmem:s15+$0x13010] =	vst.add.f32.msk $0xffff, v28  }
0x262: {  	v62 =	vmul.f32 v58, v62;
	v29 =	vbroadcast v2, $0x5;
	s14 =	spop (v2sf);
	v53 =	vadd.f32 v56, v1;
	v56 =	vld [tilespmem:s5+$0xB000]  }
0x263: {  	s13 =	spop (v2sf);
	v9 =	vsel vm0, v49, v9;
	v49 =	vadd.s32 $0x21, v26;
	v28 =	vmul.f32 v58, v55  }
0x264: {  	v23 =	vmul.f32 v61, v23;
	v54 =	vbroadcast v3, $0xB;
	s23 =	spop (v2sf);
	v57 =	vld [tilespmem:s5+$0xB010];
	v55 =	vadd.s32 $0x2, v43  }
0x265: {  	v1 =	vmul.f32 v60, v22;
	[tilespmem:s23+$0x13000] =	vst.add.f32.msk $0xffff, v9;
	v9 =	vadd.s32 $0x2, v42;
	v22 =	vsel vm0, v28, v62  }
0x266: {  	v59 =	vbroadcast v13, $0x5;
	s0 =	spop (v2sf);
	v28 =	vmul.f32 v61, v18;
	[tilespmem:s23+$0x13010] =	vst.add.f32.msk $0xffff, v22  }
0x267: {  	v22 =	vmul.f32 v60, v17;
	v18 =	vld [tilespmem:s0+$0xB000];
	v60 =	vmul.f32 v56, v29;
	v29 =	vpop (erf)  }
0x268: {  	(v2sf) =	vpush v15, $0xD;
	v61 =	vbroadcast v25, $0x5;
	v17 =	vmul.f32 $2.000000030e-01, v53;
	[tilespmem:v49+s17+$0x0] =	vst.idx.add.f32.msk $0xffff, v29  }
0x269: {  	v62 =	vbroadcast v14, $0xC;
	v56 =	vmul.f32 v56, v59;
	v55 =	vld.idx.msk [tilespmem:v55+s16+$0x0], $0xffff  }
0x26a: {  	v47 =	vmul.f32 v57, v47;
	v17 =	vmax.f32 v53, v17;
	v53 =	vmul.f32 v57, v61;
	v9 =	vld.idx.msk [tilespmem:v9+s21+$0x0], $0xffff  }
0x26b: {  	v57 =	vbroadcast v5, $0xC;
	v17 =	vmul.f32 $1.442695020e+00, v17  }
0x26c: {  	v58 =	vld [tilespmem:s0+$0xB010];
	s0 =	sld [smem:$0x7E0];
	v49 =	vsel vm0, v60, v56;
	v56 =	vbroadcast v3, $0xC;
	v60 =	vbroadcast v16, $0xC  }
0x26d: {  	v47 =	vsel vm0, v47, v53;
	[tilespmem:s20+$0x13000] =	vst.add.f32.msk $0xffff, v49;
	v49 =	vbroadcast v3, $0xD;
	(erf) = vpow2.f32 v17  }
0x26e: {  	[tilespmem:s20+$0x13010] =	vst.add.f32.msk $0xffff, v47;
	v47 =	vbroadcast v3, $0xE;
	v59 =	vmul.f32 v18, v62  }
0x26f: {  	v17 =	vld [tilespmem:s0+$0xB000];
	v18 =	vmul.f32 v18, v57;
	v57 =	vbroadcast v21, $0xC;
	v9 =	vadd.f32 v9, v55  }
0x270: {  	s12 =	spop (v2sf);
	s5 =	sld [smem:$0x7E1];
	v62 =	vbroadcast v3, $0xF;
	v3 =	vbroadcast v8, $0xF  }
0x271: {  	s4 =	spop (v2sf);
	v55 =	vmul.f32 v58, v60;
	v60 =	vmul.f32 $2.000000030e-01, v9  }
0x272: {  	v34 =	vbroadcast v10, $0xB;
	s15 =	spop (v2sf);
	v61 =	vld [tilespmem:s0+$0xB010];
	[dreg:$0x1b] =	wrdreg s4  }
0x273: {  	s20 =	spop (v2sf);
	v53 =	vmul.f32 v58, v57;
	v57 =	vld [tilespmem:s5+$0xB000];
	[tilespmem:$0x1FC90] =	vst v3;
	v3 =	vsel vm0, v59, v18;
	v9 =	vmax.f32 v9, v60  }
0x274: {  	[tilespmem:s20+$0x13000] =	vst.add.f32.msk $0xffff, v3;
	v3 =	vmul.f32 v17, v34;
	v34 =	vadd.s32 $0x22, v48;
	v9 =	vmul.f32 $1.442695020e+00, v9  }
0x275: {  	v35 =	vbroadcast v8, $0xB;
	v30 =	vbroadcast v10, $0xC;
	(v2sf) =	vpush v24, $0xD  }
0x276: {  	v31 =	vbroadcast v10, $0xE;
	v45 =	vadd.s32 $0x3, v45;
	s23 =	spop (v2sf);
	v18 =	vsel vm0, v55, v53;
	v58 =	vld [tilespmem:s5+$0xB010]  }
0x277: {  	v36 =	vbroadcast v10, $0xD;
	v10 =	vbroadcast v10, $0xF;
	v46 =	vadd.s32 $0x3, v46;
	s4 =	spop (v2sf);
	[tilespmem:s20+$0x13010] =	vst.add.f32.msk $0xffff, v18  }
0x278: {  	(v2sf) =	vpush v15, $0xE;
	v17 =	vmul.f32 v17, v35;
	v35 =	vld [tilespmem:s4+$0xB000];
	(erf) = vpow2.f32 v9;
	v9 =	vpop (erf)  }
0x279: {  	[tilespmem:v34+s17+$0x0] =	vst.idx.add.f32.msk $0xffff, v9  }
0x27a: {  	v18 =	vmul.f32 v61, v52;
	v52 =	vmul.f32 v61, v54;
	v54 =	vld [tilespmem:s4+$0xB010];
	[tilespmem:$0x1FCA0] =	vst v10  }
0x27b: {  	s5 =	sld [smem:$0x7E2];
	v10 =	vld.idx.msk [tilespmem:v45+s16+$0x0], $0xffff  }
0x27c: {  	v61 =	vbroadcast v14, $0xD;
	v3 =	vsel vm0, v3, v17;
	v17 =	vld.idx.msk [tilespmem:v46+s21+$0x0], $0xffff  }
0x27d: {  	v59 =	vbroadcast v13, $0x6;
	v60 =	vbroadcast v5, $0xD  }
0x27e: {  	v18 =	vsel vm0, v18, v52;
	v55 =	vmul.f32 v35, v61;
	v61 =	vbroadcast v16, $0xD;
	[tilespmem:s5+$0x13000] =	vst.add.f32.msk $0xffff, v3  }
0x27f: {  	v53 =	vmul.f32 v57, v59;
	v59 =	vbroadcast v21, $0xD;
	[tilespmem:s5+$0x13010] =	vst.add.f32.msk $0xffff, v18  }
0x280: {  	v34 =	vbroadcast v12, $0xF;
	v12 =	vmul.f32 v54, v61;
	s0 =	sld [smem:$0x7E3]  }
0x281: {  	v3 =	vmul.f32 v54, v59;
	v10 =	vadd.f32 v17, v10;
	v17 =	vshll.u32 v41, $0x7  }
0x282: {  	v35 =	vmul.f32 v35, v60;
	v41 =	vld [tilespmem:s11+$0xB000];
	v18 =	vshra.s32 v17, $0x2;
	v17 =	vadd.s32 $0x22, v26  }
0x283: {  	(v2sf) =	vpush v24, $0xE;
	v3 =	vsel vm0, v12, v3;
	v60 =	vld [tilespmem:s0+$0xB000]  }
0x284: {  	(v2sf) =	vpush v15, $0xF;
	v15 =	vsel vm0, v55, v35;
	s11 =	spop (v2sf);
	v35 =	vld [tilespmem:s0+$0xB010]  }
0x285: {  	[tilespmem:s11+$0x13000] =	vst.add.f32.msk $0xffff, v15  }
0x286: {  	v44 =	vbroadcast v8, $0xC;
	v38 =	vbroadcast v8, $0xD;
	[tilespmem:s11+$0x13010] =	vst.add.f32.msk $0xffff, v3;
	v3 =	vpop (erf)  }
0x287: {  	v32 =	vbroadcast v8, $0xE;
	v42 =	vadd.s32 $0x3, v42;
	s20 =	spop (v2sf);
	[tilespmem:v17+s17+$0x0] =	vst.idx.add.f32.msk $0xffff, v3;
	v17 =	vbroadcast v13, $0xA  }
0x288: {  	v8 =	vbroadcast v2, $0x6;
	v54 =	vld [tilespmem:s20+$0xB000];
	v30 =	vmul.f32 v60, v30  }
0x289: {  	v15 =	vadd.s32 $0x3, v43;
	v43 =	vmul.f32 v60, v44;
	v60 =	vld [tilespmem:s20+$0xB010];
	[tilespmem:$0x1FCB0] =	vst v17;
	v17 =	vbroadcast v13, $0xB  }
0x28a: {  	v8 =	vmul.f32 v57, v8  }
0x28b: {  	v57 =	vbroadcast v20, $0x6;
	v59 =	vbroadcast v25, $0x6;
	[tilespmem:$0x1FCC0] =	vst v17  }
0x28c: {  	v42 =	vld.idx.msk [tilespmem:v42+s21+$0x0], $0xffff;
	s21 =	sld [smem:$0x7E4]  }
0x28d: {  	v46 =	vmul.f32 v58, v57;
	v45 =	vmul.f32 v58, v59  }
0x28e: {  	(v2sf) =	vpush v24, $0xF;
	v8 =	vsel vm0, v8, v53;
	v24 =	vmul.f32 $2.000000030e-01, v10  }
0x28f: {  	v45 =	vsel vm0, v46, v45;
	(v2sf) =	vpush v18, $0x0;
	[tilespmem:s21+$0x13000] =	vst.add.f32.msk $0xffff, v8  }
0x290: {  	v10 =	vmax.f32 v10, v24;
	v51 =	vmul.f32 v35, v51;
	v35 =	vmul.f32 v35, v56;
	[tilespmem:s21+$0x13010] =	vst.add.f32.msk $0xffff, v45  }
0x291: {  	v53 =	vbroadcast v21, $0xE;
	v10 =	vmul.f32 $1.442695020e+00, v10;
	s0 =	sld [smem:$0x7E5]  }
0x292: {  	v58 =	vbroadcast v13, $0xC;
	v15 =	vld.idx.msk [tilespmem:v15+s16+$0x0], $0xffff;
	v8 =	vsel vm0, v51, v35;
	v51 =	vbroadcast v16, $0xE  }
0x293: {  	(erf) = vpow2.f32 v10;
	v17 =	vmul.u32 $0xA0, v39;
	v39 =	vmul.f32 v60, v53  }
0x294: {  	s2 =	sld [smem:$0x7E6];
	v35 =	vmul.f32 v60, v51;
	v60 =	vbroadcast v13, $0xD;
	v56 =	vld [tilespmem:s0+$0xB000]  }
0x295: {  	v61 =	vbroadcast v14, $0xF;
	v45 =	vld [tilespmem:s0+$0xB010];
	[tilespmem:$0x1FCD0] =	vst v58  }
0x296: {  	v10 =	vbroadcast v14, $0xE;
	v14 =	vbroadcast v5, $0xE;
	v30 =	vsel vm0, v30, v43;
	[tilespmem:$0x1FCE0] =	vst v60  }
0x297: {  	[tilespmem:s2+$0x13000] =	vst.add.f32.msk $0xffff, v30;
	v30 =	vadd.f32 v42, v15;
	v15 =	vbroadcast v13, $0xE  }
0x298: {  	v59 =	vadd.s32 $0x23, v48;
	v10 =	vmul.f32 v54, v10;
	v14 =	vmul.f32 v54, v14  }
0x299: {  	v52 =	vbroadcast v2, $0x7;
	[tilespmem:$0x1FCF0] =	vst v15;
	v15 =	vsel vm0, v35, v39  }
0x29a: {  	v57 =	vbroadcast v13, $0x7;
	s4 =	spop (v2sf);
	v10 =	vsel vm0, v10, v14;
	v17 =	vshra.s32 v17, $0x2;
	[tilespmem:s2+$0x13010] =	vst.add.f32.msk $0xffff, v8  }
0x29b: {  	(v2sf) =	vpush v17, $0x0;
	v8 =	vbroadcast v20, $0x7;
	[tilespmem:s4+$0x13000] =	vst.add.f32.msk $0xffff, v10;
	v10 =	vmul.f32 $2.000000030e-01, v30  }
0x29c: {  	s2 =	spop (v2sf);
	[tilespmem:s4+$0x13010] =	vst.add.f32.msk $0xffff, v15;
	v54 =	vmul.f32 v56, v52;
	v56 =	vmul.f32 v56, v57;
	v15 =	vpop (erf)  }
0x29d: {  	v53 =	vbroadcast v25, $0x7;
	s20 =	spop (v2sf);
	v57 =	vmul.f32 v45, v8;
	v8 =	vmax.f32 v30, v10;
	[tilespmem:v59+s17+$0x0] =	vst.idx.add.f32.msk $0xffff, v15  }
0x29e: {  	s11 =	spop (v2sf);
	v58 =	vmul.f32 $1.442695020e+00, v8;
	v8 =	vbroadcast v20, $0xA;
	s0 =	sld [smem:$0x7E7]  }
0x29f: {  	v30 =	vmul.f32 v45, v53;
	v59 =	vld [tilespmem:s11+$0xB000]  }
0x2a0: {  	v46 =	vld [tilespmem:s11+$0xB010];
	[tilespmem:$0x1FD00] =	vst v8;
	v8 =	vmul.f32 v41, v19;
	v19 =	vsel vm0, v54, v56  }
0x2a1: {  	[tilespmem:s0+$0x13000] =	vst.add.f32.msk $0xffff, v19;
	v19 =	vsel vm0, v57, v30  }
0x2a2: {  	[tilespmem:s0+$0x13010] =	vst.add.f32.msk $0xffff, v19  }
0x2a3: {  	s0 =	sld [smem:$0x7E8]  }
0x2a4: {  	(v2sf) =	vpush v18, $0x1  }
0x2a5: {  	v60 =	vld [tilespmem:s2+$0xB010];
	v30 =	vbroadcast v6, $0x0;
	v19 =	vbroadcast v4, $0x0;
	s21 =	sld [smem:$0x7E9]  }
0x2a6: {  	v48 =	vbroadcast v9, $0x0;
	v56 =	vbroadcast v20, $0xB;
	v52 =	vld [tilespmem:s0+$0xB000]  }
0x2a7: {  	v30 =	vmul.f32 v59, v30;
	v19 =	vmul.f32 v59, v19;
	v53 =	vld [tilespmem:s0+$0xB010]  }
0x2a8: {  	v51 =	vbroadcast v15, $0x0;
	v57 =	vbroadcast v20, $0xC;
	v54 =	vld [tilespmem:s21+$0xB000]  }
0x2a9: {  	v16 =	vbroadcast v16, $0xF;
	v19 =	vsel vm0, v19, v30;
	v30 =	vld [tilespmem:s21+$0xB010];
	[tilespmem:$0x1FD10] =	vst v56  }
0x2aa: {  	s4 =	spop (v2sf);
	v35 =	vmul.f32 v48, v46;
	v39 =	vmul.f32 v51, v46;
	[tilespmem:$0x1FD20] =	vst v57  }
0x2ab: {  	[tilespmem:s4+$0x13000] =	vst.add.f32.msk $0xffff, v19;
	v19 =	vmul.f32 v60, v16;
	v16 =	vbroadcast v20, $0xD  }
0x2ac: {  	(v2sf) =	vpush v17, $0x1;
	(erf) = vpow2.f32 v58  }
0x2ad: {  	v55 =	vbroadcast v2, $0x8;
	v44 =	vbroadcast v13, $0x8;
	v35 =	vsel vm0, v35, v39;
	[tilespmem:$0x1FD30] =	vst v16  }
0x2ae: {  	v14 =	vbroadcast v20, $0x8;
	v16 =	vbroadcast v25, $0x8;
	[tilespmem:s4+$0x13010] =	vst.add.f32.msk $0xffff, v35  }
0x2af: {  	v58 =	vmul.f32 v52, v55;
	v59 =	vmul.f32 v52, v44;
	s21 =	sld [smem:$0x7EA]  }
0x2b0: {  	v14 =	vmul.f32 v53, v14;
	v16 =	vmul.f32 v53, v16  }
0x2b1: {  	v26 =	vadd.s32 $0x23, v26;
	v10 =	vmul.f32 v41, v34;
	v34 =	vsel vm0, v58, v59  }
0x2b2: {  	v21 =	vbroadcast v21, $0xF;
	v14 =	vsel vm0, v14, v16;
	[tilespmem:s21+$0x13000] =	vst.add.f32.msk $0xffff, v34  }
0x2b3: {  	v43 =	vbroadcast v20, $0x9;
	s11 =	spop (v2sf);
	[tilespmem:s21+$0x13010] =	vst.add.f32.msk $0xffff, v14  }
0x2b4: {  	v51 =	vbroadcast v9, $0x1;
	v21 =	vmul.f32 v60, v21;
	v60 =	vld [tilespmem:s11+$0xB000];
	s0 =	sld [smem:$0x7EB]  }
0x2b5: {  	v45 =	vpop (erf);
	v48 =	vld [tilespmem:s11+$0xB010];
	v50 =	vmul.f32 v30, v50;
	v16 =	vbroadcast v4, $0x1  }
0x2b6: {  	(v2sf) =	vpush v18, $0x2;
	v14 =	vmul.f32 v30, v49;
	[tilespmem:v26+s17+$0x0] =	vst.idx.add.f32.msk $0xffff, v45;
	v26 =	vbroadcast v20, $0xE  }
0x2b7: {  	v30 =	vbroadcast v6, $0x1;
	v20 =	vbroadcast v20, $0xF;
	v34 =	vld [tilespmem:s0+$0xB000]  }
0x2b8: {  	v56 =	vbroadcast v25, $0xA;
	v36 =	vmul.f32 v54, v36;
	v52 =	vld [tilespmem:s0+$0xB010];
	[tilespmem:$0x1FD40] =	vst v26  }
0x2b9: {  	v16 =	vmul.f32 v60, v16;
	v30 =	vmul.f32 v60, v30;
	[tilespmem:$0x1FD50] =	vst v20  }
0x2ba: {  	v38 =	vmul.f32 v54, v38;
	v53 =	vbroadcast v15, $0x1;
	v54 =	vld [tilespmem:s3+$0xB000]  }
0x2bb: {  	v20 =	vmul.f32 v48, v51;
	v16 =	vsel vm0, v16, v30;
	s0 =	spop (v2sf);
	v55 =	vld [tilespmem:s3+$0xB010];
	[tilespmem:$0x1FD60] =	vst v56  }
0x2bc: {  	v26 =	vmul.f32 v48, v53;
	[tilespmem:s0+$0x13000] =	vst.add.f32.msk $0xffff, v16;
	v16 =	vbroadcast v25, $0xB;
	_ =	sdelay $0x1  }
0x2bd: {  	v20 =	vsel vm0, v20, v26;
	[tilespmem:$0x1FD70] =	vst v16  }
0x2be: {  	[tilespmem:s0+$0x13010] =	vst.add.f32.msk $0xffff, v20  }
0x2bf: {  	s4 =	sld [smem:$0x7EC];
	_ =	sdelay $0x1  }
0x2c0: {  	v20 =	vsel vm0, v36, v38  }
0x2c1: {  	v12 =	vbroadcast v2, $0x9;
	v24 =	vbroadcast v13, $0x9;
	v14 =	vsel vm0, v50, v14;
	[tilespmem:s4+$0x13000] =	vst.add.f32.msk $0xffff, v20  }
0x2c2: {  	v26 =	vbroadcast v45, $0x0;
	v16 =	vbroadcast v11, $0x0;
	[tilespmem:s4+$0x13010] =	vst.add.f32.msk $0xffff, v14  }
0x2c3: {  	s5 =	spop (v2sf);
	v20 =	vmul.f32 v34, v24;
	v24 =	vbroadcast v3, $0x0;
	s0 =	sld [smem:$0x7ED]  }
0x2c4: {  	v36 =	vmul.f32 v34, v12;
	v12 =	vbroadcast v29, $0x0;
	v57 =	vld [tilespmem:s5+$0xB000]  }
0x2c5: {  	v26 =	vmul.f32 v26, v55;
	v14 =	vmul.f32 v24, v55;
	v24 =	vld [tilespmem:s5+$0xB010]  }
0x2c6: {  	v16 =	vmul.f32 v54, v16;
	v12 =	vmul.f32 v54, v12;
	v58 =	vld [tilespmem:s0+$0xB000]  }
0x2c7: {  	s3 =	rddreg [dreg:$0x1c];
	v59 =	vld [tilespmem:s0+$0xB010];
	v14 =	vsel vm0, v14, v26  }
0x2c8: {  	v12 =	vsel vm0, v16, v12;
	s0 =	sld [smem:$0x7EE];
	[tilespmem:s1+$0x13010] =	vst.add.f32.msk $0xffff, v14;
	v14 =	vbroadcast v25, $0xC  }
0x2c9: {  	[tilespmem:s1+$0x13000] =	vst.add.f32.msk $0xffff, v12;
	v12 =	vbroadcast v15, $0x2  }
0x2ca: {  	v16 =	vbroadcast v6, $0x2;
	[tilespmem:$0x1FD80] =	vst v14  }
0x2cb: {  	v49 =	vmul.f32 v24, v12;
	v12 =	vld [tilespmem:s6+$0xB000]  }
0x2cc: {  	v46 =	vmul.f32 v57, v16;
	v16 =	vbroadcast v25, $0xD;
	v14 =	vld [tilespmem:s6+$0xB010];
	s6 =	sld [smem:$0x7EF]  }
0x2cd: {  	v1 =	vsel vm0, v1, v22;
	v22 =	vbroadcast v29, $0x1;
	v30 =	vbroadcast v25, $0x9  }
0x2ce: {  	v60 =	vbroadcast v9, $0x2;
	[tilespmem:$0x1FD90] =	vst v16;
	v16 =	vbroadcast v11, $0x1  }
0x2cf: {  	v23 =	vsel vm0, v28, v23;
	v38 =	vmul.f32 v52, v43;
	v39 =	vmul.f32 v52, v30;
	[tilespmem:s6+$0x13000] =	vst.add.f32.msk $0xffff, v1  }
0x2d0: {  	v34 =	vbroadcast v5, $0xF;
	[tilespmem:s6+$0x13010] =	vst.add.f32.msk $0xffff, v23;
	v55 =	vmul.f32 v12, v16  }
0x2d1: {  	s4 =	sld [smem:$0x7F0];
	v56 =	vmul.f32 v12, v22;
	v12 =	vbroadcast v25, $0xE  }
0x2d2: {  	v48 =	vmul.f32 v24, v60;
	v60 =	vbroadcast v25, $0xF  }
0x2d3: {  	v51 =	vmul.f32 v58, v32;
	v32 =	vbroadcast v13, $0xF;
	[tilespmem:$0x1FDA0] =	vst v12  }
0x2d4: {  	v52 =	vmul.f32 v59, v27;
	v53 =	vmul.f32 v59, v47;
	v59 =	vld [tilespmem:s4+$0xB000];
	[tilespmem:$0x1FDB0] =	vst v60  }
0x2d5: {  	v35 =	vbroadcast v2, $0xB;
	[tilespmem:$0x1FDC0] =	vst v32  }
0x2d6: {  	v41 =	vbroadcast v2, $0xC;
	[tilespmem:$0x1FDD0] =	vst v34  }
0x2d7: {  	v42 =	vbroadcast v2, $0xD;
	v47 =	vbroadcast v45, $0x1;
	[tilespmem:$0x1FDE0] =	vst v35  }
0x2d8: {  	v44 =	vbroadcast v2, $0xE;
	v50 =	vmul.f32 v58, v31;
	[tilespmem:$0x1FDF0] =	vst v41  }
0x2d9: {  	v58 =	vmul.f32 v14, v47;
	v47 =	vbroadcast v2, $0xF;
	[tilespmem:$0x1FE00] =	vst v42  }
0x2da: {  	[tilespmem:$0x1FE10] =	vst v44;
	v60 =	vbroadcast v3, $0x7  }
0x2db: {  	[tilespmem:$0x1FE20] =	vst v47;
	v32 =	vbroadcast v3, $0x8  }
0x2dc: {  	v35 =	vbroadcast v3, $0x9;
	[tilespmem:$0x1FE40] =	vst v60  }
0x2dd: {  	v41 =	vbroadcast v3, $0xC;
	[tilespmem:$0x1FE50] =	vst v32  }
0x2de: {  	v42 =	vbroadcast v3, $0xD;
	[tilespmem:$0x1FE60] =	vst v35  }
0x2df: {  	v47 =	vbroadcast v3, $0xE;
	[tilespmem:$0x1FE70] =	vst v41  }
0x2e0: {  	[tilespmem:$0x1FE80] =	vst v42;
	v41 =	vbroadcast v45, $0x8  }
0x2e1: {  	[tilespmem:$0x1FE90] =	vst v47;
	v54 =	vmul.f32 v59, v7  }
0x2e2: {  	v42 =	vbroadcast v45, $0x9;
	[tilespmem:$0x1FEB0] =	vst v41  }
0x2e3: {  	v30 =	vbroadcast v4, $0x2;
	[tilespmem:$0x1FE30] =	vst v54;
	v54 =	vbroadcast v45, $0x7  }
0x2e4: {  	v24 =	vbroadcast v3, $0x1;
	[tilespmem:$0x1FEC0] =	vst v42;
	v41 =	vbroadcast v45, $0xE  }
0x2e5: {  	v43 =	vmul.f32 v57, v30;
	s1 =	sld [smem:$0x7F1];
	[tilespmem:$0x1FEA0] =	vst v54;
	v54 =	vbroadcast v45, $0xD  }
0x2e6: {  	(v2sf) =	vpush v17, $0x2;
	v23 =	vbroadcast v45, $0xB;
	v57 =	vmul.f32 v14, v24;
	[tilespmem:$0x1FEE0] =	vst v41  }
0x2e7: {  	v36 =	vsel vm0, v36, v20;
	v22 =	vbroadcast v45, $0x6;
	v14 =	vbroadcast v45, $0xC;
	[tilespmem:$0x1FED0] =	vst v54  }
0x2e8: {  	v60 =	vbroadcast v45, $0x2;
	v54 =	vsel vm0, v38, v39;
	v38 =	vbroadcast v29, $0x7;
	[tilespmem:s1+$0x13000] =	vst.add.f32.msk $0xffff, v36  }
0x2e9: {  	v47 =	vbroadcast v45, $0x3;
	[tilespmem:s1+$0x13010] =	vst.add.f32.msk $0xffff, v54;
	v36 =	vbroadcast v29, $0x6  }
0x2ea: {  	v35 =	vbroadcast v45, $0x4;
	v7 =	vsel vm0, v37, v40;
	v40 =	vbroadcast v29, $0x8;
	[tilespmem:$0x1FF00] =	vst v38  }
0x2eb: {  	v32 =	vbroadcast v45, $0x5;
	v54 =	vbroadcast v29, $0x9;
	s1 =	sld [smem:$0x7F2];
	[tilespmem:$0x1FEF0] =	vst v36  }
0x2ec: {  	v42 =	vbroadcast v45, $0xA;
	v41 =	vbroadcast v45, $0xF;
	v45 =	vld [tilespmem:s3+$0xB000];
	[tilespmem:$0x1FF10] =	vst v40  }
0x2ed: {  	(v2sf) =	vpush v18, $0x3;
	v36 =	vbroadcast v29, $0xB;
	[tilespmem:$0x1FF20] =	vst v54  }
0x2ee: {  	v37 =	vbroadcast v29, $0xC;
	[tilespmem:s1+$0x13000] =	vst.add.f32.msk $0xffff, v7  }
0x2ef: {  	v38 =	vbroadcast v29, $0xD;
	[tilespmem:$0x1FF30] =	vst v36;
	s1 =	sld [smem:$0x7F3]  }
0x2f0: {  	v7 =	vld [tilespmem:s4+$0xB010];
	[tilespmem:$0x1FF40] =	vst v37  }
0x2f1: {  	v0 =	vsel vm0, v0, v33;
	v40 =	vbroadcast v29, $0xE;
	[tilespmem:$0x1FF50] =	vst v38  }
0x2f2: {  	[tilespmem:s1+$0x13010] =	vst.add.f32.msk $0xffff, v0  }
0x2f3: {  	v8 =	vsel vm0, v8, v10;
	v54 =	vbroadcast v4, $0xF;
	[tilespmem:$0x1FF60] =	vst v40  }
0x2f4: {  	v33 =	vbroadcast v11, $0x5;
	v28 =	vbroadcast v29, $0xA;
	[tilespmem:s1+$0x13000] =	vst.add.f32.msk $0xffff, v8  }
0x2f5: {  	v5 =	vbroadcast v2, $0xA;
	v30 =	vbroadcast v3, $0xA;
	v46 =	vsel vm0, v43, v46;
	s11 =	spop (v2sf);
	[tilespmem:$0x1FF70] =	vst v54  }
0x2f6: {  	v20 =	vbroadcast v29, $0x5;
	v26 =	vbroadcast v3, $0x4;
	[tilespmem:s11+$0x13000] =	vst.add.f32.msk $0xffff, v46  }
0x2f7: {  	v43 =	vbroadcast v11, $0x6;
	v40 =	vmul.f32 v45, v5;
	v5 =	vsel vm0, v48, v49;
	v36 =	vld [tilespmem:s2+$0xB000];
	[tilespmem:$0x1FF80] =	vst v33  }
0x2f8: {  	v31 =	vbroadcast v3, $0xF;
	v46 =	vbroadcast v11, $0x7;
	[tilespmem:s11+$0x13010] =	vst.add.f32.msk $0xffff, v5  }
0x2f9: {  	v27 =	vbroadcast v29, $0x3;
	v49 =	vbroadcast v11, $0x8;
	[tilespmem:$0x1FF90] =	vst v43  }
0x2fa: {  	v25 =	vbroadcast v3, $0x5;
	v48 =	vsel vm0, v50, v51;
	v50 =	vbroadcast v11, $0x9;
	[tilespmem:$0x1FFA0] =	vst v46  }
0x2fb: {  	v16 =	vbroadcast v3, $0x6;
	v24 =	vbroadcast v29, $0x4;
	[tilespmem:$0x1FFB0] =	vst v49  }
0x2fc: {  	s21 =	spop (v2sf);
	v12 =	vbroadcast v3, $0xB;
	v43 =	vsel vm0, v55, v56;
	[tilespmem:$0x1FFC0] =	vst v50;
	v56 =	vbroadcast v11, $0xB  }
0x2fd: {  	v44 =	vbroadcast v3, $0x2;
	v34 =	vbroadcast v3, $0x3;
	v33 =	vld [tilespmem:s21+$0xB000]  }
0x2fe: {  	v39 =	vbroadcast v29, $0x2;
	v51 =	vsel vm0, v57, v58;
	v57 =	vbroadcast v11, $0xC;
	v49 =	vld [tilespmem:s21+$0xB010];
	[tilespmem:$0x1FFD0] =	vst v56  }
0x2ff: {  	(v2sf) =	vpush v17, $0x3;
	v37 =	vbroadcast v29, $0xF;
	v58 =	vbroadcast v11, $0xD;
	[tilespmem:s8+$0x13000] =	vst.add.f32.msk $0xffff, v43  }
0x300: {  	v38 =	vsel vm0, v19, v21;
	v29 =	vbroadcast v11, $0x2;
	v21 =	vbroadcast v11, $0x3;
	[tilespmem:$0x1FFE0] =	vst v57  }
0x301: {  	v19 =	vbroadcast v11, $0x4;
	v54 =	vsel vm0, v52, v53;
	v52 =	vbroadcast v9, $0x3;
	[tilespmem:$0x1FFF0] =	vst v58  }
0x302: {  	(v2sf) =	vpush v18, $0x4;
	v53 =	vbroadcast v15, $0x3;
	v55 =	vbroadcast v11, $0xA;
	[tilespmem:s8+$0x13010] =	vst.add.f32.msk $0xffff, v51  }
0x303: {  	(v2sf) =	vpush v17, $0x4;
	v50 =	vbroadcast v4, $0x3;
	v56 =	vbroadcast v11, $0xE;
	[tilespmem:s20+$0x13010] =	vst.add.f32.msk $0xffff, v38  }
0x304: {  	(v2sf) =	vpush v18, $0x5;
	s6 =	simm.s32 $0x6;
	s11 =	simm.s32 $0x90;
	v43 =	vbroadcast v6, $0xF;
	v51 =	vbroadcast v6, $0x3;
	v46 =	vld [tilespmem:s0+$0xB000]  }
.LBB2_5:
0x305: {  	[smem:$0x7CB] =	sst s7  }
0x306: {  	[smem:$0x7CA] =	sst s13  }
0x307: {  	[smem:$0x7CC] =	sst s12  }
0x308: {  	s9 =	sadd.s32 $0x20, s9;
	v38 =	vld [tilespmem:s11+$0x0]  }
0x309: {  	[tilespmem:$0x1FC40] =	vst v55;
	v55 =	vld [tilespmem:s9+$0xFFFFFFF0]  }
0x30a: {  	v0 =	vld [tilespmem:$0x1FCB0]  }
0x30b: {  	[tilespmem:$0x1FC30] =	vst v56;
	v56 =	vld [tilespmem:$0x1FC60]  }
0x30c: {  	v57 =	vld [tilespmem:$0x1FC70];
	v52 =	vmul.f32 v49, v52;
	v58 =	vmul.f32 v49, v53  }
0x30d: {  	v2 =	vld [tilespmem:$0x1FC90];
	v51 =	vmul.f32 v33, v51  }
0x30e: {  	v49 =	vsel vm0, v52, v58;
	v58 =	vld [tilespmem:$0x1FF70]  }
0x30f: {  	v50 =	vmul.f32 v33, v50;
	v33 =	vld [tilespmem:s9+$0x0]  }
0x310: {  	v53 =	vld [tilespmem:$0x1FC80]  }
0x311: {  	v50 =	vsel vm0, v50, v51;
	v45 =	vmul.f32 v45, v0;
	v0 =	vld [tilespmem:s0+$0xB010];
	v51 =	vmov v28  }
0x312: {  	[tilespmem:$0x1FCB0] =	vst v51;
	v51 =	vmul.f32 v7, v56;
	v56 =	vld [tilespmem:$0x1FDB0]  }
0x313: {  	s2 =	spop (v2sf);
	v13 =	vmov v58;
	v58 =	vld [tilespmem:s11+$0xFFFFFFF0]  }
0x314: {  	[tilespmem:s2+$0x13000] =	vst.add.f32.msk $0xffff, v50  }
0x315: {  	v29 =	vmul.f32 v46, v29;
	[tilespmem:s2+$0x13010] =	vst.add.f32.msk $0xffff, v49  }
0x316: {  	v39 =	vmul.f32 v46, v39;
	s13 =	spop (v2sf);
	v49 =	vmul.f32 v36, v61;
	v61 =	vmov v63;
	v63 =	vld [tilespmem:$0x1FDD0]  }
0x317: {  	v28 =	vmul.f32 v59, v53;
	v59 =	vsel vm0, v40, v45;
	v45 =	vmul.u32 $0x5, v38;
	v40 =	vld [tilespmem:s13+$0xB000]  }
0x318: {  	s0 =	rddreg [dreg:$0x19];
	v53 =	vmul.f32 v7, v57;
	v46 =	vmul.u32 $0x5, v33;
	v7 =	vsel vm0, v29, v39;
	v50 =	vmovc v62;
	v29 =	vld [tilespmem:s13+$0xB010]  }
0x319: {  	v1 =	vmov v31;
	v31 =	vbroadcast v4, $0x4;
	v57 =	vbroadcast v6, $0x4;
	[tilespmem:s0+$0x13000] =	vst.add.f32.msk $0xffff, v7  }
0x31a: {  	v39 =	vld [tilespmem:$0x1FD50];
	v7 =	vbroadcast v9, $0x4;
	v62 =	vmul.u32 $0xA0, v55;
	[tilespmem:$0x1FC60] =	vst v61;
	v61 =	vmul.u32 $0x28, v55  }
0x31b: {  	[tilespmem:$0x1FC70] =	vst v50;
	v10 =	vmovc v56;
	v56 =	vmovc v37;
	v37 =	vld [tilespmem:s3+$0xB010];
	v50 =	vmov v41;
	v41 =	vbroadcast v15, $0x4;
	v52 =	vmul.f32 v36, v63  }
0x31c: {  	v63 =	vmul.u32 $0x5, v55;
	v55 =	vld [tilespmem:$0x1FDC0];
	v31 =	vmul.f32 v40, v31;
	v36 =	vmul.f32 v40, v57  }
0x31d: {  	s8 =	simm.s32 $0x9C00;
	[tilespmem:$0x1FD50] =	vst v1;
	v1 =	vld.idx.msk [tilespmem:v45+s16+$0x0], $0xffff;
	v7 =	vmul.f32 v29, v7;
	v29 =	vmul.f32 v29, v41  }
0x31e: {  	v5 =	vmovc v2;
	(v2sf) =	vpush v17, $0x5;
	s21 =	spop (v2sf);
	v2 =	vld.idx.msk [tilespmem:v46+s8+$0x0], $0xffff;
	[tilespmem:$0x1FDB0] =	vst v50;
	v41 =	vmul.u32 $0x5, v58;
	v31 =	vsel vm0, v31, v36  }
0x31f: {  	s1 =	rddreg [dreg:$0x1a];
	v7 =	vsel vm0, v7, v29;
	[tilespmem:s21+$0x13000] =	vst.add.f32.msk $0xffff, v31  }
0x320: {  	[smem:$0x7C8] =	sst s18;
	s18 =	smov.u32 s1;
	(v2sf) =	vpush v18, $0x6;
	s1 =	spop (v2sf);
	[tilespmem:s21+$0x13010] =	vst.add.f32.msk $0xffff, v7  }
0x321: {  	v50 =	vadd.s32 $0x20, v61;
	[tilespmem:$0x1FDC0] =	vst v56;
	v56 =	vadd.s32 $0x21, v61;
	v7 =	vshll.u32 v58, $0x7;
	v3 =	vmovc v55;
	v29 =	vld [tilespmem:s1+$0xB000]  }
0x322: {  	v36 =	vadd.s32 $0x22, v61;
	[tilespmem:$0x1FC90] =	vst v3;
	v3 =	vadd.s32 $0x23, v61;
	v61 =	vshra.s32 v7, $0x2;
	v7 =	vld [tilespmem:s1+$0xB010]  }
0x323: {  	[dreg:$0x1c] =	wrdreg s18;
	[tilespmem:$0x1FC80] =	vst v5;
	v57 =	vmov v43;
	v58 =	vshra.s32 v62, $0x2;
	v62 =	vld.idx.msk [tilespmem:v63+s8+$0x0], $0xffff  }
0x324: {  	s18 =	rddreg [dreg:$0xe];
	[tilespmem:$0x1FDD0] =	vst v57;
	v57 =	vadd.s32 $0x2, v41;
	v43 =	vadd.s32 $0x3, v41;
	v55 =	vadd.s32 $0x1, v41;
	v41 =	vld.idx.msk [tilespmem:v41+s16+$0x0], $0xffff  }
0x325: {  	v11 =	vbroadcast v11, $0xF;
	v5 =	vbroadcast v15, $0x5;
	s3 =	rddreg [dreg:$0x6];
	[tilespmem:s18+$0x13000] =	vst.add.f32.msk $0xffff, v59  }
0x326: {  	v44 =	vmul.f32 v0, v44;
	v0 =	vmul.f32 v0, v60;
	[tilespmem:s3+$0x13000] =	vst.add.f32.msk $0xffff, v48  }
0x327: {  	v60 =	vbroadcast v4, $0x5;
	v8 =	vmovc v39;
	v39 =	vadd.s32 $0x1, v63;
	v40 =	vadd.s32 $0x2, v63;
	[tilespmem:s3+$0x13010] =	vst.add.f32.msk $0xffff, v54  }
0x328: {  	s13 =	rddreg [dreg:$0x5];
	v31 =	vadd.s32 $0x3, v63;
	(v2sf) =	vpush v58, $0x0;
	v63 =	vbroadcast v6, $0x5;
	v54 =	vld [tilespmem:$0x1FCA0]  }
0x329: {  	v0 =	vsel vm0, v44, v0;
	(v2sf) =	vpush v17, $0x6;
	[tilespmem:$0x1FC20] =	vst v3;
	v3 =	vbroadcast v9, $0x5;
	v59 =	vld [tilespmem:s13+$0xB000]  }
0x32a: {  	v1 =	vadd.f32 v2, v1;
	[tilespmem:s0+$0x13010] =	vst.add.f32.msk $0xffff, v0;
	v60 =	vmul.f32 v29, v60;
	v29 =	vmul.f32 v29, v63  }
0x32b: {  	(v2sf) =	vpush v61, $0x0;
	v3 =	vmul.f32 v7, v3;
	v5 =	vmul.f32 v7, v5;
	v7 =	vmovc v30;
	v30 =	vld [tilespmem:$0x1FD60]  }
0x32c: {  	s1 =	rddreg [dreg:$0x18];
	(v2sf) =	vpush v18, $0x7;
	v63 =	vmul.f32 $2.000000030e-01, v1;
	v2 =	vsel vm0, v60, v29;
	v60 =	vld [tilespmem:$0x1FE20]  }
0x32d: {  	(v2sf) =	vpush v61, $0x1;
	s12 =	spop (v2sf);
	v41 =	vadd.f32 v62, v41;
	v62 =	vmov v11;
	v11 =	vld [tilespmem:s1+$0xB010]  }
0x32e: {  	(v2sf) =	vpush v58, $0x1;
	v1 =	vmax.f32 v1, v63;
	[tilespmem:s12+$0x13000] =	vst.add.f32.msk $0xffff, v2  }
0x32f: {  	(v2sf) =	vpush v61, $0x2;
	v3 =	vsel vm0, v3, v5;
	v1 =	vmul.f32 $1.442695020e+00, v1;
	v5 =	vld [tilespmem:$0x1FD00];
	[tilespmem:$0x1FD00] =	vst v7  }
0x330: {  	s21 =	spop (v2sf);
	(v2sf) =	vpush v58, $0x2;
	[tilespmem:s12+$0x13010] =	vst.add.f32.msk $0xffff, v3;
	v7 =	vmul.f32 $2.000000030e-01, v41  }
0x331: {  	(v2sf) =	vpush v61, $0x3;
	v44 =	vmul.f32 v59, v54;
	v54 =	vbroadcast v4, $0x6;
	v3 =	vld [tilespmem:s21+$0xB000]  }
0x332: {  	v29 =	vld [tilespmem:s21+$0xB010];
	(erf) = vpow2.f32 v1;
	v63 =	vmax.f32 v41, v7;
	v7 =	vbroadcast v6, $0x6  }
0x333: {  	(v2sf) =	vpush v58, $0x3;
	v1 =	vmovc v60;
	v60 =	vbroadcast v15, $0x6;
	v0 =	vmul.f32 $1.442695020e+00, v63  }
0x334: {  	v48 =	vld [tilespmem:s1+$0xB000];
	(v2sf) =	vpush v17, $0x7;
	v5 =	vmul.f32 v37, v5;
	v37 =	vmul.f32 v37, v30;
	v30 =	vmovc v42  }
0x335: {  	v41 =	vmul.f32 v11, v34;
	[tilespmem:$0x1FD60] =	vst v30;
	v30 =	vbroadcast v9, $0x6  }
0x336: {  	s5 =	rddreg [dreg:$0x1b];
	s4 =	smov.u32 s30;
	(v2sf) =	vpush v18, $0x8;
	v2 =	vmul.f32 v3, v54;
	v3 =	vmul.f32 v3, v7  }
0x337: {  	[dreg:$0x6] =	wrdreg s4;
	s4 =	spop (v2sf);
	v30 =	vmul.f32 v29, v30;
	v29 =	vmul.f32 v29, v60  }
0x338: {  	s7 =	smov.u32 s5;
	[tilespmem:$0x1FE20] =	vst v62;
	v11 =	vmul.f32 v11, v47;
	v42 =	vmul.u32 $0x28, v33;
	v7 =	vld [tilespmem:s13+$0xB010];
	s5 =	spop (v2sf);
	v2 =	vsel vm0, v2, v3  }
0x339: {  	[smem:$0x7C6] =	sst s7;
	(erf) = vpow2.f32 v0;
	v3 =	vmul.f32 v48, v21;
	v21 =	vsel vm0, v30, v29;
	[tilespmem:s5+$0x13000] =	vst.add.f32.msk $0xffff, v2  }
0x33a: {  	s21 =	rddreg [dreg:$0x13];
	(v2sf) =	vpush v61, $0x4;
	s7 =	spop (v2sf);
	v2 =	vsel vm0, v41, v11;
	[tilespmem:s5+$0x13010] =	vst.add.f32.msk $0xffff, v21  }
0x33b: {  	v62 =	vmul.f32 v48, v27;
	(v2sf) =	vpush v58, $0x4;
	v63 =	vadd.s32 $0x20, v42;
	s12 =	spop (v2sf);
	[tilespmem:s21+$0x13010] =	vst.add.f32.msk $0xffff, v2  }
0x33c: {  	s3 =	smov.u32 s15;
	v27 =	vadd.s32 $0x1, v45;
	(v2sf) =	vpush v61, $0x5;
	v21 =	vld [tilespmem:s12+$0xB000]  }
0x33d: {  	[smem:$0x7C5] =	sst s3;
	(v2sf) =	vpush v58, $0x5;
	v29 =	vadd.s32 $0x1, v46;
	s13 =	spop (v2sf);
	v0 =	vsel vm0, v3, v62;
	v3 =	vld [tilespmem:s12+$0xB010]  }
0x33e: {  	s3 =	rddreg [dreg:$0x17];
	v11 =	vbroadcast v9, $0x7;
	(v2sf) =	vpush v61, $0x6;
	s15 =	spop (v2sf);
	[tilespmem:s21+$0x13000] =	vst.add.f32.msk $0xffff, v0  }
0x33f: {  	s2 =	smov.u32 s24;
	v47 =	vbroadcast v4, $0x7;
	v48 =	vbroadcast v6, $0x7;
	v30 =	vpop (erf);
	(v2sf) =	vpush v17, $0x8;
	s24 =	spop (v2sf);
	v54 =	vld [tilespmem:s3+$0xB000]  }
0x340: {  	[dreg:$0x5] =	wrdreg s2;
	v60 =	vbroadcast v15, $0x7;
	(v2sf) =	vpush v58, $0x6;
	[tilespmem:v63+s17+$0x0] =	vst.idx.add.f32.msk $0xffff, v30;
	s2 =	spop (v2sf)  }
0x341: {  	[smem:$0x7C9] =	sst s7;
	(v2sf) =	vpush v18, $0x9;
	v2 =	vld.idx.msk [tilespmem:v27+s16+$0x0], $0xffff;
	s7 =	spop (v2sf);
	v0 =	vmul.f32 v21, v47;
	v62 =	vmul.f32 v21, v48  }
0x342: {  	[tilespmem:$0x1FCA0] =	vst v1;
	v27 =	vld.idx.msk [tilespmem:v29+s8+$0x0], $0xffff;
	s12 =	spop (v2sf);
	v21 =	vmul.f32 v3, v11;
	v3 =	vmul.f32 v3, v60;
	v11 =	vpop (erf)  }
0x343: {  	[dreg:$0x1f] =	wrdreg s13;
	s13 =	spop (v2sf);
	[tilespmem:v50+s17+$0x0] =	vst.idx.add.f32.msk $0xffff, v11;
	v0 =	vsel vm0, v0, v62  }
0x344: {  	(v2sf) =	vpush v61, $0x7;
	v3 =	vsel vm0, v21, v3;
	[tilespmem:s13+$0x13000] =	vst.add.f32.msk $0xffff, v0  }
0x345: {  	v1 =	vsel vm0, v5, v37;
	[dreg:$0x1d] =	wrdreg s15;
	v5 =	vbroadcast v30, $0xF;
	(v2sf) =	vpush v58, $0x7;
	s15 =	spop (v2sf);
	[tilespmem:s13+$0x13010] =	vst.add.f32.msk $0xffff, v3  }
0x346: {  	(v2sf) =	vpush v61, $0x8;
	v0 =	vld [tilespmem:s15+$0xB000]  }
0x347: {  	v34 =	vbroadcast v4, $0x8;
	[tilespmem:$0x1FF70] =	vst v5;
	v47 =	vbroadcast v6, $0x8;
	(v2sf) =	vpush v58, $0x8;
	v5 =	vld [tilespmem:s15+$0xB010]  }
0x348: {  	v24 =	vmul.f32 v54, v24;
	(v2sf) =	vpush v61, $0x9;
	v62 =	vld [tilespmem:s3+$0xB010];
	v3 =	vmul.f32 v54, v19  }
0x349: {  	[dreg:$0x1e] =	wrdreg s4;
	v48 =	vbroadcast v9, $0x8;
	s4 =	spop (v2sf);
	(v2sf) =	vpush v58, $0x9;
	v54 =	vld.idx.msk [tilespmem:v55+s16+$0x0], $0xffff;
	v55 =	vbroadcast v15, $0x8  }
0x34a: {  	v2 =	vadd.f32 v27, v2;
	s5 =	spop (v2sf);
	(v2sf) =	vpush v61, $0xA;
	v3 =	vsel vm0, v3, v24  }
0x34b: {  	s0 =	rddreg [dreg:$0x16];
	v39 =	vld.idx.msk [tilespmem:v39+s8+$0x0], $0xffff;
	s13 =	spop (v2sf);
	(v2sf) =	vpush v17, $0x9;
	v24 =	vmul.f32 v0, v34;
	v0 =	vmul.f32 v0, v47  }
0x34c: {  	[dreg:$0x13] =	wrdreg s12;
	[tilespmem:s0+$0x13000] =	vst.add.f32.msk $0xffff, v3;
	(v2sf) =	vpush v58, $0xA;
	s12 =	spop (v2sf);
	v3 =	vmul.f32 v5, v48;
	v5 =	vmul.f32 v5, v55  }
0x34d: {  	s21 =	smov.u32 s4;
	v63 =	vmul.f32 $2.000000030e-01, v2;
	[tilespmem:s18+$0x13010] =	vst.add.f32.msk $0xffff, v1;
	(v2sf) =	vpush v18, $0xA;
	s4 =	spop (v2sf)  }
0x34e: {  	[smem:$0x7EE] =	sst s24;
	s24 =	spop (v2sf);
	v0 =	vsel vm0, v24, v0;
	v3 =	vsel vm0, v3, v5;
	v5 =	vmul.f32 v62, v35;
	v35 =	vld [tilespmem:$0x1FFD0]  }
0x34f: {  	[dreg:$0x19] =	wrdreg s2;
	s2 =	spop (v2sf);
	[tilespmem:s24+$0x13000] =	vst.add.f32.msk $0xffff, v0  }
0x350: {  	v1 =	vmax.f32 v2, v63;
	[tilespmem:s24+$0x13010] =	vst.add.f32.msk $0xffff, v3;
	s3 =	spop (v2sf)  }
0x351: {  	v1 =	vmul.f32 $1.442695020e+00, v1;
	v3 =	vld [tilespmem:s3+$0xB000]  }
0x352: {  	s8 =	rddreg [dreg:$0xd];
	v63 =	vmul.f32 v62, v26;
	v55 =	vbroadcast v11, $0xA;
	v0 =	vadd.f32 v39, v54;
	v24 =	vld [tilespmem:s3+$0xB010]  }
0x353: {  	v27 =	vbroadcast v4, $0x9;
	(erf) = vpow2.f32 v1;
	(v2sf) =	vpush v61, $0xB;
	v39 =	vld [tilespmem:s8+$0xB000];
	s16 =	spop (v2sf)  }
0x354: {  	s18 =	smov.u32 s20;
	[tilespmem:$0x1FC50] =	vst v55;
	v55 =	vbroadcast v6, $0x9;
	v54 =	vsel vm0, v63, v5;
	v5 =	vld [tilespmem:s8+$0xB010];
	s20 =	spop (v2sf);
	v26 =	vmul.f32 $2.000000030e-01, v0  }
0x355: {  	v62 =	vbroadcast v9, $0x9;
	v63 =	vbroadcast v15, $0x9;
	s3 =	rddreg [dreg:$0x15];
	(v2sf) =	vpush v58, $0xB;
	[tilespmem:s0+$0x13010] =	vst.add.f32.msk $0xffff, v54;
	s30 =	spop (v2sf)  }
0x356: {  	s15 =	spop (v2sf);
	v0 =	vmax.f32 v0, v26;
	v26 =	vld [tilespmem:s3+$0xB000];
	v27 =	vmul.f32 v3, v27;
	v2 =	vmul.f32 v3, v55  }
0x357: {  	s1 =	smov.u32 s22;
	[dreg:$0x18] =	wrdreg s7;
	(v2sf) =	vpush v17, $0xA;
	s7 =	spop (v2sf);
	v3 =	vld [tilespmem:s3+$0xB010];
	v62 =	vmul.f32 v24, v62;
	v24 =	vmul.f32 v24, v63  }
0x358: {  	[dreg:$0xe] =	wrdreg s1;
	s1 =	spop (v2sf);
	v63 =	vld [tilespmem:$0x1FDE0]  }
0x359: {  	s22 =	smov.u32 s5;
	v0 =	vmul.f32 $1.442695020e+00, v0;
	s5 =	spop (v2sf);
	v24 =	vsel vm0, v62, v24;
	v62 =	vld [tilespmem:$0x1FF80]  }
0x35a: {  	[smem:$0x7C7] =	sst s15;
	(v2sf) =	vpush v18, $0xB;
	v55 =	vadd.s32 $0x21, v42;
	v2 =	vsel vm0, v27, v2;
	s15 =	spop (v2sf)  }
0x35b: {  	v50 =	vbroadcast v11, $0x5;
	(erf) = vpow2.f32 v0;
	[dreg:$0x1a] =	wrdreg s5;
	s5 =	spop (v2sf);
	[tilespmem:s15+$0x13000] =	vst.add.f32.msk $0xffff, v2  }
0x35c: {  	[dreg:$0x17] =	wrdreg s21;
	s21 =	smov.u32 s19;
	v54 =	vmovc v35;
	(v2sf) =	vpush v61, $0xC;
	v27 =	vbroadcast v11, $0xB;
	v20 =	vmul.f32 v26, v20;
	[tilespmem:s15+$0x13010] =	vst.add.f32.msk $0xffff, v24;
	s19 =	spop (v2sf)  }
0x35d: {  	v35 =	vpop (erf);
	(v2sf) =	vpush v58, $0xC;
	v0 =	vmul.f32 v39, v63;
	v25 =	vmul.f32 v3, v25;
	v24 =	vld [tilespmem:s19+$0xB000]  }
0x35e: {  	v3 =	vmul.f32 v3, v32;
	v63 =	vadd.s32 $0x2, v46;
	v2 =	vmul.f32 v26, v62;
	v26 =	vmovc v27;
	v27 =	vld [tilespmem:s19+$0xB010]  }
0x35f: {  	[dreg:$0xd] =	wrdreg s21;
	(v2sf) =	vpush v61, $0xD;
	[tilespmem:v55+s17+$0x0] =	vst.idx.add.f32.msk $0xffff, v35  }
0x360: {  	s21 =	rddreg [dreg:$0x14];
	(v2sf) =	vpush v58, $0xD;
	v3 =	vsel vm0, v25, v3;
	v62 =	vld [tilespmem:$0x1FCC0];
	[tilespmem:$0x1FFD0] =	vst v26  }
0x361: {  	v26 =	vadd.s32 $0x2, v45;
	[tilespmem:s21+$0x13010] =	vst.add.f32.msk $0xffff, v3;
	v2 =	vsel vm0, v2, v20;
	v20 =	vbroadcast v6, $0xA  }
0x362: {  	v50 =	vmovc v50;
	[smem:$0x7CD] =	sst s1;
	s1 =	simm.s32 $0x9C00;
	(v2sf) =	vpush v17, $0xB;
	v25 =	vbroadcast v15, $0xA;
	v3 =	vbroadcast v9, $0xA;
	[tilespmem:s21+$0x13000] =	vst.add.f32.msk $0xffff, v2  }
0x363: {  	[tilespmem:$0x1FF80] =	vst v50;
	v50 =	vbroadcast v4, $0xA;
	v32 =	vld.idx.msk [tilespmem:v63+s1+$0x0], $0xffff;
	v55 =	vmul.f32 v24, v20  }
0x364: {  	s3 =	spop (v2sf);
	v63 =	vld [tilespmem:$0x1FD70];
	v3 =	vmul.f32 v27, v3;
	v20 =	vmul.f32 v27, v25  }
0x365: {  	s24 =	simm.s32 $0x8800;
	[tilespmem:$0x1FDE0] =	vst v54;
	v54 =	vmul.f32 v24, v50;
	s21 =	spop (v2sf);
	v24 =	vld [tilespmem:$0x1FD10]  }
0x366: {  	s8 =	smov.u32 s13;
	(v2sf) =	vpush v18, $0xC;
	s13 =	spop (v2sf);
	v26 =	vld.idx.msk [tilespmem:v26+s24+$0x0], $0xffff;
	v3 =	vsel vm0, v3, v20  }
0x367: {  	(v2sf) =	vpush v61, $0xE;
	[tilespmem:s13+$0x13010] =	vst.add.f32.msk $0xffff, v3  }
0x368: {  	(v2sf) =	vpush v58, $0xE;
	v1 =	vsel vm0, v54, v55;
	v3 =	vld [tilespmem:$0x1FF30]  }
0x369: {  	[tilespmem:s13+$0x13000] =	vst.add.f32.msk $0xffff, v1;
	s15 =	spop (v2sf)  }
0x36a: {  	v50 =	vpop (erf);
	v2 =	vld [tilespmem:s15+$0xB000]  }
0x36b: {  	[tilespmem:v56+s17+$0x0] =	vst.idx.add.f32.msk $0xffff, v50  }
0x36c: {  	v56 =	vld.idx.msk [tilespmem:v57+s24+$0x0], $0xffff;
	v57 =	vbroadcast v6, $0xB;
	v1 =	vmul.f32 v5, v63  }
0x36d: {  	s19 =	smov.u32 s14;
	s14 =	smov.u32 s23;
	v24 =	vmul.f32 v5, v24;
	s23 =	spop (v2sf);
	v5 =	vmovc v3;
	v3 =	vmov v23;
	v23 =	vbroadcast v4, $0xB  }
0x36e: {  	s17 =	spop (v2sf);
	[tilespmem:$0x1FD70] =	vst v3;
	v3 =	vld [tilespmem:s15+$0xB010]  }
0x36f: {  	(v2sf) =	vpush v61, $0xF;
	s13 =	spop (v2sf);
	v63 =	vmul.f32 v2, v23;
	v2 =	vmul.f32 v2, v57;
	v23 =	vld [tilespmem:$0x1FE30]  }
0x370: {  	[dreg:$0x16] =	wrdreg s22;
	s22 =	smov.u32 s12;
	v40 =	vld.idx.msk [tilespmem:v40+s1+$0x0], $0xffff;
	(v2sf) =	vpush v17, $0xC;
	s12 =	spop (v2sf)  }
0x371: {  	v27 =	vmul.f32 v39, v62;
	v62 =	vld [tilespmem:s31+$0xB000];
	s0 =	spop (v2sf);
	v2 =	vsel vm0, v63, v2  }
0x372: {  	v61 =	vbroadcast v15, $0xB;
	(v2sf) =	vpush v58, $0xF;
	v58 =	vbroadcast v9, $0xB;
	[tilespmem:s0+$0x13000] =	vst.add.f32.msk $0xffff, v2  }
0x373: {  	v0 =	vsel vm0, v0, v27;
	v63 =	vmov v8;
	v8 =	vld [tilespmem:$0x1FF90]  }
0x374: {  	v58 =	vmul.f32 v3, v58;
	v3 =	vmul.f32 v3, v61;
	v57 =	vsel vm0, v23, v28;
	v23 =	vmovc v44;
	v44 =	vld [tilespmem:s31+$0xB010];
	s31 =	smov.u32 s25;
	s25 =	rddreg [dreg:$0xc]  }
0x375: {  	s1 =	smov.u32 s4;
	v1 =	vsel vm0, v24, v1;
	v26 =	vadd.f32 v32, v26;
	s4 =	spop (v2sf);
	[tilespmem:s25+$0x13000] =	vst.add.f32.msk $0xffff, v0  }
0x376: {  	[dreg:$0x14] =	wrdreg s22;
	s22 =	spop (v2sf);
	v3 =	vsel vm0, v58, v3;
	[tilespmem:s25+$0x13010] =	vst.add.f32.msk $0xffff, v1  }
0x377: {  	s15 =	spop (v2sf);
	v0 =	vmul.f32 $2.000000030e-01, v26;
	[tilespmem:s0+$0x13010] =	vst.add.f32.msk $0xffff, v3  }
0x378: {  	v60 =	vbroadcast v11, $0x6;
	[dreg:$0x1b] =	wrdreg s15;
	v58 =	vbroadcast v50, $0xB;
	v3 =	vsel vm0, v51, v53;
	v51 =	vld [tilespmem:s4+$0xB000]  }
0x379: {  	v40 =	vadd.f32 v40, v56;
	s15 =	rddreg [dreg:$0xf];
	v1 =	vbroadcast v6, $0xC;
	v0 =	vmax.f32 v26, v0;
	v56 =	vld [tilespmem:s4+$0xB010]  }
0x37a: {  	s25 =	rddreg [dreg:$0xb];
	[tilespmem:$0x1FF30] =	vst v58;
	v58 =	vbroadcast v15, $0xC;
	v0 =	vmul.f32 $1.442695020e+00, v0  }
0x37b: {  	s0 =	smov.u32 s15;
	s15 =	smov.u32 s21;
	s4 =	rddreg [dreg:$0x10];
	v26 =	vmul.f32 v62, v8;
	v8 =	vmov v60;
	v60 =	vbroadcast v4, $0xC  }
0x37c: {  	[dreg:$0xf] =	wrdreg s15;
	s15 =	smov.u32 s4;
	[tilespmem:$0x1FF90] =	vst v8;
	v8 =	vld [tilespmem:$0x1FEF0];
	(erf) = vpow2.f32 v0;
	v0 =	vbroadcast v9, $0xC  }
0x37d: {  	(v2sf) =	vpush v18, $0xD;
	[dreg:$0xb] =	wrdreg s15;
	s15 =	smov.u32 s23;
	v60 =	vmul.f32 v51, v60;
	v1 =	vmul.f32 v51, v1  }
0x37e: {  	[dreg:$0x10] =	wrdreg s15;
	s15 =	spop (v2sf);
	v0 =	vmul.f32 v56, v0;
	v56 =	vmul.f32 v56, v58  }
0x37f: {  	[tilespmem:$0x1FCC0] =	vst v5;
	v5 =	vbroadcast v50, $0x6;
	s4 =	spop (v2sf);
	v58 =	vld [tilespmem:$0x1FDF0];
	v1 =	vsel vm0, v60, v1  }
0x380: {  	v0 =	vsel vm0, v0, v56;
	[tilespmem:s4+$0x13000] =	vst.add.f32.msk $0xffff, v1  }
0x381: {  	v53 =	vmul.f32 v62, v8;
	v8 =	vmov v5;
	[tilespmem:s4+$0x13010] =	vst.add.f32.msk $0xffff, v0  }
0x382: {  	[tilespmem:$0x1FEF0] =	vst v8;
	v8 =	vld [tilespmem:$0x1FFE0]  }
0x383: {  	v53 =	vsel vm0, v26, v53;
	v26 =	vld [tilespmem:s25+$0xB000]  }
0x384: {  	[tilespmem:s29+$0x13000] =	vst.add.f32.msk $0xffff, v53  }
0x385: {  	v5 =	vmul.f32 $2.000000030e-01, v40;
	v51 =	vld [tilespmem:s25+$0xB010];
	s25 =	rddreg [dreg:$0x3]  }
0x386: {  	s21 =	smov.u32 s29;
	s29 =	rddreg [dreg:$0x4];
	[tilespmem:s25+$0x13000] =	vst.add.f32.msk $0xffff, v57  }
0x387: {  	v5 =	vmax.f32 v40, v5;
	[tilespmem:s25+$0x13010] =	vst.add.f32.msk $0xffff, v3;
	s25 =	smov.u32 s29  }
0x388: {  	(v2sf) =	vpush v17, $0xD;
	v62 =	vmovc v10;
	v10 =	vmul.f32 $1.442695020e+00, v5;
	v53 =	vld [tilespmem:$0x1FCD0];
	[dreg:$0x3] =	wrdreg s25;
	v8 =	vmov v8  }
0x389: {  	(v2sf) =	vpush v18, $0xE;
	v16 =	vmul.f32 v44, v16;
	v3 =	vmul.f32 v44, v22;
	s25 =	rddreg [dreg:$0x11];
	[tilespmem:$0x1FDF0] =	vst v8;
	v8 =	vld [tilespmem:$0x1FD20]  }
0x38a: {  	(erf) = vpow2.f32 v10;
	v10 =	vld [tilespmem:$0x1FF40];
	s23 =	smov.u32 s25  }
0x38b: {  	v25 =	vbroadcast v11, $0xC;
	v57 =	vld [tilespmem:$0x1FD80];
	s25 =	smov.u32 s14;
	v3 =	vsel vm0, v16, v3;
	[dreg:$0x4] =	wrdreg s23;
	s23 =	spop (v2sf)  }
0x38c: {  	[dreg:$0x11] =	wrdreg s25;
	[tilespmem:s21+$0x13010] =	vst.add.f32.msk $0xffff, v3;
	s25 =	spop (v2sf)  }
0x38d: {  	v60 =	vadd.s32 $0x22, v42;
	v5 =	vmov v25;
	s14 =	rddreg [dreg:$0x12];
	v16 =	vld [tilespmem:s25+$0xB000]  }
0x38e: {  	[tilespmem:$0x1FFE0] =	vst v5;
	v5 =	vadd.s32 $0x3, v45;
	v3 =	vld [tilespmem:s14+$0xB000];
	v25 =	vmul.f32 v51, v8;
	v8 =	vmov v14  }
0x38f: {  	v1 =	vmul.f32 v26, v58;
	v58 =	vbroadcast v6, $0xD;
	[tilespmem:$0x1FD80] =	vst v8;
	v8 =	vld [tilespmem:$0x1FFA0]  }
0x390: {  	v56 =	vadd.s32 $0x3, v46;
	v0 =	vmul.f32 v26, v53;
	v26 =	vld [tilespmem:s25+$0xB010];
	v14 =	vbroadcast v4, $0xD  }
0x391: {  	[dreg:$0x15] =	wrdreg s8;
	s8 =	simm.s32 $0x13000;
	v53 =	vpop (erf);
	v22 =	vmov v10;
	v10 =	vld [tilespmem:$0x1FE70]  }
0x392: {  	[tilespmem:v60+s8+$0x0] =	vst.idx.add.f32.msk $0xffff, v53;
	v14 =	vmul.f32 v16, v14;
	v16 =	vmul.f32 v16, v58  }
0x393: {  	v2 =	vbroadcast v50, $0xC;
	(v2sf) =	vpush v17, $0xE;
	v0 =	vsel vm0, v1, v0;
	v5 =	vld.idx.msk [tilespmem:v5+s24+$0x0], $0xffff  }
0x394: {  	[dreg:$0xc] =	wrdreg s0;
	s0 =	simm.s32 $0x9C00;
	v1 =	vmul.f32 v51, v57;
	v14 =	vsel vm0, v14, v16;
	v16 =	vmul.f32 v3, v8;
	v8 =	vld [tilespmem:$0x1FF00]  }
0x395: {  	v49 =	vsel vm0, v49, v52;
	v61 =	vmovc v13;
	v13 =	vmov v2;
	v60 =	vbroadcast v15, $0xD;
	v2 =	vld.idx.msk [tilespmem:v56+s0+$0x0], $0xffff  }
0x396: {  	(v2sf) =	vpush v18, $0xF;
	v56 =	vld [tilespmem:s14+$0xB010];
	v1 =	vsel vm0, v25, v1;
	v25 =	vbroadcast v9, $0xD;
	v52 =	vpop (erf)  }
0x397: {  	v34 =	vbroadcast v11, $0x7;
	s21 =	spop (v2sf);
	s25 =	smov.u32 s16;
	s16 =	simm.s32 $0x8800;
	[tilespmem:v36+s8+$0x0] =	vst.idx.add.f32.msk $0xffff, v52  }
0x398: {  	s4 =	spop (v2sf);
	(v2sf) =	vpush v17, $0xF;
	v18 =	vmul.f32 v26, v25;
	v25 =	vmul.f32 v26, v60;
	v17 =	vld.idx.msk [tilespmem:v43+s16+$0x0], $0xffff  }
0x399: {  	v31 =	vld.idx.msk [tilespmem:v31+s0+$0x0], $0xffff;
	v3 =	vmul.f32 v3, v8;
	v8 =	vmov v34  }
0x39a: {  	v39 =	vmov v12;
	v12 =	vbroadcast v50, $0x7;
	v18 =	vsel vm0, v18, v25;
	[tilespmem:s21+$0x13000] =	vst.add.f32.msk $0xffff, v14  }
0x39b: {  	[tilespmem:s21+$0x13010] =	vst.add.f32.msk $0xffff, v18  }
0x39c: {  	[tilespmem:$0x1FFA0] =	vst v8;
	v8 =	vmov v12;
	v12 =	vld [tilespmem:s4+$0xB000]  }
0x39d: {  	v10 =	vmov v10;
	v3 =	vsel vm0, v16, v3;
	v16 =	vld [tilespmem:s4+$0xB010]  }
0x39e: {  	v58 =	vbroadcast v15, $0xE;
	[tilespmem:$0x1FD20] =	vst v10;
	v2 =	vadd.f32 v2, v5;
	v10 =	vld [tilespmem:$0x1FFF0]  }
0x39f: {  	v5 =	vbroadcast v4, $0xE;
	v4 =	vmovc v30;
	v30 =	vbroadcast v6, $0xE;
	v18 =	vshll.u32 v38, $0x7;
	v38 =	vld [tilespmem:$0x1FE40]  }
0x3a0: {  	s8 =	rddreg [dreg:$0xa];
	v43 =	vbroadcast v9, $0xE;
	v57 =	vmul.f32 $2.000000030e-01, v2;
	[tilespmem:s28+$0x13000] =	vst.add.f32.msk $0xffff, v3  }
0x3a1: {  	[tilespmem:s8+$0x13000] =	vst.add.f32.msk $0xffff, v0;
	v3 =	vmul.f32 v12, v5;
	v5 =	vmul.f32 v12, v30  }
0x3a2: {  	[tilespmem:s8+$0x13010] =	vst.add.f32.msk $0xffff, v1;
	v12 =	vmul.f32 v16, v43;
	v30 =	vmul.f32 v16, v58  }
0x3a3: {  	v36 =	vbroadcast v52, $0x7;
	v6 =	vmov v35;
	s14 =	spop (v2sf);
	[tilespmem:$0x1FF00] =	vst v8;
	v35 =	vsel vm0, v3, v5;
	v5 =	vld [tilespmem:$0x1FEA0]  }
0x3a4: {  	v60 =	vmax.f32 v2, v57;
	v3 =	vsel vm0, v12, v30;
	[tilespmem:s14+$0x13000] =	vst.add.f32.msk $0xffff, v35  }
0x3a5: {  	v47 =	vbroadcast v11, $0x8;
	s8 =	spop (v2sf);
	v8 =	vmov v36;
	[tilespmem:s14+$0x13010] =	vst.add.f32.msk $0xffff, v3  }
0x3a6: {  	[tilespmem:$0x1FE40] =	vst v8;
	v8 =	vbroadcast v52, $0xC;
	v43 =	vld [tilespmem:s8+$0xB010]  }
0x3a7: {  	v0 =	vmul.f32 $1.442695020e+00, v60;
	v60 =	vmov v47;
	v47 =	vld [tilespmem:$0x1FE50]  }
0x3a8: {  	v2 =	vmul.f32 v56, v38;
	[tilespmem:$0x1FE70] =	vst v8;
	v8 =	vld [tilespmem:$0x1FE00];
	v5 =	vmul.f32 v56, v5  }
0x3a9: {  	v15 =	vbroadcast v15, $0xF;
	v3 =	vadd.f32 v31, v17;
	s14 =	rddreg [dreg:$0x9];
	v31 =	vbroadcast v9, $0xF;
	[tilespmem:s18+$0x13000] =	vst.add.f32.msk $0xffff, v49  }
0x3aa: {  	(erf) = vpow2.f32 v0;
	v2 =	vsel vm0, v2, v5;
	v5 =	vld [tilespmem:s14+$0xB000]  }
0x3ab: {  	[tilespmem:$0x1FF40] =	vst v13;
	v9 =	vmov v53;
	v36 =	vld [tilespmem:s8+$0xB000];
	v31 =	vmul.f32 v43, v31;
	v53 =	vmul.f32 v43, v15  }
0x3ac: {  	v13 =	vmul.f32 $2.000000030e-01, v3;
	[tilespmem:s28+$0x13010] =	vst.add.f32.msk $0xffff, v2  }
0x3ad: {  	v32 =	vbroadcast v50, $0x8;
	s28 =	smov.u32 s20;
	s20 =	spop (v2sf);
	v35 =	vld [tilespmem:s26+$0xB010];
	v43 =	vsel vm0, v31, v53  }
0x3ae: {  	v3 =	vmax.f32 v3, v13;
	[tilespmem:s20+$0x13010] =	vst.add.f32.msk $0xffff, v43  }
0x3af: {  	v13 =	vadd.s32 $0x23, v42;
	v3 =	vmul.f32 $1.442695020e+00, v3;
	v43 =	vld [tilespmem:$0x1FF10];
	v31 =	vmul.f32 v5, v8;
	v8 =	vmovc v32  }
0x3b0: {  	v51 =	vbroadcast v11, $0xD;
	[tilespmem:$0x1FF10] =	vst v8;
	v8 =	vld [tilespmem:$0x1FEB0]  }
0x3b1: {  	(erf) = vpow2.f32 v3;
	v3 =	vld [tilespmem:$0x1FFB0]  }
0x3b2: {  	[dreg:$0x12] =	wrdreg s25;
	s25 =	smov.u32 s31;
	v18 =	vshra.s32 v18, $0x2;
	v58 =	vmov v10;
	v10 =	vmov v51;
	v2 =	vld [tilespmem:s26+$0xB000]  }
0x3b3: {  	[dreg:$0xa] =	wrdreg s25;
	s25 =	smov.u32 s17;
	s17 =	simm.s32 $0x13000;
	(v2sf) =	vpush v18, $0x0;
	[tilespmem:$0x1FFF0] =	vst v10;
	v10 =	vld [tilespmem:$0x1FF50];
	v15 =	vpop (erf)  }
0x3b4: {  	[tilespmem:v13+s17+$0x0] =	vst.idx.add.f32.msk $0xffff, v15  }
0x3b5: {  	v13 =	vmul.f32 v35, v8;
	v8 =	vld [tilespmem:$0x1FCE0];
	_ =	sdelay $0x1  }
0x3b6: {  	v3 =	vmul.f32 v2, v3;
	v0 =	vmul.f32 v2, v43  }
0x3b7: {  	v12 =	vmul.u32 $0xA0, v33;
	v56 =	vld [tilespmem:s14+$0xB010]  }
0x3b8: {  	v2 =	vmul.f32 v35, v47;
	v0 =	vsel vm0, v3, v0;
	v3 =	vld [tilespmem:$0x1FD30]  }
0x3b9: {  	v17 =	vshra.s32 v12, $0x2;
	s8 =	sld [smem:$0x7C8];
	[tilespmem:s10+$0x13000] =	vst.add.f32.msk $0xffff, v0;
	v5 =	vmul.f32 v5, v8;
	v8 =	vmov v10  }
0x3ba: {  	(v2sf) =	vpush v17, $0x0;
	v2 =	vsel vm0, v2, v13;
	[tilespmem:$0x1FCE0] =	vst v8;
	v8 =	vld [tilespmem:$0x1FD90]  }
0x3bb: {  	[tilespmem:s10+$0x13010] =	vst.add.f32.msk $0xffff, v2  }
0x3bc: {  	[tilespmem:$0x1FE00] =	vst v58;
	v58 =	vld [tilespmem:s8+$0xB000]  }
0x3bd: {  	v1 =	vbroadcast v52, $0x8;
	(v2sf) =	vpush v18, $0x1;
	s14 =	smov.u32 s13;
	s13 =	rddreg [dreg:$0x7];
	v43 =	vld [tilespmem:s8+$0xB010];
	v5 =	vsel vm0, v31, v5  }
0x3be: {  	[tilespmem:s13+$0x13000] =	vst.add.f32.msk $0xffff, v5  }
0x3bf: {  	[tilespmem:$0x1FCD0] =	vst v22;
	v3 =	vmul.f32 v56, v3;
	v5 =	vld [tilespmem:$0x1FC20];
	v51 =	vmul.f32 v56, v8;
	v8 =	vmov v1  }
0x3c0: {  	v22 =	vbroadcast v50, $0xD;
	s31 =	smov.u32 s1;
	[tilespmem:$0x1FE50] =	vst v8;
	v8 =	vld [tilespmem:$0x1FE80]  }
0x3c1: {  	s1 =	smov.u32 s19;
	s19 =	smov.u32 s3;
	s3 =	spop (v2sf);
	v0 =	vsel vm0, v3, v51;
	v3 =	vld [tilespmem:$0x1FED0]  }
0x3c2: {  	v48 =	vbroadcast v11, $0x9;
	[tilespmem:$0x1FE30] =	vst v23;
	v23 =	vbroadcast v50, $0x9;
	v10 =	vmov v22;
	v22 =	vld [tilespmem:s3+$0xB010]  }
0x3c3: {  	v46 =	vbroadcast v52, $0x1;
	v57 =	vbroadcast v52, $0xD;
	v49 =	vld [tilespmem:s3+$0xB000]  }
0x3c4: {  	v44 =	vbroadcast v52, $0x2;
	v26 =	vbroadcast v52, $0x4  }
0x3c5: {  	v13 =	vbroadcast v15, $0x0;
	[tilespmem:$0x1FF50] =	vst v10;
	v10 =	vmovc v8;
	v8 =	vmov v57;
	v57 =	vbroadcast v9, $0x0  }
0x3c6: {  	(v2sf) =	vpush v17, $0x1;
	v56 =	vbroadcast v4, $0x0;
	[tilespmem:$0x1FE80] =	vst v8;
	v53 =	vmovc v3;
	v3 =	vbroadcast v6, $0x0;
	v8 =	vld [tilespmem:$0x1FFC0]  }
0x3c7: {  	v13 =	vmul.f32 v13, v22;
	v2 =	vmul.f32 v57, v22  }
0x3c8: {  	v1 =	vmul.f32 v49, v56;
	[tilespmem:$0x1FD90] =	vst v53;
	v3 =	vmul.f32 v49, v3;
	v49 =	vpop (erf)  }
0x3c9: {  	v14 =	vbroadcast v52, $0x0;
	[dreg:$0x9] =	wrdreg s1;
	s1 =	spop (v2sf);
	[tilespmem:v5+s17+$0x0] =	vst.idx.add.f32.msk $0xffff, v49;
	v2 =	vsel vm0, v2, v13;
	v53 =	vbroadcast v49, $0x7  }
0x3ca: {  	v25 =	vbroadcast v52, $0x5;
	v34 =	vbroadcast v52, $0x3;
	[tilespmem:s1+$0x13010] =	vst.add.f32.msk $0xffff, v2  }
0x3cb: {  	v38 =	vbroadcast v52, $0xE;
	s18 =	smov.u32 s7;
	s7 =	sld [smem:$0x7C9];
	v1 =	vsel vm0, v1, v3;
	[tilespmem:$0x1FEA0] =	vst v53;
	v53 =	vmul.f32 v58, v8;
	v8 =	vld [tilespmem:$0x1FF20]  }
0x3cc: {  	v16 =	vbroadcast v52, $0x6;
	v33 =	vbroadcast v52, $0x9;
	(v2sf) =	vpush v18, $0x2;
	s3 =	spop (v2sf);
	[tilespmem:s1+$0x13000] =	vst.add.f32.msk $0xffff, v1  }
0x3cd: {  	v30 =	vbroadcast v52, $0xA;
	v12 =	vbroadcast v52, $0xB;
	v1 =	vld [tilespmem:s3+$0xB000]  }
0x3ce: {  	v31 =	vbroadcast v52, $0xF;
	v56 =	vbroadcast v49, $0x8;
	v52 =	vld [tilespmem:s7+$0xB000]  }
0x3cf: {  	v41 =	vbroadcast v11, $0x0;
	s8 =	sld [smem:$0x7CA];
	[tilespmem:$0x1FD30] =	vst v10;
	v3 =	vld [tilespmem:s3+$0xB010]  }
0x3d0: {  	v10 =	vmovc v48;
	v48 =	vbroadcast v4, $0x1;
	[tilespmem:$0x1FEB0] =	vst v56;
	s3 =	rddreg [dreg:$0x8];
	v42 =	vmul.f32 v58, v8;
	v8 =	vmov v23;
	v23 =	vld [tilespmem:s7+$0xB010]  }
0x3d1: {  	v57 =	vbroadcast v9, $0x1;
	v56 =	vbroadcast v6, $0x1;
	[tilespmem:s13+$0x13010] =	vst.add.f32.msk $0xffff, v0;
	s7 =	sld [smem:$0x7CB]  }
0x3d2: {  	v58 =	vbroadcast v15, $0x1;
	s13 =	smov.u32 s8;
	v0 =	vmul.f32 v1, v48;
	v48 =	vld [tilespmem:s3+$0xB000]  }
0x3d3: {  	v55 =	vbroadcast v50, $0x0;
	[tilespmem:$0x1FF20] =	vst v8;
	[dreg:$0x7] =	wrdreg s13;
	v1 =	vmul.f32 v1, v56;
	v8 =	vld [tilespmem:$0x1FEC0];
	v42 =	vsel vm0, v53, v42  }
0x3d4: {  	s13 =	smov.u32 s12;
	v57 =	vmul.f32 v3, v57;
	s12 =	sld [smem:$0x7CC];
	v3 =	vmul.f32 v3, v58;
	[tilespmem:s7+$0x13000] =	vst.add.f32.msk $0xffff, v42  }
0x3d5: {  	(v2sf) =	vpush v17, $0x2;
	s8 =	spop (v2sf);
	v0 =	vsel vm0, v0, v1;
	v1 =	vld [tilespmem:s3+$0xB010]  }
0x3d6: {  	v41 =	vmul.f32 v52, v41;
	v52 =	vmul.f32 v52, v55;
	v3 =	vsel vm0, v57, v3;
	[tilespmem:s8+$0x13000] =	vst.add.f32.msk $0xffff, v0  }
0x3d7: {  	s4 =	sld [smem:$0x7C7];
	s3 =	smov.u32 s12;
	[tilespmem:s8+$0x13010] =	vst.add.f32.msk $0xffff, v3  }
0x3d8: {  	[tilespmem:$0x1FFC0] =	vst v10;
	v2 =	vbroadcast v49, $0x9;
	v55 =	vsel vm0, v41, v52;
	s12 =	smov.u32 s22;
	s22 =	smov.u32 s5;
	s5 =	rddreg [dreg:$0x1e];
	v3 =	vld [tilespmem:$0x1FE60]  }
0x3d9: {  	v5 =	vbroadcast v49, $0x0;
	v10 =	vmov v33;
	[tilespmem:s5+$0x13000] =	vst.add.f32.msk $0xffff, v55  }
0x3da: {  	[tilespmem:$0x1FE60] =	vst v10;
	v10 =	vld [tilespmem:$0x1FC30];
	v56 =	vmul.f32 v43, v8;
	v8 =	vmov v2  }
0x3db: {  	s10 =	smov.u32 s4;
	s4 =	spop (v2sf);
	v14 =	vmul.f32 v14, v23;
	v5 =	vmul.f32 v5, v23;
	[tilespmem:$0x1FEC0] =	vst v8;
	v8 =	vld [tilespmem:$0x1FE10]  }
0x3dc: {  	v37 =	vbroadcast v11, $0x1;
	v29 =	vbroadcast v11, $0x2;
	v2 =	vld [tilespmem:s4+$0xB010]  }
0x3dd: {  	v21 =	vbroadcast v11, $0x3;
	v5 =	vsel vm0, v14, v5;
	v3 =	vmul.f32 v43, v3;
	v43 =	vld [tilespmem:s4+$0xB000]  }
0x3de: {  	v19 =	vbroadcast v11, $0x4;
	v54 =	vbroadcast v50, $0x1;
	s8 =	rddreg [dreg:$0x1f];
	[tilespmem:s5+$0x13010] =	vst.add.f32.msk $0xffff, v5  }
0x3df: {  	[tilespmem:$0x1FD10] =	vst v39;
	v39 =	vbroadcast v50, $0x2;
	v41 =	vbroadcast v6, $0x2;
	v52 =	vld [tilespmem:s8+$0xB000]  }
0x3e0: {  	(v2sf) =	vpush v18, $0x3;
	v5 =	vbroadcast v4, $0x2;
	v33 =	vmul.f32 v48, v8;
	v8 =	vmovc v10;
	v10 =	vld [tilespmem:$0x1FF60]  }
0x3e1: {  	v27 =	vbroadcast v50, $0x3;
	v57 =	vbroadcast v49, $0xD;
	[tilespmem:$0x1FE10] =	vst v8;
	v8 =	vld [tilespmem:$0x1FD40]  }
0x3e2: {  	v55 =	vld [tilespmem:s8+$0xB010];
	v3 =	vsel vm0, v3, v56;
	v5 =	vmul.f32 v43, v5;
	v41 =	vmul.f32 v43, v41  }
0x3e3: {  	v20 =	vbroadcast v50, $0x5;
	v58 =	vbroadcast v9, $0x2;
	[tilespmem:s7+$0x13010] =	vst.add.f32.msk $0xffff, v3  }
0x3e4: {  	v24 =	vbroadcast v50, $0x4;
	[tilespmem:$0x1FED0] =	vst v57;
	v57 =	vbroadcast v15, $0x2;
	s4 =	spop (v2sf);
	v3 =	vsel vm0, v5, v41;
	v5 =	vld [tilespmem:$0x1FCF0]  }
0x3e5: {  	v28 =	vbroadcast v50, $0xA;
	v58 =	vmul.f32 v2, v58;
	[tilespmem:s4+$0x13000] =	vst.add.f32.msk $0xffff, v3  }
0x3e6: {  	v2 =	vmul.f32 v2, v57;
	v57 =	vmul.f32 v1, v8;
	v8 =	vmov v10;
	v3 =	vld [tilespmem:$0x1FDA0]  }
0x3e7: {  	v40 =	vbroadcast v50, $0xE;
	v45 =	vbroadcast v11, $0xE;
	[dreg:$0x8] =	wrdreg s3;
	[tilespmem:$0x1FCF0] =	vst v8;
	v8 =	vld [tilespmem:$0x1FE90]  }
0x3e8: {  	s3 =	rddreg [dreg:$0x1c];
	v2 =	vsel vm0, v58, v2;
	v58 =	vmul.f32 v52, v37;
	v43 =	vmul.f32 v52, v54  }
0x3e9: {  	[tilespmem:$0x1FFB0] =	vst v60;
	v51 =	vbroadcast v49, $0x1;
	v60 =	vbroadcast v49, $0x2;
	v56 =	vmov v45;
	v45 =	vld [tilespmem:s3+$0xB000]  }
0x3ea: {  	v47 =	vbroadcast v49, $0x3;
	v35 =	vbroadcast v49, $0x4;
	s8 =	rddreg [dreg:$0x1d];
	[tilespmem:s4+$0x13010] =	vst.add.f32.msk $0xffff, v2;
	v53 =	vsel vm0, v58, v43  }
0x3eb: {  	v32 =	vbroadcast v49, $0x5;
	[tilespmem:s8+$0x13000] =	vst.add.f32.msk $0xffff, v53;
	v5 =	vmul.f32 v48, v5  }
0x3ec: {  	v0 =	vbroadcast v49, $0xE;
	v13 =	vmul.f32 v1, v3;
	v52 =	vmov v8;
	v8 =	vld [tilespmem:$0x1FEE0]  }
0x3ed: {  	s6 =	sadd.s32 $0x2, s6;
	v46 =	vmul.f32 v55, v46;
	v10 =	vmovc v38;
	v48 =	vsel vm0, v33, v5;
	v5 =	vmul.f32 v55, v51;
	v55 =	vld [tilespmem:$0x1FC40]  }
0x3ee: {  	p0 =	slt.u32 s6, $0x43E;
	s29 =	smov.u32 s2;
	s2 =	sld [smem:$0x7CD];
	v22 =	vbroadcast v49, $0x6;
	v42 =	vbroadcast v49, $0xA;
	[tilespmem:$0x1FE90] =	vst v10;
	v3 =	vmovc v40;
	v54 =	vsel vm0, v57, v13;
	v57 =	vld [tilespmem:$0x1FC50]  }
.Ltmp2:
0x3ef: {  	(v2sf) =	vpush v17, $0x3;
	v23 =	vbroadcast v49, $0xB;
	v14 =	vbroadcast v49, $0xC;
	s5 =	spop (v2sf);
	v58 =	vmovc v0;
	[tilespmem:$0x1FF60] =	vst v3;
	(pc) =	sbr.rel @p0 .LBB2_5-.Ltmp2, $4  }
0x3f0: {  	s0 =	sld [smem:$0x7EE];
	(v2sf) =	vpush v18, $0x4;
	v37 =	vbroadcast v50, $0xF;
	v41 =	vbroadcast v49, $0xF;
	v49 =	vld [tilespmem:s5+$0xB010];
	[tilespmem:$0x1FEE0] =	vst v58  }
0x3f1: {  	v50 =	vbroadcast v4, $0x3;
	v43 =	vbroadcast v6, $0xF;
	v33 =	vld [tilespmem:s5+$0xB000];
	[tilespmem:$0x1FD40] =	vst v52;
	v2 =	vsel vm0, v46, v5  }
0x3f2: {  	s11 =	sadd.s32 $0x20, s11;
	s24 =	sld [smem:$0x7C5];
	s21 =	simm.s32 $0x9C00;
	(v2sf) =	vpush v17, $0x4;
	v53 =	vbroadcast v15, $0x3;
	v51 =	vbroadcast v6, $0x3;
	[tilespmem:s8+$0x13010] =	vst.add.f32.msk $0xffff, v2;
	v3 =	vmovc v8  }
0x3f3: {  	s26 =	smov.u32 s30;
	s30 =	sld [smem:$0x7C6];
	(v2sf) =	vpush v18, $0x5;
	s7 =	smov.u32 s2;
	v52 =	vbroadcast v9, $0x3;
	v46 =	vld [tilespmem:s0+$0xB000];
	v40 =	vmul.f32 v45, v55;
	[tilespmem:$0x1FDA0] =	vst v3;
	v55 =	vmovc v57  }
0x3f4: {  	_ =	sdelay $0x7  }
0x3f5: {  	v0 =	vmul.f32 v33, v50;
	v1 =	vmul.f32 v33, v51  }
0x3f6: {  	v2 =	vmul.f32 v49, v52;
	v3 =	vmul.f32 v49, v53  }
0x3f7: {  	v0 =	vsel vm0, v0, v1;
	s2 =	spop (v2sf)  }
0x3f8: {  	v1 =	vsel vm0, v2, v3;
	[tilespmem:s2+$0x13000] =	vst.add.f32.msk $0xffff, v0  }
0x3f9: {  	[tilespmem:s2+$0x13010] =	vst.add.f32.msk $0xffff, v1;
	s11 =	spop (v2sf)  }
0x3fa: {  	v0 =	vld [tilespmem:s11+$0xB000]  }
0x3fb: {  	v1 =	vld [tilespmem:s11+$0xB010];
	_ =	sdelay $0x1  }
0x3fc: {  	v2 =	vbroadcast v4, $0x4;
	v3 =	vbroadcast v6, $0x4;
	(v2sf) =	vpush v17, $0x5  }
0x3fd: {  	v5 =	vbroadcast v9, $0x4;
	v13 =	vbroadcast v15, $0x4  }
0x3fe: {  	v38 =	vld [tilespmem:s0+$0xB010];
	(v2sf) =	vpush v18, $0x6;
	v2 =	vmul.f32 v0, v2;
	v0 =	vmul.f32 v0, v3  }
0x3ff: {  	v3 =	vmul.f32 v1, v5;
	v1 =	vmul.f32 v1, v13  }
0x400: {  	s1 =	spop (v2sf);
	v0 =	vsel vm0, v2, v0  }
0x401: {  	v1 =	vsel vm0, v3, v1;
	[tilespmem:s1+$0x13000] =	vst.add.f32.msk $0xffff, v0  }
0x402: {  	s4 =	spop (v2sf);
	[tilespmem:s1+$0x13010] =	vst.add.f32.msk $0xffff, v1;
	v0 =	vmul.f32 v46, v29;
	v1 =	vmul.f32 v46, v39  }
0x403: {  	v2 =	vmul.f32 v38, v44;
	v3 =	vmul.f32 v38, v60;
	v49 =	vld [tilespmem:s4+$0xB000]  }
0x404: {  	v50 =	vld [tilespmem:s4+$0xB010];
	s5 =	rddreg [dreg:$0x19];
	v0 =	vsel vm0, v0, v1  }
0x405: {  	[tilespmem:s5+$0x13000] =	vst.add.f32.msk $0xffff, v0;
	v0 =	vsel vm0, v2, v3  }
0x406: {  	[tilespmem:s5+$0x13010] =	vst.add.f32.msk $0xffff, v0  }
0x407: {  	(v2sf) =	vpush v17, $0x6;
	v1 =	vbroadcast v6, $0x5;
	v0 =	vbroadcast v4, $0x5;
	s0 =	rddreg [dreg:$0x18]  }
0x408: {  	v2 =	vbroadcast v9, $0x5;
	v3 =	vbroadcast v15, $0x5;
	v51 =	vld [tilespmem:s0+$0xB000]  }
0x409: {  	(v2sf) =	vpush v18, $0x7;
	v52 =	vld [tilespmem:s0+$0xB010];
	v0 =	vmul.f32 v49, v0;
	v1 =	vmul.f32 v49, v1  }
0x40a: {  	v2 =	vmul.f32 v50, v2;
	v3 =	vmul.f32 v50, v3  }
0x40b: {  	s6 =	spop (v2sf);
	v0 =	vsel vm0, v0, v1  }
0x40c: {  	v1 =	vsel vm0, v2, v3;
	[tilespmem:s6+$0x13000] =	vst.add.f32.msk $0xffff, v0  }
0x40d: {  	s8 =	spop (v2sf);
	[tilespmem:s6+$0x13010] =	vst.add.f32.msk $0xffff, v1;
	v0 =	vmul.f32 v51, v21;
	v1 =	vmul.f32 v51, v27  }
0x40e: {  	v53 =	vld [tilespmem:s8+$0xB000];
	v2 =	vmul.f32 v52, v34;
	v3 =	vmul.f32 v52, v47  }
0x40f: {  	v57 =	vld [tilespmem:s8+$0xB010];
	s9 =	rddreg [dreg:$0x13];
	v0 =	vsel vm0, v0, v1  }
0x410: {  	v1 =	vsel vm0, v2, v3;
	[tilespmem:s9+$0x13000] =	vst.add.f32.msk $0xffff, v0  }
0x411: {  	(v2sf) =	vpush v17, $0x7;
	[tilespmem:s9+$0x13010] =	vst.add.f32.msk $0xffff, v1  }
0x412: {  	v0 =	vbroadcast v4, $0x6;
	v1 =	vbroadcast v6, $0x6;
	s0 =	rddreg [dreg:$0x17]  }
0x413: {  	v2 =	vbroadcast v9, $0x6;
	v3 =	vbroadcast v15, $0x6;
	v58 =	vld [tilespmem:s0+$0xB000]  }
0x414: {  	v60 =	vld [tilespmem:s0+$0xB010];
	v0 =	vmul.f32 v53, v0;
	v1 =	vmul.f32 v53, v1  }
0x415: {  	v2 =	vmul.f32 v57, v2;
	v3 =	vmul.f32 v57, v3  }
0x416: {  	s11 =	spop (v2sf);
	v0 =	vsel vm0, v0, v1  }
0x417: {  	v1 =	vsel vm0, v2, v3;
	[tilespmem:s11+$0x13000] =	vst.add.f32.msk $0xffff, v0  }
0x418: {  	s1 =	spop (v2sf);
	[tilespmem:s11+$0x13010] =	vst.add.f32.msk $0xffff, v1;
	v0 =	vmul.f32 v58, v19;
	v1 =	vmul.f32 v58, v24  }
0x419: {  	(v2sf) =	vpush v18, $0x8;
	v8 =	vld [tilespmem:s1+$0xB000];
	v2 =	vmul.f32 v60, v26;
	v3 =	vmul.f32 v60, v35  }
0x41a: {  	v10 =	vld [tilespmem:s1+$0xB010];
	s2 =	rddreg [dreg:$0x16];
	v0 =	vsel vm0, v0, v1  }
0x41b: {  	[tilespmem:s2+$0x13000] =	vst.add.f32.msk $0xffff, v0;
	v0 =	vsel vm0, v2, v3  }
0x41c: {  	v1 =	vbroadcast v6, $0x7;
	[tilespmem:s2+$0x13010] =	vst.add.f32.msk $0xffff, v0;
	v0 =	vbroadcast v4, $0x7  }
0x41d: {  	v2 =	vbroadcast v9, $0x7;
	v3 =	vbroadcast v15, $0x7  }
0x41e: {  	v1 =	vmul.f32 v8, v1;
	v0 =	vmul.f32 v8, v0  }
0x41f: {  	s0 =	rddreg [dreg:$0x15];
	v2 =	vmul.f32 v10, v2;
	v3 =	vmul.f32 v10, v3  }
0x420: {  	s4 =	spop (v2sf);
	v13 =	vld [tilespmem:s0+$0xB000];
	v0 =	vsel vm0, v0, v1  }
0x421: {  	(v2sf) =	vpush v17, $0x8;
	v1 =	vsel vm0, v2, v3;
	[tilespmem:s4+$0x13000] =	vst.add.f32.msk $0xffff, v0  }
0x422: {  	[tilespmem:s4+$0x13010] =	vst.add.f32.msk $0xffff, v1  }
0x423: {  	v0 =	vld [tilespmem:$0x1FF80]  }
0x424: {  	v29 =	vld [tilespmem:s0+$0xB010];
	_ =	sdelay $0x3  }
0x425: {  	s5 =	spop (v2sf);
	v1 =	vmul.f32 v13, v20;
	v0 =	vmul.f32 v13, v0  }
0x426: {  	v33 =	vld [tilespmem:s5+$0xB000];
	v2 =	vmul.f32 v29, v25;
	v3 =	vmul.f32 v29, v32  }
0x427: {  	(v2sf) =	vpush v18, $0x9;
	v10 =	vld [tilespmem:s5+$0xB010];
	s6 =	rddreg [dreg:$0x14];
	v0 =	vsel vm0, v0, v1  }
0x428: {  	v1 =	vsel vm0, v2, v3;
	[tilespmem:s6+$0x13000] =	vst.add.f32.msk $0xffff, v0  }
0x429: {  	[tilespmem:s6+$0x13010] =	vst.add.f32.msk $0xffff, v1;
	v0 =	vbroadcast v4, $0x8;
	v1 =	vbroadcast v6, $0x8  }
0x42a: {  	v2 =	vbroadcast v9, $0x8;
	v3 =	vbroadcast v15, $0x8  }
0x42b: {  	v0 =	vmul.f32 v33, v0;
	v1 =	vmul.f32 v33, v1  }
0x42c: {  	v2 =	vmul.f32 v10, v2;
	v3 =	vmul.f32 v10, v3  }
0x42d: {  	s8 =	spop (v2sf);
	v34 =	vld [tilespmem:s31+$0xB000];
	v0 =	vsel vm0, v0, v1  }
0x42e: {  	v1 =	vsel vm0, v2, v3;
	[tilespmem:s8+$0x13000] =	vst.add.f32.msk $0xffff, v0  }
0x42f: {  	[tilespmem:s8+$0x13010] =	vst.add.f32.msk $0xffff, v1  }
0x430: {  	v0 =	vld [tilespmem:$0x1FF90]  }
0x431: {  	(v2sf) =	vpush v17, $0x9;
	v1 =	vld [tilespmem:$0x1FEF0]  }
0x432: {  	v35 =	vld [tilespmem:s31+$0xB010];
	_ =	sdelay $0x3  }
0x433: {  	s9 =	spop (v2sf);
	v0 =	vmul.f32 v34, v0;
	v1 =	vmul.f32 v34, v1  }
0x434: {  	v2 =	vmul.f32 v35, v16;
	v3 =	vmul.f32 v35, v22;
	v8 =	vld [tilespmem:s9+$0xB000]  }
0x435: {  	v39 =	vld [tilespmem:s9+$0xB010];
	v0 =	vsel vm0, v0, v1  }
0x436: {  	[tilespmem:s29+$0x13000] =	vst.add.f32.msk $0xffff, v0;
	v0 =	vsel vm0, v2, v3  }
0x437: {  	[tilespmem:s29+$0x13010] =	vst.add.f32.msk $0xffff, v0  }
0x438: {  	v38 =	vld [tilespmem:s3+$0xB010];
	(v2sf) =	vpush v18, $0xA;
	v1 =	vbroadcast v6, $0x9;
	v2 =	vbroadcast v9, $0x9;
	s11 =	rddreg [dreg:$0x12]  }
0x439: {  	v3 =	vbroadcast v15, $0x9;
	v0 =	vbroadcast v4, $0x9;
	v44 =	vld [tilespmem:s11+$0xB000]  }
0x43a: {  	v1 =	vmul.f32 v8, v1;
	s29 =	rddreg [dreg:$0x6];
	v2 =	vmul.f32 v39, v2;
	v46 =	vld [tilespmem:s11+$0xB010]  }
0x43b: {  	v3 =	vmul.f32 v39, v3;
	v0 =	vmul.f32 v8, v0;
	[tilespmem:s29+$0x13000] =	vst.add.f32.msk $0xffff, v48  }
0x43c: {  	[tilespmem:s29+$0x13010] =	vst.add.f32.msk $0xffff, v54  }
0x43d: {  	s31 =	spop (v2sf);
	v2 =	vsel vm0, v2, v3;
	v0 =	vsel vm0, v0, v1;
	v1 =	vld [tilespmem:$0x1FCB0]  }
0x43e: {  	[tilespmem:s31+$0x13010] =	vst.add.f32.msk $0xffff, v2  }
0x43f: {  	[tilespmem:s31+$0x13000] =	vst.add.f32.msk $0xffff, v0  }
0x440: {  	(v2sf) =	vpush v17, $0xA;
	v0 =	vld [tilespmem:$0x1FD00]  }
0x441: {  	v2 =	vld [tilespmem:$0x1FD60]  }
0x442: {  	v3 =	vld [tilespmem:$0x1FFA0]  }
0x443: {  	v47 =	vld [tilespmem:$0x1FF00]  }
0x444: {  	v13 =	vld [tilespmem:$0x1FE40]  }
0x445: {  	v51 =	vld [tilespmem:$0x1FEA0];
	_ =	sdelay $0x1  }
0x446: {  	(v2sf) =	vpush v18, $0xB;
	s1 =	spop (v2sf);
	v1 =	vmul.f32 v45, v1  }
0x447: {  	v48 =	vld [tilespmem:s1+$0xB000];
	v0 =	vmul.f32 v38, v0;
	v2 =	vmul.f32 v38, v2  }
0x448: {  	v49 =	vld [tilespmem:s1+$0xB010];
	s2 =	rddreg [dreg:$0xe];
	v3 =	vmul.f32 v44, v3;
	v5 =	vmul.f32 v44, v47;
	v1 =	vsel vm0, v40, v1  }
0x449: {  	v50 =	vmul.f32 v46, v13;
	v13 =	vmul.f32 v46, v51;
	[tilespmem:s2+$0x13000] =	vst.add.f32.msk $0xffff, v1;
	v0 =	vsel vm0, v0, v2  }
0x44a: {  	v1 =	vsel vm0, v3, v5;
	v2 =	vbroadcast v4, $0xA;
	v3 =	vbroadcast v6, $0xA;
	[tilespmem:s2+$0x13010] =	vst.add.f32.msk $0xffff, v0  }
0x44b: {  	v52 =	vbroadcast v15, $0xA;
	v0 =	vsel vm0, v50, v13;
	[tilespmem:s28+$0x13000] =	vst.add.f32.msk $0xffff, v1;
	v1 =	vbroadcast v9, $0xA  }
0x44c: {  	[tilespmem:s28+$0x13010] =	vst.add.f32.msk $0xffff, v0;
	v0 =	vmul.f32 v48, v2;
	v2 =	vmul.f32 v48, v3  }
0x44d: {  	v3 =	vmul.f32 v49, v52;
	v1 =	vmul.f32 v49, v1  }
0x44e: {  	(v2sf) =	vpush v17, $0xB;
	s3 =	spop (v2sf);
	v53 =	vld [tilespmem:s26+$0xB000];
	v0 =	vsel vm0, v0, v2  }
0x44f: {  	v1 =	vsel vm0, v1, v3;
	[tilespmem:s3+$0x13000] =	vst.add.f32.msk $0xffff, v0  }
0x450: {  	[tilespmem:s3+$0x13010] =	vst.add.f32.msk $0xffff, v1  }
0x451: {  	v2 =	vld [tilespmem:$0x1FFB0]  }
0x452: {  	v3 =	vld [tilespmem:$0x1FF10]  }
0x453: {  	v54 =	vld [tilespmem:s26+$0xB010]  }
0x454: {  	v57 =	vld [tilespmem:$0x1FE50]  }
0x455: {  	s4 =	spop (v2sf);
	v58 =	vld [tilespmem:$0x1FEB0]  }
0x456: {  	v0 =	vld [tilespmem:s4+$0xB000]  }
0x457: {  	v1 =	vld [tilespmem:s4+$0xB010];
	v2 =	vmul.f32 v53, v2;
	v3 =	vmul.f32 v53, v3  }
0x458: {  	v21 =	vbroadcast v6, $0xB;
	v22 =	vbroadcast v15, $0xB  }
0x459: {  	v5 =	vmul.f32 v54, v57;
	v2 =	vsel vm0, v2, v3;
	v3 =	vbroadcast v4, $0xB  }
0x45a: {  	s5 =	rddreg [dreg:$0xd];
	v8 =	vmul.f32 v54, v58;
	[tilespmem:s10+$0x13000] =	vst.add.f32.msk $0xffff, v2;
	v2 =	vbroadcast v9, $0xB  }
0x45b: {  	v3 =	vmul.f32 v0, v3;
	v0 =	vmul.f32 v0, v21  }
0x45c: {  	v60 =	vld [tilespmem:s5+$0xB000];
	v5 =	vsel vm0, v5, v8;
	v2 =	vmul.f32 v1, v2;
	v1 =	vmul.f32 v1, v22  }
0x45d: {  	s6 =	spop (v2sf);
	[tilespmem:s10+$0x13010] =	vst.add.f32.msk $0xffff, v5;
	v0 =	vsel vm0, v3, v0  }
0x45e: {  	v1 =	vsel vm0, v2, v1;
	[tilespmem:s6+$0x13000] =	vst.add.f32.msk $0xffff, v0  }
0x45f: {  	(v2sf) =	vpush v18, $0xC;
	[tilespmem:s6+$0x13010] =	vst.add.f32.msk $0xffff, v1  }
0x460: {  	v0 =	vld [tilespmem:$0x1FDE0]  }
0x461: {  	v1 =	vld [tilespmem:$0x1FCC0]  }
0x462: {  	v20 =	vld [tilespmem:s5+$0xB010]  }
0x463: {  	v2 =	vld [tilespmem:$0x1FD10]  }
0x464: {  	v3 =	vld [tilespmem:$0x1FD70]  }
0x465: {  	v5 =	vld [tilespmem:s18+$0xB000]  }
0x466: {  	v24 =	vld [tilespmem:s18+$0xB010];
	v0 =	vmul.f32 v60, v0;
	v1 =	vmul.f32 v60, v1  }
0x467: {  	v27 =	vld [tilespmem:$0x1FF20]  }
0x468: {  	s9 =	rddreg [dreg:$0xc];
	v0 =	vsel vm0, v0, v1;
	v1 =	vld [tilespmem:$0x1FFC0]  }
0x469: {  	v2 =	vmul.f32 v20, v2;
	v3 =	vmul.f32 v20, v3;
	[tilespmem:s9+$0x13000] =	vst.add.f32.msk $0xffff, v0  }
0x46a: {  	(v2sf) =	vpush v17, $0xC;
	v0 =	vld [tilespmem:$0x1FE60]  }
0x46b: {  	v2 =	vsel vm0, v2, v3;
	v3 =	vld [tilespmem:$0x1FEC0];
	_ =	sdelay $0x2  }
0x46c: {  	s8 =	spop (v2sf)  }
0x46d: {  	v25 =	vld [tilespmem:s8+$0xB000];
	v1 =	vmul.f32 v5, v1;
	v5 =	vmul.f32 v5, v27  }
0x46e: {  	v26 =	vld [tilespmem:s8+$0xB010];
	v0 =	vmul.f32 v24, v0;
	v3 =	vmul.f32 v24, v3  }
0x46f: {  	[tilespmem:s9+$0x13010] =	vst.add.f32.msk $0xffff, v2;
	v1 =	vsel vm0, v1, v5  }
0x470: {  	[tilespmem:s7+$0x13000] =	vst.add.f32.msk $0xffff, v1;
	v0 =	vsel vm0, v0, v3  }
0x471: {  	(v2sf) =	vpush v18, $0xD;
	v1 =	vbroadcast v9, $0xC;
	v3 =	vbroadcast v15, $0xC;
	[tilespmem:s7+$0x13010] =	vst.add.f32.msk $0xffff, v0  }
0x472: {  	v29 =	vbroadcast v6, $0xC;
	v2 =	vbroadcast v4, $0xC;
	s1 =	rddreg [dreg:$0x1a]  }
0x473: {  	v0 =	vmul.f32 v26, v1;
	v1 =	vmul.f32 v26, v3;
	v3 =	vld [tilespmem:s1+$0xB000]  }
0x474: {  	v32 =	vld [tilespmem:s1+$0xB010]  }
0x475: {  	v2 =	vmul.f32 v25, v2;
	v5 =	vmul.f32 v25, v29;
	_ =	sdelay $0x1  }
0x476: {  	s10 =	spop (v2sf);
	v2 =	vsel vm0, v2, v5  }
0x477: {  	[tilespmem:s10+$0x13000] =	vst.add.f32.msk $0xffff, v2;
	v0 =	vsel vm0, v0, v1;
	v2 =	vmul.f32 v3, v55;
	v3 =	vmul.f32 v3, v28  }
0x478: {  	[tilespmem:s10+$0x13010] =	vst.add.f32.msk $0xffff, v0;
	v33 =	vmul.f32 v32, v30;
	v5 =	vmul.f32 v32, v42  }
0x479: {  	v35 =	vld [tilespmem:$0x1FC80];
	v2 =	vsel vm0, v2, v3  }
0x47a: {  	s0 =	rddreg [dreg:$0x5];
	[tilespmem:s22+$0x13000] =	vst.add.f32.msk $0xffff, v2;
	v2 =	vsel vm0, v33, v5  }
0x47b: {  	[tilespmem:s22+$0x13010] =	vst.add.f32.msk $0xffff, v2  }
0x47c: {  	(v2sf) =	vpush v17, $0xD;
	v2 =	vld [tilespmem:$0x1FC60]  }
0x47d: {  	v38 =	vld [tilespmem:$0x1FC70]  }
0x47e: {  	v45 =	vld [tilespmem:$0x1FE30]  }
0x47f: {  	s11 =	spop (v2sf)  }
0x480: {  	v3 =	vld [tilespmem:s11+$0xB010]  }
0x481: {  	v13 =	vmul.f32 v59, v35  }
0x482: {  	v34 =	vld [tilespmem:s11+$0xB000];
	v2 =	vmul.f32 v7, v2;
	v5 =	vmul.f32 v7, v38  }
0x483: {  	v46 =	vbroadcast v9, $0xD;
	v47 =	vbroadcast v15, $0xD;
	v42 =	vld [tilespmem:s19+$0xB000];
	s18 =	rddreg [dreg:$0x3];
	v13 =	vsel vm0, v45, v13  }
0x484: {  	[tilespmem:s18+$0x13000] =	vst.add.f32.msk $0xffff, v13;
	v2 =	vsel vm0, v2, v5  }
0x485: {  	[tilespmem:s18+$0x13010] =	vst.add.f32.msk $0xffff, v2;
	v2 =	vmul.f32 v3, v46;
	v3 =	vmul.f32 v3, v47  }
0x486: {  	v51 =	vld [tilespmem:$0x1FF30]  }
0x487: {  	v39 =	vbroadcast v4, $0xD;
	v40 =	vbroadcast v6, $0xD;
	v2 =	vsel vm0, v2, v3;
	v3 =	vld [tilespmem:$0x1FFD0]  }
0x488: {  	v44 =	vld [tilespmem:s19+$0xB010]  }
0x489: {  	v0 =	vld [tilespmem:s0+$0xB000];
	v48 =	vmul.f32 v34, v39;
	v49 =	vmul.f32 v34, v40  }
0x48a: {  	v1 =	vld [tilespmem:s0+$0xB010];
	s0 =	rddreg [dreg:$0xb]  }
0x48b: {  	s19 =	spop (v2sf);
	v5 =	vsel vm0, v48, v49;
	v50 =	vld [tilespmem:s0+$0xB000]  }
0x48c: {  	[tilespmem:s19+$0x13000] =	vst.add.f32.msk $0xffff, v5;
	v8 =	vmul.f32 v42, v51;
	v3 =	vmul.f32 v42, v3  }
0x48d: {  	v53 =	vmul.f32 v44, v12;
	v54 =	vmul.f32 v44, v23;
	[tilespmem:s19+$0x13010] =	vst.add.f32.msk $0xffff, v2  }
0x48e: {  	v52 =	vld [tilespmem:s0+$0xB010];
	s0 =	rddreg [dreg:$0xf];
	v2 =	vsel vm0, v3, v8  }
0x48f: {  	v3 =	vsel vm0, v53, v54;
	[tilespmem:s0+$0x13000] =	vst.add.f32.msk $0xffff, v2  }
0x490: {  	[tilespmem:s0+$0x13010] =	vst.add.f32.msk $0xffff, v3  }
0x491: {  	v3 =	vld [tilespmem:$0x1FDF0]  }
0x492: {  	(v2sf) =	vpush v18, $0xE;
	v55 =	vld [tilespmem:$0x1FCD0]  }
0x493: {  	v58 =	vld [tilespmem:$0x1FD20]  }
0x494: {  	v59 =	vld [tilespmem:$0x1FD80];
	_ =	sdelay $0x3  }
0x495: {  	v3 =	vmul.f32 v50, v3;
	v5 =	vmul.f32 v50, v55  }
0x496: {  	s0 =	rddreg [dreg:$0x10];
	v8 =	vmul.f32 v52, v58;
	v10 =	vmul.f32 v52, v59  }
0x497: {  	(v2sf) =	vpush v17, $0xE;
	s26 =	rddreg [dreg:$0xa];
	v2 =	vld [tilespmem:s0+$0xB000];
	v3 =	vsel vm0, v3, v5  }
0x498: {  	v19 =	vsel vm0, v8, v10;
	[tilespmem:s26+$0x13000] =	vst.add.f32.msk $0xffff, v3  }
0x499: {  	[tilespmem:s26+$0x13010] =	vst.add.f32.msk $0xffff, v19  }
0x49a: {  	v3 =	vld [tilespmem:$0x1FFE0]  }
0x49b: {  	v5 =	vld [tilespmem:$0x1FF40]  }
0x49c: {  	v57 =	vld [tilespmem:s0+$0xB010]  }
0x49d: {  	v21 =	vld [tilespmem:$0x1FE70]  }
0x49e: {  	s22 =	spop (v2sf)  }
0x49f: {  	v60 =	vld [tilespmem:s22+$0xB000]  }
0x4a0: {  	v3 =	vmul.f32 v2, v3;
	v2 =	vmul.f32 v2, v5  }
0x4a1: {  	v23 =	vbroadcast v6, $0xE;
	v16 =	vld [tilespmem:s22+$0xB010];
	v7 =	vmul.f32 v57, v14;
	s0 =	rddreg [dreg:$0x9]  }
0x4a2: {  	v20 =	vld [tilespmem:s0+$0xB000];
	v8 =	vmul.f32 v57, v21;
	v2 =	vsel vm0, v3, v2;
	v3 =	vbroadcast v4, $0xE  }
0x4a3: {  	v22 =	vld [tilespmem:s0+$0xB010]  }
0x4a4: {  	v24 =	vsel vm0, v8, v7;
	v4 =	vmul.f32 v60, v23;
	[tilespmem:s25+$0x13000] =	vst.add.f32.msk $0xffff, v2;
	v3 =	vmul.f32 v60, v3  }
0x4a5: {  	v25 =	vbroadcast v9, $0xE;
	v2 =	vbroadcast v15, $0xE;
	[tilespmem:s25+$0x13010] =	vst.add.f32.msk $0xffff, v24  }
0x4a6: {  	s28 =	spop (v2sf);
	v29 =	vld [tilespmem:$0x1FDD0];
	v3 =	vsel vm0, v3, v4  }
0x4a7: {  	v26 =	vmul.f32 v16, v25;
	v2 =	vmul.f32 v16, v2;
	[tilespmem:s28+$0x13000] =	vst.add.f32.msk $0xffff, v3  }
0x4a8: {  	v3 =	vld [tilespmem:$0x1FE00]  }
0x4a9: {  	v2 =	vsel vm0, v26, v2;
	v32 =	vld [tilespmem:$0x1FCE0]  }
0x4aa: {  	[tilespmem:s28+$0x13010] =	vst.add.f32.msk $0xffff, v2  }
0x4ab: {  	v33 =	vld [tilespmem:$0x1FD30]  }
0x4ac: {  	v34 =	vld [tilespmem:$0x1FD90];
	_ =	sdelay $0x1  }
0x4ad: {  	v28 =	vmul.f32 v36, v61;
	v12 =	vmul.f32 v36, v29;
	_ =	sdelay $0x1  }
0x4ae: {  	v27 =	vld [tilespmem:s14+$0xB000];
	v2 =	vsel vm0, v28, v12;
	v3 =	vmul.f32 v20, v3;
	v5 =	vmul.f32 v20, v32  }
0x4af: {  	[tilespmem:s20+$0x13000] =	vst.add.f32.msk $0xffff, v2;
	v6 =	vmul.f32 v22, v33;
	v8 =	vmul.f32 v22, v34  }
0x4b0: {  	v30 =	vld [tilespmem:s14+$0xB010];
	s0 =	rddreg [dreg:$0x7];
	v2 =	vsel vm0, v3, v5  }
0x4b1: {  	v3 =	vsel vm0, v6, v8;
	[tilespmem:s0+$0x13000] =	vst.add.f32.msk $0xffff, v2  }
0x4b2: {  	[tilespmem:s0+$0x13010] =	vst.add.f32.msk $0xffff, v3  }
0x4b3: {  	v2 =	vld [tilespmem:$0x1FFF0]  }
0x4b4: {  	v3 =	vld [tilespmem:$0x1FF50]  }
0x4b5: {  	v36 =	vld [tilespmem:$0x1FE80]  }
0x4b6: {  	v38 =	vld [tilespmem:$0x1FED0];
	_ =	sdelay $0x3  }
0x4b7: {  	s0 =	rddreg [dreg:$0x8];
	v2 =	vmul.f32 v27, v2;
	v3 =	vmul.f32 v27, v3  }
0x4b8: {  	v35 =	vld [tilespmem:s0+$0xB000];
	v6 =	vmul.f32 v30, v36;
	v4 =	vmul.f32 v30, v38  }
0x4b9: {  	v39 =	vld [tilespmem:s0+$0xB010];
	v2 =	vsel vm0, v2, v3  }
0x4ba: {  	v3 =	vsel vm0, v6, v4;
	[tilespmem:s13+$0x13000] =	vst.add.f32.msk $0xffff, v2  }
0x4bb: {  	[tilespmem:s13+$0x13010] =	vst.add.f32.msk $0xffff, v3  }
0x4bc: {  	v40 =	vld [tilespmem:$0x1FE10]  }
0x4bd: {  	v42 =	vld [tilespmem:$0x1FCF0]  }
0x4be: {  	v45 =	vld [tilespmem:$0x1FD40]  }
0x4bf: {  	v46 =	vld [tilespmem:$0x1FDA0];
	_ =	sdelay $0x3  }
0x4c0: {  	v4 =	vmul.f32 v35, v40;
	v5 =	vmul.f32 v35, v42  }
0x4c1: {  	v2 =	vld [tilespmem:s12+$0xB000];
	v8 =	vmul.f32 v39, v45;
	v7 =	vmul.f32 v39, v46  }
0x4c2: {  	v3 =	vld [tilespmem:s12+$0xB010];
	v4 =	vsel vm0, v4, v5  }
0x4c3: {  	(v2sf) =	vpush v18, $0xF;
	v48 =	vsel vm0, v8, v7;
	[tilespmem:s30+$0x13000] =	vst.add.f32.msk $0xffff, v4  }
0x4c4: {  	[tilespmem:s30+$0x13010] =	vst.add.f32.msk $0xffff, v48  }
0x4c5: {  	v5 =	vld [tilespmem:$0x1FF60]  }
0x4c6: {  	v51 =	vld [tilespmem:$0x1FE90]  }
0x4c7: {  	v52 =	vld [tilespmem:$0x1FEE0];
	_ =	sdelay $0x2  }
0x4c8: {  	v49 =	vmul.f32 v2, v56;
	v2 =	vmul.f32 v2, v5  }
0x4c9: {  	(v2sf) =	vpush v17, $0xF  }
0x4ca: {  	s30 =	rddreg [dreg:$0x1b];
	v7 =	vmul.f32 v3, v51;
	v3 =	vmul.f32 v3, v52;
	v2 =	vsel vm0, v49, v2  }
0x4cb: {  	[tilespmem:s30+$0x13000] =	vst.add.f32.msk $0xffff, v2  }
0x4cc: {  	v3 =	vsel vm0, v7, v3;
	v2 =	vld [tilespmem:$0x1FCA0]  }
0x4cd: {  	[tilespmem:s30+$0x13010] =	vst.add.f32.msk $0xffff, v3  }
0x4ce: {  	v56 =	vld [tilespmem:$0x1FC90];
	_ =	sdelay $0x1  }
0x4cf: {  	s29 =	spop (v2sf)  }
0x4d0: {  	v44 =	vld [tilespmem:s29+$0xB010]  }
0x4d1: {  	v47 =	vld [tilespmem:s29+$0xB000]  }
0x4d2: {  	v50 =	vld [tilespmem:s24+$0xB000];
	v2 =	vmul.f32 v0, v2;
	v0 =	vmul.f32 v0, v56  }
0x4d3: {  	v54 =	vbroadcast v9, $0xF;
	v55 =	vbroadcast v15, $0xF;
	v53 =	vld [tilespmem:s24+$0xB010]  }
0x4d4: {  	v57 =	vmul.f32 v1, v63;
	v1 =	vmul.f32 v1, v62;
	s0 =	rddreg [dreg:$0x4];
	v0 =	vsel vm0, v2, v0;
	v2 =	vld [tilespmem:$0x1FF70]  }
0x4d5: {  	[tilespmem:s0+$0x13000] =	vst.add.f32.msk $0xffff, v0  }
0x4d6: {  	v1 =	vsel vm0, v57, v1;
	v6 =	vmul.f32 v44, v55;
	v3 =	vmul.f32 v44, v54;
	v0 =	vld [tilespmem:$0x1FE20]  }
0x4d7: {  	[tilespmem:s0+$0x13010] =	vst.add.f32.msk $0xffff, v1  }
0x4d8: {  	s31 =	spop (v2sf);
	v3 =	vsel vm0, v3, v6;
	v1 =	vld [tilespmem:$0x1FDC0]  }
0x4d9: {  	[tilespmem:s31+$0x13010] =	vst.add.f32.msk $0xffff, v3  }
0x4da: {  	v3 =	vld [tilespmem:$0x1FD50]  }
0x4db: {  	v62 =	vld [tilespmem:$0x1FDB0]  }
0x4dc: {  	v58 =	vld [tilespmem:s15+$0xB000]  }
0x4dd: {  	v60 =	vmul.f32 v47, v43;
	v59 =	vld [tilespmem:s15+$0xB010];
	v2 =	vmul.f32 v47, v2  }
0x4de: {  	v61 =	vbroadcast v11, $0xF  }
0x4df: {  	v0 =	vmul.f32 v50, v0;
	v2 =	vsel vm0, v2, v60;
	v1 =	vmul.f32 v50, v1  }
0x4e0: {  	[tilespmem:s31+$0x13000] =	vst.add.f32.msk $0xffff, v2;
	v3 =	vmul.f32 v53, v3;
	v5 =	vmul.f32 v53, v62  }
0x4e1: {  	v2 =	vmul.f32 v58, v37;
	s0 =	rddreg [dreg:$0x11];
	v0 =	vsel vm0, v0, v1;
	v1 =	vmul.f32 v58, v61  }
0x4e2: {  	v63 =	vmul.f32 v59, v41;
	v3 =	vsel vm0, v3, v5;
	[tilespmem:s0+$0x13000] =	vst.add.f32.msk $0xffff, v0;
	v0 =	vmul.f32 v59, v31  }
0x4e3: {  	[tilespmem:s0+$0x13010] =	vst.add.f32.msk $0xffff, v3;
	v1 =	vsel vm0, v1, v2  }
0x4e4: {  	v0 =	vsel vm0, v0, v63;
	[tilespmem:s23+$0x13000] =	vst.add.f32.msk $0xffff, v1  }
0x4e5: {  	[tilespmem:s23+$0x13010] =	vst.add.f32.msk $0xffff, v0  }
0x4e6: {  	s0 =	sld [smem:$0x7FA];
	_ =	sdelay $0x1  }
0x4e7: {  	s1 =	simm.s32 $0x13018;
	s18 =	simm.s32 $0x1D000  }
0x4e8: {  	s14 =	simm.s32 $0x80;
	s13 =	simm.s32 $0x1;
	s11 =	sld [smem:$0x7FC];
	v0 =	vld [tilespmem:s0+$0x1E000]  }
0x4e9: {  	s15 =	simm.s32 $0x100;
	s12 =	sld [smem:$0x7FD];
	v1 =	vld [tilespmem:s0+$0x1E010];
	s0 =	simm.s32 $0x0  }
.LBB2_7:
0x4ea: {  	v2 =	vld [tilespmem:s1+$0x0];
	_ =	sdelay $0x4  }
0x4eb: {  	v2 =	vadd.f32 $1.000000020e-16, v2;
	_ =	sdelay $0x1  }
0x4ec: {  	s2 =	sadd.s32 $0x28, s1;
	(erf) = vrcp.f32 v2  }
0x4ed: {  	v3 =	vld [tilespmem:s2+$0x0];
	_ =	sdelay $0x3  }
0x4ee: {  	s3 =	sadd.s32 $0x28, s2  }
0x4ef: {  	v4 =	vld [tilespmem:s3+$0x0];
	v2 =	vadd.f32 $1.000000020e-16, v3  }
0x4f0: {  	v3 =	vld [tilespmem:s1+$0xFFFFFFE8]  }
0x4f1: {  	(erf) = vrcp.f32 v2;
	v2 =	vld [tilespmem:s1+$0xFFFFFFF8]  }
0x4f2: {  	v5 =	vpop (erf)  }
0x4f3: {  	v6 =	vbroadcast v5, $0x8;
	v7 =	vbroadcast v5, $0x9  }
0x4f4: {  	v8 =	vbroadcast v5, $0xA;
	v5 =	vbroadcast v5, $0xB  }
0x4f5: {  	v6 =	vmul.f32 v6, v3;
	v3 =	vmul.f32 v7, v3  }
0x4f6: {  	v4 =	vadd.f32 $1.000000020e-16, v4;
	v7 =	vmul.f32 v8, v2;
	v2 =	vmul.f32 v5, v2;
	_ =	sdelay $0x1  }
0x4f7: {  	s7 =	sadd.s32 $0x28, s3;
	v5 =	vld [tilespmem:s2+$0xFFFFFFE8];
	v3 =	vsel vm0, v6, v3;
	v6 =	vsel vm0, v7, v2  }
0x4f8: {  	(erf) = vrcp.f32 v4;
	v10 =	vadd.f32 v6, v1;
	v6 =	vld [tilespmem:s7+$0x0]  }
0x4f9: {  	v4 =	vpop (erf);
	v7 =	vld [tilespmem:s2+$0xFFFFFFF8]  }
0x4fa: {  	v8 =	vbroadcast v4, $0x9;
	v2 =	vadd.f32 v3, v0;
	v3 =	vbroadcast v4, $0x8  }
0x4fb: {  	v11 =	vbroadcast v4, $0xA;
	v4 =	vbroadcast v4, $0xB  }
0x4fc: {  	v9 =	vmin.f32 v2, $0.0e+00;
	v3 =	vmul.f32 v3, v5;
	v5 =	vmul.f32 v8, v5  }
0x4fd: {  	v8 =	vmul.f32 $1.442695020e+00, v9;
	v9 =	vmin.f32 v10, $0.0e+00;
	v6 =	vadd.f32 $1.000000020e-16, v6  }
0x4fe: {  	v3 =	vsel vm0, v3, v5;
	v5 =	vmul.f32 $1.442695020e+00, v9;
	v9 =	vmul.f32 v11, v7  }
0x4ff: {  	v4 =	vmul.f32 v4, v7;
	v7 =	vld [tilespmem:s3+$0xFFFFFFE8];
	v3 =	vadd.f32 v3, v0;
	(erf) = vpow2.f32 v8  }
0x500: {  	(erf) = vpow2.f32 v5;
	v5 =	vld [tilespmem:s3+$0xFFFFFFF8]  }
0x501: {  	v8 =	vmin.f32 v3, $0.0e+00;
	(erf) = vrcp.f32 v6;
	v6 =	vpop (erf)  }
0x502: {  	v4 =	vsel vm0, v9, v4;
	v8 =	vmul.f32 $1.442695020e+00, v8;
	v9 =	vbroadcast v6, $0x8  }
0x503: {  	s6 =	sadd.s32 $0x28, s7;
	v11 =	vbroadcast v6, $0x9;
	v13 =	vbroadcast v6, $0xA  }
0x504: {  	v12 =	vld [tilespmem:s6+$0x0];
	v4 =	vadd.f32 v4, v1;
	v6 =	vbroadcast v6, $0xB;
	v9 =	vmul.f32 v9, v7  }
0x505: {  	v7 =	vmul.f32 v11, v7;
	v11 =	vmul.f32 v13, v5  }
0x506: {  	vm2 =	vgt.f32 v10, $0.0e+00;
	v14 =	vmin.f32 v4, $0.0e+00;
	v5 =	vmul.f32 v6, v5  }
0x507: {  	vm1 =	vgt.f32 v2, $0.0e+00;
	v6 =	vsel vm0, v9, v7;
	v7 =	vmul.f32 $1.442695020e+00, v14  }
0x508: {  	(erf) = vpow2.f32 v8;
	v5 =	vsel vm0, v11, v5;
	v8 =	vpop (erf);
	v6 =	vadd.f32 v6, v0  }
0x509: {  	v9 =	vadd.f32 $1.000000020e-16, v12;
	v5 =	vadd.f32 v5, v1;
	(erf) = vpow2.f32 v7;
	v11 =	vpop (erf)  }
0x50a: {  	s5 =	simm.s32 $0x80;
	v7 =	vadd.f32 $-1.000000000e+00, v8;
	v12 =	vmin.f32 v6, $0.0e+00;
	v16 =	vadd.f32 $-1.000000000e+00, v11;
	v11 =	vld [tilespmem:s7+$0xFFFFFFE8]  }
0x50b: {  	s4 =	simm.s32 $0x100;
	s8 =	simm.s32 $0x280;
	s9 =	sadd.s32 $0x28, s6;
	(erf) = vrcp.f32 v9;
	v15 =	vpop (erf);
	v8 =	vmin.f32 v5, $0.0e+00;
	v9 =	vmul.f32 $1.442695020e+00, v12;
	v12 =	vld [tilespmem:s7+$0xFFFFFFF8]  }
0x50c: {  	s2 =	simm.s32 $0x200;
	s3 =	simm.s32 $0x180;
	v14 =	vbroadcast v15, $0x8;
	v13 =	vbroadcast v15, $0x9;
	s7 =	simm.s32 $0x0;
	v10 =	vsel vm2, v10, v16  }
.LBB2_8:
0x50d: {  	p0 =	sne.s32 s8, $0x3F80;
	s10 =	smov.u32 s4;
	s4 =	smov.u32 s3  }
0x50e: {  	v16 =	vld [tilespmem:s9+$0x0];
	v17 =	vbroadcast v15, $0xA;
	v15 =	vbroadcast v15, $0xB;
	v7 =	vsel vm1, v2, v7;
	[tilespmem:s7+$0x1D010] =	vst v10;
	v2 =	vmovc v3;
	v3 =	vmovc v6;
	s3 =	smov.u32 s2;
	s2 =	smov.u32 s8;
	s8 =	sadd.s32 $0x80, s8  }
0x50f: {  	v6 =	vmul.f32 v14, v11;
	v10 =	vmul.f32 v13, v11;
	[tilespmem:s7+$0x1D000] =	vst v7  }
0x510: {  	vm2 =	vgt.f32 v4, $0.0e+00;
	v7 =	vmul.f32 v17, v12;
	v11 =	vmul.f32 v15, v12  }
0x511: {  	vm1 =	vgt.f32 v2, $0.0e+00;
	v12 =	vmul.f32 $1.442695020e+00, v8;
	v6 =	vsel vm0, v6, v10  }
.Ltmp3:
0x512: {  	v7 =	vsel vm0, v7, v11;
	v6 =	vadd.f32 v6, v0;
	(erf) = vpow2.f32 v9;
	v9 =	vpop (erf);
	(pc) =	sbr.rel @p0 .LBB2_8-.Ltmp3, $4  }
0x513: {  	v10 =	vadd.f32 $1.000000020e-16, v16;
	v11 =	vld [tilespmem:s6+$0xFFFFFFE8];
	v16 =	vadd.f32 v7, v1;
	(erf) = vpow2.f32 v12;
	v8 =	vpop (erf)  }
0x514: {  	v7 =	vadd.f32 $-1.000000000e+00, v9;
	v12 =	vld [tilespmem:s6+$0xFFFFFFF8];
	v13 =	vmin.f32 v6, $0.0e+00;
	v17 =	vadd.f32 $-1.000000000e+00, v8;
	s6 =	smov.u32 s9  }
0x515: {  	(erf) = vrcp.f32 v10;
	v15 =	vpop (erf);
	v9 =	vmul.f32 $1.442695020e+00, v13;
	v8 =	vmin.f32 v16, $0.0e+00  }
0x516: {  	s7 =	sshra.s32 s5, $0x2;
	s5 =	smov.u32 s10;
	s9 =	sadd.s32 $0x28, s9;
	v14 =	vbroadcast v15, $0x8;
	v13 =	vbroadcast v15, $0x9;
	v10 =	vsel vm2, v4, v17;
	v4 =	vmovc v5;
	v5 =	vmovc v16  }
0x517: {  	_ =	sdelay $0x2  }
0x518: {  	v16 =	vbroadcast v15, $0xA;
	v35 =	vbroadcast v15, $0xB  }
0x519: {  	v8 =	vmul.f32 $1.442695020e+00, v8;
	v14 =	vmul.f32 v14, v11  }
0x51a: {  	v18 =	vld [tilespmem:s6+$0xFFFFFFE8];
	v36 =	vmul.f32 v13, v11;
	v37 =	vmul.f32 v16, v12;
	v17 =	vpop (erf)  }
0x51b: {  	v19 =	vld [tilespmem:s6+$0xFFFFFFF8];
	v39 =	vmul.f32 v35, v12;
	(erf) = vpow2.f32 v9;
	v38 =	vpop (erf)  }
0x51c: {  	v11 =	vsel vm0, v14, v36;
	(erf) = vpow2.f32 v8;
	v40 =	vpop (erf)  }
0x51d: {  	v12 =	vsel vm0, v37, v39;
	v41 =	vbroadcast v40, $0x8;
	v20 =	vbroadcast v40, $0x9  }
0x51e: {  	v11 =	vadd.f32 v11, v0;
	v42 =	vbroadcast v40, $0xA;
	v9 =	vbroadcast v40, $0xB  }
0x51f: {  	v12 =	vadd.f32 v12, v1;
	v43 =	vmul.f32 v41, v18;
	v44 =	vmul.f32 v20, v18  }
0x520: {  	v45 =	vmin.f32 v11, $0.0e+00;
	v14 =	vmul.f32 v42, v19;
	v9 =	vmul.f32 v9, v19  }
0x521: {  	v46 =	vmul.f32 $1.442695020e+00, v45;
	v47 =	vmin.f32 v12, $0.0e+00;
	v13 =	vsel vm0, v43, v44  }
0x522: {  	v48 =	vmul.f32 $1.442695020e+00, v47;
	v9 =	vsel vm0, v14, v9;
	v13 =	vadd.f32 v13, v0  }
0x523: {  	(erf) = vpow2.f32 v46;
	v9 =	vadd.f32 v9, v1  }
0x524: {  	(erf) = vpow2.f32 v48;
	v49 =	vmin.f32 v13, $0.0e+00  }
0x525: {  	v51 =	vmin.f32 v9, $0.0e+00;
	v50 =	vmul.f32 $1.442695020e+00, v49  }
0x526: {  	v52 =	vmul.f32 $1.442695020e+00, v51  }
0x527: {  	(erf) = vpow2.f32 v50  }
0x528: {  	(erf) = vpow2.f32 v52  }
0x529: {  	v54 =	vadd.f32 $-1.000000000e+00, v38  }
0x52a: {  	v2 =	vsel vm1, v2, v7;
	vm1 =	vgt.f32 v4, $0.0e+00;
	v53 =	vpop (erf)  }
0x52b: {  	s5 =	sshra.s32 s5, $0x2;
	[tilespmem:s7+$0x1D000] =	vst v2;
	v56 =	vadd.f32 $-1.000000000e+00, v17;
	v2 =	vsel vm1, v4, v54;
	v55 =	vpop (erf)  }
0x52c: {  	vm2 =	vgt.f32 v3, $0.0e+00;
	[tilespmem:s5+$0x1D010] =	vst v2;
	v2 =	vadd.f32 $-1.000000000e+00, v53;
	v58 =	vpop (erf)  }
0x52d: {  	v3 =	vsel vm2, v3, v56;
	vm2 =	vgt.f32 v6, $0.0e+00;
	v57 =	vadd.f32 $-1.000000000e+00, v55;
	v59 =	vpop (erf)  }
0x52e: {  	s4 =	sshra.s32 s4, $0x2;
	vm1 =	vgt.f32 v5, $0.0e+00;
	[tilespmem:s5+$0x1D000] =	vst v3;
	v2 =	vsel vm2, v6, v2;
	v60 =	vadd.f32 $-1.000000000e+00, v59  }
0x52f: {  	v3 =	vsel vm1, v5, v57;
	vm1 =	vgt.f32 v12, $0.0e+00;
	[tilespmem:s4+$0x1D000] =	vst v2  }
0x530: {  	s3 =	sshra.s32 s3, $0x2;
	[tilespmem:s4+$0x1D010] =	vst v3;
	v3 =	vadd.f32 $-1.000000000e+00, v58;
	v2 =	vsel vm1, v12, v60;
	v61 =	vpop (erf)  }
0x531: {  	vm2 =	vgt.f32 v11, $0.0e+00;
	[tilespmem:s3+$0x1D010] =	vst v2;
	v62 =	vpop (erf);
	v2 =	vadd.f32 $-1.000000000e+00, v61  }
0x532: {  	[tilespmem:s7+$0x1D010] =	vst v10;
	s29 =	sshll.u32 s0, $0xD;
	v3 =	vsel vm2, v11, v3;
	vm2 =	vgt.f32 v13, $0.0e+00;
	v63 =	vadd.f32 $-1.000000000e+00, v62  }
0x533: {  	s2 =	sshra.s32 s2, $0x2;
	s0 =	sadd.s32 $0x1, s0;
	s30 =	sadd.s32 s11, s29;
	vm1 =	vgt.f32 v9, $0.0e+00;
	[tilespmem:s3+$0x1D000] =	vst v3;
	v2 =	vsel vm2, v13, v2  }
0x534: {  	p0 =	sne.s32 s0, $0x8;
	s3 =	sshrl.u32 s30, $0x3;
	v3 =	vsel vm1, v9, v63;
	[tilespmem:s2+$0x1D000] =	vst v2  }
.Ltmp4:
0x535: {  	s31 =	sadd.s32 s12, s3;
	[tilespmem:s2+$0x1D010] =	vst v3;
	(pc) =	sbr.rel @p0 .LBB2_7-.Ltmp4, $4  }
0x536: {  	[hbm4b:s31+s14] =	stream.strided.scatter [tilespmem:s18], [sflag:$0x1], $0x1000, s15, s14, $0x38;
	[tilespmem:$0x1E080] =	vst v63  }
0x537: {  	_ =	swait.ge [sflag:s13], $0x1000  }
0x538: {  	[sflag:s13] =	ssyncset.done $0x0  }
0x539: {  	s1 =	sadd.s32 $0x1400, s1;
	[sflag:s13] =	ssyncadd.s32 $0xFFFFF000  }
0x53a: {  	s6 =	sld [smem:$0x7F4]  }
0x53b: {  	s0 =	sld [smem:$0x7FB];
	_ =	sdelay $0x1  }
0x53c: {  	s6 =	sadd.s32 $0x1, s6  }
0x53d: {  	p0 =	sne.s32 s6, s0  }
.Ltmp5:
0x53e: {  	_ = 	snop;
	(pc) =	sbr.rel @p0 .LBB2_2-.Ltmp5, $2  }
0x53f: {  	_ =	sdelay $0x2  }
0x540: {  	v0 =	vimm.f32 $0.0e+00  }
.LBB2_11:
0x541: {  	_ =	sfence.sel $0x180000  }
0x542: {  	[bflag:$0x0] =	sbarrier.arrive $0xFFFF  }
0x543: {  	_ =	strace $0x90000047  }
0x544: {  	s0 =	stileid.u32;
	[bflag:$0x2] =	sbarrier.arrive $0xFFFF  }
0x545: {  	p0 =	sne.s32 s0, $0x0;
	s0 =	rddreg [dreg:$0x2]  }
0x546: {  	s0 =	sadd.s32 @!p0 $0x100000, s0  }
0x547: {  	[sflag:s0] =	ssyncadd.tile.s32 @!p0 $0x1;
	_ =	shalt  }
.Lfunc_end2:
_tile_overlayer_lowered:
.L_overlay_start_2:
0x548: {  	(tag) =	ssettag $0x2  }
0x549: {  	s0 =	rddreg [dreg:$0x0];
	s2 =	stileid.u32  }
0x54a: {  	s1 =	rddreg [dreg:$0x1];
	p0 =	sne.s32 s2, $0x0  }
0x54b: {  	s3 =	rddreg [dreg:$0x2];
	[bflag:$0x3] =	sbarrier.arrive $0xFFFF;
	s2 =	simm.s32 @!p0 $0x1C01  }
0x54c: {  	[timem:s3], [sflag:s2] =	dma.local @!p0 [hbm:s0], s1  }
0x54d: {  	s0 =	simm.s32 @!p0 $0x1  }
0x54e: {  	_ =	swait.ge @!p0 [sflag:s0], s1  }
0x54f: {  	s1 =	ssub.s32 @!p0 $0x0, s1;
	[sflag:s0] =	ssyncset.done @!p0 $0x0  }
0x550: {  	[sflag:s0] =	ssyncadd.s32 @!p0 s1  }
0x551: {  	[bflag:$0x3] =	sbarrier.arrive $0xFFFF  }
0x552: {  	_ =	shalt  }

</sc_bundles>
